<compile_context>
chip_gen: v7x
topology: tpu7x:2x2x1
jax: 0.10.2.dev20260603
libtpu: 0.0.44.dev20260713+nightly
codegen_flags: <defaults>
</compile_context>

<pallas_src>
import functools

import jax
import jax.numpy as jnp
from jax import lax
from jax.experimental import pallas as pl
from jax.experimental.pallas import tpu as pltpu
from jax.experimental.pallas import tpu_sc as plsc

D = 128
V = 257
L = 1024
P_ROWS = 2 * L - 1
FILL = L - 129
NC = 2
NS = 16
ROWS_PER_TILE = L // (NC * NS)
FB = 128
NDMA = 8
RPD = 46
RPS = 36
W = 512
NBUF = 3


def _sc_body(table_hbm, out_hbm, p_sh, fill_v, trow_v, span_v, sem_o):
    c = lax.axis_index("c")
    s = lax.axis_index("s")

    @pl.when(s == 0)
    def _():
        pltpu.sync_copy(table_hbm, p_sh.at[pl.ds(FILL, V)])

    def _build_fill(edge_row):
        pltpu.sync_copy(table_hbm.at[pl.ds(edge_row, 1)], trow_v)

        def rep(r, carry):
            for k in range(D // 16):
                fill_v[r, pl.ds(k * 16, 16)] = trow_v[0, pl.ds(k * 16, 16)]
            return carry

        lax.fori_loop(0, FB, rep, 0)

    @pl.when(s == 1)
    def _():
        _build_fill(0)
        pltpu.sync_copy(fill_v.at[pl.ds(0, FILL % FB)],
                        p_sh.at[pl.ds(0, FILL % FB)])
        for b in range(FILL // FB):
            pltpu.sync_copy(fill_v, p_sh.at[pl.ds(FILL % FB + b * FB, FB)])

    @pl.when(s == 2)
    def _():
        _build_fill(V - 1)
        for b in range(FILL // FB):
            pltpu.sync_copy(fill_v, p_sh.at[pl.ds(FILL + V + b * FB, FB)])
        pltpu.sync_copy(fill_v.at[pl.ds(0, FILL % FB)],
                        p_sh.at[pl.ds(P_ROWS - FILL % FB, FILL % FB)])

    plsc.subcore_barrier()

    @pl.when(s < NDMA)
    def _():
        i0 = c * 512 + RPD * s
        inflight = []
        for k in range(RPD):
            i = i0 + k
            if len(inflight) >= NBUF:
                inflight.pop(0).wait()
            inflight.append(
                pltpu.async_copy(p_sh.at[pl.ds(L - 1 - i, L)],
                                 out_hbm.at[i], sem_o))
        for cp in inflight:
            cp.wait()

    @pl.when(s >= NDMA)
    def _():
        p = (s - NDMA) // 2
        g = (s - NDMA) % 2
        i0 = c * 512 + NDMA * RPD + RPS * p
        span0 = L - i0 - RPS + W * g
        pltpu.sync_copy(p_sh.at[pl.ds(span0, RPS + W)], span_v)
        inflight = []
        for q in range(RPS):
            if len(inflight) >= 2 * NBUF:
                inflight.pop(0).wait()
            inflight.append(
                pltpu.async_copy(span_v.at[pl.ds(RPS - 1 - q, W)],
                                 out_hbm.at[i0 + q, pl.ds(W * g, W)], sem_o))
        for cp in inflight:
            cp.wait()


@functools.partial(
    pl.kernel,
    out_type=jax.ShapeDtypeStruct((L, L, D), jnp.float32),
    mesh=plsc.VectorSubcoreMesh(core_axis_name="c", subcore_axis_name="s"),
    scratch_types=[
        pltpu.VMEM_SHARED((P_ROWS, D), jnp.float32),
        pltpu.VMEM((FB, D), jnp.float32),
        pltpu.VMEM((1, D), jnp.float32),
        pltpu.VMEM((RPS + W, D), jnp.float32),
        pltpu.SemaphoreType.DMA,
    ],
)
def _rel_pos_sc(table_hbm, out_hbm, p_sh, fill_v, trow_v, span_v, sem_o):
    _sc_body(table_hbm, out_hbm, p_sh, fill_v, trow_v, span_v, sem_o)


def kernel(embeddings_table, length):
    return _rel_pos_sc(embeddings_table)

# --- scband reference (transcript-rebuilt; emitter-appended) ---
"""Pipeline reference for scband-relative-positional-encoding-14422500180109 (READ-ONLY COPY).

The authoritative reference and input builder live on the scoring server;
editing this copy changes nothing except your own understanding.
"""

import jax, jax.numpy as jnp
import numpy as np

D_MODEL = 128
MAX_REL = 128
VOCAB = MAX_REL * 2 + 1
STATIC_LENGTH = 1024


def setup_inputs(seed: int = 0) -> dict:
    key = jax.random.key(seed)
    embeddings_table = jax.random.normal(key, (VOCAB, D_MODEL), dtype=jnp.float32)
    return {"embeddings_table": embeddings_table, "length": 1024}


def reference(embeddings_table, length):
    range_vec = jnp.arange(STATIC_LENGTH) + (length - STATIC_LENGTH)
    # distance_mat[i, j] = j - i  (range_mat - range_mat.T in the torch code)
    distance_mat = range_vec[None, :] - range_vec[:, None]
    distance_mat_clipped = jnp.clip(distance_mat, -MAX_REL, MAX_REL)
    final_mat = distance_mat_clipped + MAX_REL
    embeddings = jnp.take(embeddings_table, final_mat, axis=0)
    return embeddings

if __name__ == "__main__":
    import jax
    _d = setup_inputs()
    print(jax.jit(kernel)(*tuple(_d.values())))

</pallas_src>

<mosaic_0001>
#map = affine_map<(d0, d1) -> (0, 0)>
#map1 = affine_map<(d0, d1) -> (0, 0, 0)>
module attributes {stable_mosaic.version = 14 : i64} {
  func.func @_rel_pos_sc(%arg0: i32, %arg1: i32, %arg2: memref<257x128xf32, #tpu.memory_space<hbm>>, %arg3: memref<1024x1024x128xf32, #tpu.memory_space<hbm>>, %arg4: memref<2047x128xf32, #tpu.memory_space<vmem_shared>>, %arg5: memref<128x128xf32, #tpu.memory_space<vmem>>, %arg6: memref<1x128xf32, #tpu.memory_space<vmem>>, %arg7: memref<548x128xf32, #tpu.memory_space<vmem>>, %arg8: memref<!tpu.dma_semaphore, #tpu.memory_space<semaphore_mem>>) attributes {dimension_semantics = [#tpu.dimension_semantics<core_parallel>, #tpu.dimension_semantics<subcore_parallel>], iteration_bounds = array<i64: 2, 16>, scalar_prefetch = 0 : i64, scratch_operands = 5 : i64, tpu.core_type = #tpu.core_type<sc_vector_subcore>, window_params = [{transform_indices = #map}, {transform_indices = #map1}]} {
    %eq3A = arith.constant 0 : i32
    %eq3A_0 = arith.cmpi eq, %arg1, %eq3A : i32
    %convert_element_type3A = arith.extui %eq3A_0 : i1 to i32
    %cond3A = arith.constant 0 : i32
    %cond3A_1 = arith.cmpi ne, %convert_element_type3A, %cond3A : i32
    scf.if %cond3A_1 {
      "tpu.region"() ({
        %run_scoped3A = tpu.sem_alloc : memref<!tpu.dma_semaphore, #tpu.memory_space<semaphore_mem>>
        %dma_start3A = arith.constant 895 : i32
        %dma_start3A_20 = arith.constant 0 : i32
        %dma_start3A_21 = tpu.memref_slice %arg4[%dma_start3A, %dma_start3A_20] : memref<2047x128xf32, #tpu.memory_space<vmem_shared>> -> memref<257x128xf32, #tpu.memory_space<vmem_shared>>
        tpu.enqueue_dma source(%arg2 : memref<257x128xf32, #tpu.memory_space<hbm>>) target(%dma_start3A_21 : memref<257x128xf32, #tpu.memory_space<vmem_shared>>) target_semaphore(%run_scoped3A : memref<!tpu.dma_semaphore, #tpu.memory_space<semaphore_mem>>)
        %dma_wait3A = arith.constant 895 : i32
        %dma_wait3A_22 = arith.constant 0 : i32
        %dma_wait3A_23 = tpu.memref_slice %arg4[%dma_wait3A, %dma_wait3A_22] : memref<2047x128xf32, #tpu.memory_space<vmem_shared>> -> memref<257x128xf32, #tpu.memory_space<vmem_shared>>
        tpu.wait_dma2 semaphore(%run_scoped3A : memref<!tpu.dma_semaphore, #tpu.memory_space<semaphore_mem>>) src(%arg2 : memref<257x128xf32, #tpu.memory_space<hbm>>) dst(%dma_wait3A_23 : memref<257x128xf32, #tpu.memory_space<vmem_shared>>)
        tpu.yield
      }) : () -> ()
    } else {
    }
    %eq3A_2 = arith.constant 1 : i32
    %eq3A_3 = arith.cmpi eq, %arg1, %eq3A_2 : i32
    %convert_element_type3A_4 = arith.extui %eq3A_3 : i1 to i32
    %cond3A_5 = arith.constant 0 : i32
    %cond3A_6 = arith.cmpi ne, %convert_element_type3A_4, %cond3A_5 : i32
    scf.if %cond3A_6 {
      "tpu.region"() ({
        %run_scoped3A = tpu.sem_alloc : memref<!tpu.dma_semaphore, #tpu.memory_space<semaphore_mem>>
        %dma_start3A = arith.constant 0 : i32
        %dma_start3A_25 = arith.constant 0 : i32
        %dma_start3A_26 = tpu.memref_slice %arg2[%dma_start3A, %dma_start3A_25] : memref<257x128xf32, #tpu.memory_space<hbm>> -> memref<1x128xf32, #tpu.memory_space<hbm>>
        %dma_start3A_27 = arith.constant 0 : i32
        %dma_start3A_28 = arith.constant 0 : i32
        %dma_start3A_29 = tpu.memref_slice %arg2[%dma_start3A_27, %dma_start3A_28] : memref<257x128xf32, #tpu.memory_space<hbm>> -> memref<1x128xf32, #tpu.memory_space<hbm>>
        tpu.enqueue_dma source(%dma_start3A_29 : memref<1x128xf32, #tpu.memory_space<hbm>>) target(%arg6 : memref<1x128xf32, #tpu.memory_space<vmem>>) target_semaphore(%run_scoped3A : memref<!tpu.dma_semaphore, #tpu.memory_space<semaphore_mem>>)
        %dma_wait3A = arith.constant 0 : i32
        %dma_wait3A_30 = arith.constant 0 : i32
        %dma_wait3A_31 = tpu.memref_slice %arg2[%dma_wait3A, %dma_wait3A_30] : memref<257x128xf32, #tpu.memory_space<hbm>> -> memref<1x128xf32, #tpu.memory_space<hbm>>
        %dma_wait3A_32 = arith.constant 0 : i32
        %dma_wait3A_33 = arith.constant 0 : i32
        %dma_wait3A_34 = tpu.memref_slice %arg2[%dma_wait3A_32, %dma_wait3A_33] : memref<257x128xf32, #tpu.memory_space<hbm>> -> memref<1x128xf32, #tpu.memory_space<hbm>>
        tpu.wait_dma2 semaphore(%run_scoped3A : memref<!tpu.dma_semaphore, #tpu.memory_space<semaphore_mem>>) src(%dma_wait3A_34 : memref<1x128xf32, #tpu.memory_space<hbm>>) dst(%arg6 : memref<1x128xf32, #tpu.memory_space<vmem>>)
        tpu.yield
      }) : () -> ()
      %scan3A = arith.constant 0 : i32
      %scan3A_20 = arith.constant 0 : i32
      %scan3A_21 = arith.constant 128 : i32
      %scan3A_22 = arith.addi %scan3A_20, %scan3A_21 : i32
      %scan3A_23 = arith.constant 1 : i32
      scf.for %scan3A_25 = %scan3A_20 to %scan3A_22 step %scan3A_23  : i32 {
        %get3A = arith.constant 0 : i32
        %get3A_26 = arith.index_cast %get3A : i32 to index
        %get3A_27 = arith.constant 0 : index
        %get3A_28 = tpu.vector_load %arg6[%get3A_26, %get3A_27] {strides = array<i32>} : memref<1x128xf32, #tpu.memory_space<vmem>>, vector<1x16xf32>,
        %get3A_29 = vector.shape_cast %get3A_28 : vector<1x16xf32> to vector<16xf32>
        %swap3A = arith.index_cast %scan3A_25 : i32 to index
        %swap3A_30 = arith.constant 0 : index
        %swap3A_31 = tpu.vector_load %arg5[%swap3A, %swap3A_30] {strides = array<i32>} : memref<128x128xf32, #tpu.memory_space<vmem>>, vector<1x16xf32>,
        %swap3A_32 = vector.shape_cast %swap3A_31 : vector<1x16xf32> to vector<16xf32>
        %swap3A_33 = vector.shape_cast %get3A_29 : vector<16xf32> to vector<1x16xf32>
        tpu.vector_store %arg5[%swap3A, %swap3A_30], %swap3A_33 {strides = array<i32>} : memref<128x128xf32, #tpu.memory_space<vmem>>, vector<1x16xf32>,
        %get3A_34 = arith.constant 0 : i32
        %get3A_35 = arith.index_cast %get3A_34 : i32 to index
        %get3A_36 = arith.constant 16 : index
        %get3A_37 = tpu.vector_load %arg6[%get3A_35, %get3A_36] {strides = array<i32>} : memref<1x128xf32, #tpu.memory_space<vmem>>, vector<1x16xf32>,
        %get3A_38 = vector.shape_cast %get3A_37 : vector<1x16xf32> to vector<16xf32>
        %swap3A_39 = arith.index_cast %scan3A_25 : i32 to index
        %swap3A_40 = arith.constant 16 : index
        %swap3A_41 = tpu.vector_load %arg5[%swap3A_39, %swap3A_40] {strides = array<i32>} : memref<128x128xf32, #tpu.memory_space<vmem>>, vector<1x16xf32>,
        %swap3A_42 = vector.shape_cast %swap3A_41 : vector<1x16xf32> to vector<16xf32>
        %swap3A_43 = vector.shape_cast %get3A_38 : vector<16xf32> to vector<1x16xf32>
        tpu.vector_store %arg5[%swap3A_39, %swap3A_40], %swap3A_43 {strides = array<i32>} : memref<128x128xf32, #tpu.memory_space<vmem>>, vector<1x16xf32>,
        %get3A_44 = arith.constant 0 : i32
        %get3A_45 = arith.index_cast %get3A_44 : i32 to index
        %get3A_46 = arith.constant 32 : index
        %get3A_47 = tpu.vector_load %arg6[%get3A_45, %get3A_46] {strides = array<i32>} : memref<1x128xf32, #tpu.memory_space<vmem>>, vector<1x16xf32>,
        %get3A_48 = vector.shape_cast %get3A_47 : vector<1x16xf32> to vector<16xf32>
        %swap3A_49 = arith.index_cast %scan3A_25 : i32 to index
        %swap3A_50 = arith.constant 32 : index
        %swap3A_51 = tpu.vector_load %arg5[%swap3A_49, %swap3A_50] {strides = array<i32>} : memref<128x128xf32, #tpu.memory_space<vmem>>, vector<1x16xf32>,
        %swap3A_52 = vector.shape_cast %swap3A_51 : vector<1x16xf32> to vector<16xf32>
        %swap3A_53 = vector.shape_cast %get3A_48 : vector<16xf32> to vector<1x16xf32>
        tpu.vector_store %arg5[%swap3A_49, %swap3A_50], %swap3A_53 {strides = array<i32>} : memref<128x128xf32, #tpu.memory_space<vmem>>, vector<1x16xf32>,
        %get3A_54 = arith.constant 0 : i32
        %get3A_55 = arith.index_cast %get3A_54 : i32 to index
        %get3A_56 = arith.constant 48 : index
        %get3A_57 = tpu.vector_load %arg6[%get3A_55, %get3A_56] {strides = array<i32>} : memref<1x128xf32, #tpu.memory_space<vmem>>, vector<1x16xf32>,
        %get3A_58 = vector.shape_cast %get3A_57 : vector<1x16xf32> to vector<16xf32>
        %swap3A_59 = arith.index_cast %scan3A_25 : i32 to index
        %swap3A_60 = arith.constant 48 : index
        %swap3A_61 = tpu.vector_load %arg5[%swap3A_59, %swap3A_60] {strides = array<i32>} : memref<128x128xf32, #tpu.memory_space<vmem>>, vector<1x16xf32>,
        %swap3A_62 = vector.shape_cast %swap3A_61 : vector<1x16xf32> to vector<16xf32>
        %swap3A_63 = vector.shape_cast %get3A_58 : vector<16xf32> to vector<1x16xf32>
        tpu.vector_store %arg5[%swap3A_59, %swap3A_60], %swap3A_63 {strides = array<i32>} : memref<128x128xf32, #tpu.memory_space<vmem>>, vector<1x16xf32>,
        %get3A_64 = arith.constant 0 : i32
        %get3A_65 = arith.index_cast %get3A_64 : i32 to index
        %get3A_66 = arith.constant 64 : index
        %get3A_67 = tpu.vector_load %arg6[%get3A_65, %get3A_66] {strides = array<i32>} : memref<1x128xf32, #tpu.memory_space<vmem>>, vector<1x16xf32>,
        %get3A_68 = vector.shape_cast %get3A_67 : vector<1x16xf32> to vector<16xf32>
        %swap3A_69 = arith.index_cast %scan3A_25 : i32 to index
        %swap3A_70 = arith.constant 64 : index
        %swap3A_71 = tpu.vector_load %arg5[%swap3A_69, %swap3A_70] {strides = array<i32>} : memref<128x128xf32, #tpu.memory_space<vmem>>, vector<1x16xf32>,
        %swap3A_72 = vector.shape_cast %swap3A_71 : vector<1x16xf32> to vector<16xf32>
        %swap3A_73 = vector.shape_cast %get3A_68 : vector<16xf32> to vector<1x16xf32>
        tpu.vector_store %arg5[%swap3A_69, %swap3A_70], %swap3A_73 {strides = array<i32>} : memref<128x128xf32, #tpu.memory_space<vmem>>, vector<1x16xf32>,
        %get3A_74 = arith.constant 0 : i32
        %get3A_75 = arith.index_cast %get3A_74 : i32 to index
        %get3A_76 = arith.constant 80 : index
        %get3A_77 = tpu.vector_load %arg6[%get3A_75, %get3A_76] {strides = array<i32>} : memref<1x128xf32, #tpu.memory_space<vmem>>, vector<1x16xf32>,
        %get3A_78 = vector.shape_cast %get3A_77 : vector<1x16xf32> to vector<16xf32>
        %swap3A_79 = arith.index_cast %scan3A_25 : i32 to index
        %swap3A_80 = arith.constant 80 : index
        %swap3A_81 = tpu.vector_load %arg5[%swap3A_79, %swap3A_80] {strides = array<i32>} : memref<128x128xf32, #tpu.memory_space<vmem>>, vector<1x16xf32>,
        %swap3A_82 = vector.shape_cast %swap3A_81 : vector<1x16xf32> to vector<16xf32>
        %swap3A_83 = vector.shape_cast %get3A_78 : vector<16xf32> to vector<1x16xf32>
        tpu.vector_store %arg5[%swap3A_79, %swap3A_80], %swap3A_83 {strides = array<i32>} : memref<128x128xf32, #tpu.memory_space<vmem>>, vector<1x16xf32>,
        %get3A_84 = arith.constant 0 : i32
        %get3A_85 = arith.index_cast %get3A_84 : i32 to index
        %get3A_86 = arith.constant 96 : index
        %get3A_87 = tpu.vector_load %arg6[%get3A_85, %get3A_86] {strides = array<i32>} : memref<1x128xf32, #tpu.memory_space<vmem>>, vector<1x16xf32>,
        %get3A_88 = vector.shape_cast %get3A_87 : vector<1x16xf32> to vector<16xf32>
        %swap3A_89 = arith.index_cast %scan3A_25 : i32 to index
        %swap3A_90 = arith.constant 96 : index
        %swap3A_91 = tpu.vector_load %arg5[%swap3A_89, %swap3A_90] {strides = array<i32>} : memref<128x128xf32, #tpu.memory_space<vmem>>, vector<1x16xf32>,
        %swap3A_92 = vector.shape_cast %swap3A_91 : vector<1x16xf32> to vector<16xf32>
        %swap3A_93 = vector.shape_cast %get3A_88 : vector<16xf32> to vector<1x16xf32>
        tpu.vector_store %arg5[%swap3A_89, %swap3A_90], %swap3A_93 {strides = array<i32>} : memref<128x128xf32, #tpu.memory_space<vmem>>, vector<1x16xf32>,
        %get3A_94 = arith.constant 0 : i32
        %get3A_95 = arith.index_cast %get3A_94 : i32 to index
        %get3A_96 = arith.constant 112 : index
        %get3A_97 = tpu.vector_load %arg6[%get3A_95, %get3A_96] {strides = array<i32>} : memref<1x128xf32, #tpu.memory_space<vmem>>, vector<1x16xf32>,
        %get3A_98 = vector.shape_cast %get3A_97 : vector<1x16xf32> to vector<16xf32>
        %swap3A_99 = arith.index_cast %scan3A_25 : i32 to index
        %swap3A_100 = arith.constant 112 : index
        %swap3A_101 = tpu.vector_load %arg5[%swap3A_99, %swap3A_100] {strides = array<i32>} : memref<128x128xf32, #tpu.memory_space<vmem>>, vector<1x16xf32>,
        %swap3A_102 = vector.shape_cast %swap3A_101 : vector<1x16xf32> to vector<16xf32>
        %swap3A_103 = vector.shape_cast %get3A_98 : vector<16xf32> to vector<1x16xf32>
        tpu.vector_store %arg5[%swap3A_99, %swap3A_100], %swap3A_103 {strides = array<i32>} : memref<128x128xf32, #tpu.memory_space<vmem>>, vector<1x16xf32>,
      }
      %scan3A_24 = arith.constant 128 : i32
      "tpu.region"() ({
        %run_scoped3A = tpu.sem_alloc : memref<!tpu.dma_semaphore, #tpu.memory_space<semaphore_mem>>
        %dma_start3A = arith.constant 0 : i32
        %dma_start3A_25 = arith.constant 0 : i32
        %dma_start3A_26 = tpu.memref_slice %arg5[%dma_start3A, %dma_start3A_25] : memref<128x128xf32, #tpu.memory_space<vmem>> -> memref<127x128xf32, #tpu.memory_space<vmem>>
        %dma_start3A_27 = arith.constant 0 : i32
        %dma_start3A_28 = arith.constant 0 : i32
        %dma_start3A_29 = tpu.memref_slice %arg4[%dma_start3A_27, %dma_start3A_28] : memref<2047x128xf32, #tpu.memory_space<vmem_shared>> -> memref<127x128xf32, #tpu.memory_space<vmem_shared>>
        %dma_start3A_30 = arith.constant 0 : i32
        %dma_start3A_31 = arith.constant 0 : i32
        %dma_start3A_32 = tpu.memref_slice %arg4[%dma_start3A_30, %dma_start3A_31] : memref<2047x128xf32, #tpu.memory_space<vmem_shared>> -> memref<127x128xf32, #tpu.memory_space<vmem_shared>>
        %dma_start3A_33 = arith.constant 0 : i32
        %dma_start3A_34 = arith.constant 0 : i32
        %dma_start3A_35 = tpu.memref_slice %arg5[%dma_start3A_33, %dma_start3A_34] : memref<128x128xf32, #tpu.memory_space<vmem>> -> memref<127x128xf32, #tpu.memory_space<vmem>>
        tpu.enqueue_dma source(%dma_start3A_35 : memref<127x128xf32, #tpu.memory_space<vmem>>) target(%dma_start3A_32 : memref<127x128xf32, #tpu.memory_space<vmem_shared>>) target_semaphore(%run_scoped3A : memref<!tpu.dma_semaphore, #tpu.memory_space<semaphore_mem>>)
        %dma_wait3A = arith.constant 0 : i32
        %dma_wait3A_36 = arith.constant 0 : i32
        %dma_wait3A_37 = tpu.memref_slice %arg5[%dma_wait3A, %dma_wait3A_36] : memref<128x128xf32, #tpu.memory_space<vmem>> -> memref<127x128xf32, #tpu.memory_space<vmem>>
        %dma_wait3A_38 = arith.constant 0 : i32
        %dma_wait3A_39 = arith.constant 0 : i32
        %dma_wait3A_40 = tpu.memref_slice %arg4[%dma_wait3A_38, %dma_wait3A_39] : memref<2047x128xf32, #tpu.memory_space<vmem_shared>> -> memref<127x128xf32, #tpu.memory_space<vmem_shared>>
        %dma_wait3A_41 = arith.constant 0 : i32
        %dma_wait3A_42 = arith.constant 0 : i32
        %dma_wait3A_43 = tpu.memref_slice %arg4[%dma_wait3A_41, %dma_wait3A_42] : memref<2047x128xf32, #tpu.memory_space<vmem_shared>> -> memref<127x128xf32, #tpu.memory_space<vmem_shared>>
        %dma_wait3A_44 = arith.constant 0 : i32
        %dma_wait3A_45 = arith.constant 0 : i32
        %dma_wait3A_46 = tpu.memref_slice %arg5[%dma_wait3A_44, %dma_wait3A_45] : memref<128x128xf32, #tpu.memory_space<vmem>> -> memref<127x128xf32, #tpu.memory_space<vmem>>
        tpu.wait_dma2 semaphore(%run_scoped3A : memref<!tpu.dma_semaphore, #tpu.memory_space<semaphore_mem>>) src(%dma_wait3A_46 : memref<127x128xf32, #tpu.memory_space<vmem>>) dst(%dma_wait3A_43 : memref<127x128xf32, #tpu.memory_space<vmem_shared>>)
        tpu.yield
      }) : () -> ()
      "tpu.region"() ({
        %run_scoped3A = tpu.sem_alloc : memref<!tpu.dma_semaphore, #tpu.memory_space<semaphore_mem>>
        %dma_start3A = arith.constant 127 : i32
        %dma_start3A_25 = arith.constant 0 : i32
        %dma_start3A_26 = tpu.memref_slice %arg4[%dma_start3A, %dma_start3A_25] : memref<2047x128xf32, #tpu.memory_space<vmem_shared>> -> memref<128x128xf32, #tpu.memory_space<vmem_shared>>
        %dma_start3A_27 = arith.constant 127 : i32
        %dma_start3A_28 = arith.constant 0 : i32
        %dma_start3A_29 = tpu.memref_slice %arg4[%dma_start3A_27, %dma_start3A_28] : memref<2047x128xf32, #tpu.memory_space<vmem_shared>> -> memref<128x128xf32, #tpu.memory_space<vmem_shared>>
        tpu.enqueue_dma source(%arg5 : memref<128x128xf32, #tpu.memory_space<vmem>>) target(%dma_start3A_29 : memref<128x128xf32, #tpu.memory_space<vmem_shared>>) target_semaphore(%run_scoped3A : memref<!tpu.dma_semaphore, #tpu.memory_space<semaphore_mem>>)
        %dma_wait3A = arith.constant 127 : i32
        %dma_wait3A_30 = arith.constant 0 : i32
        %dma_wait3A_31 = tpu.memref_slice %arg4[%dma_wait3A, %dma_wait3A_30] : memref<2047x128xf32, #tpu.memory_space<vmem_shared>> -> memref<128x128xf32, #tpu.memory_space<vmem_shared>>
        %dma_wait3A_32 = arith.constant 127 : i32
        %dma_wait3A_33 = arith.constant 0 : i32
        %dma_wait3A_34 = tpu.memref_slice %arg4[%dma_wait3A_32, %dma_wait3A_33] : memref<2047x128xf32, #tpu.memory_space<vmem_shared>> -> memref<128x128xf32, #tpu.memory_space<vmem_shared>>
        tpu.wait_dma2 semaphore(%run_scoped3A : memref<!tpu.dma_semaphore, #tpu.memory_space<semaphore_mem>>) src(%arg5 : memref<128x128xf32, #tpu.memory_space<vmem>>) dst(%dma_wait3A_34 : memref<128x128xf32, #tpu.memory_space<vmem_shared>>)
        tpu.yield
      }) : () -> ()
      "tpu.region"() ({
        %run_scoped3A = tpu.sem_alloc : memref<!tpu.dma_semaphore, #tpu.memory_space<semaphore_mem>>
        %dma_start3A = arith.constant 255 : i32
        %dma_start3A_25 = arith.constant 0 : i32
        %dma_start3A_26 = tpu.memref_slice %arg4[%dma_start3A, %dma_start3A_25] : memref<2047x128xf32, #tpu.memory_space<vmem_shared>> -> memref<128x128xf32, #tpu.memory_space<vmem_shared>>
        %dma_start3A_27 = arith.constant 255 : i32
        %dma_start3A_28 = arith.constant 0 : i32
        %dma_start3A_29 = tpu.memref_slice %arg4[%dma_start3A_27, %dma_start3A_28] : memref<2047x128xf32, #tpu.memory_space<vmem_shared>> -> memref<128x128xf32, #tpu.memory_space<vmem_shared>>
        tpu.enqueue_dma source(%arg5 : memref<128x128xf32, #tpu.memory_space<vmem>>) target(%dma_start3A_29 : memref<128x128xf32, #tpu.memory_space<vmem_shared>>) target_semaphore(%run_scoped3A : memref<!tpu.dma_semaphore, #tpu.memory_space<semaphore_mem>>)
        %dma_wait3A = arith.constant 255 : i32
        %dma_wait3A_30 = arith.constant 0 : i32
        %dma_wait3A_31 = tpu.memref_slice %arg4[%dma_wait3A, %dma_wait3A_30] : memref<2047x128xf32, #tpu.memory_space<vmem_shared>> -> memref<128x128xf32, #tpu.memory_space<vmem_shared>>
        %dma_wait3A_32 = arith.constant 255 : i32
        %dma_wait3A_33 = arith.constant 0 : i32
        %dma_wait3A_34 = tpu.memref_slice %arg4[%dma_wait3A_32, %dma_wait3A_33] : memref<2047x128xf32, #tpu.memory_space<vmem_shared>> -> memref<128x128xf32, #tpu.memory_space<vmem_shared>>
        tpu.wait_dma2 semaphore(%run_scoped3A : memref<!tpu.dma_semaphore, #tpu.memory_space<semaphore_mem>>) src(%arg5 : memref<128x128xf32, #tpu.memory_space<vmem>>) dst(%dma_wait3A_34 : memref<128x128xf32, #tpu.memory_space<vmem_shared>>)
        tpu.yield
      }) : () -> ()
      "tpu.region"() ({
        %run_scoped3A = tpu.sem_alloc : memref<!tpu.dma_semaphore, #tpu.memory_space<semaphore_mem>>
        %dma_start3A = arith.constant 383 : i32
        %dma_start3A_25 = arith.constant 0 : i32
        %dma_start3A_26 = tpu.memref_slice %arg4[%dma_start3A, %dma_start3A_25] : memref<2047x128xf32, #tpu.memory_space<vmem_shared>> -> memref<128x128xf32, #tpu.memory_space<vmem_shared>>
        %dma_start3A_27 = arith.constant 383 : i32
        %dma_start3A_28 = arith.constant 0 : i32
        %dma_start3A_29 = tpu.memref_slice %arg4[%dma_start3A_27, %dma_start3A_28] : memref<2047x128xf32, #tpu.memory_space<vmem_shared>> -> memref<128x128xf32, #tpu.memory_space<vmem_shared>>
        tpu.enqueue_dma source(%arg5 : memref<128x128xf32, #tpu.memory_space<vmem>>) target(%dma_start3A_29 : memref<128x128xf32, #tpu.memory_space<vmem_shared>>) target_semaphore(%run_scoped3A : memref<!tpu.dma_semaphore, #tpu.memory_space<semaphore_mem>>)
        %dma_wait3A = arith.constant 383 : i32
        %dma_wait3A_30 = arith.constant 0 : i32
        %dma_wait3A_31 = tpu.memref_slice %arg4[%dma_wait3A, %dma_wait3A_30] : memref<2047x128xf32, #tpu.memory_space<vmem_shared>> -> memref<128x128xf32, #tpu.memory_space<vmem_shared>>
        %dma_wait3A_32 = arith.constant 383 : i32
        %dma_wait3A_33 = arith.constant 0 : i32
        %dma_wait3A_34 = tpu.memref_slice %arg4[%dma_wait3A_32, %dma_wait3A_33] : memref<2047x128xf32, #tpu.memory_space<vmem_shared>> -> memref<128x128xf32, #tpu.memory_space<vmem_shared>>
        tpu.wait_dma2 semaphore(%run_scoped3A : memref<!tpu.dma_semaphore, #tpu.memory_space<semaphore_mem>>) src(%arg5 : memref<128x128xf32, #tpu.memory_space<vmem>>) dst(%dma_wait3A_34 : memref<128x128xf32, #tpu.memory_space<vmem_shared>>)
        tpu.yield
      }) : () -> ()
      "tpu.region"() ({
        %run_scoped3A = tpu.sem_alloc : memref<!tpu.dma_semaphore, #tpu.memory_space<semaphore_mem>>
        %dma_start3A = arith.constant 511 : i32
        %dma_start3A_25 = arith.constant 0 : i32
        %dma_start3A_26 = tpu.memref_slice %arg4[%dma_start3A, %dma_start3A_25] : memref<2047x128xf32, #tpu.memory_space<vmem_shared>> -> memref<128x128xf32, #tpu.memory_space<vmem_shared>>
        %dma_start3A_27 = arith.constant 511 : i32
        %dma_start3A_28 = arith.constant 0 : i32
        %dma_start3A_29 = tpu.memref_slice %arg4[%dma_start3A_27, %dma_start3A_28] : memref<2047x128xf32, #tpu.memory_space<vmem_shared>> -> memref<128x128xf32, #tpu.memory_space<vmem_shared>>
        tpu.enqueue_dma source(%arg5 : memref<128x128xf32, #tpu.memory_space<vmem>>) target(%dma_start3A_29 : memref<128x128xf32, #tpu.memory_space<vmem_shared>>) target_semaphore(%run_scoped3A : memref<!tpu.dma_semaphore, #tpu.memory_space<semaphore_mem>>)
        %dma_wait3A = arith.constant 511 : i32
        %dma_wait3A_30 = arith.constant 0 : i32
        %dma_wait3A_31 = tpu.memref_slice %arg4[%dma_wait3A, %dma_wait3A_30] : memref<2047x128xf32, #tpu.memory_space<vmem_shared>> -> memref<128x128xf32, #tpu.memory_space<vmem_shared>>
        %dma_wait3A_32 = arith.constant 511 : i32
        %dma_wait3A_33 = arith.constant 0 : i32
        %dma_wait3A_34 = tpu.memref_slice %arg4[%dma_wait3A_32, %dma_wait3A_33] : memref<2047x128xf32, #tpu.memory_space<vmem_shared>> -> memref<128x128xf32, #tpu.memory_space<vmem_shared>>
        tpu.wait_dma2 semaphore(%run_scoped3A : memref<!tpu.dma_semaphore, #tpu.memory_space<semaphore_mem>>) src(%arg5 : memref<128x128xf32, #tpu.memory_space<vmem>>) dst(%dma_wait3A_34 : memref<128x128xf32, #tpu.memory_space<vmem_shared>>)
        tpu.yield
      }) : () -> ()
      "tpu.region"() ({
        %run_scoped3A = tpu.sem_alloc : memref<!tpu.dma_semaphore, #tpu.memory_space<semaphore_mem>>
        %dma_start3A = arith.constant 639 : i32
        %dma_start3A_25 = arith.constant 0 : i32
        %dma_start3A_26 = tpu.memref_slice %arg4[%dma_start3A, %dma_start3A_25] : memref<2047x128xf32, #tpu.memory_space<vmem_shared>> -> memref<128x128xf32, #tpu.memory_space<vmem_shared>>
        %dma_start3A_27 = arith.constant 639 : i32
        %dma_start3A_28 = arith.constant 0 : i32
        %dma_start3A_29 = tpu.memref_slice %arg4[%dma_start3A_27, %dma_start3A_28] : memref<2047x128xf32, #tpu.memory_space<vmem_shared>> -> memref<128x128xf32, #tpu.memory_space<vmem_shared>>
        tpu.enqueue_dma source(%arg5 : memref<128x128xf32, #tpu.memory_space<vmem>>) target(%dma_start3A_29 : memref<128x128xf32, #tpu.memory_space<vmem_shared>>) target_semaphore(%run_scoped3A : memref<!tpu.dma_semaphore, #tpu.memory_space<semaphore_mem>>)
        %dma_wait3A = arith.constant 639 : i32
        %dma_wait3A_30 = arith.constant 0 : i32
        %dma_wait3A_31 = tpu.memref_slice %arg4[%dma_wait3A, %dma_wait3A_30] : memref<2047x128xf32, #tpu.memory_space<vmem_shared>> -> memref<128x128xf32, #tpu.memory_space<vmem_shared>>
        %dma_wait3A_32 = arith.constant 639 : i32
        %dma_wait3A_33 = arith.constant 0 : i32
        %dma_wait3A_34 = tpu.memref_slice %arg4[%dma_wait3A_32, %dma_wait3A_33] : memref<2047x128xf32, #tpu.memory_space<vmem_shared>> -> memref<128x128xf32, #tpu.memory_space<vmem_shared>>
        tpu.wait_dma2 semaphore(%run_scoped3A : memref<!tpu.dma_semaphore, #tpu.memory_space<semaphore_mem>>) src(%arg5 : memref<128x128xf32, #tpu.memory_space<vmem>>) dst(%dma_wait3A_34 : memref<128x128xf32, #tpu.memory_space<vmem_shared>>)
        tpu.yield
      }) : () -> ()
      "tpu.region"() ({
        %run_scoped3A = tpu.sem_alloc : memref<!tpu.dma_semaphore, #tpu.memory_space<semaphore_mem>>
        %dma_start3A = arith.constant 767 : i32
        %dma_start3A_25 = arith.constant 0 : i32
        %dma_start3A_26 = tpu.memref_slice %arg4[%dma_start3A, %dma_start3A_25] : memref<2047x128xf32, #tpu.memory_space<vmem_shared>> -> memref<128x128xf32, #tpu.memory_space<vmem_shared>>
        %dma_start3A_27 = arith.constant 767 : i32
        %dma_start3A_28 = arith.constant 0 : i32
        %dma_start3A_29 = tpu.memref_slice %arg4[%dma_start3A_27, %dma_start3A_28] : memref<2047x128xf32, #tpu.memory_space<vmem_shared>> -> memref<128x128xf32, #tpu.memory_space<vmem_shared>>
        tpu.enqueue_dma source(%arg5 : memref<128x128xf32, #tpu.memory_space<vmem>>) target(%dma_start3A_29 : memref<128x128xf32, #tpu.memory_space<vmem_shared>>) target_semaphore(%run_scoped3A : memref<!tpu.dma_semaphore, #tpu.memory_space<semaphore_mem>>)
        %dma_wait3A = arith.constant 767 : i32
        %dma_wait3A_30 = arith.constant 0 : i32
        %dma_wait3A_31 = tpu.memref_slice %arg4[%dma_wait3A, %dma_wait3A_30] : memref<2047x128xf32, #tpu.memory_space<vmem_shared>> -> memref<128x128xf32, #tpu.memory_space<vmem_shared>>
        %dma_wait3A_32 = arith.constant 767 : i32
        %dma_wait3A_33 = arith.constant 0 : i32
        %dma_wait3A_34 = tpu.memref_slice %arg4[%dma_wait3A_32, %dma_wait3A_33] : memref<2047x128xf32, #tpu.memory_space<vmem_shared>> -> memref<128x128xf32, #tpu.memory_space<vmem_shared>>
        tpu.wait_dma2 semaphore(%run_scoped3A : memref<!tpu.dma_semaphore, #tpu.memory_space<semaphore_mem>>) src(%arg5 : memref<128x128xf32, #tpu.memory_space<vmem>>) dst(%dma_wait3A_34 : memref<128x128xf32, #tpu.memory_space<vmem_shared>>)
        tpu.yield
      }) : () -> ()
    } else {
    }
    %eq3A_7 = arith.constant 2 : i32
    %eq3A_8 = arith.cmpi eq, %arg1, %eq3A_7 : i32
    %convert_element_type3A_9 = arith.extui %eq3A_8 : i1 to i32
    %cond3A_10 = arith.constant 0 : i32
    %cond3A_11 = arith.cmpi ne, %convert_element_type3A_9, %cond3A_10 : i32
    scf.if %cond3A_11 {
      "tpu.region"() ({
        %run_scoped3A = tpu.sem_alloc : memref<!tpu.dma_semaphore, #tpu.memory_space<semaphore_mem>>
        %dma_start3A = arith.constant 256 : i32
        %dma_start3A_25 = arith.constant 0 : i32
        %dma_start3A_26 = tpu.memref_slice %arg2[%dma_start3A, %dma_start3A_25] : memref<257x128xf32, #tpu.memory_space<hbm>> -> memref<1x128xf32, #tpu.memory_space<hbm>>
        %dma_start3A_27 = arith.constant 256 : i32
        %dma_start3A_28 = arith.constant 0 : i32
        %dma_start3A_29 = tpu.memref_slice %arg2[%dma_start3A_27, %dma_start3A_28] : memref<257x128xf32, #tpu.memory_space<hbm>> -> memref<1x128xf32, #tpu.memory_space<hbm>>
        tpu.enqueue_dma source(%dma_start3A_29 : memref<1x128xf32, #tpu.memory_space<hbm>>) target(%arg6 : memref<1x128xf32, #tpu.memory_space<vmem>>) target_semaphore(%run_scoped3A : memref<!tpu.dma_semaphore, #tpu.memory_space<semaphore_mem>>)
        %dma_wait3A = arith.constant 256 : i32
        %dma_wait3A_30 = arith.constant 0 : i32
        %dma_wait3A_31 = tpu.memref_slice %arg2[%dma_wait3A, %dma_wait3A_30] : memref<257x128xf32, #tpu.memory_space<hbm>> -> memref<1x128xf32, #tpu.memory_space<hbm>>
        %dma_wait3A_32 = arith.constant 256 : i32
        %dma_wait3A_33 = arith.constant 0 : i32
        %dma_wait3A_34 = tpu.memref_slice %arg2[%dma_wait3A_32, %dma_wait3A_33] : memref<257x128xf32, #tpu.memory_space<hbm>> -> memref<1x128xf32, #tpu.memory_space<hbm>>
        tpu.wait_dma2 semaphore(%run_scoped3A : memref<!tpu.dma_semaphore, #tpu.memory_space<semaphore_mem>>) src(%dma_wait3A_34 : memref<1x128xf32, #tpu.memory_space<hbm>>) dst(%arg6 : memref<1x128xf32, #tpu.memory_space<vmem>>)
        tpu.yield
      }) : () -> ()
      %scan3A = arith.constant 0 : i32
      %scan3A_20 = arith.constant 0 : i32
      %scan3A_21 = arith.constant 128 : i32
      %scan3A_22 = arith.addi %scan3A_20, %scan3A_21 : i32
      %scan3A_23 = arith.constant 1 : i32
      scf.for %scan3A_25 = %scan3A_20 to %scan3A_22 step %scan3A_23  : i32 {
        %get3A = arith.constant 0 : i32
        %get3A_26 = arith.index_cast %get3A : i32 to index
        %get3A_27 = arith.constant 0 : index
        %get3A_28 = tpu.vector_load %arg6[%get3A_26, %get3A_27] {strides = array<i32>} : memref<1x128xf32, #tpu.memory_space<vmem>>, vector<1x16xf32>,
        %get3A_29 = vector.shape_cast %get3A_28 : vector<1x16xf32> to vector<16xf32>
        %swap3A = arith.index_cast %scan3A_25 : i32 to index
        %swap3A_30 = arith.constant 0 : index
        %swap3A_31 = tpu.vector_load %arg5[%swap3A, %swap3A_30] {strides = array<i32>} : memref<128x128xf32, #tpu.memory_space<vmem>>, vector<1x16xf32>,
        %swap3A_32 = vector.shape_cast %swap3A_31 : vector<1x16xf32> to vector<16xf32>
        %swap3A_33 = vector.shape_cast %get3A_29 : vector<16xf32> to vector<1x16xf32>
        tpu.vector_store %arg5[%swap3A, %swap3A_30], %swap3A_33 {strides = array<i32>} : memref<128x128xf32, #tpu.memory_space<vmem>>, vector<1x16xf32>,
        %get3A_34 = arith.constant 0 : i32
        %get3A_35 = arith.index_cast %get3A_34 : i32 to index
        %get3A_36 = arith.constant 16 : index
        %get3A_37 = tpu.vector_load %arg6[%get3A_35, %get3A_36] {strides = array<i32>} : memref<1x128xf32, #tpu.memory_space<vmem>>, vector<1x16xf32>,
        %get3A_38 = vector.shape_cast %get3A_37 : vector<1x16xf32> to vector<16xf32>
        %swap3A_39 = arith.index_cast %scan3A_25 : i32 to index
        %swap3A_40 = arith.constant 16 : index
        %swap3A_41 = tpu.vector_load %arg5[%swap3A_39, %swap3A_40] {strides = array<i32>} : memref<128x128xf32, #tpu.memory_space<vmem>>, vector<1x16xf32>,
        %swap3A_42 = vector.shape_cast %swap3A_41 : vector<1x16xf32> to vector<16xf32>
        %swap3A_43 = vector.shape_cast %get3A_38 : vector<16xf32> to vector<1x16xf32>
        tpu.vector_store %arg5[%swap3A_39, %swap3A_40], %swap3A_43 {strides = array<i32>} : memref<128x128xf32, #tpu.memory_space<vmem>>, vector<1x16xf32>,
        %get3A_44 = arith.constant 0 : i32
        %get3A_45 = arith.index_cast %get3A_44 : i32 to index
        %get3A_46 = arith.constant 32 : index
        %get3A_47 = tpu.vector_load %arg6[%get3A_45, %get3A_46] {strides = array<i32>} : memref<1x128xf32, #tpu.memory_space<vmem>>, vector<1x16xf32>,
        %get3A_48 = vector.shape_cast %get3A_47 : vector<1x16xf32> to vector<16xf32>
        %swap3A_49 = arith.index_cast %scan3A_25 : i32 to index
        %swap3A_50 = arith.constant 32 : index
        %swap3A_51 = tpu.vector_load %arg5[%swap3A_49, %swap3A_50] {strides = array<i32>} : memref<128x128xf32, #tpu.memory_space<vmem>>, vector<1x16xf32>,
        %swap3A_52 = vector.shape_cast %swap3A_51 : vector<1x16xf32> to vector<16xf32>
        %swap3A_53 = vector.shape_cast %get3A_48 : vector<16xf32> to vector<1x16xf32>
        tpu.vector_store %arg5[%swap3A_49, %swap3A_50], %swap3A_53 {strides = array<i32>} : memref<128x128xf32, #tpu.memory_space<vmem>>, vector<1x16xf32>,
        %get3A_54 = arith.constant 0 : i32
        %get3A_55 = arith.index_cast %get3A_54 : i32 to index
        %get3A_56 = arith.constant 48 : index
        %get3A_57 = tpu.vector_load %arg6[%get3A_55, %get3A_56] {strides = array<i32>} : memref<1x128xf32, #tpu.memory_space<vmem>>, vector<1x16xf32>,
        %get3A_58 = vector.shape_cast %get3A_57 : vector<1x16xf32> to vector<16xf32>
        %swap3A_59 = arith.index_cast %scan3A_25 : i32 to index
        %swap3A_60 = arith.constant 48 : index
        %swap3A_61 = tpu.vector_load %arg5[%swap3A_59, %swap3A_60] {strides = array<i32>} : memref<128x128xf32, #tpu.memory_space<vmem>>, vector<1x16xf32>,
        %swap3A_62 = vector.shape_cast %swap3A_61 : vector<1x16xf32> to vector<16xf32>
        %swap3A_63 = vector.shape_cast %get3A_58 : vector<16xf32> to vector<1x16xf32>
        tpu.vector_store %arg5[%swap3A_59, %swap3A_60], %swap3A_63 {strides = array<i32>} : memref<128x128xf32, #tpu.memory_space<vmem>>, vector<1x16xf32>,
        %get3A_64 = arith.constant 0 : i32
        %get3A_65 = arith.index_cast %get3A_64 : i32 to index
        %get3A_66 = arith.constant 64 : index
        %get3A_67 = tpu.vector_load %arg6[%get3A_65, %get3A_66] {strides = array<i32>} : memref<1x128xf32, #tpu.memory_space<vmem>>, vector<1x16xf32>,
        %get3A_68 = vector.shape_cast %get3A_67 : vector<1x16xf32> to vector<16xf32>
        %swap3A_69 = arith.index_cast %scan3A_25 : i32 to index
        %swap3A_70 = arith.constant 64 : index
        %swap3A_71 = tpu.vector_load %arg5[%swap3A_69, %swap3A_70] {strides = array<i32>} : memref<128x128xf32, #tpu.memory_space<vmem>>, vector<1x16xf32>,
        %swap3A_72 = vector.shape_cast %swap3A_71 : vector<1x16xf32> to vector<16xf32>
        %swap3A_73 = vector.shape_cast %get3A_68 : vector<16xf32> to vector<1x16xf32>
        tpu.vector_store %arg5[%swap3A_69, %swap3A_70], %swap3A_73 {strides = array<i32>} : memref<128x128xf32, #tpu.memory_space<vmem>>, vector<1x16xf32>,
        %get3A_74 = arith.constant 0 : i32
        %get3A_75 = arith.index_cast %get3A_74 : i32 to index
        %get3A_76 = arith.constant 80 : index
        %get3A_77 = tpu.vector_load %arg6[%get3A_75, %get3A_76] {strides = array<i32>} : memref<1x128xf32, #tpu.memory_space<vmem>>, vector<1x16xf32>,
        %get3A_78 = vector.shape_cast %get3A_77 : vector<1x16xf32> to vector<16xf32>
        %swap3A_79 = arith.index_cast %scan3A_25 : i32 to index
        %swap3A_80 = arith.constant 80 : index
        %swap3A_81 = tpu.vector_load %arg5[%swap3A_79, %swap3A_80] {strides = array<i32>} : memref<128x128xf32, #tpu.memory_space<vmem>>, vector<1x16xf32>,
        %swap3A_82 = vector.shape_cast %swap3A_81 : vector<1x16xf32> to vector<16xf32>
        %swap3A_83 = vector.shape_cast %get3A_78 : vector<16xf32> to vector<1x16xf32>
        tpu.vector_store %arg5[%swap3A_79, %swap3A_80], %swap3A_83 {strides = array<i32>} : memref<128x128xf32, #tpu.memory_space<vmem>>, vector<1x16xf32>,
        %get3A_84 = arith.constant 0 : i32
        %get3A_85 = arith.index_cast %get3A_84 : i32 to index
        %get3A_86 = arith.constant 96 : index
        %get3A_87 = tpu.vector_load %arg6[%get3A_85, %get3A_86] {strides = array<i32>} : memref<1x128xf32, #tpu.memory_space<vmem>>, vector<1x16xf32>,
        %get3A_88 = vector.shape_cast %get3A_87 : vector<1x16xf32> to vector<16xf32>
        %swap3A_89 = arith.index_cast %scan3A_25 : i32 to index
        %swap3A_90 = arith.constant 96 : index
        %swap3A_91 = tpu.vector_load %arg5[%swap3A_89, %swap3A_90] {strides = array<i32>} : memref<128x128xf32, #tpu.memory_space<vmem>>, vector<1x16xf32>,
        %swap3A_92 = vector.shape_cast %swap3A_91 : vector<1x16xf32> to vector<16xf32>
        %swap3A_93 = vector.shape_cast %get3A_88 : vector<16xf32> to vector<1x16xf32>
        tpu.vector_store %arg5[%swap3A_89, %swap3A_90], %swap3A_93 {strides = array<i32>} : memref<128x128xf32, #tpu.memory_space<vmem>>, vector<1x16xf32>,
        %get3A_94 = arith.constant 0 : i32
        %get3A_95 = arith.index_cast %get3A_94 : i32 to index
        %get3A_96 = arith.constant 112 : index
        %get3A_97 = tpu.vector_load %arg6[%get3A_95, %get3A_96] {strides = array<i32>} : memref<1x128xf32, #tpu.memory_space<vmem>>, vector<1x16xf32>,
        %get3A_98 = vector.shape_cast %get3A_97 : vector<1x16xf32> to vector<16xf32>
        %swap3A_99 = arith.index_cast %scan3A_25 : i32 to index
        %swap3A_100 = arith.constant 112 : index
        %swap3A_101 = tpu.vector_load %arg5[%swap3A_99, %swap3A_100] {strides = array<i32>} : memref<128x128xf32, #tpu.memory_space<vmem>>, vector<1x16xf32>,
        %swap3A_102 = vector.shape_cast %swap3A_101 : vector<1x16xf32> to vector<16xf32>
        %swap3A_103 = vector.shape_cast %get3A_98 : vector<16xf32> to vector<1x16xf32>
        tpu.vector_store %arg5[%swap3A_99, %swap3A_100], %swap3A_103 {strides = array<i32>} : memref<128x128xf32, #tpu.memory_space<vmem>>, vector<1x16xf32>,
      }
      %scan3A_24 = arith.constant 128 : i32
      "tpu.region"() ({
        %run_scoped3A = tpu.sem_alloc : memref<!tpu.dma_semaphore, #tpu.memory_space<semaphore_mem>>
        %dma_start3A = arith.constant 1152 : i32
        %dma_start3A_25 = arith.constant 0 : i32
        %dma_start3A_26 = tpu.memref_slice %arg4[%dma_start3A, %dma_start3A_25] : memref<2047x128xf32, #tpu.memory_space<vmem_shared>> -> memref<128x128xf32, #tpu.memory_space<vmem_shared>>
        %dma_start3A_27 = arith.constant 1152 : i32
        %dma_start3A_28 = arith.constant 0 : i32
        %dma_start3A_29 = tpu.memref_slice %arg4[%dma_start3A_27, %dma_start3A_28] : memref<2047x128xf32, #tpu.memory_space<vmem_shared>> -> memref<128x128xf32, #tpu.memory_space<vmem_shared>>
        tpu.enqueue_dma source(%arg5 : memref<128x128xf32, #tpu.memory_space<vmem>>) target(%dma_start3A_29 : memref<128x128xf32, #tpu.memory_space<vmem_shared>>) target_semaphore(%run_scoped3A : memref<!tpu.dma_semaphore, #tpu.memory_space<semaphore_mem>>)
        %dma_wait3A = arith.constant 1152 : i32
        %dma_wait3A_30 = arith.constant 0 : i32
        %dma_wait3A_31 = tpu.memref_slice %arg4[%dma_wait3A, %dma_wait3A_30] : memref<2047x128xf32, #tpu.memory_space<vmem_shared>> -> memref<128x128xf32, #tpu.memory_space<vmem_shared>>
        %dma_wait3A_32 = arith.constant 1152 : i32
        %dma_wait3A_33 = arith.constant 0 : i32
        %dma_wait3A_34 = tpu.memref_slice %arg4[%dma_wait3A_32, %dma_wait3A_33] : memref<2047x128xf32, #tpu.memory_space<vmem_shared>> -> memref<128x128xf32, #tpu.memory_space<vmem_shared>>
        tpu.wait_dma2 semaphore(%run_scoped3A : memref<!tpu.dma_semaphore, #tpu.memory_space<semaphore_mem>>) src(%arg5 : memref<128x128xf32, #tpu.memory_space<vmem>>) dst(%dma_wait3A_34 : memref<128x128xf32, #tpu.memory_space<vmem_shared>>)
        tpu.yield
      }) : () -> ()
      "tpu.region"() ({
        %run_scoped3A = tpu.sem_alloc : memref<!tpu.dma_semaphore, #tpu.memory_space<semaphore_mem>>
        %dma_start3A = arith.constant 1280 : i32
        %dma_start3A_25 = arith.constant 0 : i32
        %dma_start3A_26 = tpu.memref_slice %arg4[%dma_start3A, %dma_start3A_25] : memref<2047x128xf32, #tpu.memory_space<vmem_shared>> -> memref<128x128xf32, #tpu.memory_space<vmem_shared>>
        %dma_start3A_27 = arith.constant 1280 : i32
        %dma_start3A_28 = arith.constant 0 : i32
        %dma_start3A_29 = tpu.memref_slice %arg4[%dma_start3A_27, %dma_start3A_28] : memref<2047x128xf32, #tpu.memory_space<vmem_shared>> -> memref<128x128xf32, #tpu.memory_space<vmem_shared>>
        tpu.enqueue_dma source(%arg5 : memref<128x128xf32, #tpu.memory_space<vmem>>) target(%dma_start3A_29 : memref<128x128xf32, #tpu.memory_space<vmem_shared>>) target_semaphore(%run_scoped3A : memref<!tpu.dma_semaphore, #tpu.memory_space<semaphore_mem>>)
        %dma_wait3A = arith.constant 1280 : i32
        %dma_wait3A_30 = arith.constant 0 : i32
        %dma_wait3A_31 = tpu.memref_slice %arg4[%dma_wait3A, %dma_wait3A_30] : memref<2047x128xf32, #tpu.memory_space<vmem_shared>> -> memref<128x128xf32, #tpu.memory_space<vmem_shared>>
        %dma_wait3A_32 = arith.constant 1280 : i32
        %dma_wait3A_33 = arith.constant 0 : i32
        %dma_wait3A_34 = tpu.memref_slice %arg4[%dma_wait3A_32, %dma_wait3A_33] : memref<2047x128xf32, #tpu.memory_space<vmem_shared>> -> memref<128x128xf32, #tpu.memory_space<vmem_shared>>
        tpu.wait_dma2 semaphore(%run_scoped3A : memref<!tpu.dma_semaphore, #tpu.memory_space<semaphore_mem>>) src(%arg5 : memref<128x128xf32, #tpu.memory_space<vmem>>) dst(%dma_wait3A_34 : memref<128x128xf32, #tpu.memory_space<vmem_shared>>)
        tpu.yield
      }) : () -> ()
      "tpu.region"() ({
        %run_scoped3A = tpu.sem_alloc : memref<!tpu.dma_semaphore, #tpu.memory_space<semaphore_mem>>
        %dma_start3A = arith.constant 1408 : i32
        %dma_start3A_25 = arith.constant 0 : i32
        %dma_start3A_26 = tpu.memref_slice %arg4[%dma_start3A, %dma_start3A_25] : memref<2047x128xf32, #tpu.memory_space<vmem_shared>> -> memref<128x128xf32, #tpu.memory_space<vmem_shared>>
        %dma_start3A_27 = arith.constant 1408 : i32
        %dma_start3A_28 = arith.constant 0 : i32
        %dma_start3A_29 = tpu.memref_slice %arg4[%dma_start3A_27, %dma_start3A_28] : memref<2047x128xf32, #tpu.memory_space<vmem_shared>> -> memref<128x128xf32, #tpu.memory_space<vmem_shared>>
        tpu.enqueue_dma source(%arg5 : memref<128x128xf32, #tpu.memory_space<vmem>>) target(%dma_start3A_29 : memref<128x128xf32, #tpu.memory_space<vmem_shared>>) target_semaphore(%run_scoped3A : memref<!tpu.dma_semaphore, #tpu.memory_space<semaphore_mem>>)
        %dma_wait3A = arith.constant 1408 : i32
        %dma_wait3A_30 = arith.constant 0 : i32
        %dma_wait3A_31 = tpu.memref_slice %arg4[%dma_wait3A, %dma_wait3A_30] : memref<2047x128xf32, #tpu.memory_space<vmem_shared>> -> memref<128x128xf32, #tpu.memory_space<vmem_shared>>
        %dma_wait3A_32 = arith.constant 1408 : i32
        %dma_wait3A_33 = arith.constant 0 : i32
        %dma_wait3A_34 = tpu.memref_slice %arg4[%dma_wait3A_32, %dma_wait3A_33] : memref<2047x128xf32, #tpu.memory_space<vmem_shared>> -> memref<128x128xf32, #tpu.memory_space<vmem_shared>>
        tpu.wait_dma2 semaphore(%run_scoped3A : memref<!tpu.dma_semaphore, #tpu.memory_space<semaphore_mem>>) src(%arg5 : memref<128x128xf32, #tpu.memory_space<vmem>>) dst(%dma_wait3A_34 : memref<128x128xf32, #tpu.memory_space<vmem_shared>>)
        tpu.yield
      }) : () -> ()
      "tpu.region"() ({
        %run_scoped3A = tpu.sem_alloc : memref<!tpu.dma_semaphore, #tpu.memory_space<semaphore_mem>>
        %dma_start3A = arith.constant 1536 : i32
        %dma_start3A_25 = arith.constant 0 : i32
        %dma_start3A_26 = tpu.memref_slice %arg4[%dma_start3A, %dma_start3A_25] : memref<2047x128xf32, #tpu.memory_space<vmem_shared>> -> memref<128x128xf32, #tpu.memory_space<vmem_shared>>
        %dma_start3A_27 = arith.constant 1536 : i32
        %dma_start3A_28 = arith.constant 0 : i32
        %dma_start3A_29 = tpu.memref_slice %arg4[%dma_start3A_27, %dma_start3A_28] : memref<2047x128xf32, #tpu.memory_space<vmem_shared>> -> memref<128x128xf32, #tpu.memory_space<vmem_shared>>
        tpu.enqueue_dma source(%arg5 : memref<128x128xf32, #tpu.memory_space<vmem>>) target(%dma_start3A_29 : memref<128x128xf32, #tpu.memory_space<vmem_shared>>) target_semaphore(%run_scoped3A : memref<!tpu.dma_semaphore, #tpu.memory_space<semaphore_mem>>)
        %dma_wait3A = arith.constant 1536 : i32
        %dma_wait3A_30 = arith.constant 0 : i32
        %dma_wait3A_31 = tpu.memref_slice %arg4[%dma_wait3A, %dma_wait3A_30] : memref<2047x128xf32, #tpu.memory_space<vmem_shared>> -> memref<128x128xf32, #tpu.memory_space<vmem_shared>>
        %dma_wait3A_32 = arith.constant 1536 : i32
        %dma_wait3A_33 = arith.constant 0 : i32
        %dma_wait3A_34 = tpu.memref_slice %arg4[%dma_wait3A_32, %dma_wait3A_33] : memref<2047x128xf32, #tpu.memory_space<vmem_shared>> -> memref<128x128xf32, #tpu.memory_space<vmem_shared>>
        tpu.wait_dma2 semaphore(%run_scoped3A : memref<!tpu.dma_semaphore, #tpu.memory_space<semaphore_mem>>) src(%arg5 : memref<128x128xf32, #tpu.memory_space<vmem>>) dst(%dma_wait3A_34 : memref<128x128xf32, #tpu.memory_space<vmem_shared>>)
        tpu.yield
      }) : () -> ()
      "tpu.region"() ({
        %run_scoped3A = tpu.sem_alloc : memref<!tpu.dma_semaphore, #tpu.memory_space<semaphore_mem>>
        %dma_start3A = arith.constant 1664 : i32
        %dma_start3A_25 = arith.constant 0 : i32
        %dma_start3A_26 = tpu.memref_slice %arg4[%dma_start3A, %dma_start3A_25] : memref<2047x128xf32, #tpu.memory_space<vmem_shared>> -> memref<128x128xf32, #tpu.memory_space<vmem_shared>>
        %dma_start3A_27 = arith.constant 1664 : i32
        %dma_start3A_28 = arith.constant 0 : i32
        %dma_start3A_29 = tpu.memref_slice %arg4[%dma_start3A_27, %dma_start3A_28] : memref<2047x128xf32, #tpu.memory_space<vmem_shared>> -> memref<128x128xf32, #tpu.memory_space<vmem_shared>>
        tpu.enqueue_dma source(%arg5 : memref<128x128xf32, #tpu.memory_space<vmem>>) target(%dma_start3A_29 : memref<128x128xf32, #tpu.memory_space<vmem_shared>>) target_semaphore(%run_scoped3A : memref<!tpu.dma_semaphore, #tpu.memory_space<semaphore_mem>>)
        %dma_wait3A = arith.constant 1664 : i32
        %dma_wait3A_30 = arith.constant 0 : i32
        %dma_wait3A_31 = tpu.memref_slice %arg4[%dma_wait3A, %dma_wait3A_30] : memref<2047x128xf32, #tpu.memory_space<vmem_shared>> -> memref<128x128xf32, #tpu.memory_space<vmem_shared>>
        %dma_wait3A_32 = arith.constant 1664 : i32
        %dma_wait3A_33 = arith.constant 0 : i32
        %dma_wait3A_34 = tpu.memref_slice %arg4[%dma_wait3A_32, %dma_wait3A_33] : memref<2047x128xf32, #tpu.memory_space<vmem_shared>> -> memref<128x128xf32, #tpu.memory_space<vmem_shared>>
        tpu.wait_dma2 semaphore(%run_scoped3A : memref<!tpu.dma_semaphore, #tpu.memory_space<semaphore_mem>>) src(%arg5 : memref<128x128xf32, #tpu.memory_space<vmem>>) dst(%dma_wait3A_34 : memref<128x128xf32, #tpu.memory_space<vmem_shared>>)
        tpu.yield
      }) : () -> ()
      "tpu.region"() ({
        %run_scoped3A = tpu.sem_alloc : memref<!tpu.dma_semaphore, #tpu.memory_space<semaphore_mem>>
        %dma_start3A = arith.constant 1792 : i32
        %dma_start3A_25 = arith.constant 0 : i32
        %dma_start3A_26 = tpu.memref_slice %arg4[%dma_start3A, %dma_start3A_25] : memref<2047x128xf32, #tpu.memory_space<vmem_shared>> -> memref<128x128xf32, #tpu.memory_space<vmem_shared>>
        %dma_start3A_27 = arith.constant 1792 : i32
        %dma_start3A_28 = arith.constant 0 : i32
        %dma_start3A_29 = tpu.memref_slice %arg4[%dma_start3A_27, %dma_start3A_28] : memref<2047x128xf32, #tpu.memory_space<vmem_shared>> -> memref<128x128xf32, #tpu.memory_space<vmem_shared>>
        tpu.enqueue_dma source(%arg5 : memref<128x128xf32, #tpu.memory_space<vmem>>) target(%dma_start3A_29 : memref<128x128xf32, #tpu.memory_space<vmem_shared>>) target_semaphore(%run_scoped3A : memref<!tpu.dma_semaphore, #tpu.memory_space<semaphore_mem>>)
        %dma_wait3A = arith.constant 1792 : i32
        %dma_wait3A_30 = arith.constant 0 : i32
        %dma_wait3A_31 = tpu.memref_slice %arg4[%dma_wait3A, %dma_wait3A_30] : memref<2047x128xf32, #tpu.memory_space<vmem_shared>> -> memref<128x128xf32, #tpu.memory_space<vmem_shared>>
        %dma_wait3A_32 = arith.constant 1792 : i32
        %dma_wait3A_33 = arith.constant 0 : i32
        %dma_wait3A_34 = tpu.memref_slice %arg4[%dma_wait3A_32, %dma_wait3A_33] : memref<2047x128xf32, #tpu.memory_space<vmem_shared>> -> memref<128x128xf32, #tpu.memory_space<vmem_shared>>
        tpu.wait_dma2 semaphore(%run_scoped3A : memref<!tpu.dma_semaphore, #tpu.memory_space<semaphore_mem>>) src(%arg5 : memref<128x128xf32, #tpu.memory_space<vmem>>) dst(%dma_wait3A_34 : memref<128x128xf32, #tpu.memory_space<vmem_shared>>)
        tpu.yield
      }) : () -> ()
      "tpu.region"() ({
        %run_scoped3A = tpu.sem_alloc : memref<!tpu.dma_semaphore, #tpu.memory_space<semaphore_mem>>
        %dma_start3A = arith.constant 0 : i32
        %dma_start3A_25 = arith.constant 0 : i32
        %dma_start3A_26 = tpu.memref_slice %arg5[%dma_start3A, %dma_start3A_25] : memref<128x128xf32, #tpu.memory_space<vmem>> -> memref<127x128xf32, #tpu.memory_space<vmem>>
        %dma_start3A_27 = arith.constant 1920 : i32
        %dma_start3A_28 = arith.constant 0 : i32
        %dma_start3A_29 = tpu.memref_slice %arg4[%dma_start3A_27, %dma_start3A_28] : memref<2047x128xf32, #tpu.memory_space<vmem_shared>> -> memref<127x128xf32, #tpu.memory_space<vmem_shared>>
        %dma_start3A_30 = arith.constant 1920 : i32
        %dma_start3A_31 = arith.constant 0 : i32
        %dma_start3A_32 = tpu.memref_slice %arg4[%dma_start3A_30, %dma_start3A_31] : memref<2047x128xf32, #tpu.memory_space<vmem_shared>> -> memref<127x128xf32, #tpu.memory_space<vmem_shared>>
        %dma_start3A_33 = arith.constant 0 : i32
        %dma_start3A_34 = arith.constant 0 : i32
        %dma_start3A_35 = tpu.memref_slice %arg5[%dma_start3A_33, %dma_start3A_34] : memref<128x128xf32, #tpu.memory_space<vmem>> -> memref<127x128xf32, #tpu.memory_space<vmem>>
        tpu.enqueue_dma source(%dma_start3A_35 : memref<127x128xf32, #tpu.memory_space<vmem>>) target(%dma_start3A_32 : memref<127x128xf32, #tpu.memory_space<vmem_shared>>) target_semaphore(%run_scoped3A : memref<!tpu.dma_semaphore, #tpu.memory_space<semaphore_mem>>)
        %dma_wait3A = arith.constant 0 : i32
        %dma_wait3A_36 = arith.constant 0 : i32
        %dma_wait3A_37 = tpu.memref_slice %arg5[%dma_wait3A, %dma_wait3A_36] : memref<128x128xf32, #tpu.memory_space<vmem>> -> memref<127x128xf32, #tpu.memory_space<vmem>>
        %dma_wait3A_38 = arith.constant 1920 : i32
        %dma_wait3A_39 = arith.constant 0 : i32
        %dma_wait3A_40 = tpu.memref_slice %arg4[%dma_wait3A_38, %dma_wait3A_39] : memref<2047x128xf32, #tpu.memory_space<vmem_shared>> -> memref<127x128xf32, #tpu.memory_space<vmem_shared>>
        %dma_wait3A_41 = arith.constant 1920 : i32
        %dma_wait3A_42 = arith.constant 0 : i32
        %dma_wait3A_43 = tpu.memref_slice %arg4[%dma_wait3A_41, %dma_wait3A_42] : memref<2047x128xf32, #tpu.memory_space<vmem_shared>> -> memref<127x128xf32, #tpu.memory_space<vmem_shared>>
        %dma_wait3A_44 = arith.constant 0 : i32
        %dma_wait3A_45 = arith.constant 0 : i32
        %dma_wait3A_46 = tpu.memref_slice %arg5[%dma_wait3A_44, %dma_wait3A_45] : memref<128x128xf32, #tpu.memory_space<vmem>> -> memref<127x128xf32, #tpu.memory_space<vmem>>
        tpu.wait_dma2 semaphore(%run_scoped3A : memref<!tpu.dma_semaphore, #tpu.memory_space<semaphore_mem>>) src(%dma_wait3A_46 : memref<127x128xf32, #tpu.memory_space<vmem>>) dst(%dma_wait3A_43 : memref<127x128xf32, #tpu.memory_space<vmem_shared>>)
        tpu.yield
      }) : () -> ()
    } else {
    }
    %barrier3A = arith.constant 0 : index
    tpu.barrier barrier_id(%barrier3A)
    %lt3A = arith.constant 8 : i32
    %lt3A_12 = arith.cmpi slt, %arg1, %lt3A : i32
    %convert_element_type3A_13 = arith.extui %lt3A_12 : i1 to i32
    %cond3A_14 = arith.constant 0 : i32
    %cond3A_15 = arith.cmpi ne, %convert_element_type3A_13, %cond3A_14 : i32
    scf.if %cond3A_15 {
      %mul3A = arith.constant 512 : i32
      %mul3A_20 = arith.muli %arg0, %mul3A : i32
      %mul3A_21 = arith.constant 46 : i32
      %mul3A_22 = arith.muli %mul3A_21, %arg1 : i32
      %add3A = arith.addi %mul3A_20, %mul3A_22 : i32
      %add3A_23 = arith.constant 0 : i32
      %add3A_24 = arith.addi %add3A, %add3A_23 : i32
      %sub3A = arith.constant 1023 : i32
      %sub3A_25 = arith.subi %sub3A, %add3A_24 : i32
      %dma_start3A = arith.constant 0 : i32
      %dma_start3A_26 = arith.constant 0 : i32
      %dma_start3A_27 = tpu.memref_slice %arg3[%add3A_24, %dma_start3A, %dma_start3A_26] : memref<1024x1024x128xf32, #tpu.memory_space<hbm>> -> memref<1x1024x128xf32, #tpu.memory_space<hbm>>
      %dma_start3A_28 = tpu.memref_squeeze %dma_start3A_27 : memref<1x1024x128xf32, #tpu.memory_space<hbm>> -> memref<1024x128xf32, #tpu.memory_space<hbm>>
      %dma_start3A_29 = arith.constant 0 : i32
      %dma_start3A_30 = tpu.memref_slice %arg4[%sub3A_25, %dma_start3A_29] : memref<2047x128xf32, #tpu.memory_space<vmem_shared>> -> memref<1024x128xf32, #tpu.memory_space<vmem_shared>>
      tpu.enqueue_dma source(%dma_start3A_30 : memref<1024x128xf32, #tpu.memory_space<vmem_shared>>) target(%dma_start3A_28 : memref<1024x128xf32, #tpu.memory_space<hbm>>) target_semaphore(%arg8 : memref<!tpu.dma_semaphore, #tpu.memory_space<semaphore_mem>>)
      %add3A_31 = arith.constant 1 : i32
      %add3A_32 = arith.addi %add3A, %add3A_31 : i32
      %sub3A_33 = arith.constant 1023 : i32
      %sub3A_34 = arith.subi %sub3A_33, %add3A_32 : i32
      %dma_start3A_35 = arith.constant 0 : i32
      %dma_start3A_36 = arith.constant 0 : i32
      %dma_start3A_37 = tpu.memref_slice %arg3[%add3A_32, %dma_start3A_35, %dma_start3A_36] : memref<1024x1024x128xf32, #tpu.memory_space<hbm>> -> memref<1x1024x128xf32, #tpu.memory_space<hbm>>
      %dma_start3A_38 = tpu.memref_squeeze %dma_start3A_37 : memref<1x1024x128xf32, #tpu.memory_space<hbm>> -> memref<1024x128xf32, #tpu.memory_space<hbm>>
      %dma_start3A_39 = arith.constant 0 : i32
      %dma_start3A_40 = tpu.memref_slice %arg4[%sub3A_34, %dma_start3A_39] : memref<2047x128xf32, #tpu.memory_space<vmem_shared>> -> memref<1024x128xf32, #tpu.memory_space<vmem_shared>>
      tpu.enqueue_dma source(%dma_start3A_40 : memref<1024x128xf32, #tpu.memory_space<vmem_shared>>) target(%dma_start3A_38 : memref<1024x128xf32, #tpu.memory_space<hbm>>) target_semaphore(%arg8 : memref<!tpu.dma_semaphore, #tpu.memory_space<semaphore_mem>>)
      %add3A_41 = arith.constant 2 : i32
      %add3A_42 = arith.addi %add3A, %add3A_41 : i32
      %sub3A_43 = arith.constant 1023 : i32
      %sub3A_44 = arith.subi %sub3A_43, %add3A_42 : i32
      %dma_start3A_45 = arith.constant 0 : i32
      %dma_start3A_46 = arith.constant 0 : i32
      %dma_start3A_47 = tpu.memref_slice %arg3[%add3A_42, %dma_start3A_45, %dma_start3A_46] : memref<1024x1024x128xf32, #tpu.memory_space<hbm>> -> memref<1x1024x128xf32, #tpu.memory_space<hbm>>
      %dma_start3A_48 = tpu.memref_squeeze %dma_start3A_47 : memref<1x1024x128xf32, #tpu.memory_space<hbm>> -> memref<1024x128xf32, #tpu.memory_space<hbm>>
      %dma_start3A_49 = arith.constant 0 : i32
      %dma_start3A_50 = tpu.memref_slice %arg4[%sub3A_44, %dma_start3A_49] : memref<2047x128xf32, #tpu.memory_space<vmem_shared>> -> memref<1024x128xf32, #tpu.memory_space<vmem_shared>>
      tpu.enqueue_dma source(%dma_start3A_50 : memref<1024x128xf32, #tpu.memory_space<vmem_shared>>) target(%dma_start3A_48 : memref<1024x128xf32, #tpu.memory_space<hbm>>) target_semaphore(%arg8 : memref<!tpu.dma_semaphore, #tpu.memory_space<semaphore_mem>>)
      %add3A_51 = arith.constant 3 : i32
      %add3A_52 = arith.addi %add3A, %add3A_51 : i32
      %dma_wait3A = arith.constant 0 : i32
      %dma_wait3A_53 = arith.constant 0 : i32
      %dma_wait3A_54 = tpu.memref_slice %arg3[%add3A_24, %dma_wait3A, %dma_wait3A_53] : memref<1024x1024x128xf32, #tpu.memory_space<hbm>> -> memref<1x1024x128xf32, #tpu.memory_space<hbm>>
      %dma_wait3A_55 = tpu.memref_squeeze %dma_wait3A_54 : memref<1x1024x128xf32, #tpu.memory_space<hbm>> -> memref<1024x128xf32, #tpu.memory_space<hbm>>
      %dma_wait3A_56 = arith.constant 0 : i32
      %dma_wait3A_57 = tpu.memref_slice %arg4[%sub3A_25, %dma_wait3A_56] : memref<2047x128xf32, #tpu.memory_space<vmem_shared>> -> memref<1024x128xf32, #tpu.memory_space<vmem_shared>>
      tpu.wait_dma2 semaphore(%arg8 : memref<!tpu.dma_semaphore, #tpu.memory_space<semaphore_mem>>) src(%dma_wait3A_57 : memref<1024x128xf32, #tpu.memory_space<vmem_shared>>) dst(%dma_wait3A_55 : memref<1024x128xf32, #tpu.memory_space<hbm>>)
      %sub3A_58 = arith.constant 1023 : i32
      %sub3A_59 = arith.subi %sub3A_58, %add3A_52 : i32
      %dma_start3A_60 = arith.constant 0 : i32
      %dma_start3A_61 = arith.constant 0 : i32
      %dma_start3A_62 = tpu.memref_slice %arg3[%add3A_52, %dma_start3A_60, %dma_start3A_61] : memref<1024x1024x128xf32, #tpu.memory_space<hbm>> -> memref<1x1024x128xf32, #tpu.memory_space<hbm>>
      %dma_start3A_63 = tpu.memref_squeeze %dma_start3A_62 : memref<1x1024x128xf32, #tpu.memory_space<hbm>> -> memref<1024x128xf32, #tpu.memory_space<hbm>>
      %dma_start3A_64 = arith.constant 0 : i32
      %dma_start3A_65 = tpu.memref_slice %arg4[%sub3A_59, %dma_start3A_64] : memref<2047x128xf32, #tpu.memory_space<vmem_shared>> -> memref<1024x128xf32, #tpu.memory_space<vmem_shared>>
      tpu.enqueue_dma source(%dma_start3A_65 : memref<1024x128xf32, #tpu.memory_space<vmem_shared>>) target(%dma_start3A_63 : memref<1024x128xf32, #tpu.memory_space<hbm>>) target_semaphore(%arg8 : memref<!tpu.dma_semaphore, #tpu.memory_space<semaphore_mem>>)
      %add3A_66 = arith.constant 4 : i32
      %add3A_67 = arith.addi %add3A, %add3A_66 : i32
      %dma_wait3A_68 = arith.constant 0 : i32
      %dma_wait3A_69 = arith.constant 0 : i32
      %dma_wait3A_70 = tpu.memref_slice %arg3[%add3A_32, %dma_wait3A_68, %dma_wait3A_69] : memref<1024x1024x128xf32, #tpu.memory_space<hbm>> -> memref<1x1024x128xf32, #tpu.memory_space<hbm>>
      %dma_wait3A_71 = tpu.memref_squeeze %dma_wait3A_70 : memref<1x1024x128xf32, #tpu.memory_space<hbm>> -> memref<1024x128xf32, #tpu.memory_space<hbm>>
      %dma_wait3A_72 = arith.constant 0 : i32
      %dma_wait3A_73 = tpu.memref_slice %arg4[%sub3A_34, %dma_wait3A_72] : memref<2047x128xf32, #tpu.memory_space<vmem_shared>> -> memref<1024x128xf32, #tpu.memory_space<vmem_shared>>
      tpu.wait_dma2 semaphore(%arg8 : memref<!tpu.dma_semaphore, #tpu.memory_space<semaphore_mem>>) src(%dma_wait3A_73 : memref<1024x128xf32, #tpu.memory_space<vmem_shared>>) dst(%dma_wait3A_71 : memref<1024x128xf32, #tpu.memory_space<hbm>>)
      %sub3A_74 = arith.constant 1023 : i32
      %sub3A_75 = arith.subi %sub3A_74, %add3A_67 : i32
      %dma_start3A_76 = arith.constant 0 : i32
      %dma_start3A_77 = arith.constant 0 : i32
      %dma_start3A_78 = tpu.memref_slice %arg3[%add3A_67, %dma_start3A_76, %dma_start3A_77] : memref<1024x1024x128xf32, #tpu.memory_space<hbm>> -> memref<1x1024x128xf32, #tpu.memory_space<hbm>>
      %dma_start3A_79 = tpu.memref_squeeze %dma_start3A_78 : memref<1x1024x128xf32, #tpu.memory_space<hbm>> -> memref<1024x128xf32, #tpu.memory_space<hbm>>
      %dma_start3A_80 = arith.constant 0 : i32
      %dma_start3A_81 = tpu.memref_slice %arg4[%sub3A_75, %dma_start3A_80] : memref<2047x128xf32, #tpu.memory_space<vmem_shared>> -> memref<1024x128xf32, #tpu.memory_space<vmem_shared>>
      tpu.enqueue_dma source(%dma_start3A_81 : memref<1024x128xf32, #tpu.memory_space<vmem_shared>>) target(%dma_start3A_79 : memref<1024x128xf32, #tpu.memory_space<hbm>>) target_semaphore(%arg8 : memref<!tpu.dma_semaphore, #tpu.memory_space<semaphore_mem>>)
      %add3A_82 = arith.constant 5 : i32
      %add3A_83 = arith.addi %add3A, %add3A_82 : i32
      %dma_wait3A_84 = arith.constant 0 : i32
      %dma_wait3A_85 = arith.constant 0 : i32
      %dma_wait3A_86 = tpu.memref_slice %arg3[%add3A_42, %dma_wait3A_84, %dma_wait3A_85] : memref<1024x1024x128xf32, #tpu.memory_space<hbm>> -> memref<1x1024x128xf32, #tpu.memory_space<hbm>>
      %dma_wait3A_87 = tpu.memref_squeeze %dma_wait3A_86 : memref<1x1024x128xf32, #tpu.memory_space<hbm>> -> memref<1024x128xf32, #tpu.memory_space<hbm>>
      %dma_wait3A_88 = arith.constant 0 : i32
      %dma_wait3A_89 = tpu.memref_slice %arg4[%sub3A_44, %dma_wait3A_88] : memref<2047x128xf32, #tpu.memory_space<vmem_shared>> -> memref<1024x128xf32, #tpu.memory_space<vmem_shared>>
      tpu.wait_dma2 semaphore(%arg8 : memref<!tpu.dma_semaphore, #tpu.memory_space<semaphore_mem>>) src(%dma_wait3A_89 : memref<1024x128xf32, #tpu.memory_space<vmem_shared>>) dst(%dma_wait3A_87 : memref<1024x128xf32, #tpu.memory_space<hbm>>)
      %sub3A_90 = arith.constant 1023 : i32
      %sub3A_91 = arith.subi %sub3A_90, %add3A_83 : i32
      %dma_start3A_92 = arith.constant 0 : i32
      %dma_start3A_93 = arith.constant 0 : i32
      %dma_start3A_94 = tpu.memref_slice %arg3[%add3A_83, %dma_start3A_92, %dma_start3A_93] : memref<1024x1024x128xf32, #tpu.memory_space<hbm>> -> memref<1x1024x128xf32, #tpu.memory_space<hbm>>
      %dma_start3A_95 = tpu.memref_squeeze %dma_start3A_94 : memref<1x1024x128xf32, #tpu.memory_space<hbm>> -> memref<1024x128xf32, #tpu.memory_space<hbm>>
      %dma_start3A_96 = arith.constant 0 : i32
      %dma_start3A_97 = tpu.memref_slice %arg4[%sub3A_91, %dma_start3A_96] : memref<2047x128xf32, #tpu.memory_space<vmem_shared>> -> memref<1024x128xf32, #tpu.memory_space<vmem_shared>>
      tpu.enqueue_dma source(%dma_start3A_97 : memref<1024x128xf32, #tpu.memory_space<vmem_shared>>) target(%dma_start3A_95 : memref<1024x128xf32, #tpu.memory_space<hbm>>) target_semaphore(%arg8 : memref<!tpu.dma_semaphore, #tpu.memory_space<semaphore_mem>>)
      %add3A_98 = arith.constant 6 : i32
      %add3A_99 = arith.addi %add3A, %add3A_98 : i32
      %dma_wait3A_100 = arith.constant 0 : i32
      %dma_wait3A_101 = arith.constant 0 : i32
      %dma_wait3A_102 = tpu.memref_slice %arg3[%add3A_52, %dma_wait3A_100, %dma_wait3A_101] : memref<1024x1024x128xf32, #tpu.memory_space<hbm>> -> memref<1x1024x128xf32, #tpu.memory_space<hbm>>
      %dma_wait3A_103 = tpu.memref_squeeze %dma_wait3A_102 : memref<1x1024x128xf32, #tpu.memory_space<hbm>> -> memref<1024x128xf32, #tpu.memory_space<hbm>>
      %dma_wait3A_104 = arith.constant 0 : i32
      %dma_wait3A_105 = tpu.memref_slice %arg4[%sub3A_59, %dma_wait3A_104] : memref<2047x128xf32, #tpu.memory_space<vmem_shared>> -> memref<1024x128xf32, #tpu.memory_space<vmem_shared>>
      tpu.wait_dma2 semaphore(%arg8 : memref<!tpu.dma_semaphore, #tpu.memory_space<semaphore_mem>>) src(%dma_wait3A_105 : memref<1024x128xf32, #tpu.memory_space<vmem_shared>>) dst(%dma_wait3A_103 : memref<1024x128xf32, #tpu.memory_space<hbm>>)
      %sub3A_106 = arith.constant 1023 : i32
      %sub3A_107 = arith.subi %sub3A_106, %add3A_99 : i32
      %dma_start3A_108 = arith.constant 0 : i32
      %dma_start3A_109 = arith.constant 0 : i32
      %dma_start3A_110 = tpu.memref_slice %arg3[%add3A_99, %dma_start3A_108, %dma_start3A_109] : memref<1024x1024x128xf32, #tpu.memory_space<hbm>> -> memref<1x1024x128xf32, #tpu.memory_space<hbm>>
      %dma_start3A_111 = tpu.memref_squeeze %dma_start3A_110 : memref<1x1024x128xf32, #tpu.memory_space<hbm>> -> memref<1024x128xf32, #tpu.memory_space<hbm>>
      %dma_start3A_112 = arith.constant 0 : i32
      %dma_start3A_113 = tpu.memref_slice %arg4[%sub3A_107, %dma_start3A_112] : memref<2047x128xf32, #tpu.memory_space<vmem_shared>> -> memref<1024x128xf32, #tpu.memory_space<vmem_shared>>
      tpu.enqueue_dma source(%dma_start3A_113 : memref<1024x128xf32, #tpu.memory_space<vmem_shared>>) target(%dma_start3A_111 : memref<1024x128xf32, #tpu.memory_space<hbm>>) target_semaphore(%arg8 : memref<!tpu.dma_semaphore, #tpu.memory_space<semaphore_mem>>)
      %add3A_114 = arith.constant 7 : i32
      %add3A_115 = arith.addi %add3A, %add3A_114 : i32
      %dma_wait3A_116 = arith.constant 0 : i32
      %dma_wait3A_117 = arith.constant 0 : i32
      %dma_wait3A_118 = tpu.memref_slice %arg3[%add3A_67, %dma_wait3A_116, %dma_wait3A_117] : memref<1024x1024x128xf32, #tpu.memory_space<hbm>> -> memref<1x1024x128xf32, #tpu.memory_space<hbm>>
      %dma_wait3A_119 = tpu.memref_squeeze %dma_wait3A_118 : memref<1x1024x128xf32, #tpu.memory_space<hbm>> -> memref<1024x128xf32, #tpu.memory_space<hbm>>
      %dma_wait3A_120 = arith.constant 0 : i32
      %dma_wait3A_121 = tpu.memref_slice %arg4[%sub3A_75, %dma_wait3A_120] : memref<2047x128xf32, #tpu.memory_space<vmem_shared>> -> memref<1024x128xf32, #tpu.memory_space<vmem_shared>>
      tpu.wait_dma2 semaphore(%arg8 : memref<!tpu.dma_semaphore, #tpu.memory_space<semaphore_mem>>) src(%dma_wait3A_121 : memref<1024x128xf32, #tpu.memory_space<vmem_shared>>) dst(%dma_wait3A_119 : memref<1024x128xf32, #tpu.memory_space<hbm>>)
      %sub3A_122 = arith.constant 1023 : i32
      %sub3A_123 = arith.subi %sub3A_122, %add3A_115 : i32
      %dma_start3A_124 = arith.constant 0 : i32
      %dma_start3A_125 = arith.constant 0 : i32
      %dma_start3A_126 = tpu.memref_slice %arg3[%add3A_115, %dma_start3A_124, %dma_start3A_125] : memref<1024x1024x128xf32, #tpu.memory_space<hbm>> -> memref<1x1024x128xf32, #tpu.memory_space<hbm>>
      %dma_start3A_127 = tpu.memref_squeeze %dma_start3A_126 : memref<1x1024x128xf32, #tpu.memory_space<hbm>> -> memref<1024x128xf32, #tpu.memory_space<hbm>>
      %dma_start3A_128 = arith.constant 0 : i32
      %dma_start3A_129 = tpu.memref_slice %arg4[%sub3A_123, %dma_start3A_128] : memref<2047x128xf32, #tpu.memory_space<vmem_shared>> -> memref<1024x128xf32, #tpu.memory_space<vmem_shared>>
      tpu.enqueue_dma source(%dma_start3A_129 : memref<1024x128xf32, #tpu.memory_space<vmem_shared>>) target(%dma_start3A_127 : memref<1024x128xf32, #tpu.memory_space<hbm>>) target_semaphore(%arg8 : memref<!tpu.dma_semaphore, #tpu.memory_space<semaphore_mem>>)
      %add3A_130 = arith.constant 8 : i32
      %add3A_131 = arith.addi %add3A, %add3A_130 : i32
      %dma_wait3A_132 = arith.constant 0 : i32
      %dma_wait3A_133 = arith.constant 0 : i32
      %dma_wait3A_134 = tpu.memref_slice %arg3[%add3A_83, %dma_wait3A_132, %dma_wait3A_133] : memref<1024x1024x128xf32, #tpu.memory_space<hbm>> -> memref<1x1024x128xf32, #tpu.memory_space<hbm>>
      %dma_wait3A_135 = tpu.memref_squeeze %dma_wait3A_134 : memref<1x1024x128xf32, #tpu.memory_space<hbm>> -> memref<1024x128xf32, #tpu.memory_space<hbm>>
      %dma_wait3A_136 = arith.constant 0 : i32
      %dma_wait3A_137 = tpu.memref_slice %arg4[%sub3A_91, %dma_wait3A_136] : memref<2047x128xf32, #tpu.memory_space<vmem_shared>> -> memref<1024x128xf32, #tpu.memory_space<vmem_shared>>
      tpu.wait_dma2 semaphore(%arg8 : memref<!tpu.dma_semaphore, #tpu.memory_space<semaphore_mem>>) src(%dma_wait3A_137 : memref<1024x128xf32, #tpu.memory_space<vmem_shared>>) dst(%dma_wait3A_135 : memref<1024x128xf32, #tpu.memory_space<hbm>>)
      %sub3A_138 = arith.constant 1023 : i32
      %sub3A_139 = arith.subi %sub3A_138, %add3A_131 : i32
      %dma_start3A_140 = arith.constant 0 : i32
      %dma_start3A_141 = arith.constant 0 : i32
      %dma_start3A_142 = tpu.memref_slice %arg3[%add3A_131, %dma_start3A_140, %dma_start3A_141] : memref<1024x1024x128xf32, #tpu.memory_space<hbm>> -> memref<1x1024x128xf32, #tpu.memory_space<hbm>>
      %dma_start3A_143 = tpu.memref_squeeze %dma_start3A_142 : memref<1x1024x128xf32, #tpu.memory_space<hbm>> -> memref<1024x128xf32, #tpu.memory_space<hbm>>
      %dma_start3A_144 = arith.constant 0 : i32
      %dma_start3A_145 = tpu.memref_slice %arg4[%sub3A_139, %dma_start3A_144] : memref<2047x128xf32, #tpu.memory_space<vmem_shared>> -> memref<1024x128xf32, #tpu.memory_space<vmem_shared>>
      tpu.enqueue_dma source(%dma_start3A_145 : memref<1024x128xf32, #tpu.memory_space<vmem_shared>>) target(%dma_start3A_143 : memref<1024x128xf32, #tpu.memory_space<hbm>>) target_semaphore(%arg8 : memref<!tpu.dma_semaphore, #tpu.memory_space<semaphore_mem>>)
      %add3A_146 = arith.constant 9 : i32
      %add3A_147 = arith.addi %add3A, %add3A_146 : i32
      %dma_wait3A_148 = arith.constant 0 : i32
      %dma_wait3A_149 = arith.constant 0 : i32
      %dma_wait3A_150 = tpu.memref_slice %arg3[%add3A_99, %dma_wait3A_148, %dma_wait3A_149] : memref<1024x1024x128xf32, #tpu.memory_space<hbm>> -> memref<1x1024x128xf32, #tpu.memory_space<hbm>>
      %dma_wait3A_151 = tpu.memref_squeeze %dma_wait3A_150 : memref<1x1024x128xf32, #tpu.memory_space<hbm>> -> memref<1024x128xf32, #tpu.memory_space<hbm>>
      %dma_wait3A_152 = arith.constant 0 : i32
      %dma_wait3A_153 = tpu.memref_slice %arg4[%sub3A_107, %dma_wait3A_152] : memref<2047x128xf32, #tpu.memory_space<vmem_shared>> -> memref<1024x128xf32, #tpu.memory_space<vmem_shared>>
      tpu.wait_dma2 semaphore(%arg8 : memref<!tpu.dma_semaphore, #tpu.memory_space<semaphore_mem>>) src(%dma_wait3A_153 : memref<1024x128xf32, #tpu.memory_space<vmem_shared>>) dst(%dma_wait3A_151 : memref<1024x128xf32, #tpu.memory_space<hbm>>)
      %sub3A_154 = arith.constant 1023 : i32
      %sub3A_155 = arith.subi %sub3A_154, %add3A_147 : i32
      %dma_start3A_156 = arith.constant 0 : i32
      %dma_start3A_157 = arith.constant 0 : i32
      %dma_start3A_158 = tpu.memref_slice %arg3[%add3A_147, %dma_start3A_156, %dma_start3A_157] : memref<1024x1024x128xf32, #tpu.memory_space<hbm>> -> memref<1x1024x128xf32, #tpu.memory_space<hbm>>
      %dma_start3A_159 = tpu.memref_squeeze %dma_start3A_158 : memref<1x1024x128xf32, #tpu.memory_space<hbm>> -> memref<1024x128xf32, #tpu.memory_space<hbm>>
      %dma_start3A_160 = arith.constant 0 : i32
      %dma_start3A_161 = tpu.memref_slice %arg4[%sub3A_155, %dma_start3A_160] : memref<2047x128xf32, #tpu.memory_space<vmem_shared>> -> memref<1024x128xf32, #tpu.memory_space<vmem_shared>>
      tpu.enqueue_dma source(%dma_start3A_161 : memref<1024x128xf32, #tpu.memory_space<vmem_shared>>) target(%dma_start3A_159 : memref<1024x128xf32, #tpu.memory_space<hbm>>) target_semaphore(%arg8 : memref<!tpu.dma_semaphore, #tpu.memory_space<semaphore_mem>>)
      %add3A_162 = arith.constant 10 : i32
      %add3A_163 = arith.addi %add3A, %add3A_162 : i32
      %dma_wait3A_164 = arith.constant 0 : i32
      %dma_wait3A_165 = arith.constant 0 : i32
      %dma_wait3A_166 = tpu.memref_slice %arg3[%add3A_115, %dma_wait3A_164, %dma_wait3A_165] : memref<1024x1024x128xf32, #tpu.memory_space<hbm>> -> memref<1x1024x128xf32, #tpu.memory_space<hbm>>
      %dma_wait3A_167 = tpu.memref_squeeze %dma_wait3A_166 : memref<1x1024x128xf32, #tpu.memory_space<hbm>> -> memref<1024x128xf32, #tpu.memory_space<hbm>>
      %dma_wait3A_168 = arith.constant 0 : i32
      %dma_wait3A_169 = tpu.memref_slice %arg4[%sub3A_123, %dma_wait3A_168] : memref<2047x128xf32, #tpu.memory_space<vmem_shared>> -> memref<1024x128xf32, #tpu.memory_space<vmem_shared>>
      tpu.wait_dma2 semaphore(%arg8 : memref<!tpu.dma_semaphore, #tpu.memory_space<semaphore_mem>>) src(%dma_wait3A_169 : memref<1024x128xf32, #tpu.memory_space<vmem_shared>>) dst(%dma_wait3A_167 : memref<1024x128xf32, #tpu.memory_space<hbm>>)
      %sub3A_170 = arith.constant 1023 : i32
      %sub3A_171 = arith.subi %sub3A_170, %add3A_163 : i32
      %dma_start3A_172 = arith.constant 0 : i32
      %dma_start3A_173 = arith.constant 0 : i32
      %dma_start3A_174 = tpu.memref_slice %arg3[%add3A_163, %dma_start3A_172, %dma_start3A_173] : memref<1024x1024x128xf32, #tpu.memory_space<hbm>> -> memref<1x1024x128xf32, #tpu.memory_space<hbm>>
      %dma_start3A_175 = tpu.memref_squeeze %dma_start3A_174 : memref<1x1024x128xf32, #tpu.memory_space<hbm>> -> memref<1024x128xf32, #tpu.memory_space<hbm>>
      %dma_start3A_176 = arith.constant 0 : i32
      %dma_start3A_177 = tpu.memref_slice %arg4[%sub3A_171, %dma_start3A_176] : memref<2047x128xf32, #tpu.memory_space<vmem_shared>> -> memref<1024x128xf32, #tpu.memory_space<vmem_shared>>
      tpu.enqueue_dma source(%dma_start3A_177 : memref<1024x128xf32, #tpu.memory_space<vmem_shared>>) target(%dma_start3A_175 : memref<1024x128xf32, #tpu.memory_space<hbm>>) target_semaphore(%arg8 : memref<!tpu.dma_semaphore, #tpu.memory_space<semaphore_mem>>)
      %add3A_178 = arith.constant 11 : i32
      %add3A_179 = arith.addi %add3A, %add3A_178 : i32
      %dma_wait3A_180 = arith.constant 0 : i32
      %dma_wait3A_181 = arith.constant 0 : i32
      %dma_wait3A_182 = tpu.memref_slice %arg3[%add3A_131, %dma_wait3A_180, %dma_wait3A_181] : memref<1024x1024x128xf32, #tpu.memory_space<hbm>> -> memref<1x1024x128xf32, #tpu.memory_space<hbm>>
      %dma_wait3A_183 = tpu.memref_squeeze %dma_wait3A_182 : memref<1x1024x128xf32, #tpu.memory_space<hbm>> -> memref<1024x128xf32, #tpu.memory_space<hbm>>
      %dma_wait3A_184 = arith.constant 0 : i32
      %dma_wait3A_185 = tpu.memref_slice %arg4[%sub3A_139, %dma_wait3A_184] : memref<2047x128xf32, #tpu.memory_space<vmem_shared>> -> memref<1024x128xf32, #tpu.memory_space<vmem_shared>>
      tpu.wait_dma2 semaphore(%arg8 : memref<!tpu.dma_semaphore, #tpu.memory_space<semaphore_mem>>) src(%dma_wait3A_185 : memref<1024x128xf32, #tpu.memory_space<vmem_shared>>) dst(%dma_wait3A_183 : memref<1024x128xf32, #tpu.memory_space<hbm>>)
      %sub3A_186 = arith.constant 1023 : i32
      %sub3A_187 = arith.subi %sub3A_186, %add3A_179 : i32
      %dma_start3A_188 = arith.constant 0 : i32
      %dma_start3A_189 = arith.constant 0 : i32
      %dma_start3A_190 = tpu.memref_slice %arg3[%add3A_179, %dma_start3A_188, %dma_start3A_189] : memref<1024x1024x128xf32, #tpu.memory_space<hbm>> -> memref<1x1024x128xf32, #tpu.memory_space<hbm>>
      %dma_start3A_191 = tpu.memref_squeeze %dma_start3A_190 : memref<1x1024x128xf32, #tpu.memory_space<hbm>> -> memref<1024x128xf32, #tpu.memory_space<hbm>>
      %dma_start3A_192 = arith.constant 0 : i32
      %dma_start3A_193 = tpu.memref_slice %arg4[%sub3A_187, %dma_start3A_192] : memref<2047x128xf32, #tpu.memory_space<vmem_shared>> -> memref<1024x128xf32, #tpu.memory_space<vmem_shared>>
      tpu.enqueue_dma source(%dma_start3A_193 : memref<1024x128xf32, #tpu.memory_space<vmem_shared>>) target(%dma_start3A_191 : memref<1024x128xf32, #tpu.memory_space<hbm>>) target_semaphore(%arg8 : memref<!tpu.dma_semaphore, #tpu.memory_space<semaphore_mem>>)
      %add3A_194 = arith.constant 12 : i32
      %add3A_195 = arith.addi %add3A, %add3A_194 : i32
      %dma_wait3A_196 = arith.constant 0 : i32
      %dma_wait3A_197 = arith.constant 0 : i32
      %dma_wait3A_198 = tpu.memref_slice %arg3[%add3A_147, %dma_wait3A_196, %dma_wait3A_197] : memref<1024x1024x128xf32, #tpu.memory_space<hbm>> -> memref<1x1024x128xf32, #tpu.memory_space<hbm>>
      %dma_wait3A_199 = tpu.memref_squeeze %dma_wait3A_198 : memref<1x1024x128xf32, #tpu.memory_space<hbm>> -> memref<1024x128xf32, #tpu.memory_space<hbm>>
      %dma_wait3A_200 = arith.constant 0 : i32
      %dma_wait3A_201 = tpu.memref_slice %arg4[%sub3A_155, %dma_wait3A_200] : memref<2047x128xf32, #tpu.memory_space<vmem_shared>> -> memref<1024x128xf32, #tpu.memory_space<vmem_shared>>
      tpu.wait_dma2 semaphore(%arg8 : memref<!tpu.dma_semaphore, #tpu.memory_space<semaphore_mem>>) src(%dma_wait3A_201 : memref<1024x128xf32, #tpu.memory_space<vmem_shared>>) dst(%dma_wait3A_199 : memref<1024x128xf32, #tpu.memory_space<hbm>>)
      %sub3A_202 = arith.constant 1023 : i32
      %sub3A_203 = arith.subi %sub3A_202, %add3A_195 : i32
      %dma_start3A_204 = arith.constant 0 : i32
      %dma_start3A_205 = arith.constant 0 : i32
      %dma_start3A_206 = tpu.memref_slice %arg3[%add3A_195, %dma_start3A_204, %dma_start3A_205] : memref<1024x1024x128xf32, #tpu.memory_space<hbm>> -> memref<1x1024x128xf32, #tpu.memory_space<hbm>>
      %dma_start3A_207 = tpu.memref_squeeze %dma_start3A_206 : memref<1x1024x128xf32, #tpu.memory_space<hbm>> -> memref<1024x128xf32, #tpu.memory_space<hbm>>
      %dma_start3A_208 = arith.constant 0 : i32
      %dma_start3A_209 = tpu.memref_slice %arg4[%sub3A_203, %dma_start3A_208] : memref<2047x128xf32, #tpu.memory_space<vmem_shared>> -> memref<1024x128xf32, #tpu.memory_space<vmem_shared>>
      tpu.enqueue_dma source(%dma_start3A_209 : memref<1024x128xf32, #tpu.memory_space<vmem_shared>>) target(%dma_start3A_207 : memref<1024x128xf32, #tpu.memory_space<hbm>>) target_semaphore(%arg8 : memref<!tpu.dma_semaphore, #tpu.memory_space<semaphore_mem>>)
      %add3A_210 = arith.constant 13 : i32
      %add3A_211 = arith.addi %add3A, %add3A_210 : i32
      %dma_wait3A_212 = arith.constant 0 : i32
      %dma_wait3A_213 = arith.constant 0 : i32
      %dma_wait3A_214 = tpu.memref_slice %arg3[%add3A_163, %dma_wait3A_212, %dma_wait3A_213] : memref<1024x1024x128xf32, #tpu.memory_space<hbm>> -> memref<1x1024x128xf32, #tpu.memory_space<hbm>>
      %dma_wait3A_215 = tpu.memref_squeeze %dma_wait3A_214 : memref<1x1024x128xf32, #tpu.memory_space<hbm>> -> memref<1024x128xf32, #tpu.memory_space<hbm>>
      %dma_wait3A_216 = arith.constant 0 : i32
      %dma_wait3A_217 = tpu.memref_slice %arg4[%sub3A_171, %dma_wait3A_216] : memref<2047x128xf32, #tpu.memory_space<vmem_shared>> -> memref<1024x128xf32, #tpu.memory_space<vmem_shared>>
      tpu.wait_dma2 semaphore(%arg8 : memref<!tpu.dma_semaphore, #tpu.memory_space<semaphore_mem>>) src(%dma_wait3A_217 : memref<1024x128xf32, #tpu.memory_space<vmem_shared>>) dst(%dma_wait3A_215 : memref<1024x128xf32, #tpu.memory_space<hbm>>)
      %sub3A_218 = arith.constant 1023 : i32
      %sub3A_219 = arith.subi %sub3A_218, %add3A_211 : i32
      %dma_start3A_220 = arith.constant 0 : i32
      %dma_start3A_221 = arith.constant 0 : i32
      %dma_start3A_222 = tpu.memref_slice %arg3[%add3A_211, %dma_start3A_220, %dma_start3A_221] : memref<1024x1024x128xf32, #tpu.memory_space<hbm>> -> memref<1x1024x128xf32, #tpu.memory_space<hbm>>
      %dma_start3A_223 = tpu.memref_squeeze %dma_start3A_222 : memref<1x1024x128xf32, #tpu.memory_space<hbm>> -> memref<1024x128xf32, #tpu.memory_space<hbm>>
      %dma_start3A_224 = arith.constant 0 : i32
      %dma_start3A_225 = tpu.memref_slice %arg4[%sub3A_219, %dma_start3A_224] : memref<2047x128xf32, #tpu.memory_space<vmem_shared>> -> memref<1024x128xf32, #tpu.memory_space<vmem_shared>>
      tpu.enqueue_dma source(%dma_start3A_225 : memref<1024x128xf32, #tpu.memory_space<vmem_shared>>) target(%dma_start3A_223 : memref<1024x128xf32, #tpu.memory_space<hbm>>) target_semaphore(%arg8 : memref<!tpu.dma_semaphore, #tpu.memory_space<semaphore_mem>>)
      %add3A_226 = arith.constant 14 : i32
      %add3A_227 = arith.addi %add3A, %add3A_226 : i32
      %dma_wait3A_228 = arith.constant 0 : i32
      %dma_wait3A_229 = arith.constant 0 : i32
      %dma_wait3A_230 = tpu.memref_slice %arg3[%add3A_179, %dma_wait3A_228, %dma_wait3A_229] : memref<1024x1024x128xf32, #tpu.memory_space<hbm>> -> memref<1x1024x128xf32, #tpu.memory_space<hbm>>
      %dma_wait3A_231 = tpu.memref_squeeze %dma_wait3A_230 : memref<1x1024x128xf32, #tpu.memory_space<hbm>> -> memref<1024x128xf32, #tpu.memory_space<hbm>>
      %dma_wait3A_232 = arith.constant 0 : i32
      %dma_wait3A_233 = tpu.memref_slice %arg4[%sub3A_187, %dma_wait3A_232] : memref<2047x128xf32, #tpu.memory_space<vmem_shared>> -> memref<1024x128xf32, #tpu.memory_space<vmem_shared>>
      tpu.wait_dma2 semaphore(%arg8 : memref<!tpu.dma_semaphore, #tpu.memory_space<semaphore_mem>>) src(%dma_wait3A_233 : memref<1024x128xf32, #tpu.memory_space<vmem_shared>>) dst(%dma_wait3A_231 : memref<1024x128xf32, #tpu.memory_space<hbm>>)
      %sub3A_234 = arith.constant 1023 : i32
      %sub3A_235 = arith.subi %sub3A_234, %add3A_227 : i32
      %dma_start3A_236 = arith.constant 0 : i32
      %dma_start3A_237 = arith.constant 0 : i32
      %dma_start3A_238 = tpu.memref_slice %arg3[%add3A_227, %dma_start3A_236, %dma_start3A_237] : memref<1024x1024x128xf32, #tpu.memory_space<hbm>> -> memref<1x1024x128xf32, #tpu.memory_space<hbm>>
      %dma_start3A_239 = tpu.memref_squeeze %dma_start3A_238 : memref<1x1024x128xf32, #tpu.memory_space<hbm>> -> memref<1024x128xf32, #tpu.memory_space<hbm>>
      %dma_start3A_240 = arith.constant 0 : i32
      %dma_start3A_241 = tpu.memref_slice %arg4[%sub3A_235, %dma_start3A_240] : memref<2047x128xf32, #tpu.memory_space<vmem_shared>> -> memref<1024x128xf32, #tpu.memory_space<vmem_shared>>
      tpu.enqueue_dma source(%dma_start3A_241 : memref<1024x128xf32, #tpu.memory_space<vmem_shared>>) target(%dma_start3A_239 : memref<1024x128xf32, #tpu.memory_space<hbm>>) target_semaphore(%arg8 : memref<!tpu.dma_semaphore, #tpu.memory_space<semaphore_mem>>)
      %add3A_242 = arith.constant 15 : i32
      %add3A_243 = arith.addi %add3A, %add3A_242 : i32
      %dma_wait3A_244 = arith.constant 0 : i32
      %dma_wait3A_245 = arith.constant 0 : i32
      %dma_wait3A_246 = tpu.memref_slice %arg3[%add3A_195, %dma_wait3A_244, %dma_wait3A_245] : memref<1024x1024x128xf32, #tpu.memory_space<hbm>> -> memref<1x1024x128xf32, #tpu.memory_space<hbm>>
      %dma_wait3A_247 = tpu.memref_squeeze %dma_wait3A_246 : memref<1x1024x128xf32, #tpu.memory_space<hbm>> -> memref<1024x128xf32, #tpu.memory_space<hbm>>
      %dma_wait3A_248 = arith.constant 0 : i32
      %dma_wait3A_249 = tpu.memref_slice %arg4[%sub3A_203, %dma_wait3A_248] : memref<2047x128xf32, #tpu.memory_space<vmem_shared>> -> memref<1024x128xf32, #tpu.memory_space<vmem_shared>>
      tpu.wait_dma2 semaphore(%arg8 : memref<!tpu.dma_semaphore, #tpu.memory_space<semaphore_mem>>) src(%dma_wait3A_249 : memref<1024x128xf32, #tpu.memory_space<vmem_shared>>) dst(%dma_wait3A_247 : memref<1024x128xf32, #tpu.memory_space<hbm>>)
      %sub3A_250 = arith.constant 1023 : i32
      %sub3A_251 = arith.subi %sub3A_250, %add3A_243 : i32
      %dma_start3A_252 = arith.constant 0 : i32
      %dma_start3A_253 = arith.constant 0 : i32
      %dma_start3A_254 = tpu.memref_slice %arg3[%add3A_243, %dma_start3A_252, %dma_start3A_253] : memref<1024x1024x128xf32, #tpu.memory_space<hbm>> -> memref<1x1024x128xf32, #tpu.memory_space<hbm>>
      %dma_start3A_255 = tpu.memref_squeeze %dma_start3A_254 : memref<1x1024x128xf32, #tpu.memory_space<hbm>> -> memref<1024x128xf32, #tpu.memory_space<hbm>>
      %dma_start3A_256 = arith.constant 0 : i32
      %dma_start3A_257 = tpu.memref_slice %arg4[%sub3A_251, %dma_start3A_256] : memref<2047x128xf32, #tpu.memory_space<vmem_shared>> -> memref<1024x128xf32, #tpu.memory_space<vmem_shared>>
      tpu.enqueue_dma source(%dma_start3A_257 : memref<1024x128xf32, #tpu.memory_space<vmem_shared>>) target(%dma_start3A_255 : memref<1024x128xf32, #tpu.memory_space<hbm>>) target_semaphore(%arg8 : memref<!tpu.dma_semaphore, #tpu.memory_space<semaphore_mem>>)
      %add3A_258 = arith.constant 16 : i32
      %add3A_259 = arith.addi %add3A, %add3A_258 : i32
      %dma_wait3A_260 = arith.constant 0 : i32
      %dma_wait3A_261 = arith.constant 0 : i32
      %dma_wait3A_262 = tpu.memref_slice %arg3[%add3A_211, %dma_wait3A_260, %dma_wait3A_261] : memref<1024x1024x128xf32, #tpu.memory_space<hbm>> -> memref<1x1024x128xf32, #tpu.memory_space<hbm>>
      %dma_wait3A_263 = tpu.memref_squeeze %dma_wait3A_262 : memref<1x1024x128xf32, #tpu.memory_space<hbm>> -> memref<1024x128xf32, #tpu.memory_space<hbm>>
      %dma_wait3A_264 = arith.constant 0 : i32
      %dma_wait3A_265 = tpu.memref_slice %arg4[%sub3A_219, %dma_wait3A_264] : memref<2047x128xf32, #tpu.memory_space<vmem_shared>> -> memref<1024x128xf32, #tpu.memory_space<vmem_shared>>
      tpu.wait_dma2 semaphore(%arg8 : memref<!tpu.dma_semaphore, #tpu.memory_space<semaphore_mem>>) src(%dma_wait3A_265 : memref<1024x128xf32, #tpu.memory_space<vmem_shared>>) dst(%dma_wait3A_263 : memref<1024x128xf32, #tpu.memory_space<hbm>>)
      %sub3A_266 = arith.constant 1023 : i32
      %sub3A_267 = arith.subi %sub3A_266, %add3A_259 : i32
      %dma_start3A_268 = arith.constant 0 : i32
      %dma_start3A_269 = arith.constant 0 : i32
      %dma_start3A_270 = tpu.memref_slice %arg3[%add3A_259, %dma_start3A_268, %dma_start3A_269] : memref<1024x1024x128xf32, #tpu.memory_space<hbm>> -> memref<1x1024x128xf32, #tpu.memory_space<hbm>>
      %dma_start3A_271 = tpu.memref_squeeze %dma_start3A_270 : memref<1x1024x128xf32, #tpu.memory_space<hbm>> -> memref<1024x128xf32, #tpu.memory_space<hbm>>
      %dma_start3A_272 = arith.constant 0 : i32
      %dma_start3A_273 = tpu.memref_slice %arg4[%sub3A_267, %dma_start3A_272] : memref<2047x128xf32, #tpu.memory_space<vmem_shared>> -> memref<1024x128xf32, #tpu.memory_space<vmem_shared>>
      tpu.enqueue_dma source(%dma_start3A_273 : memref<1024x128xf32, #tpu.memory_space<vmem_shared>>) target(%dma_start3A_271 : memref<1024x128xf32, #tpu.memory_space<hbm>>) target_semaphore(%arg8 : memref<!tpu.dma_semaphore, #tpu.memory_space<semaphore_mem>>)
      %add3A_274 = arith.constant 17 : i32
      %add3A_275 = arith.addi %add3A, %add3A_274 : i32
      %dma_wait3A_276 = arith.constant 0 : i32
      %dma_wait3A_277 = arith.constant 0 : i32
      %dma_wait3A_278 = tpu.memref_slice %arg3[%add3A_227, %dma_wait3A_276, %dma_wait3A_277] : memref<1024x1024x128xf32, #tpu.memory_space<hbm>> -> memref<1x1024x128xf32, #tpu.memory_space<hbm>>
      %dma_wait3A_279 = tpu.memref_squeeze %dma_wait3A_278 : memref<1x1024x128xf32, #tpu.memory_space<hbm>> -> memref<1024x128xf32, #tpu.memory_space<hbm>>
      %dma_wait3A_280 = arith.constant 0 : i32
      %dma_wait3A_281 = tpu.memref_slice %arg4[%sub3A_235, %dma_wait3A_280] : memref<2047x128xf32, #tpu.memory_space<vmem_shared>> -> memref<1024x128xf32, #tpu.memory_space<vmem_shared>>
      tpu.wait_dma2 semaphore(%arg8 : memref<!tpu.dma_semaphore, #tpu.memory_space<semaphore_mem>>) src(%dma_wait3A_281 : memref<1024x128xf32, #tpu.memory_space<vmem_shared>>) dst(%dma_wait3A_279 : memref<1024x128xf32, #tpu.memory_space<hbm>>)
      %sub3A_282 = arith.constant 1023 : i32
      %sub3A_283 = arith.subi %sub3A_282, %add3A_275 : i32
      %dma_start3A_284 = arith.constant 0 : i32
      %dma_start3A_285 = arith.constant 0 : i32
      %dma_start3A_286 = tpu.memref_slice %arg3[%add3A_275, %dma_start3A_284, %dma_start3A_285] : memref<1024x1024x128xf32, #tpu.memory_space<hbm>> -> memref<1x1024x128xf32, #tpu.memory_space<hbm>>
      %dma_start3A_287 = tpu.memref_squeeze %dma_start3A_286 : memref<1x1024x128xf32, #tpu.memory_space<hbm>> -> memref<1024x128xf32, #tpu.memory_space<hbm>>
      %dma_start3A_288 = arith.constant 0 : i32
      %dma_start3A_289 = tpu.memref_slice %arg4[%sub3A_283, %dma_start3A_288] : memref<2047x128xf32, #tpu.memory_space<vmem_shared>> -> memref<1024x128xf32, #tpu.memory_space<vmem_shared>>
      tpu.enqueue_dma source(%dma_start3A_289 : memref<1024x128xf32, #tpu.memory_space<vmem_shared>>) target(%dma_start3A_287 : memref<1024x128xf32, #tpu.memory_space<hbm>>) target_semaphore(%arg8 : memref<!tpu.dma_semaphore, #tpu.memory_space<semaphore_mem>>)
      %add3A_290 = arith.constant 18 : i32
      %add3A_291 = arith.addi %add3A, %add3A_290 : i32
      %dma_wait3A_292 = arith.constant 0 : i32
      %dma_wait3A_293 = arith.constant 0 : i32
      %dma_wait3A_294 = tpu.memref_slice %arg3[%add3A_243, %dma_wait3A_292, %dma_wait3A_293] : memref<1024x1024x128xf32, #tpu.memory_space<hbm>> -> memref<1x1024x128xf32, #tpu.memory_space<hbm>>
      %dma_wait3A_295 = tpu.memref_squeeze %dma_wait3A_294 : memref<1x1024x128xf32, #tpu.memory_space<hbm>> -> memref<1024x128xf32, #tpu.memory_space<hbm>>
      %dma_wait3A_296 = arith.constant 0 : i32
      %dma_wait3A_297 = tpu.memref_slice %arg4[%sub3A_251, %dma_wait3A_296] : memref<2047x128xf32, #tpu.memory_space<vmem_shared>> -> memref<1024x128xf32, #tpu.memory_space<vmem_shared>>
      tpu.wait_dma2 semaphore(%arg8 : memref<!tpu.dma_semaphore, #tpu.memory_space<semaphore_mem>>) src(%dma_wait3A_297 : memref<1024x128xf32, #tpu.memory_space<vmem_shared>>) dst(%dma_wait3A_295 : memref<1024x128xf32, #tpu.memory_space<hbm>>)
      %sub3A_298 = arith.constant 1023 : i32
      %sub3A_299 = arith.subi %sub3A_298, %add3A_291 : i32
      %dma_start3A_300 = arith.constant 0 : i32
      %dma_start3A_301 = arith.constant 0 : i32
      %dma_start3A_302 = tpu.memref_slice %arg3[%add3A_291, %dma_start3A_300, %dma_start3A_301] : memref<1024x1024x128xf32, #tpu.memory_space<hbm>> -> memref<1x1024x128xf32, #tpu.memory_space<hbm>>
      %dma_start3A_303 = tpu.memref_squeeze %dma_start3A_302 : memref<1x1024x128xf32, #tpu.memory_space<hbm>> -> memref<1024x128xf32, #tpu.memory_space<hbm>>
      %dma_start3A_304 = arith.constant 0 : i32
      %dma_start3A_305 = tpu.memref_slice %arg4[%sub3A_299, %dma_start3A_304] : memref<2047x128xf32, #tpu.memory_space<vmem_shared>> -> memref<1024x128xf32, #tpu.memory_space<vmem_shared>>
      tpu.enqueue_dma source(%dma_start3A_305 : memref<1024x128xf32, #tpu.memory_space<vmem_shared>>) target(%dma_start3A_303 : memref<1024x128xf32, #tpu.memory_space<hbm>>) target_semaphore(%arg8 : memref<!tpu.dma_semaphore, #tpu.memory_space<semaphore_mem>>)
      %add3A_306 = arith.constant 19 : i32
      %add3A_307 = arith.addi %add3A, %add3A_306 : i32
      %dma_wait3A_308 = arith.constant 0 : i32
      %dma_wait3A_309 = arith.constant 0 : i32
      %dma_wait3A_310 = tpu.memref_slice %arg3[%add3A_259, %dma_wait3A_308, %dma_wait3A_309] : memref<1024x1024x128xf32, #tpu.memory_space<hbm>> -> memref<1x1024x128xf32, #tpu.memory_space<hbm>>
      %dma_wait3A_311 = tpu.memref_squeeze %dma_wait3A_310 : memref<1x1024x128xf32, #tpu.memory_space<hbm>> -> memref<1024x128xf32, #tpu.memory_space<hbm>>
      %dma_wait3A_312 = arith.constant 0 : i32
      %dma_wait3A_313 = tpu.memref_slice %arg4[%sub3A_267, %dma_wait3A_312] : memref<2047x128xf32, #tpu.memory_space<vmem_shared>> -> memref<1024x128xf32, #tpu.memory_space<vmem_shared>>
      tpu.wait_dma2 semaphore(%arg8 : memref<!tpu.dma_semaphore, #tpu.memory_space<semaphore_mem>>) src(%dma_wait3A_313 : memref<1024x128xf32, #tpu.memory_space<vmem_shared>>) dst(%dma_wait3A_311 : memref<1024x128xf32, #tpu.memory_space<hbm>>)
      %sub3A_314 = arith.constant 1023 : i32
      %sub3A_315 = arith.subi %sub3A_314, %add3A_307 : i32
      %dma_start3A_316 = arith.constant 0 : i32
      %dma_start3A_317 = arith.constant 0 : i32
      %dma_start3A_318 = tpu.memref_slice %arg3[%add3A_307, %dma_start3A_316, %dma_start3A_317] : memref<1024x1024x128xf32, #tpu.memory_space<hbm>> -> memref<1x1024x128xf32, #tpu.memory_space<hbm>>
      %dma_start3A_319 = tpu.memref_squeeze %dma_start3A_318 : memref<1x1024x128xf32, #tpu.memory_space<hbm>> -> memref<1024x128xf32, #tpu.memory_space<hbm>>
      %dma_start3A_320 = arith.constant 0 : i32
      %dma_start3A_321 = tpu.memref_slice %arg4[%sub3A_315, %dma_start3A_320] : memref<2047x128xf32, #tpu.memory_space<vmem_shared>> -> memref<1024x128xf32, #tpu.memory_space<vmem_shared>>
      tpu.enqueue_dma source(%dma_start3A_321 : memref<1024x128xf32, #tpu.memory_space<vmem_shared>>) target(%dma_start3A_319 : memref<1024x128xf32, #tpu.memory_space<hbm>>) target_semaphore(%arg8 : memref<!tpu.dma_semaphore, #tpu.memory_space<semaphore_mem>>)
      %add3A_322 = arith.constant 20 : i32
      %add3A_323 = arith.addi %add3A, %add3A_322 : i32
      %dma_wait3A_324 = arith.constant 0 : i32
      %dma_wait3A_325 = arith.constant 0 : i32
      %dma_wait3A_326 = tpu.memref_slice %arg3[%add3A_275, %dma_wait3A_324, %dma_wait3A_325] : memref<1024x1024x128xf32, #tpu.memory_space<hbm>> -> memref<1x1024x128xf32, #tpu.memory_space<hbm>>
      %dma_wait3A_327 = tpu.memref_squeeze %dma_wait3A_326 : memref<1x1024x128xf32, #tpu.memory_space<hbm>> -> memref<1024x128xf32, #tpu.memory_space<hbm>>
      %dma_wait3A_328 = arith.constant 0 : i32
      %dma_wait3A_329 = tpu.memref_slice %arg4[%sub3A_283, %dma_wait3A_328] : memref<2047x128xf32, #tpu.memory_space<vmem_shared>> -> memref<1024x128xf32, #tpu.memory_space<vmem_shared>>
      tpu.wait_dma2 semaphore(%arg8 : memref<!tpu.dma_semaphore, #tpu.memory_space<semaphore_mem>>) src(%dma_wait3A_329 : memref<1024x128xf32, #tpu.memory_space<vmem_shared>>) dst(%dma_wait3A_327 : memref<1024x128xf32, #tpu.memory_space<hbm>>)
      %sub3A_330 = arith.constant 1023 : i32
      %sub3A_331 = arith.subi %sub3A_330, %add3A_323 : i32
      %dma_start3A_332 = arith.constant 0 : i32
      %dma_start3A_333 = arith.constant 0 : i32
      %dma_start3A_334 = tpu.memref_slice %arg3[%add3A_323, %dma_start3A_332, %dma_start3A_333] : memref<1024x1024x128xf32, #tpu.memory_space<hbm>> -> memref<1x1024x128xf32, #tpu.memory_space<hbm>>
      %dma_start3A_335 = tpu.memref_squeeze %dma_start3A_334 : memref<1x1024x128xf32, #tpu.memory_space<hbm>> -> memref<1024x128xf32, #tpu.memory_space<hbm>>
      %dma_start3A_336 = arith.constant 0 : i32
      %dma_start3A_337 = tpu.memref_slice %arg4[%sub3A_331, %dma_start3A_336] : memref<2047x128xf32, #tpu.memory_space<vmem_shared>> -> memref<1024x128xf32, #tpu.memory_space<vmem_shared>>
      tpu.enqueue_dma source(%dma_start3A_337 : memref<1024x128xf32, #tpu.memory_space<vmem_shared>>) target(%dma_start3A_335 : memref<1024x128xf32, #tpu.memory_space<hbm>>) target_semaphore(%arg8 : memref<!tpu.dma_semaphore, #tpu.memory_space<semaphore_mem>>)
      %add3A_338 = arith.constant 21 : i32
      %add3A_339 = arith.addi %add3A, %add3A_338 : i32
      %dma_wait3A_340 = arith.constant 0 : i32
      %dma_wait3A_341 = arith.constant 0 : i32
      %dma_wait3A_342 = tpu.memref_slice %arg3[%add3A_291, %dma_wait3A_340, %dma_wait3A_341] : memref<1024x1024x128xf32, #tpu.memory_space<hbm>> -> memref<1x1024x128xf32, #tpu.memory_space<hbm>>
      %dma_wait3A_343 = tpu.memref_squeeze %dma_wait3A_342 : memref<1x1024x128xf32, #tpu.memory_space<hbm>> -> memref<1024x128xf32, #tpu.memory_space<hbm>>
      %dma_wait3A_344 = arith.constant 0 : i32
      %dma_wait3A_345 = tpu.memref_slice %arg4[%sub3A_299, %dma_wait3A_344] : memref<2047x128xf32, #tpu.memory_space<vmem_shared>> -> memref<1024x128xf32, #tpu.memory_space<vmem_shared>>
      tpu.wait_dma2 semaphore(%arg8 : memref<!tpu.dma_semaphore, #tpu.memory_space<semaphore_mem>>) src(%dma_wait3A_345 : memref<1024x128xf32, #tpu.memory_space<vmem_shared>>) dst(%dma_wait3A_343 : memref<1024x128xf32, #tpu.memory_space<hbm>>)
      %sub3A_346 = arith.constant 1023 : i32
      %sub3A_347 = arith.subi %sub3A_346, %add3A_339 : i32
      %dma_start3A_348 = arith.constant 0 : i32
      %dma_start3A_349 = arith.constant 0 : i32
      %dma_start3A_350 = tpu.memref_slice %arg3[%add3A_339, %dma_start3A_348, %dma_start3A_349] : memref<1024x1024x128xf32, #tpu.memory_space<hbm>> -> memref<1x1024x128xf32, #tpu.memory_space<hbm>>
      %dma_start3A_351 = tpu.memref_squeeze %dma_start3A_350 : memref<1x1024x128xf32, #tpu.memory_space<hbm>> -> memref<1024x128xf32, #tpu.memory_space<hbm>>
      %dma_start3A_352 = arith.constant 0 : i32
      %dma_start3A_353 = tpu.memref_slice %arg4[%sub3A_347, %dma_start3A_352] : memref<2047x128xf32, #tpu.memory_space<vmem_shared>> -> memref<1024x128xf32, #tpu.memory_space<vmem_shared>>
      tpu.enqueue_dma source(%dma_start3A_353 : memref<1024x128xf32, #tpu.memory_space<vmem_shared>>) target(%dma_start3A_351 : memref<1024x128xf32, #tpu.memory_space<hbm>>) target_semaphore(%arg8 : memref<!tpu.dma_semaphore, #tpu.memory_space<semaphore_mem>>)
      %add3A_354 = arith.constant 22 : i32
      %add3A_355 = arith.addi %add3A, %add3A_354 : i32
      %dma_wait3A_356 = arith.constant 0 : i32
      %dma_wait3A_357 = arith.constant 0 : i32
      %dma_wait3A_358 = tpu.memref_slice %arg3[%add3A_307, %dma_wait3A_356, %dma_wait3A_357] : memref<1024x1024x128xf32, #tpu.memory_space<hbm>> -> memref<1x1024x128xf32, #tpu.memory_space<hbm>>
      %dma_wait3A_359 = tpu.memref_squeeze %dma_wait3A_358 : memref<1x1024x128xf32, #tpu.memory_space<hbm>> -> memref<1024x128xf32, #tpu.memory_space<hbm>>
      %dma_wait3A_360 = arith.constant 0 : i32
      %dma_wait3A_361 = tpu.memref_slice %arg4[%sub3A_315, %dma_wait3A_360] : memref<2047x128xf32, #tpu.memory_space<vmem_shared>> -> memref<1024x128xf32, #tpu.memory_space<vmem_shared>>
      tpu.wait_dma2 semaphore(%arg8 : memref<!tpu.dma_semaphore, #tpu.memory_space<semaphore_mem>>) src(%dma_wait3A_361 : memref<1024x128xf32, #tpu.memory_space<vmem_shared>>) dst(%dma_wait3A_359 : memref<1024x128xf32, #tpu.memory_space<hbm>>)
      %sub3A_362 = arith.constant 1023 : i32
      %sub3A_363 = arith.subi %sub3A_362, %add3A_355 : i32
      %dma_start3A_364 = arith.constant 0 : i32
      %dma_start3A_365 = arith.constant 0 : i32
      %dma_start3A_366 = tpu.memref_slice %arg3[%add3A_355, %dma_start3A_364, %dma_start3A_365] : memref<1024x1024x128xf32, #tpu.memory_space<hbm>> -> memref<1x1024x128xf32, #tpu.memory_space<hbm>>
      %dma_start3A_367 = tpu.memref_squeeze %dma_start3A_366 : memref<1x1024x128xf32, #tpu.memory_space<hbm>> -> memref<1024x128xf32, #tpu.memory_space<hbm>>
      %dma_start3A_368 = arith.constant 0 : i32
      %dma_start3A_369 = tpu.memref_slice %arg4[%sub3A_363, %dma_start3A_368] : memref<2047x128xf32, #tpu.memory_space<vmem_shared>> -> memref<1024x128xf32, #tpu.memory_space<vmem_shared>>
      tpu.enqueue_dma source(%dma_start3A_369 : memref<1024x128xf32, #tpu.memory_space<vmem_shared>>) target(%dma_start3A_367 : memref<1024x128xf32, #tpu.memory_space<hbm>>) target_semaphore(%arg8 : memref<!tpu.dma_semaphore, #tpu.memory_space<semaphore_mem>>)
      %add3A_370 = arith.constant 23 : i32
      %add3A_371 = arith.addi %add3A, %add3A_370 : i32
      %dma_wait3A_372 = arith.constant 0 : i32
      %dma_wait3A_373 = arith.constant 0 : i32
      %dma_wait3A_374 = tpu.memref_slice %arg3[%add3A_323, %dma_wait3A_372, %dma_wait3A_373] : memref<1024x1024x128xf32, #tpu.memory_space<hbm>> -> memref<1x1024x128xf32, #tpu.memory_space<hbm>>
      %dma_wait3A_375 = tpu.memref_squeeze %dma_wait3A_374 : memref<1x1024x128xf32, #tpu.memory_space<hbm>> -> memref<1024x128xf32, #tpu.memory_space<hbm>>
      %dma_wait3A_376 = arith.constant 0 : i32
      %dma_wait3A_377 = tpu.memref_slice %arg4[%sub3A_331, %dma_wait3A_376] : memref<2047x128xf32, #tpu.memory_space<vmem_shared>> -> memref<1024x128xf32, #tpu.memory_space<vmem_shared>>
      tpu.wait_dma2 semaphore(%arg8 : memref<!tpu.dma_semaphore, #tpu.memory_space<semaphore_mem>>) src(%dma_wait3A_377 : memref<1024x128xf32, #tpu.memory_space<vmem_shared>>) dst(%dma_wait3A_375 : memref<1024x128xf32, #tpu.memory_space<hbm>>)
      %sub3A_378 = arith.constant 1023 : i32
      %sub3A_379 = arith.subi %sub3A_378, %add3A_371 : i32
      %dma_start3A_380 = arith.constant 0 : i32
      %dma_start3A_381 = arith.constant 0 : i32
      %dma_start3A_382 = tpu.memref_slice %arg3[%add3A_371, %dma_start3A_380, %dma_start3A_381] : memref<1024x1024x128xf32, #tpu.memory_space<hbm>> -> memref<1x1024x128xf32, #tpu.memory_space<hbm>>
      %dma_start3A_383 = tpu.memref_squeeze %dma_start3A_382 : memref<1x1024x128xf32, #tpu.memory_space<hbm>> -> memref<1024x128xf32, #tpu.memory_space<hbm>>
      %dma_start3A_384 = arith.constant 0 : i32
      %dma_start3A_385 = tpu.memref_slice %arg4[%sub3A_379, %dma_start3A_384] : memref<2047x128xf32, #tpu.memory_space<vmem_shared>> -> memref<1024x128xf32, #tpu.memory_space<vmem_shared>>
      tpu.enqueue_dma source(%dma_start3A_385 : memref<1024x128xf32, #tpu.memory_space<vmem_shared>>) target(%dma_start3A_383 : memref<1024x128xf32, #tpu.memory_space<hbm>>) target_semaphore(%arg8 : memref<!tpu.dma_semaphore, #tpu.memory_space<semaphore_mem>>)
      %add3A_386 = arith.constant 24 : i32
      %add3A_387 = arith.addi %add3A, %add3A_386 : i32
      %dma_wait3A_388 = arith.constant 0 : i32
      %dma_wait3A_389 = arith.constant 0 : i32
      %dma_wait3A_390 = tpu.memref_slice %arg3[%add3A_339, %dma_wait3A_388, %dma_wait3A_389] : memref<1024x1024x128xf32, #tpu.memory_space<hbm>> -> memref<1x1024x128xf32, #tpu.memory_space<hbm>>
      %dma_wait3A_391 = tpu.memref_squeeze %dma_wait3A_390 : memref<1x1024x128xf32, #tpu.memory_space<hbm>> -> memref<1024x128xf32, #tpu.memory_space<hbm>>
      %dma_wait3A_392 = arith.constant 0 : i32
      %dma_wait3A_393 = tpu.memref_slice %arg4[%sub3A_347, %dma_wait3A_392] : memref<2047x128xf32, #tpu.memory_space<vmem_shared>> -> memref<1024x128xf32, #tpu.memory_space<vmem_shared>>
      tpu.wait_dma2 semaphore(%arg8 : memref<!tpu.dma_semaphore, #tpu.memory_space<semaphore_mem>>) src(%dma_wait3A_393 : memref<1024x128xf32, #tpu.memory_space<vmem_shared>>) dst(%dma_wait3A_391 : memref<1024x128xf32, #tpu.memory_space<hbm>>)
      %sub3A_394 = arith.constant 1023 : i32
      %sub3A_395 = arith.subi %sub3A_394, %add3A_387 : i32
      %dma_start3A_396 = arith.constant 0 : i32
      %dma_start3A_397 = arith.constant 0 : i32
      %dma_start3A_398 = tpu.memref_slice %arg3[%add3A_387, %dma_start3A_396, %dma_start3A_397] : memref<1024x1024x128xf32, #tpu.memory_space<hbm>> -> memref<1x1024x128xf32, #tpu.memory_space<hbm>>
      %dma_start3A_399 = tpu.memref_squeeze %dma_start3A_398 : memref<1x1024x128xf32, #tpu.memory_space<hbm>> -> memref<1024x128xf32, #tpu.memory_space<hbm>>
      %dma_start3A_400 = arith.constant 0 : i32
      %dma_start3A_401 = tpu.memref_slice %arg4[%sub3A_395, %dma_start3A_400] : memref<2047x128xf32, #tpu.memory_space<vmem_shared>> -> memref<1024x128xf32, #tpu.memory_space<vmem_shared>>
      tpu.enqueue_dma source(%dma_start3A_401 : memref<1024x128xf32, #tpu.memory_space<vmem_shared>>) target(%dma_start3A_399 : memref<1024x128xf32, #tpu.memory_space<hbm>>) target_semaphore(%arg8 : memref<!tpu.dma_semaphore, #tpu.memory_space<semaphore_mem>>)
      %add3A_402 = arith.constant 25 : i32
      %add3A_403 = arith.addi %add3A, %add3A_402 : i32
      %dma_wait3A_404 = arith.constant 0 : i32
      %dma_wait3A_405 = arith.constant 0 : i32
      %dma_wait3A_406 = tpu.memref_slice %arg3[%add3A_355, %dma_wait3A_404, %dma_wait3A_405] : memref<1024x1024x128xf32, #tpu.memory_space<hbm>> -> memref<1x1024x128xf32, #tpu.memory_space<hbm>>
      %dma_wait3A_407 = tpu.memref_squeeze %dma_wait3A_406 : memref<1x1024x128xf32, #tpu.memory_space<hbm>> -> memref<1024x128xf32, #tpu.memory_space<hbm>>
      %dma_wait3A_408 = arith.constant 0 : i32
      %dma_wait3A_409 = tpu.memref_slice %arg4[%sub3A_363, %dma_wait3A_408] : memref<2047x128xf32, #tpu.memory_space<vmem_shared>> -> memref<1024x128xf32, #tpu.memory_space<vmem_shared>>
      tpu.wait_dma2 semaphore(%arg8 : memref<!tpu.dma_semaphore, #tpu.memory_space<semaphore_mem>>) src(%dma_wait3A_409 : memref<1024x128xf32, #tpu.memory_space<vmem_shared>>) dst(%dma_wait3A_407 : memref<1024x128xf32, #tpu.memory_space<hbm>>)
      %sub3A_410 = arith.constant 1023 : i32
      %sub3A_411 = arith.subi %sub3A_410, %add3A_403 : i32
      %dma_start3A_412 = arith.constant 0 : i32
      %dma_start3A_413 = arith.constant 0 : i32
      %dma_start3A_414 = tpu.memref_slice %arg3[%add3A_403, %dma_start3A_412, %dma_start3A_413] : memref<1024x1024x128xf32, #tpu.memory_space<hbm>> -> memref<1x1024x128xf32, #tpu.memory_space<hbm>>
      %dma_start3A_415 = tpu.memref_squeeze %dma_start3A_414 : memref<1x1024x128xf32, #tpu.memory_space<hbm>> -> memref<1024x128xf32, #tpu.memory_space<hbm>>
      %dma_start3A_416 = arith.constant 0 : i32
      %dma_start3A_417 = tpu.memref_slice %arg4[%sub3A_411, %dma_start3A_416] : memref<2047x128xf32, #tpu.memory_space<vmem_shared>> -> memref<1024x128xf32, #tpu.memory_space<vmem_shared>>
      tpu.enqueue_dma source(%dma_start3A_417 : memref<1024x128xf32, #tpu.memory_space<vmem_shared>>) target(%dma_start3A_415 : memref<1024x128xf32, #tpu.memory_space<hbm>>) target_semaphore(%arg8 : memref<!tpu.dma_semaphore, #tpu.memory_space<semaphore_mem>>)
      %add3A_418 = arith.constant 26 : i32
      %add3A_419 = arith.addi %add3A, %add3A_418 : i32
      %dma_wait3A_420 = arith.constant 0 : i32
      %dma_wait3A_421 = arith.constant 0 : i32
      %dma_wait3A_422 = tpu.memref_slice %arg3[%add3A_371, %dma_wait3A_420, %dma_wait3A_421] : memref<1024x1024x128xf32, #tpu.memory_space<hbm>> -> memref<1x1024x128xf32, #tpu.memory_space<hbm>>
      %dma_wait3A_423 = tpu.memref_squeeze %dma_wait3A_422 : memref<1x1024x128xf32, #tpu.memory_space<hbm>> -> memref<1024x128xf32, #tpu.memory_space<hbm>>
      %dma_wait3A_424 = arith.constant 0 : i32
      %dma_wait3A_425 = tpu.memref_slice %arg4[%sub3A_379, %dma_wait3A_424] : memref<2047x128xf32, #tpu.memory_space<vmem_shared>> -> memref<1024x128xf32, #tpu.memory_space<vmem_shared>>
      tpu.wait_dma2 semaphore(%arg8 : memref<!tpu.dma_semaphore, #tpu.memory_space<semaphore_mem>>) src(%dma_wait3A_425 : memref<1024x128xf32, #tpu.memory_space<vmem_shared>>) dst(%dma_wait3A_423 : memref<1024x128xf32, #tpu.memory_space<hbm>>)
      %sub3A_426 = arith.constant 1023 : i32
      %sub3A_427 = arith.subi %sub3A_426, %add3A_419 : i32
      %dma_start3A_428 = arith.constant 0 : i32
      %dma_start3A_429 = arith.constant 0 : i32
      %dma_start3A_430 = tpu.memref_slice %arg3[%add3A_419, %dma_start3A_428, %dma_start3A_429] : memref<1024x1024x128xf32, #tpu.memory_space<hbm>> -> memref<1x1024x128xf32, #tpu.memory_space<hbm>>
      %dma_start3A_431 = tpu.memref_squeeze %dma_start3A_430 : memref<1x1024x128xf32, #tpu.memory_space<hbm>> -> memref<1024x128xf32, #tpu.memory_space<hbm>>
      %dma_start3A_432 = arith.constant 0 : i32
      %dma_start3A_433 = tpu.memref_slice %arg4[%sub3A_427, %dma_start3A_432] : memref<2047x128xf32, #tpu.memory_space<vmem_shared>> -> memref<1024x128xf32, #tpu.memory_space<vmem_shared>>
      tpu.enqueue_dma source(%dma_start3A_433 : memref<1024x128xf32, #tpu.memory_space<vmem_shared>>) target(%dma_start3A_431 : memref<1024x128xf32, #tpu.memory_space<hbm>>) target_semaphore(%arg8 : memref<!tpu.dma_semaphore, #tpu.memory_space<semaphore_mem>>)
      %add3A_434 = arith.constant 27 : i32
      %add3A_435 = arith.addi %add3A, %add3A_434 : i32
      %dma_wait3A_436 = arith.constant 0 : i32
      %dma_wait3A_437 = arith.constant 0 : i32
      %dma_wait3A_438 = tpu.memref_slice %arg3[%add3A_387, %dma_wait3A_436, %dma_wait3A_437] : memref<1024x1024x128xf32, #tpu.memory_space<hbm>> -> memref<1x1024x128xf32, #tpu.memory_space<hbm>>
      %dma_wait3A_439 = tpu.memref_squeeze %dma_wait3A_438 : memref<1x1024x128xf32, #tpu.memory_space<hbm>> -> memref<1024x128xf32, #tpu.memory_space<hbm>>
      %dma_wait3A_440 = arith.constant 0 : i32
      %dma_wait3A_441 = tpu.memref_slice %arg4[%sub3A_395, %dma_wait3A_440] : memref<2047x128xf32, #tpu.memory_space<vmem_shared>> -> memref<1024x128xf32, #tpu.memory_space<vmem_shared>>
      tpu.wait_dma2 semaphore(%arg8 : memref<!tpu.dma_semaphore, #tpu.memory_space<semaphore_mem>>) src(%dma_wait3A_441 : memref<1024x128xf32, #tpu.memory_space<vmem_shared>>) dst(%dma_wait3A_439 : memref<1024x128xf32, #tpu.memory_space<hbm>>)
      %sub3A_442 = arith.constant 1023 : i32
      %sub3A_443 = arith.subi %sub3A_442, %add3A_435 : i32
      %dma_start3A_444 = arith.constant 0 : i32
      %dma_start3A_445 = arith.constant 0 : i32
      %dma_start3A_446 = tpu.memref_slice %arg3[%add3A_435, %dma_start3A_444, %dma_start3A_445] : memref<1024x1024x128xf32, #tpu.memory_space<hbm>> -> memref<1x1024x128xf32, #tpu.memory_space<hbm>>
      %dma_start3A_447 = tpu.memref_squeeze %dma_start3A_446 : memref<1x1024x128xf32, #tpu.memory_space<hbm>> -> memref<1024x128xf32, #tpu.memory_space<hbm>>
      %dma_start3A_448 = arith.constant 0 : i32
      %dma_start3A_449 = tpu.memref_slice %arg4[%sub3A_443, %dma_start3A_448] : memref<2047x128xf32, #tpu.memory_space<vmem_shared>> -> memref<1024x128xf32, #tpu.memory_space<vmem_shared>>
      tpu.enqueue_dma source(%dma_start3A_449 : memref<1024x128xf32, #tpu.memory_space<vmem_shared>>) target(%dma_start3A_447 : memref<1024x128xf32, #tpu.memory_space<hbm>>) target_semaphore(%arg8 : memref<!tpu.dma_semaphore, #tpu.memory_space<semaphore_mem>>)
      %add3A_450 = arith.constant 28 : i32
      %add3A_451 = arith.addi %add3A, %add3A_450 : i32
      %dma_wait3A_452 = arith.constant 0 : i32
      %dma_wait3A_453 = arith.constant 0 : i32
      %dma_wait3A_454 = tpu.memref_slice %arg3[%add3A_403, %dma_wait3A_452, %dma_wait3A_453] : memref<1024x1024x128xf32, #tpu.memory_space<hbm>> -> memref<1x1024x128xf32, #tpu.memory_space<hbm>>
      %dma_wait3A_455 = tpu.memref_squeeze %dma_wait3A_454 : memref<1x1024x128xf32, #tpu.memory_space<hbm>> -> memref<1024x128xf32, #tpu.memory_space<hbm>>
      %dma_wait3A_456 = arith.constant 0 : i32
      %dma_wait3A_457 = tpu.memref_slice %arg4[%sub3A_411, %dma_wait3A_456] : memref<2047x128xf32, #tpu.memory_space<vmem_shared>> -> memref<1024x128xf32, #tpu.memory_space<vmem_shared>>
      tpu.wait_dma2 semaphore(%arg8 : memref<!tpu.dma_semaphore, #tpu.memory_space<semaphore_mem>>) src(%dma_wait3A_457 : memref<1024x128xf32, #tpu.memory_space<vmem_shared>>) dst(%dma_wait3A_455 : memref<1024x128xf32, #tpu.memory_space<hbm>>)
      %sub3A_458 = arith.constant 1023 : i32
      %sub3A_459 = arith.subi %sub3A_458, %add3A_451 : i32
      %dma_start3A_460 = arith.constant 0 : i32
      %dma_start3A_461 = arith.constant 0 : i32
      %dma_start3A_462 = tpu.memref_slice %arg3[%add3A_451, %dma_start3A_460, %dma_start3A_461] : memref<1024x1024x128xf32, #tpu.memory_space<hbm>> -> memref<1x1024x128xf32, #tpu.memory_space<hbm>>
      %dma_start3A_463 = tpu.memref_squeeze %dma_start3A_462 : memref<1x1024x128xf32, #tpu.memory_space<hbm>> -> memref<1024x128xf32, #tpu.memory_space<hbm>>
      %dma_start3A_464 = arith.constant 0 : i32
      %dma_start3A_465 = tpu.memref_slice %arg4[%sub3A_459, %dma_start3A_464] : memref<2047x128xf32, #tpu.memory_space<vmem_shared>> -> memref<1024x128xf32, #tpu.memory_space<vmem_shared>>
      tpu.enqueue_dma source(%dma_start3A_465 : memref<1024x128xf32, #tpu.memory_space<vmem_shared>>) target(%dma_start3A_463 : memref<1024x128xf32, #tpu.memory_space<hbm>>) target_semaphore(%arg8 : memref<!tpu.dma_semaphore, #tpu.memory_space<semaphore_mem>>)
      %add3A_466 = arith.constant 29 : i32
      %add3A_467 = arith.addi %add3A, %add3A_466 : i32
      %dma_wait3A_468 = arith.constant 0 : i32
      %dma_wait3A_469 = arith.constant 0 : i32
      %dma_wait3A_470 = tpu.memref_slice %arg3[%add3A_419, %dma_wait3A_468, %dma_wait3A_469] : memref<1024x1024x128xf32, #tpu.memory_space<hbm>> -> memref<1x1024x128xf32, #tpu.memory_space<hbm>>
      %dma_wait3A_471 = tpu.memref_squeeze %dma_wait3A_470 : memref<1x1024x128xf32, #tpu.memory_space<hbm>> -> memref<1024x128xf32, #tpu.memory_space<hbm>>
      %dma_wait3A_472 = arith.constant 0 : i32
      %dma_wait3A_473 = tpu.memref_slice %arg4[%sub3A_427, %dma_wait3A_472] : memref<2047x128xf32, #tpu.memory_space<vmem_shared>> -> memref<1024x128xf32, #tpu.memory_space<vmem_shared>>
      tpu.wait_dma2 semaphore(%arg8 : memref<!tpu.dma_semaphore, #tpu.memory_space<semaphore_mem>>) src(%dma_wait3A_473 : memref<1024x128xf32, #tpu.memory_space<vmem_shared>>) dst(%dma_wait3A_471 : memref<1024x128xf32, #tpu.memory_space<hbm>>)
      %sub3A_474 = arith.constant 1023 : i32
      %sub3A_475 = arith.subi %sub3A_474, %add3A_467 : i32
      %dma_start3A_476 = arith.constant 0 : i32
      %dma_start3A_477 = arith.constant 0 : i32
      %dma_start3A_478 = tpu.memref_slice %arg3[%add3A_467, %dma_start3A_476, %dma_start3A_477] : memref<1024x1024x128xf32, #tpu.memory_space<hbm>> -> memref<1x1024x128xf32, #tpu.memory_space<hbm>>
      %dma_start3A_479 = tpu.memref_squeeze %dma_start3A_478 : memref<1x1024x128xf32, #tpu.memory_space<hbm>> -> memref<1024x128xf32, #tpu.memory_space<hbm>>
      %dma_start3A_480 = arith.constant 0 : i32
      %dma_start3A_481 = tpu.memref_slice %arg4[%sub3A_475, %dma_start3A_480] : memref<2047x128xf32, #tpu.memory_space<vmem_shared>> -> memref<1024x128xf32, #tpu.memory_space<vmem_shared>>
      tpu.enqueue_dma source(%dma_start3A_481 : memref<1024x128xf32, #tpu.memory_space<vmem_shared>>) target(%dma_start3A_479 : memref<1024x128xf32, #tpu.memory_space<hbm>>) target_semaphore(%arg8 : memref<!tpu.dma_semaphore, #tpu.memory_space<semaphore_mem>>)
      %add3A_482 = arith.constant 30 : i32
      %add3A_483 = arith.addi %add3A, %add3A_482 : i32
      %dma_wait3A_484 = arith.constant 0 : i32
      %dma_wait3A_485 = arith.constant 0 : i32
      %dma_wait3A_486 = tpu.memref_slice %arg3[%add3A_435, %dma_wait3A_484, %dma_wait3A_485] : memref<1024x1024x128xf32, #tpu.memory_space<hbm>> -> memref<1x1024x128xf32, #tpu.memory_space<hbm>>
      %dma_wait3A_487 = tpu.memref_squeeze %dma_wait3A_486 : memref<1x1024x128xf32, #tpu.memory_space<hbm>> -> memref<1024x128xf32, #tpu.memory_space<hbm>>
      %dma_wait3A_488 = arith.constant 0 : i32
      %dma_wait3A_489 = tpu.memref_slice %arg4[%sub3A_443, %dma_wait3A_488] : memref<2047x128xf32, #tpu.memory_space<vmem_shared>> -> memref<1024x128xf32, #tpu.memory_space<vmem_shared>>
      tpu.wait_dma2 semaphore(%arg8 : memref<!tpu.dma_semaphore, #tpu.memory_space<semaphore_mem>>) src(%dma_wait3A_489 : memref<1024x128xf32, #tpu.memory_space<vmem_shared>>) dst(%dma_wait3A_487 : memref<1024x128xf32, #tpu.memory_space<hbm>>)
      %sub3A_490 = arith.constant 1023 : i32
      %sub3A_491 = arith.subi %sub3A_490, %add3A_483 : i32
      %dma_start3A_492 = arith.constant 0 : i32
      %dma_start3A_493 = arith.constant 0 : i32
      %dma_start3A_494 = tpu.memref_slice %arg3[%add3A_483, %dma_start3A_492, %dma_start3A_493] : memref<1024x1024x128xf32, #tpu.memory_space<hbm>> -> memref<1x1024x128xf32, #tpu.memory_space<hbm>>
      %dma_start3A_495 = tpu.memref_squeeze %dma_start3A_494 : memref<1x1024x128xf32, #tpu.memory_space<hbm>> -> memref<1024x128xf32, #tpu.memory_space<hbm>>
      %dma_start3A_496 = arith.constant 0 : i32
      %dma_start3A_497 = tpu.memref_slice %arg4[%sub3A_491, %dma_start3A_496] : memref<2047x128xf32, #tpu.memory_space<vmem_shared>> -> memref<1024x128xf32, #tpu.memory_space<vmem_shared>>
      tpu.enqueue_dma source(%dma_start3A_497 : memref<1024x128xf32, #tpu.memory_space<vmem_shared>>) target(%dma_start3A_495 : memref<1024x128xf32, #tpu.memory_space<hbm>>) target_semaphore(%arg8 : memref<!tpu.dma_semaphore, #tpu.memory_space<semaphore_mem>>)
      %add3A_498 = arith.constant 31 : i32
      %add3A_499 = arith.addi %add3A, %add3A_498 : i32
      %dma_wait3A_500 = arith.constant 0 : i32
      %dma_wait3A_501 = arith.constant 0 : i32
      %dma_wait3A_502 = tpu.memref_slice %arg3[%add3A_451, %dma_wait3A_500, %dma_wait3A_501] : memref<1024x1024x128xf32, #tpu.memory_space<hbm>> -> memref<1x1024x128xf32, #tpu.memory_space<hbm>>
      %dma_wait3A_503 = tpu.memref_squeeze %dma_wait3A_502 : memref<1x1024x128xf32, #tpu.memory_space<hbm>> -> memref<1024x128xf32, #tpu.memory_space<hbm>>
      %dma_wait3A_504 = arith.constant 0 : i32
      %dma_wait3A_505 = tpu.memref_slice %arg4[%sub3A_459, %dma_wait3A_504] : memref<2047x128xf32, #tpu.memory_space<vmem_shared>> -> memref<1024x128xf32, #tpu.memory_space<vmem_shared>>
      tpu.wait_dma2 semaphore(%arg8 : memref<!tpu.dma_semaphore, #tpu.memory_space<semaphore_mem>>) src(%dma_wait3A_505 : memref<1024x128xf32, #tpu.memory_space<vmem_shared>>) dst(%dma_wait3A_503 : memref<1024x128xf32, #tpu.memory_space<hbm>>)
      %sub3A_506 = arith.constant 1023 : i32
      %sub3A_507 = arith.subi %sub3A_506, %add3A_499 : i32
      %dma_start3A_508 = arith.constant 0 : i32
      %dma_start3A_509 = arith.constant 0 : i32
      %dma_start3A_510 = tpu.memref_slice %arg3[%add3A_499, %dma_start3A_508, %dma_start3A_509] : memref<1024x1024x128xf32, #tpu.memory_space<hbm>> -> memref<1x1024x128xf32, #tpu.memory_space<hbm>>
      %dma_start3A_511 = tpu.memref_squeeze %dma_start3A_510 : memref<1x1024x128xf32, #tpu.memory_space<hbm>> -> memref<1024x128xf32, #tpu.memory_space<hbm>>
      %dma_start3A_512 = arith.constant 0 : i32
      %dma_start3A_513 = tpu.memref_slice %arg4[%sub3A_507, %dma_start3A_512] : memref<2047x128xf32, #tpu.memory_space<vmem_shared>> -> memref<1024x128xf32, #tpu.memory_space<vmem_shared>>
      tpu.enqueue_dma source(%dma_start3A_513 : memref<1024x128xf32, #tpu.memory_space<vmem_shared>>) target(%dma_start3A_511 : memref<1024x128xf32, #tpu.memory_space<hbm>>) target_semaphore(%arg8 : memref<!tpu.dma_semaphore, #tpu.memory_space<semaphore_mem>>)
      %add3A_514 = arith.constant 32 : i32
      %add3A_515 = arith.addi %add3A, %add3A_514 : i32
      %dma_wait3A_516 = arith.constant 0 : i32
      %dma_wait3A_517 = arith.constant 0 : i32
      %dma_wait3A_518 = tpu.memref_slice %arg3[%add3A_467, %dma_wait3A_516, %dma_wait3A_517] : memref<1024x1024x128xf32, #tpu.memory_space<hbm>> -> memref<1x1024x128xf32, #tpu.memory_space<hbm>>
      %dma_wait3A_519 = tpu.memref_squeeze %dma_wait3A_518 : memref<1x1024x128xf32, #tpu.memory_space<hbm>> -> memref<1024x128xf32, #tpu.memory_space<hbm>>
      %dma_wait3A_520 = arith.constant 0 : i32
      %dma_wait3A_521 = tpu.memref_slice %arg4[%sub3A_475, %dma_wait3A_520] : memref<2047x128xf32, #tpu.memory_space<vmem_shared>> -> memref<1024x128xf32, #tpu.memory_space<vmem_shared>>
      tpu.wait_dma2 semaphore(%arg8 : memref<!tpu.dma_semaphore, #tpu.memory_space<semaphore_mem>>) src(%dma_wait3A_521 : memref<1024x128xf32, #tpu.memory_space<vmem_shared>>) dst(%dma_wait3A_519 : memref<1024x128xf32, #tpu.memory_space<hbm>>)
      %sub3A_522 = arith.constant 1023 : i32
      %sub3A_523 = arith.subi %sub3A_522, %add3A_515 : i32
      %dma_start3A_524 = arith.constant 0 : i32
      %dma_start3A_525 = arith.constant 0 : i32
      %dma_start3A_526 = tpu.memref_slice %arg3[%add3A_515, %dma_start3A_524, %dma_start3A_525] : memref<1024x1024x128xf32, #tpu.memory_space<hbm>> -> memref<1x1024x128xf32, #tpu.memory_space<hbm>>
      %dma_start3A_527 = tpu.memref_squeeze %dma_start3A_526 : memref<1x1024x128xf32, #tpu.memory_space<hbm>> -> memref<1024x128xf32, #tpu.memory_space<hbm>>
      %dma_start3A_528 = arith.constant 0 : i32
      %dma_start3A_529 = tpu.memref_slice %arg4[%sub3A_523, %dma_start3A_528] : memref<2047x128xf32, #tpu.memory_space<vmem_shared>> -> memref<1024x128xf32, #tpu.memory_space<vmem_shared>>
      tpu.enqueue_dma source(%dma_start3A_529 : memref<1024x128xf32, #tpu.memory_space<vmem_shared>>) target(%dma_start3A_527 : memref<1024x128xf32, #tpu.memory_space<hbm>>) target_semaphore(%arg8 : memref<!tpu.dma_semaphore, #tpu.memory_space<semaphore_mem>>)
      %add3A_530 = arith.constant 33 : i32
      %add3A_531 = arith.addi %add3A, %add3A_530 : i32
      %dma_wait3A_532 = arith.constant 0 : i32
      %dma_wait3A_533 = arith.constant 0 : i32
      %dma_wait3A_534 = tpu.memref_slice %arg3[%add3A_483, %dma_wait3A_532, %dma_wait3A_533] : memref<1024x1024x128xf32, #tpu.memory_space<hbm>> -> memref<1x1024x128xf32, #tpu.memory_space<hbm>>
      %dma_wait3A_535 = tpu.memref_squeeze %dma_wait3A_534 : memref<1x1024x128xf32, #tpu.memory_space<hbm>> -> memref<1024x128xf32, #tpu.memory_space<hbm>>
      %dma_wait3A_536 = arith.constant 0 : i32
      %dma_wait3A_537 = tpu.memref_slice %arg4[%sub3A_491, %dma_wait3A_536] : memref<2047x128xf32, #tpu.memory_space<vmem_shared>> -> memref<1024x128xf32, #tpu.memory_space<vmem_shared>>
      tpu.wait_dma2 semaphore(%arg8 : memref<!tpu.dma_semaphore, #tpu.memory_space<semaphore_mem>>) src(%dma_wait3A_537 : memref<1024x128xf32, #tpu.memory_space<vmem_shared>>) dst(%dma_wait3A_535 : memref<1024x128xf32, #tpu.memory_space<hbm>>)
      %sub3A_538 = arith.constant 1023 : i32
      %sub3A_539 = arith.subi %sub3A_538, %add3A_531 : i32
      %dma_start3A_540 = arith.constant 0 : i32
      %dma_start3A_541 = arith.constant 0 : i32
      %dma_start3A_542 = tpu.memref_slice %arg3[%add3A_531, %dma_start3A_540, %dma_start3A_541] : memref<1024x1024x128xf32, #tpu.memory_space<hbm>> -> memref<1x1024x128xf32, #tpu.memory_space<hbm>>
      %dma_start3A_543 = tpu.memref_squeeze %dma_start3A_542 : memref<1x1024x128xf32, #tpu.memory_space<hbm>> -> memref<1024x128xf32, #tpu.memory_space<hbm>>
      %dma_start3A_544 = arith.constant 0 : i32
      %dma_start3A_545 = tpu.memref_slice %arg4[%sub3A_539, %dma_start3A_544] : memref<2047x128xf32, #tpu.memory_space<vmem_shared>> -> memref<1024x128xf32, #tpu.memory_space<vmem_shared>>
      tpu.enqueue_dma source(%dma_start3A_545 : memref<1024x128xf32, #tpu.memory_space<vmem_shared>>) target(%dma_start3A_543 : memref<1024x128xf32, #tpu.memory_space<hbm>>) target_semaphore(%arg8 : memref<!tpu.dma_semaphore, #tpu.memory_space<semaphore_mem>>)
      %add3A_546 = arith.constant 34 : i32
      %add3A_547 = arith.addi %add3A, %add3A_546 : i32
      %dma_wait3A_548 = arith.constant 0 : i32
      %dma_wait3A_549 = arith.constant 0 : i32
      %dma_wait3A_550 = tpu.memref_slice %arg3[%add3A_499, %dma_wait3A_548, %dma_wait3A_549] : memref<1024x1024x128xf32, #tpu.memory_space<hbm>> -> memref<1x1024x128xf32, #tpu.memory_space<hbm>>
      %dma_wait3A_551 = tpu.memref_squeeze %dma_wait3A_550 : memref<1x1024x128xf32, #tpu.memory_space<hbm>> -> memref<1024x128xf32, #tpu.memory_space<hbm>>
      %dma_wait3A_552 = arith.constant 0 : i32
      %dma_wait3A_553 = tpu.memref_slice %arg4[%sub3A_507, %dma_wait3A_552] : memref<2047x128xf32, #tpu.memory_space<vmem_shared>> -> memref<1024x128xf32, #tpu.memory_space<vmem_shared>>
      tpu.wait_dma2 semaphore(%arg8 : memref<!tpu.dma_semaphore, #tpu.memory_space<semaphore_mem>>) src(%dma_wait3A_553 : memref<1024x128xf32, #tpu.memory_space<vmem_shared>>) dst(%dma_wait3A_551 : memref<1024x128xf32, #tpu.memory_space<hbm>>)
      %sub3A_554 = arith.constant 1023 : i32
      %sub3A_555 = arith.subi %sub3A_554, %add3A_547 : i32
      %dma_start3A_556 = arith.constant 0 : i32
      %dma_start3A_557 = arith.constant 0 : i32
      %dma_start3A_558 = tpu.memref_slice %arg3[%add3A_547, %dma_start3A_556, %dma_start3A_557] : memref<1024x1024x128xf32, #tpu.memory_space<hbm>> -> memref<1x1024x128xf32, #tpu.memory_space<hbm>>
      %dma_start3A_559 = tpu.memref_squeeze %dma_start3A_558 : memref<1x1024x128xf32, #tpu.memory_space<hbm>> -> memref<1024x128xf32, #tpu.memory_space<hbm>>
      %dma_start3A_560 = arith.constant 0 : i32
      %dma_start3A_561 = tpu.memref_slice %arg4[%sub3A_555, %dma_start3A_560] : memref<2047x128xf32, #tpu.memory_space<vmem_shared>> -> memref<1024x128xf32, #tpu.memory_space<vmem_shared>>
      tpu.enqueue_dma source(%dma_start3A_561 : memref<1024x128xf32, #tpu.memory_space<vmem_shared>>) target(%dma_start3A_559 : memref<1024x128xf32, #tpu.memory_space<hbm>>) target_semaphore(%arg8 : memref<!tpu.dma_semaphore, #tpu.memory_space<semaphore_mem>>)
      %add3A_562 = arith.constant 35 : i32
      %add3A_563 = arith.addi %add3A, %add3A_562 : i32
      %dma_wait3A_564 = arith.constant 0 : i32
      %dma_wait3A_565 = arith.constant 0 : i32
      %dma_wait3A_566 = tpu.memref_slice %arg3[%add3A_515, %dma_wait3A_564, %dma_wait3A_565] : memref<1024x1024x128xf32, #tpu.memory_space<hbm>> -> memref<1x1024x128xf32, #tpu.memory_space<hbm>>
      %dma_wait3A_567 = tpu.memref_squeeze %dma_wait3A_566 : memref<1x1024x128xf32, #tpu.memory_space<hbm>> -> memref<1024x128xf32, #tpu.memory_space<hbm>>
      %dma_wait3A_568 = arith.constant 0 : i32
      %dma_wait3A_569 = tpu.memref_slice %arg4[%sub3A_523, %dma_wait3A_568] : memref<2047x128xf32, #tpu.memory_space<vmem_shared>> -> memref<1024x128xf32, #tpu.memory_space<vmem_shared>>
      tpu.wait_dma2 semaphore(%arg8 : memref<!tpu.dma_semaphore, #tpu.memory_space<semaphore_mem>>) src(%dma_wait3A_569 : memref<1024x128xf32, #tpu.memory_space<vmem_shared>>) dst(%dma_wait3A_567 : memref<1024x128xf32, #tpu.memory_space<hbm>>)
      %sub3A_570 = arith.constant 1023 : i32
      %sub3A_571 = arith.subi %sub3A_570, %add3A_563 : i32
      %dma_start3A_572 = arith.constant 0 : i32
      %dma_start3A_573 = arith.constant 0 : i32
      %dma_start3A_574 = tpu.memref_slice %arg3[%add3A_563, %dma_start3A_572, %dma_start3A_573] : memref<1024x1024x128xf32, #tpu.memory_space<hbm>> -> memref<1x1024x128xf32, #tpu.memory_space<hbm>>
      %dma_start3A_575 = tpu.memref_squeeze %dma_start3A_574 : memref<1x1024x128xf32, #tpu.memory_space<hbm>> -> memref<1024x128xf32, #tpu.memory_space<hbm>>
      %dma_start3A_576 = arith.constant 0 : i32
      %dma_start3A_577 = tpu.memref_slice %arg4[%sub3A_571, %dma_start3A_576] : memref<2047x128xf32, #tpu.memory_space<vmem_shared>> -> memref<1024x128xf32, #tpu.memory_space<vmem_shared>>
      tpu.enqueue_dma source(%dma_start3A_577 : memref<1024x128xf32, #tpu.memory_space<vmem_shared>>) target(%dma_start3A_575 : memref<1024x128xf32, #tpu.memory_space<hbm>>) target_semaphore(%arg8 : memref<!tpu.dma_semaphore, #tpu.memory_space<semaphore_mem>>)
      %add3A_578 = arith.constant 36 : i32
      %add3A_579 = arith.addi %add3A, %add3A_578 : i32
      %dma_wait3A_580 = arith.constant 0 : i32
      %dma_wait3A_581 = arith.constant 0 : i32
      %dma_wait3A_582 = tpu.memref_slice %arg3[%add3A_531, %dma_wait3A_580, %dma_wait3A_581] : memref<1024x1024x128xf32, #tpu.memory_space<hbm>> -> memref<1x1024x128xf32, #tpu.memory_space<hbm>>
      %dma_wait3A_583 = tpu.memref_squeeze %dma_wait3A_582 : memref<1x1024x128xf32, #tpu.memory_space<hbm>> -> memref<1024x128xf32, #tpu.memory_space<hbm>>
      %dma_wait3A_584 = arith.constant 0 : i32
      %dma_wait3A_585 = tpu.memref_slice %arg4[%sub3A_539, %dma_wait3A_584] : memref<2047x128xf32, #tpu.memory_space<vmem_shared>> -> memref<1024x128xf32, #tpu.memory_space<vmem_shared>>
      tpu.wait_dma2 semaphore(%arg8 : memref<!tpu.dma_semaphore, #tpu.memory_space<semaphore_mem>>) src(%dma_wait3A_585 : memref<1024x128xf32, #tpu.memory_space<vmem_shared>>) dst(%dma_wait3A_583 : memref<1024x128xf32, #tpu.memory_space<hbm>>)
      %sub3A_586 = arith.constant 1023 : i32
      %sub3A_587 = arith.subi %sub3A_586, %add3A_579 : i32
      %dma_start3A_588 = arith.constant 0 : i32
      %dma_start3A_589 = arith.constant 0 : i32
      %dma_start3A_590 = tpu.memref_slice %arg3[%add3A_579, %dma_start3A_588, %dma_start3A_589] : memref<1024x1024x128xf32, #tpu.memory_space<hbm>> -> memref<1x1024x128xf32, #tpu.memory_space<hbm>>
      %dma_start3A_591 = tpu.memref_squeeze %dma_start3A_590 : memref<1x1024x128xf32, #tpu.memory_space<hbm>> -> memref<1024x128xf32, #tpu.memory_space<hbm>>
      %dma_start3A_592 = arith.constant 0 : i32
      %dma_start3A_593 = tpu.memref_slice %arg4[%sub3A_587, %dma_start3A_592] : memref<2047x128xf32, #tpu.memory_space<vmem_shared>> -> memref<1024x128xf32, #tpu.memory_space<vmem_shared>>
      tpu.enqueue_dma source(%dma_start3A_593 : memref<1024x128xf32, #tpu.memory_space<vmem_shared>>) target(%dma_start3A_591 : memref<1024x128xf32, #tpu.memory_space<hbm>>) target_semaphore(%arg8 : memref<!tpu.dma_semaphore, #tpu.memory_space<semaphore_mem>>)
      %add3A_594 = arith.constant 37 : i32
      %add3A_595 = arith.addi %add3A, %add3A_594 : i32
      %dma_wait3A_596 = arith.constant 0 : i32
      %dma_wait3A_597 = arith.constant 0 : i32
      %dma_wait3A_598 = tpu.memref_slice %arg3[%add3A_547, %dma_wait3A_596, %dma_wait3A_597] : memref<1024x1024x128xf32, #tpu.memory_space<hbm>> -> memref<1x1024x128xf32, #tpu.memory_space<hbm>>
      %dma_wait3A_599 = tpu.memref_squeeze %dma_wait3A_598 : memref<1x1024x128xf32, #tpu.memory_space<hbm>> -> memref<1024x128xf32, #tpu.memory_space<hbm>>
      %dma_wait3A_600 = arith.constant 0 : i32
      %dma_wait3A_601 = tpu.memref_slice %arg4[%sub3A_555, %dma_wait3A_600] : memref<2047x128xf32, #tpu.memory_space<vmem_shared>> -> memref<1024x128xf32, #tpu.memory_space<vmem_shared>>
      tpu.wait_dma2 semaphore(%arg8 : memref<!tpu.dma_semaphore, #tpu.memory_space<semaphore_mem>>) src(%dma_wait3A_601 : memref<1024x128xf32, #tpu.memory_space<vmem_shared>>) dst(%dma_wait3A_599 : memref<1024x128xf32, #tpu.memory_space<hbm>>)
      %sub3A_602 = arith.constant 1023 : i32
      %sub3A_603 = arith.subi %sub3A_602, %add3A_595 : i32
      %dma_start3A_604 = arith.constant 0 : i32
      %dma_start3A_605 = arith.constant 0 : i32
      %dma_start3A_606 = tpu.memref_slice %arg3[%add3A_595, %dma_start3A_604, %dma_start3A_605] : memref<1024x1024x128xf32, #tpu.memory_space<hbm>> -> memref<1x1024x128xf32, #tpu.memory_space<hbm>>
      %dma_start3A_607 = tpu.memref_squeeze %dma_start3A_606 : memref<1x1024x128xf32, #tpu.memory_space<hbm>> -> memref<1024x128xf32, #tpu.memory_space<hbm>>
      %dma_start3A_608 = arith.constant 0 : i32
      %dma_start3A_609 = tpu.memref_slice %arg4[%sub3A_603, %dma_start3A_608] : memref<2047x128xf32, #tpu.memory_space<vmem_shared>> -> memref<1024x128xf32, #tpu.memory_space<vmem_shared>>
      tpu.enqueue_dma source(%dma_start3A_609 : memref<1024x128xf32, #tpu.memory_space<vmem_shared>>) target(%dma_start3A_607 : memref<1024x128xf32, #tpu.memory_space<hbm>>) target_semaphore(%arg8 : memref<!tpu.dma_semaphore, #tpu.memory_space<semaphore_mem>>)
      %add3A_610 = arith.constant 38 : i32
      %add3A_611 = arith.addi %add3A, %add3A_610 : i32
      %dma_wait3A_612 = arith.constant 0 : i32
      %dma_wait3A_613 = arith.constant 0 : i32
      %dma_wait3A_614 = tpu.memref_slice %arg3[%add3A_563, %dma_wait3A_612, %dma_wait3A_613] : memref<1024x1024x128xf32, #tpu.memory_space<hbm>> -> memref<1x1024x128xf32, #tpu.memory_space<hbm>>
      %dma_wait3A_615 = tpu.memref_squeeze %dma_wait3A_614 : memref<1x1024x128xf32, #tpu.memory_space<hbm>> -> memref<1024x128xf32, #tpu.memory_space<hbm>>
      %dma_wait3A_616 = arith.constant 0 : i32
      %dma_wait3A_617 = tpu.memref_slice %arg4[%sub3A_571, %dma_wait3A_616] : memref<2047x128xf32, #tpu.memory_space<vmem_shared>> -> memref<1024x128xf32, #tpu.memory_space<vmem_shared>>
      tpu.wait_dma2 semaphore(%arg8 : memref<!tpu.dma_semaphore, #tpu.memory_space<semaphore_mem>>) src(%dma_wait3A_617 : memref<1024x128xf32, #tpu.memory_space<vmem_shared>>) dst(%dma_wait3A_615 : memref<1024x128xf32, #tpu.memory_space<hbm>>)
      %sub3A_618 = arith.constant 1023 : i32
      %sub3A_619 = arith.subi %sub3A_618, %add3A_611 : i32
      %dma_start3A_620 = arith.constant 0 : i32
      %dma_start3A_621 = arith.constant 0 : i32
      %dma_start3A_622 = tpu.memref_slice %arg3[%add3A_611, %dma_start3A_620, %dma_start3A_621] : memref<1024x1024x128xf32, #tpu.memory_space<hbm>> -> memref<1x1024x128xf32, #tpu.memory_space<hbm>>
      %dma_start3A_623 = tpu.memref_squeeze %dma_start3A_622 : memref<1x1024x128xf32, #tpu.memory_space<hbm>> -> memref<1024x128xf32, #tpu.memory_space<hbm>>
      %dma_start3A_624 = arith.constant 0 : i32
      %dma_start3A_625 = tpu.memref_slice %arg4[%sub3A_619, %dma_start3A_624] : memref<2047x128xf32, #tpu.memory_space<vmem_shared>> -> memref<1024x128xf32, #tpu.memory_space<vmem_shared>>
      tpu.enqueue_dma source(%dma_start3A_625 : memref<1024x128xf32, #tpu.memory_space<vmem_shared>>) target(%dma_start3A_623 : memref<1024x128xf32, #tpu.memory_space<hbm>>) target_semaphore(%arg8 : memref<!tpu.dma_semaphore, #tpu.memory_space<semaphore_mem>>)
      %add3A_626 = arith.constant 39 : i32
      %add3A_627 = arith.addi %add3A, %add3A_626 : i32
      %dma_wait3A_628 = arith.constant 0 : i32
      %dma_wait3A_629 = arith.constant 0 : i32
      %dma_wait3A_630 = tpu.memref_slice %arg3[%add3A_579, %dma_wait3A_628, %dma_wait3A_629] : memref<1024x1024x128xf32, #tpu.memory_space<hbm>> -> memref<1x1024x128xf32, #tpu.memory_space<hbm>>
      %dma_wait3A_631 = tpu.memref_squeeze %dma_wait3A_630 : memref<1x1024x128xf32, #tpu.memory_space<hbm>> -> memref<1024x128xf32, #tpu.memory_space<hbm>>
      %dma_wait3A_632 = arith.constant 0 : i32
      %dma_wait3A_633 = tpu.memref_slice %arg4[%sub3A_587, %dma_wait3A_632] : memref<2047x128xf32, #tpu.memory_space<vmem_shared>> -> memref<1024x128xf32, #tpu.memory_space<vmem_shared>>
      tpu.wait_dma2 semaphore(%arg8 : memref<!tpu.dma_semaphore, #tpu.memory_space<semaphore_mem>>) src(%dma_wait3A_633 : memref<1024x128xf32, #tpu.memory_space<vmem_shared>>) dst(%dma_wait3A_631 : memref<1024x128xf32, #tpu.memory_space<hbm>>)
      %sub3A_634 = arith.constant 1023 : i32
      %sub3A_635 = arith.subi %sub3A_634, %add3A_627 : i32
      %dma_start3A_636 = arith.constant 0 : i32
      %dma_start3A_637 = arith.constant 0 : i32
      %dma_start3A_638 = tpu.memref_slice %arg3[%add3A_627, %dma_start3A_636, %dma_start3A_637] : memref<1024x1024x128xf32, #tpu.memory_space<hbm>> -> memref<1x1024x128xf32, #tpu.memory_space<hbm>>
      %dma_start3A_639 = tpu.memref_squeeze %dma_start3A_638 : memref<1x1024x128xf32, #tpu.memory_space<hbm>> -> memref<1024x128xf32, #tpu.memory_space<hbm>>
      %dma_start3A_640 = arith.constant 0 : i32
      %dma_start3A_641 = tpu.memref_slice %arg4[%sub3A_635, %dma_start3A_640] : memref<2047x128xf32, #tpu.memory_space<vmem_shared>> -> memref<1024x128xf32, #tpu.memory_space<vmem_shared>>
      tpu.enqueue_dma source(%dma_start3A_641 : memref<1024x128xf32, #tpu.memory_space<vmem_shared>>) target(%dma_start3A_639 : memref<1024x128xf32, #tpu.memory_space<hbm>>) target_semaphore(%arg8 : memref<!tpu.dma_semaphore, #tpu.memory_space<semaphore_mem>>)
      %add3A_642 = arith.constant 40 : i32
      %add3A_643 = arith.addi %add3A, %add3A_642 : i32
      %dma_wait3A_644 = arith.constant 0 : i32
      %dma_wait3A_645 = arith.constant 0 : i32
      %dma_wait3A_646 = tpu.memref_slice %arg3[%add3A_595, %dma_wait3A_644, %dma_wait3A_645] : memref<1024x1024x128xf32, #tpu.memory_space<hbm>> -> memref<1x1024x128xf32, #tpu.memory_space<hbm>>
      %dma_wait3A_647 = tpu.memref_squeeze %dma_wait3A_646 : memref<1x1024x128xf32, #tpu.memory_space<hbm>> -> memref<1024x128xf32, #tpu.memory_space<hbm>>
      %dma_wait3A_648 = arith.constant 0 : i32
      %dma_wait3A_649 = tpu.memref_slice %arg4[%sub3A_603, %dma_wait3A_648] : memref<2047x128xf32, #tpu.memory_space<vmem_shared>> -> memref<1024x128xf32, #tpu.memory_space<vmem_shared>>
      tpu.wait_dma2 semaphore(%arg8 : memref<!tpu.dma_semaphore, #tpu.memory_space<semaphore_mem>>) src(%dma_wait3A_649 : memref<1024x128xf32, #tpu.memory_space<vmem_shared>>) dst(%dma_wait3A_647 : memref<1024x128xf32, #tpu.memory_space<hbm>>)
      %sub3A_650 = arith.constant 1023 : i32
      %sub3A_651 = arith.subi %sub3A_650, %add3A_643 : i32
      %dma_start3A_652 = arith.constant 0 : i32
      %dma_start3A_653 = arith.constant 0 : i32
      %dma_start3A_654 = tpu.memref_slice %arg3[%add3A_643, %dma_start3A_652, %dma_start3A_653] : memref<1024x1024x128xf32, #tpu.memory_space<hbm>> -> memref<1x1024x128xf32, #tpu.memory_space<hbm>>
      %dma_start3A_655 = tpu.memref_squeeze %dma_start3A_654 : memref<1x1024x128xf32, #tpu.memory_space<hbm>> -> memref<1024x128xf32, #tpu.memory_space<hbm>>
      %dma_start3A_656 = arith.constant 0 : i32
      %dma_start3A_657 = tpu.memref_slice %arg4[%sub3A_651, %dma_start3A_656] : memref<2047x128xf32, #tpu.memory_space<vmem_shared>> -> memref<1024x128xf32, #tpu.memory_space<vmem_shared>>
      tpu.enqueue_dma source(%dma_start3A_657 : memref<1024x128xf32, #tpu.memory_space<vmem_shared>>) target(%dma_start3A_655 : memref<1024x128xf32, #tpu.memory_space<hbm>>) target_semaphore(%arg8 : memref<!tpu.dma_semaphore, #tpu.memory_space<semaphore_mem>>)
      %add3A_658 = arith.constant 41 : i32
      %add3A_659 = arith.addi %add3A, %add3A_658 : i32
      %dma_wait3A_660 = arith.constant 0 : i32
      %dma_wait3A_661 = arith.constant 0 : i32
      %dma_wait3A_662 = tpu.memref_slice %arg3[%add3A_611, %dma_wait3A_660, %dma_wait3A_661] : memref<1024x1024x128xf32, #tpu.memory_space<hbm>> -> memref<1x1024x128xf32, #tpu.memory_space<hbm>>
      %dma_wait3A_663 = tpu.memref_squeeze %dma_wait3A_662 : memref<1x1024x128xf32, #tpu.memory_space<hbm>> -> memref<1024x128xf32, #tpu.memory_space<hbm>>
      %dma_wait3A_664 = arith.constant 0 : i32
      %dma_wait3A_665 = tpu.memref_slice %arg4[%sub3A_619, %dma_wait3A_664] : memref<2047x128xf32, #tpu.memory_space<vmem_shared>> -> memref<1024x128xf32, #tpu.memory_space<vmem_shared>>
      tpu.wait_dma2 semaphore(%arg8 : memref<!tpu.dma_semaphore, #tpu.memory_space<semaphore_mem>>) src(%dma_wait3A_665 : memref<1024x128xf32, #tpu.memory_space<vmem_shared>>) dst(%dma_wait3A_663 : memref<1024x128xf32, #tpu.memory_space<hbm>>)
      %sub3A_666 = arith.constant 1023 : i32
      %sub3A_667 = arith.subi %sub3A_666, %add3A_659 : i32
      %dma_start3A_668 = arith.constant 0 : i32
      %dma_start3A_669 = arith.constant 0 : i32
      %dma_start3A_670 = tpu.memref_slice %arg3[%add3A_659, %dma_start3A_668, %dma_start3A_669] : memref<1024x1024x128xf32, #tpu.memory_space<hbm>> -> memref<1x1024x128xf32, #tpu.memory_space<hbm>>
      %dma_start3A_671 = tpu.memref_squeeze %dma_start3A_670 : memref<1x1024x128xf32, #tpu.memory_space<hbm>> -> memref<1024x128xf32, #tpu.memory_space<hbm>>
      %dma_start3A_672 = arith.constant 0 : i32
      %dma_start3A_673 = tpu.memref_slice %arg4[%sub3A_667, %dma_start3A_672] : memref<2047x128xf32, #tpu.memory_space<vmem_shared>> -> memref<1024x128xf32, #tpu.memory_space<vmem_shared>>
      tpu.enqueue_dma source(%dma_start3A_673 : memref<1024x128xf32, #tpu.memory_space<vmem_shared>>) target(%dma_start3A_671 : memref<1024x128xf32, #tpu.memory_space<hbm>>) target_semaphore(%arg8 : memref<!tpu.dma_semaphore, #tpu.memory_space<semaphore_mem>>)
      %add3A_674 = arith.constant 42 : i32
      %add3A_675 = arith.addi %add3A, %add3A_674 : i32
      %dma_wait3A_676 = arith.constant 0 : i32
      %dma_wait3A_677 = arith.constant 0 : i32
      %dma_wait3A_678 = tpu.memref_slice %arg3[%add3A_627, %dma_wait3A_676, %dma_wait3A_677] : memref<1024x1024x128xf32, #tpu.memory_space<hbm>> -> memref<1x1024x128xf32, #tpu.memory_space<hbm>>
      %dma_wait3A_679 = tpu.memref_squeeze %dma_wait3A_678 : memref<1x1024x128xf32, #tpu.memory_space<hbm>> -> memref<1024x128xf32, #tpu.memory_space<hbm>>
      %dma_wait3A_680 = arith.constant 0 : i32
      %dma_wait3A_681 = tpu.memref_slice %arg4[%sub3A_635, %dma_wait3A_680] : memref<2047x128xf32, #tpu.memory_space<vmem_shared>> -> memref<1024x128xf32, #tpu.memory_space<vmem_shared>>
      tpu.wait_dma2 semaphore(%arg8 : memref<!tpu.dma_semaphore, #tpu.memory_space<semaphore_mem>>) src(%dma_wait3A_681 : memref<1024x128xf32, #tpu.memory_space<vmem_shared>>) dst(%dma_wait3A_679 : memref<1024x128xf32, #tpu.memory_space<hbm>>)
      %sub3A_682 = arith.constant 1023 : i32
      %sub3A_683 = arith.subi %sub3A_682, %add3A_675 : i32
      %dma_start3A_684 = arith.constant 0 : i32
      %dma_start3A_685 = arith.constant 0 : i32
      %dma_start3A_686 = tpu.memref_slice %arg3[%add3A_675, %dma_start3A_684, %dma_start3A_685] : memref<1024x1024x128xf32, #tpu.memory_space<hbm>> -> memref<1x1024x128xf32, #tpu.memory_space<hbm>>
      %dma_start3A_687 = tpu.memref_squeeze %dma_start3A_686 : memref<1x1024x128xf32, #tpu.memory_space<hbm>> -> memref<1024x128xf32, #tpu.memory_space<hbm>>
      %dma_start3A_688 = arith.constant 0 : i32
      %dma_start3A_689 = tpu.memref_slice %arg4[%sub3A_683, %dma_start3A_688] : memref<2047x128xf32, #tpu.memory_space<vmem_shared>> -> memref<1024x128xf32, #tpu.memory_space<vmem_shared>>
      tpu.enqueue_dma source(%dma_start3A_689 : memref<1024x128xf32, #tpu.memory_space<vmem_shared>>) target(%dma_start3A_687 : memref<1024x128xf32, #tpu.memory_space<hbm>>) target_semaphore(%arg8 : memref<!tpu.dma_semaphore, #tpu.memory_space<semaphore_mem>>)
      %add3A_690 = arith.constant 43 : i32
      %add3A_691 = arith.addi %add3A, %add3A_690 : i32
      %dma_wait3A_692 = arith.constant 0 : i32
      %dma_wait3A_693 = arith.constant 0 : i32
      %dma_wait3A_694 = tpu.memref_slice %arg3[%add3A_643, %dma_wait3A_692, %dma_wait3A_693] : memref<1024x1024x128xf32, #tpu.memory_space<hbm>> -> memref<1x1024x128xf32, #tpu.memory_space<hbm>>
      %dma_wait3A_695 = tpu.memref_squeeze %dma_wait3A_694 : memref<1x1024x128xf32, #tpu.memory_space<hbm>> -> memref<1024x128xf32, #tpu.memory_space<hbm>>
      %dma_wait3A_696 = arith.constant 0 : i32
      %dma_wait3A_697 = tpu.memref_slice %arg4[%sub3A_651, %dma_wait3A_696] : memref<2047x128xf32, #tpu.memory_space<vmem_shared>> -> memref<1024x128xf32, #tpu.memory_space<vmem_shared>>
      tpu.wait_dma2 semaphore(%arg8 : memref<!tpu.dma_semaphore, #tpu.memory_space<semaphore_mem>>) src(%dma_wait3A_697 : memref<1024x128xf32, #tpu.memory_space<vmem_shared>>) dst(%dma_wait3A_695 : memref<1024x128xf32, #tpu.memory_space<hbm>>)
      %sub3A_698 = arith.constant 1023 : i32
      %sub3A_699 = arith.subi %sub3A_698, %add3A_691 : i32
      %dma_start3A_700 = arith.constant 0 : i32
      %dma_start3A_701 = arith.constant 0 : i32
      %dma_start3A_702 = tpu.memref_slice %arg3[%add3A_691, %dma_start3A_700, %dma_start3A_701] : memref<1024x1024x128xf32, #tpu.memory_space<hbm>> -> memref<1x1024x128xf32, #tpu.memory_space<hbm>>
      %dma_start3A_703 = tpu.memref_squeeze %dma_start3A_702 : memref<1x1024x128xf32, #tpu.memory_space<hbm>> -> memref<1024x128xf32, #tpu.memory_space<hbm>>
      %dma_start3A_704 = arith.constant 0 : i32
      %dma_start3A_705 = tpu.memref_slice %arg4[%sub3A_699, %dma_start3A_704] : memref<2047x128xf32, #tpu.memory_space<vmem_shared>> -> memref<1024x128xf32, #tpu.memory_space<vmem_shared>>
      tpu.enqueue_dma source(%dma_start3A_705 : memref<1024x128xf32, #tpu.memory_space<vmem_shared>>) target(%dma_start3A_703 : memref<1024x128xf32, #tpu.memory_space<hbm>>) target_semaphore(%arg8 : memref<!tpu.dma_semaphore, #tpu.memory_space<semaphore_mem>>)
      %add3A_706 = arith.constant 44 : i32
      %add3A_707 = arith.addi %add3A, %add3A_706 : i32
      %dma_wait3A_708 = arith.constant 0 : i32
      %dma_wait3A_709 = arith.constant 0 : i32
      %dma_wait3A_710 = tpu.memref_slice %arg3[%add3A_659, %dma_wait3A_708, %dma_wait3A_709] : memref<1024x1024x128xf32, #tpu.memory_space<hbm>> -> memref<1x1024x128xf32, #tpu.memory_space<hbm>>
      %dma_wait3A_711 = tpu.memref_squeeze %dma_wait3A_710 : memref<1x1024x128xf32, #tpu.memory_space<hbm>> -> memref<1024x128xf32, #tpu.memory_space<hbm>>
      %dma_wait3A_712 = arith.constant 0 : i32
      %dma_wait3A_713 = tpu.memref_slice %arg4[%sub3A_667, %dma_wait3A_712] : memref<2047x128xf32, #tpu.memory_space<vmem_shared>> -> memref<1024x128xf32, #tpu.memory_space<vmem_shared>>
      tpu.wait_dma2 semaphore(%arg8 : memref<!tpu.dma_semaphore, #tpu.memory_space<semaphore_mem>>) src(%dma_wait3A_713 : memref<1024x128xf32, #tpu.memory_space<vmem_shared>>) dst(%dma_wait3A_711 : memref<1024x128xf32, #tpu.memory_space<hbm>>)
      %sub3A_714 = arith.constant 1023 : i32
      %sub3A_715 = arith.subi %sub3A_714, %add3A_707 : i32
      %dma_start3A_716 = arith.constant 0 : i32
      %dma_start3A_717 = arith.constant 0 : i32
      %dma_start3A_718 = tpu.memref_slice %arg3[%add3A_707, %dma_start3A_716, %dma_start3A_717] : memref<1024x1024x128xf32, #tpu.memory_space<hbm>> -> memref<1x1024x128xf32, #tpu.memory_space<hbm>>
      %dma_start3A_719 = tpu.memref_squeeze %dma_start3A_718 : memref<1x1024x128xf32, #tpu.memory_space<hbm>> -> memref<1024x128xf32, #tpu.memory_space<hbm>>
      %dma_start3A_720 = arith.constant 0 : i32
      %dma_start3A_721 = tpu.memref_slice %arg4[%sub3A_715, %dma_start3A_720] : memref<2047x128xf32, #tpu.memory_space<vmem_shared>> -> memref<1024x128xf32, #tpu.memory_space<vmem_shared>>
      tpu.enqueue_dma source(%dma_start3A_721 : memref<1024x128xf32, #tpu.memory_space<vmem_shared>>) target(%dma_start3A_719 : memref<1024x128xf32, #tpu.memory_space<hbm>>) target_semaphore(%arg8 : memref<!tpu.dma_semaphore, #tpu.memory_space<semaphore_mem>>)
      %add3A_722 = arith.constant 45 : i32
      %add3A_723 = arith.addi %add3A, %add3A_722 : i32
      %dma_wait3A_724 = arith.constant 0 : i32
      %dma_wait3A_725 = arith.constant 0 : i32
      %dma_wait3A_726 = tpu.memref_slice %arg3[%add3A_675, %dma_wait3A_724, %dma_wait3A_725] : memref<1024x1024x128xf32, #tpu.memory_space<hbm>> -> memref<1x1024x128xf32, #tpu.memory_space<hbm>>
      %dma_wait3A_727 = tpu.memref_squeeze %dma_wait3A_726 : memref<1x1024x128xf32, #tpu.memory_space<hbm>> -> memref<1024x128xf32, #tpu.memory_space<hbm>>
      %dma_wait3A_728 = arith.constant 0 : i32
      %dma_wait3A_729 = tpu.memref_slice %arg4[%sub3A_683, %dma_wait3A_728] : memref<2047x128xf32, #tpu.memory_space<vmem_shared>> -> memref<1024x128xf32, #tpu.memory_space<vmem_shared>>
      tpu.wait_dma2 semaphore(%arg8 : memref<!tpu.dma_semaphore, #tpu.memory_space<semaphore_mem>>) src(%dma_wait3A_729 : memref<1024x128xf32, #tpu.memory_space<vmem_shared>>) dst(%dma_wait3A_727 : memref<1024x128xf32, #tpu.memory_space<hbm>>)
      %sub3A_730 = arith.constant 1023 : i32
      %sub3A_731 = arith.subi %sub3A_730, %add3A_723 : i32
      %dma_start3A_732 = arith.constant 0 : i32
      %dma_start3A_733 = arith.constant 0 : i32
      %dma_start3A_734 = tpu.memref_slice %arg3[%add3A_723, %dma_start3A_732, %dma_start3A_733] : memref<1024x1024x128xf32, #tpu.memory_space<hbm>> -> memref<1x1024x128xf32, #tpu.memory_space<hbm>>
      %dma_start3A_735 = tpu.memref_squeeze %dma_start3A_734 : memref<1x1024x128xf32, #tpu.memory_space<hbm>> -> memref<1024x128xf32, #tpu.memory_space<hbm>>
      %dma_start3A_736 = arith.constant 0 : i32
      %dma_start3A_737 = tpu.memref_slice %arg4[%sub3A_731, %dma_start3A_736] : memref<2047x128xf32, #tpu.memory_space<vmem_shared>> -> memref<1024x128xf32, #tpu.memory_space<vmem_shared>>
      tpu.enqueue_dma source(%dma_start3A_737 : memref<1024x128xf32, #tpu.memory_space<vmem_shared>>) target(%dma_start3A_735 : memref<1024x128xf32, #tpu.memory_space<hbm>>) target_semaphore(%arg8 : memref<!tpu.dma_semaphore, #tpu.memory_space<semaphore_mem>>)
      %dma_wait3A_738 = arith.constant 0 : i32
      %dma_wait3A_739 = arith.constant 0 : i32
      %dma_wait3A_740 = tpu.memref_slice %arg3[%add3A_691, %dma_wait3A_738, %dma_wait3A_739] : memref<1024x1024x128xf32, #tpu.memory_space<hbm>> -> memref<1x1024x128xf32, #tpu.memory_space<hbm>>
      %dma_wait3A_741 = tpu.memref_squeeze %dma_wait3A_740 : memref<1x1024x128xf32, #tpu.memory_space<hbm>> -> memref<1024x128xf32, #tpu.memory_space<hbm>>
      %dma_wait3A_742 = arith.constant 0 : i32
      %dma_wait3A_743 = tpu.memref_slice %arg4[%sub3A_699, %dma_wait3A_742] : memref<2047x128xf32, #tpu.memory_space<vmem_shared>> -> memref<1024x128xf32, #tpu.memory_space<vmem_shared>>
      tpu.wait_dma2 semaphore(%arg8 : memref<!tpu.dma_semaphore, #tpu.memory_space<semaphore_mem>>) src(%dma_wait3A_743 : memref<1024x128xf32, #tpu.memory_space<vmem_shared>>) dst(%dma_wait3A_741 : memref<1024x128xf32, #tpu.memory_space<hbm>>)
      %dma_wait3A_744 = arith.constant 0 : i32
      %dma_wait3A_745 = arith.constant 0 : i32
      %dma_wait3A_746 = tpu.memref_slice %arg3[%add3A_707, %dma_wait3A_744, %dma_wait3A_745] : memref<1024x1024x128xf32, #tpu.memory_space<hbm>> -> memref<1x1024x128xf32, #tpu.memory_space<hbm>>
      %dma_wait3A_747 = tpu.memref_squeeze %dma_wait3A_746 : memref<1x1024x128xf32, #tpu.memory_space<hbm>> -> memref<1024x128xf32, #tpu.memory_space<hbm>>
      %dma_wait3A_748 = arith.constant 0 : i32
      %dma_wait3A_749 = tpu.memref_slice %arg4[%sub3A_715, %dma_wait3A_748] : memref<2047x128xf32, #tpu.memory_space<vmem_shared>> -> memref<1024x128xf32, #tpu.memory_space<vmem_shared>>
      tpu.wait_dma2 semaphore(%arg8 : memref<!tpu.dma_semaphore, #tpu.memory_space<semaphore_mem>>) src(%dma_wait3A_749 : memref<1024x128xf32, #tpu.memory_space<vmem_shared>>) dst(%dma_wait3A_747 : memref<1024x128xf32, #tpu.memory_space<hbm>>)
      %dma_wait3A_750 = arith.constant 0 : i32
      %dma_wait3A_751 = arith.constant 0 : i32
      %dma_wait3A_752 = tpu.memref_slice %arg3[%add3A_723, %dma_wait3A_750, %dma_wait3A_751] : memref<1024x1024x128xf32, #tpu.memory_space<hbm>> -> memref<1x1024x128xf32, #tpu.memory_space<hbm>>
      %dma_wait3A_753 = tpu.memref_squeeze %dma_wait3A_752 : memref<1x1024x128xf32, #tpu.memory_space<hbm>> -> memref<1024x128xf32, #tpu.memory_space<hbm>>
      %dma_wait3A_754 = arith.constant 0 : i32
      %dma_wait3A_755 = tpu.memref_slice %arg4[%sub3A_731, %dma_wait3A_754] : memref<2047x128xf32, #tpu.memory_space<vmem_shared>> -> memref<1024x128xf32, #tpu.memory_space<vmem_shared>>
      tpu.wait_dma2 semaphore(%arg8 : memref<!tpu.dma_semaphore, #tpu.memory_space<semaphore_mem>>) src(%dma_wait3A_755 : memref<1024x128xf32, #tpu.memory_space<vmem_shared>>) dst(%dma_wait3A_753 : memref<1024x128xf32, #tpu.memory_space<hbm>>)
    } else {
    }
    %ge3A = arith.constant 8 : i32
    %ge3A_16 = arith.cmpi sge, %arg1, %ge3A : i32
    %convert_element_type3A_17 = arith.extui %ge3A_16 : i1 to i32
    %cond3A_18 = arith.constant 0 : i32
    %cond3A_19 = arith.cmpi ne, %convert_element_type3A_17, %cond3A_18 : i32
    scf.if %cond3A_19 {
      %sub3A = arith.constant 8 : i32
      %sub3A_20 = arith.subi %arg1, %sub3A : i32
      %jit3A = arith.constant 2 : i32
      %div3A = arith.divsi %sub3A_20, %jit3A : i32
      %sign3A = arith.constant 0 : i32
      %sign3A_21 = arith.cmpi sgt, %sub3A_20, %sign3A : i32
      %sign3A_22 = arith.extui %sign3A_21 : i1 to i32
      %sign3A_23 = arith.constant 0 : i32
      %sign3A_24 = arith.cmpi slt, %sub3A_20, %sign3A_23 : i32
      %sign3A_25 = arith.extui %sign3A_24 : i1 to i32
      %sign3A_26 = arith.subi %sign3A_22, %sign3A_25 : i32
      %sign3A_27 = arith.constant 0 : i32
      %sign3A_28 = arith.cmpi sgt, %jit3A, %sign3A_27 : i32
      %sign3A_29 = arith.extui %sign3A_28 : i1 to i32
      %sign3A_30 = arith.constant 0 : i32
      %sign3A_31 = arith.cmpi slt, %jit3A, %sign3A_30 : i32
      %sign3A_32 = arith.extui %sign3A_31 : i1 to i32
      %sign3A_33 = arith.subi %sign3A_29, %sign3A_32 : i32
      %ne3A = arith.cmpi ne, %sign3A_26, %sign3A_33 : i32
      %rem3A = arith.remsi %sub3A_20, %jit3A : i32
      %ne3A_34 = arith.constant 0 : i32
      %ne3A_35 = arith.cmpi ne, %rem3A, %ne3A_34 : i32
      %and3A = arith.andi %ne3A, %ne3A_35 : i1
      %sub3A_36 = arith.constant 1 : i32
      %sub3A_37 = arith.subi %div3A, %sub3A_36 : i32
      %select_n3A = arith.select %and3A, %sub3A_37, %div3A : i32
      %sub3A_38 = arith.constant 8 : i32
      %sub3A_39 = arith.subi %arg1, %sub3A_38 : i32
      %jit3A_40 = arith.constant 2 : i32
      %eq3A_41 = arith.constant 0 : i32
      %eq3A_42 = arith.cmpi eq, %jit3A_40, %eq3A_41 : i32
      %jit3A_43 = arith.constant 1 : i32
      %select_n3A_44 = arith.select %eq3A_42, %jit3A_43, %jit3A_40 : i32
      %rem3A_45 = arith.remsi %sub3A_39, %select_n3A_44 : i32
      %ne3A_46 = arith.constant 0 : i32
      %ne3A_47 = arith.cmpi ne, %rem3A_45, %ne3A_46 : i32
      %lt3A_48 = arith.constant 0 : i32
      %lt3A_49 = arith.cmpi slt, %rem3A_45, %lt3A_48 : i32
      %lt3A_50 = arith.constant 0 : i32
      %lt3A_51 = arith.cmpi slt, %select_n3A_44, %lt3A_50 : i32
      %ne3A_52 = arith.xori %lt3A_49, %lt3A_51 : i1
      %and3A_53 = arith.andi %ne3A_52, %ne3A_47 : i1
      %add3A = arith.addi %rem3A_45, %select_n3A_44 : i32
      %select_n3A_54 = arith.select %and3A_53, %add3A, %rem3A_45 : i32
      %mul3A = arith.constant 512 : i32
      %mul3A_55 = arith.muli %arg0, %mul3A : i32
      %add3A_56 = arith.constant 368 : i32
      %add3A_57 = arith.addi %mul3A_55, %add3A_56 : i32
      %mul3A_58 = arith.constant 36 : i32
      %mul3A_59 = arith.muli %mul3A_58, %select_n3A : i32
      %add3A_60 = arith.addi %add3A_57, %mul3A_59 : i32
      %sub3A_61 = arith.constant 1024 : i32
      %sub3A_62 = arith.subi %sub3A_61, %add3A_60 : i32
      %sub3A_63 = arith.constant 36 : i32
      %sub3A_64 = arith.subi %sub3A_62, %sub3A_63 : i32
      %mul3A_65 = arith.constant 512 : i32
      %mul3A_66 = arith.muli %mul3A_65, %select_n3A_54 : i32
      %add3A_67 = arith.addi %sub3A_64, %mul3A_66 : i32
      "tpu.region"() ({
        %run_scoped3A = tpu.sem_alloc : memref<!tpu.dma_semaphore, #tpu.memory_space<semaphore_mem>>
        %dma_start3A_1074 = arith.constant 0 : i32
        %dma_start3A_1075 = tpu.memref_slice %arg4[%add3A_67, %dma_start3A_1074] : memref<2047x128xf32, #tpu.memory_space<vmem_shared>> -> memref<548x128xf32, #tpu.memory_space<vmem_shared>>
        %dma_start3A_1076 = arith.constant 0 : i32
        %dma_start3A_1077 = tpu.memref_slice %arg4[%add3A_67, %dma_start3A_1076] : memref<2047x128xf32, #tpu.memory_space<vmem_shared>> -> memref<548x128xf32, #tpu.memory_space<vmem_shared>>
        tpu.enqueue_dma source(%dma_start3A_1077 : memref<548x128xf32, #tpu.memory_space<vmem_shared>>) target(%arg7 : memref<548x128xf32, #tpu.memory_space<vmem>>) target_semaphore(%run_scoped3A : memref<!tpu.dma_semaphore, #tpu.memory_space<semaphore_mem>>)
        %dma_wait3A_1078 = arith.constant 0 : i32
        %dma_wait3A_1079 = tpu.memref_slice %arg4[%add3A_67, %dma_wait3A_1078] : memref<2047x128xf32, #tpu.memory_space<vmem_shared>> -> memref<548x128xf32, #tpu.memory_space<vmem_shared>>
        %dma_wait3A_1080 = arith.constant 0 : i32
        %dma_wait3A_1081 = tpu.memref_slice %arg4[%add3A_67, %dma_wait3A_1080] : memref<2047x128xf32, #tpu.memory_space<vmem_shared>> -> memref<548x128xf32, #tpu.memory_space<vmem_shared>>
        tpu.wait_dma2 semaphore(%run_scoped3A : memref<!tpu.dma_semaphore, #tpu.memory_space<semaphore_mem>>) src(%dma_wait3A_1081 : memref<548x128xf32, #tpu.memory_space<vmem_shared>>) dst(%arg7 : memref<548x128xf32, #tpu.memory_space<vmem>>)
        tpu.yield
      }) : () -> ()
      %add3A_68 = arith.constant 0 : i32
      %add3A_69 = arith.addi %add3A_60, %add3A_68 : i32
      %mul3A_70 = arith.constant 512 : i32
      %mul3A_71 = arith.muli %mul3A_70, %select_n3A_54 : i32
      %dma_start3A = arith.constant 35 : i32
      %dma_start3A_72 = arith.constant 0 : i32
      %dma_start3A_73 = tpu.memref_slice %arg7[%dma_start3A, %dma_start3A_72] : memref<548x128xf32, #tpu.memory_space<vmem>> -> memref<512x128xf32, #tpu.memory_space<vmem>>
      %dma_start3A_74 = arith.constant 0 : i32
      %dma_start3A_75 = tpu.memref_slice %arg3[%add3A_69, %mul3A_71, %dma_start3A_74] : memref<1024x1024x128xf32, #tpu.memory_space<hbm>> -> memref<1x512x128xf32, #tpu.memory_space<hbm>>
      %dma_start3A_76 = tpu.memref_squeeze %dma_start3A_75 : memref<1x512x128xf32, #tpu.memory_space<hbm>> -> memref<512x128xf32, #tpu.memory_space<hbm>>
      %dma_start3A_77 = arith.constant 0 : i32
      %dma_start3A_78 = tpu.memref_slice %arg3[%add3A_69, %mul3A_71, %dma_start3A_77] : memref<1024x1024x128xf32, #tpu.memory_space<hbm>> -> memref<1x512x128xf32, #tpu.memory_space<hbm>>
      %dma_start3A_79 = tpu.memref_squeeze %dma_start3A_78 : memref<1x512x128xf32, #tpu.memory_space<hbm>> -> memref<512x128xf32, #tpu.memory_space<hbm>>
      %dma_start3A_80 = arith.constant 35 : i32
      %dma_start3A_81 = arith.constant 0 : i32
      %dma_start3A_82 = tpu.memref_slice %arg7[%dma_start3A_80, %dma_start3A_81] : memref<548x128xf32, #tpu.memory_space<vmem>> -> memref<512x128xf32, #tpu.memory_space<vmem>>
      tpu.enqueue_dma source(%dma_start3A_82 : memref<512x128xf32, #tpu.memory_space<vmem>>) target(%dma_start3A_79 : memref<512x128xf32, #tpu.memory_space<hbm>>) target_semaphore(%arg8 : memref<!tpu.dma_semaphore, #tpu.memory_space<semaphore_mem>>)
      %add3A_83 = arith.constant 1 : i32
      %add3A_84 = arith.addi %add3A_60, %add3A_83 : i32
      %mul3A_85 = arith.constant 512 : i32
      %mul3A_86 = arith.muli %mul3A_85, %select_n3A_54 : i32
      %dma_start3A_87 = arith.constant 34 : i32
      %dma_start3A_88 = arith.constant 0 : i32
      %dma_start3A_89 = tpu.memref_slice %arg7[%dma_start3A_87, %dma_start3A_88] : memref<548x128xf32, #tpu.memory_space<vmem>> -> memref<512x128xf32, #tpu.memory_space<vmem>>
      %dma_start3A_90 = arith.constant 0 : i32
      %dma_start3A_91 = tpu.memref_slice %arg3[%add3A_84, %mul3A_86, %dma_start3A_90] : memref<1024x1024x128xf32, #tpu.memory_space<hbm>> -> memref<1x512x128xf32, #tpu.memory_space<hbm>>
      %dma_start3A_92 = tpu.memref_squeeze %dma_start3A_91 : memref<1x512x128xf32, #tpu.memory_space<hbm>> -> memref<512x128xf32, #tpu.memory_space<hbm>>
      %dma_start3A_93 = arith.constant 0 : i32
      %dma_start3A_94 = tpu.memref_slice %arg3[%add3A_84, %mul3A_86, %dma_start3A_93] : memref<1024x1024x128xf32, #tpu.memory_space<hbm>> -> memref<1x512x128xf32, #tpu.memory_space<hbm>>
      %dma_start3A_95 = tpu.memref_squeeze %dma_start3A_94 : memref<1x512x128xf32, #tpu.memory_space<hbm>> -> memref<512x128xf32, #tpu.memory_space<hbm>>
      %dma_start3A_96 = arith.constant 34 : i32
      %dma_start3A_97 = arith.constant 0 : i32
      %dma_start3A_98 = tpu.memref_slice %arg7[%dma_start3A_96, %dma_start3A_97] : memref<548x128xf32, #tpu.memory_space<vmem>> -> memref<512x128xf32, #tpu.memory_space<vmem>>
      tpu.enqueue_dma source(%dma_start3A_98 : memref<512x128xf32, #tpu.memory_space<vmem>>) target(%dma_start3A_95 : memref<512x128xf32, #tpu.memory_space<hbm>>) target_semaphore(%arg8 : memref<!tpu.dma_semaphore, #tpu.memory_space<semaphore_mem>>)
      %add3A_99 = arith.constant 2 : i32
      %add3A_100 = arith.addi %add3A_60, %add3A_99 : i32
      %mul3A_101 = arith.constant 512 : i32
      %mul3A_102 = arith.muli %mul3A_101, %select_n3A_54 : i32
      %dma_start3A_103 = arith.constant 33 : i32
      %dma_start3A_104 = arith.constant 0 : i32
      %dma_start3A_105 = tpu.memref_slice %arg7[%dma_start3A_103, %dma_start3A_104] : memref<548x128xf32, #tpu.memory_space<vmem>> -> memref<512x128xf32, #tpu.memory_space<vmem>>
      %dma_start3A_106 = arith.constant 0 : i32
      %dma_start3A_107 = tpu.memref_slice %arg3[%add3A_100, %mul3A_102, %dma_start3A_106] : memref<1024x1024x128xf32, #tpu.memory_space<hbm>> -> memref<1x512x128xf32, #tpu.memory_space<hbm>>
      %dma_start3A_108 = tpu.memref_squeeze %dma_start3A_107 : memref<1x512x128xf32, #tpu.memory_space<hbm>> -> memref<512x128xf32, #tpu.memory_space<hbm>>
      %dma_start3A_109 = arith.constant 0 : i32
      %dma_start3A_110 = tpu.memref_slice %arg3[%add3A_100, %mul3A_102, %dma_start3A_109] : memref<1024x1024x128xf32, #tpu.memory_space<hbm>> -> memref<1x512x128xf32, #tpu.memory_space<hbm>>
      %dma_start3A_111 = tpu.memref_squeeze %dma_start3A_110 : memref<1x512x128xf32, #tpu.memory_space<hbm>> -> memref<512x128xf32, #tpu.memory_space<hbm>>
      %dma_start3A_112 = arith.constant 33 : i32
      %dma_start3A_113 = arith.constant 0 : i32
      %dma_start3A_114 = tpu.memref_slice %arg7[%dma_start3A_112, %dma_start3A_113] : memref<548x128xf32, #tpu.memory_space<vmem>> -> memref<512x128xf32, #tpu.memory_space<vmem>>
      tpu.enqueue_dma source(%dma_start3A_114 : memref<512x128xf32, #tpu.memory_space<vmem>>) target(%dma_start3A_111 : memref<512x128xf32, #tpu.memory_space<hbm>>) target_semaphore(%arg8 : memref<!tpu.dma_semaphore, #tpu.memory_space<semaphore_mem>>)
      %add3A_115 = arith.constant 3 : i32
      %add3A_116 = arith.addi %add3A_60, %add3A_115 : i32
      %mul3A_117 = arith.constant 512 : i32
      %mul3A_118 = arith.muli %mul3A_117, %select_n3A_54 : i32
      %dma_start3A_119 = arith.constant 32 : i32
      %dma_start3A_120 = arith.constant 0 : i32
      %dma_start3A_121 = tpu.memref_slice %arg7[%dma_start3A_119, %dma_start3A_120] : memref<548x128xf32, #tpu.memory_space<vmem>> -> memref<512x128xf32, #tpu.memory_space<vmem>>
      %dma_start3A_122 = arith.constant 0 : i32
      %dma_start3A_123 = tpu.memref_slice %arg3[%add3A_116, %mul3A_118, %dma_start3A_122] : memref<1024x1024x128xf32, #tpu.memory_space<hbm>> -> memref<1x512x128xf32, #tpu.memory_space<hbm>>
      %dma_start3A_124 = tpu.memref_squeeze %dma_start3A_123 : memref<1x512x128xf32, #tpu.memory_space<hbm>> -> memref<512x128xf32, #tpu.memory_space<hbm>>
      %dma_start3A_125 = arith.constant 0 : i32
      %dma_start3A_126 = tpu.memref_slice %arg3[%add3A_116, %mul3A_118, %dma_start3A_125] : memref<1024x1024x128xf32, #tpu.memory_space<hbm>> -> memref<1x512x128xf32, #tpu.memory_space<hbm>>
      %dma_start3A_127 = tpu.memref_squeeze %dma_start3A_126 : memref<1x512x128xf32, #tpu.memory_space<hbm>> -> memref<512x128xf32, #tpu.memory_space<hbm>>
      %dma_start3A_128 = arith.constant 32 : i32
      %dma_start3A_129 = arith.constant 0 : i32
      %dma_start3A_130 = tpu.memref_slice %arg7[%dma_start3A_128, %dma_start3A_129] : memref<548x128xf32, #tpu.memory_space<vmem>> -> memref<512x128xf32, #tpu.memory_space<vmem>>
      tpu.enqueue_dma source(%dma_start3A_130 : memref<512x128xf32, #tpu.memory_space<vmem>>) target(%dma_start3A_127 : memref<512x128xf32, #tpu.memory_space<hbm>>) target_semaphore(%arg8 : memref<!tpu.dma_semaphore, #tpu.memory_space<semaphore_mem>>)
      %add3A_131 = arith.constant 4 : i32
      %add3A_132 = arith.addi %add3A_60, %add3A_131 : i32
      %mul3A_133 = arith.constant 512 : i32
      %mul3A_134 = arith.muli %mul3A_133, %select_n3A_54 : i32
      %dma_start3A_135 = arith.constant 31 : i32
      %dma_start3A_136 = arith.constant 0 : i32
      %dma_start3A_137 = tpu.memref_slice %arg7[%dma_start3A_135, %dma_start3A_136] : memref<548x128xf32, #tpu.memory_space<vmem>> -> memref<512x128xf32, #tpu.memory_space<vmem>>
      %dma_start3A_138 = arith.constant 0 : i32
      %dma_start3A_139 = tpu.memref_slice %arg3[%add3A_132, %mul3A_134, %dma_start3A_138] : memref<1024x1024x128xf32, #tpu.memory_space<hbm>> -> memref<1x512x128xf32, #tpu.memory_space<hbm>>
      %dma_start3A_140 = tpu.memref_squeeze %dma_start3A_139 : memref<1x512x128xf32, #tpu.memory_space<hbm>> -> memref<512x128xf32, #tpu.memory_space<hbm>>
      %dma_start3A_141 = arith.constant 0 : i32
      %dma_start3A_142 = tpu.memref_slice %arg3[%add3A_132, %mul3A_134, %dma_start3A_141] : memref<1024x1024x128xf32, #tpu.memory_space<hbm>> -> memref<1x512x128xf32, #tpu.memory_space<hbm>>
      %dma_start3A_143 = tpu.memref_squeeze %dma_start3A_142 : memref<1x512x128xf32, #tpu.memory_space<hbm>> -> memref<512x128xf32, #tpu.memory_space<hbm>>
      %dma_start3A_144 = arith.constant 31 : i32
      %dma_start3A_145 = arith.constant 0 : i32
      %dma_start3A_146 = tpu.memref_slice %arg7[%dma_start3A_144, %dma_start3A_145] : memref<548x128xf32, #tpu.memory_space<vmem>> -> memref<512x128xf32, #tpu.memory_space<vmem>>
      tpu.enqueue_dma source(%dma_start3A_146 : memref<512x128xf32, #tpu.memory_space<vmem>>) target(%dma_start3A_143 : memref<512x128xf32, #tpu.memory_space<hbm>>) target_semaphore(%arg8 : memref<!tpu.dma_semaphore, #tpu.memory_space<semaphore_mem>>)
      %add3A_147 = arith.constant 5 : i32
      %add3A_148 = arith.addi %add3A_60, %add3A_147 : i32
      %mul3A_149 = arith.constant 512 : i32
      %mul3A_150 = arith.muli %mul3A_149, %select_n3A_54 : i32
      %dma_start3A_151 = arith.constant 30 : i32
      %dma_start3A_152 = arith.constant 0 : i32
      %dma_start3A_153 = tpu.memref_slice %arg7[%dma_start3A_151, %dma_start3A_152] : memref<548x128xf32, #tpu.memory_space<vmem>> -> memref<512x128xf32, #tpu.memory_space<vmem>>
      %dma_start3A_154 = arith.constant 0 : i32
      %dma_start3A_155 = tpu.memref_slice %arg3[%add3A_148, %mul3A_150, %dma_start3A_154] : memref<1024x1024x128xf32, #tpu.memory_space<hbm>> -> memref<1x512x128xf32, #tpu.memory_space<hbm>>
      %dma_start3A_156 = tpu.memref_squeeze %dma_start3A_155 : memref<1x512x128xf32, #tpu.memory_space<hbm>> -> memref<512x128xf32, #tpu.memory_space<hbm>>
      %dma_start3A_157 = arith.constant 0 : i32
      %dma_start3A_158 = tpu.memref_slice %arg3[%add3A_148, %mul3A_150, %dma_start3A_157] : memref<1024x1024x128xf32, #tpu.memory_space<hbm>> -> memref<1x512x128xf32, #tpu.memory_space<hbm>>
      %dma_start3A_159 = tpu.memref_squeeze %dma_start3A_158 : memref<1x512x128xf32, #tpu.memory_space<hbm>> -> memref<512x128xf32, #tpu.memory_space<hbm>>
      %dma_start3A_160 = arith.constant 30 : i32
      %dma_start3A_161 = arith.constant 0 : i32
      %dma_start3A_162 = tpu.memref_slice %arg7[%dma_start3A_160, %dma_start3A_161] : memref<548x128xf32, #tpu.memory_space<vmem>> -> memref<512x128xf32, #tpu.memory_space<vmem>>
      tpu.enqueue_dma source(%dma_start3A_162 : memref<512x128xf32, #tpu.memory_space<vmem>>) target(%dma_start3A_159 : memref<512x128xf32, #tpu.memory_space<hbm>>) target_semaphore(%arg8 : memref<!tpu.dma_semaphore, #tpu.memory_space<semaphore_mem>>)
      %dma_wait3A = arith.constant 35 : i32
      %dma_wait3A_163 = arith.constant 0 : i32
      %dma_wait3A_164 = tpu.memref_slice %arg7[%dma_wait3A, %dma_wait3A_163] : memref<548x128xf32, #tpu.memory_space<vmem>> -> memref<512x128xf32, #tpu.memory_space<vmem>>
      %dma_wait3A_165 = arith.constant 0 : i32
      %dma_wait3A_166 = tpu.memref_slice %arg3[%add3A_69, %mul3A_71, %dma_wait3A_165] : memref<1024x1024x128xf32, #tpu.memory_space<hbm>> -> memref<1x512x128xf32, #tpu.memory_space<hbm>>
      %dma_wait3A_167 = tpu.memref_squeeze %dma_wait3A_166 : memref<1x512x128xf32, #tpu.memory_space<hbm>> -> memref<512x128xf32, #tpu.memory_space<hbm>>
      %dma_wait3A_168 = arith.constant 0 : i32
      %dma_wait3A_169 = tpu.memref_slice %arg3[%add3A_69, %mul3A_71, %dma_wait3A_168] : memref<1024x1024x128xf32, #tpu.memory_space<hbm>> -> memref<1x512x128xf32, #tpu.memory_space<hbm>>
      %dma_wait3A_170 = tpu.memref_squeeze %dma_wait3A_169 : memref<1x512x128xf32, #tpu.memory_space<hbm>> -> memref<512x128xf32, #tpu.memory_space<hbm>>
      %dma_wait3A_171 = arith.constant 35 : i32
      %dma_wait3A_172 = arith.constant 0 : i32
      %dma_wait3A_173 = tpu.memref_slice %arg7[%dma_wait3A_171, %dma_wait3A_172] : memref<548x128xf32, #tpu.memory_space<vmem>> -> memref<512x128xf32, #tpu.memory_space<vmem>>
      tpu.wait_dma2 semaphore(%arg8 : memref<!tpu.dma_semaphore, #tpu.memory_space<semaphore_mem>>) src(%dma_wait3A_173 : memref<512x128xf32, #tpu.memory_space<vmem>>) dst(%dma_wait3A_170 : memref<512x128xf32, #tpu.memory_space<hbm>>)
      %add3A_174 = arith.constant 6 : i32
      %add3A_175 = arith.addi %add3A_60, %add3A_174 : i32
      %mul3A_176 = arith.constant 512 : i32
      %mul3A_177 = arith.muli %mul3A_176, %select_n3A_54 : i32
      %dma_start3A_178 = arith.constant 29 : i32
      %dma_start3A_179 = arith.constant 0 : i32
      %dma_start3A_180 = tpu.memref_slice %arg7[%dma_start3A_178, %dma_start3A_179] : memref<548x128xf32, #tpu.memory_space<vmem>> -> memref<512x128xf32, #tpu.memory_space<vmem>>
      %dma_start3A_181 = arith.constant 0 : i32
      %dma_start3A_182 = tpu.memref_slice %arg3[%add3A_175, %mul3A_177, %dma_start3A_181] : memref<1024x1024x128xf32, #tpu.memory_space<hbm>> -> memref<1x512x128xf32, #tpu.memory_space<hbm>>
      %dma_start3A_183 = tpu.memref_squeeze %dma_start3A_182 : memref<1x512x128xf32, #tpu.memory_space<hbm>> -> memref<512x128xf32, #tpu.memory_space<hbm>>
      %dma_start3A_184 = arith.constant 0 : i32
      %dma_start3A_185 = tpu.memref_slice %arg3[%add3A_175, %mul3A_177, %dma_start3A_184] : memref<1024x1024x128xf32, #tpu.memory_space<hbm>> -> memref<1x512x128xf32, #tpu.memory_space<hbm>>
      %dma_start3A_186 = tpu.memref_squeeze %dma_start3A_185 : memref<1x512x128xf32, #tpu.memory_space<hbm>> -> memref<512x128xf32, #tpu.memory_space<hbm>>
      %dma_start3A_187 = arith.constant 29 : i32
      %dma_start3A_188 = arith.constant 0 : i32
      %dma_start3A_189 = tpu.memref_slice %arg7[%dma_start3A_187, %dma_start3A_188] : memref<548x128xf32, #tpu.memory_space<vmem>> -> memref<512x128xf32, #tpu.memory_space<vmem>>
      tpu.enqueue_dma source(%dma_start3A_189 : memref<512x128xf32, #tpu.memory_space<vmem>>) target(%dma_start3A_186 : memref<512x128xf32, #tpu.memory_space<hbm>>) target_semaphore(%arg8 : memref<!tpu.dma_semaphore, #tpu.memory_space<semaphore_mem>>)
      %dma_wait3A_190 = arith.constant 34 : i32
      %dma_wait3A_191 = arith.constant 0 : i32
      %dma_wait3A_192 = tpu.memref_slice %arg7[%dma_wait3A_190, %dma_wait3A_191] : memref<548x128xf32, #tpu.memory_space<vmem>> -> memref<512x128xf32, #tpu.memory_space<vmem>>
      %dma_wait3A_193 = arith.constant 0 : i32
      %dma_wait3A_194 = tpu.memref_slice %arg3[%add3A_84, %mul3A_86, %dma_wait3A_193] : memref<1024x1024x128xf32, #tpu.memory_space<hbm>> -> memref<1x512x128xf32, #tpu.memory_space<hbm>>
      %dma_wait3A_195 = tpu.memref_squeeze %dma_wait3A_194 : memref<1x512x128xf32, #tpu.memory_space<hbm>> -> memref<512x128xf32, #tpu.memory_space<hbm>>
      %dma_wait3A_196 = arith.constant 0 : i32
      %dma_wait3A_197 = tpu.memref_slice %arg3[%add3A_84, %mul3A_86, %dma_wait3A_196] : memref<1024x1024x128xf32, #tpu.memory_space<hbm>> -> memref<1x512x128xf32, #tpu.memory_space<hbm>>
      %dma_wait3A_198 = tpu.memref_squeeze %dma_wait3A_197 : memref<1x512x128xf32, #tpu.memory_space<hbm>> -> memref<512x128xf32, #tpu.memory_space<hbm>>
      %dma_wait3A_199 = arith.constant 34 : i32
      %dma_wait3A_200 = arith.constant 0 : i32
      %dma_wait3A_201 = tpu.memref_slice %arg7[%dma_wait3A_199, %dma_wait3A_200] : memref<548x128xf32, #tpu.memory_space<vmem>> -> memref<512x128xf32, #tpu.memory_space<vmem>>
      tpu.wait_dma2 semaphore(%arg8 : memref<!tpu.dma_semaphore, #tpu.memory_space<semaphore_mem>>) src(%dma_wait3A_201 : memref<512x128xf32, #tpu.memory_space<vmem>>) dst(%dma_wait3A_198 : memref<512x128xf32, #tpu.memory_space<hbm>>)
      %add3A_202 = arith.constant 7 : i32
      %add3A_203 = arith.addi %add3A_60, %add3A_202 : i32
      %mul3A_204 = arith.constant 512 : i32
      %mul3A_205 = arith.muli %mul3A_204, %select_n3A_54 : i32
      %dma_start3A_206 = arith.constant 28 : i32
      %dma_start3A_207 = arith.constant 0 : i32
      %dma_start3A_208 = tpu.memref_slice %arg7[%dma_start3A_206, %dma_start3A_207] : memref<548x128xf32, #tpu.memory_space<vmem>> -> memref<512x128xf32, #tpu.memory_space<vmem>>
      %dma_start3A_209 = arith.constant 0 : i32
      %dma_start3A_210 = tpu.memref_slice %arg3[%add3A_203, %mul3A_205, %dma_start3A_209] : memref<1024x1024x128xf32, #tpu.memory_space<hbm>> -> memref<1x512x128xf32, #tpu.memory_space<hbm>>
      %dma_start3A_211 = tpu.memref_squeeze %dma_start3A_210 : memref<1x512x128xf32, #tpu.memory_space<hbm>> -> memref<512x128xf32, #tpu.memory_space<hbm>>
      %dma_start3A_212 = arith.constant 0 : i32
      %dma_start3A_213 = tpu.memref_slice %arg3[%add3A_203, %mul3A_205, %dma_start3A_212] : memref<1024x1024x128xf32, #tpu.memory_space<hbm>> -> memref<1x512x128xf32, #tpu.memory_space<hbm>>
      %dma_start3A_214 = tpu.memref_squeeze %dma_start3A_213 : memref<1x512x128xf32, #tpu.memory_space<hbm>> -> memref<512x128xf32, #tpu.memory_space<hbm>>
      %dma_start3A_215 = arith.constant 28 : i32
      %dma_start3A_216 = arith.constant 0 : i32
      %dma_start3A_217 = tpu.memref_slice %arg7[%dma_start3A_215, %dma_start3A_216] : memref<548x128xf32, #tpu.memory_space<vmem>> -> memref<512x128xf32, #tpu.memory_space<vmem>>
      tpu.enqueue_dma source(%dma_start3A_217 : memref<512x128xf32, #tpu.memory_space<vmem>>) target(%dma_start3A_214 : memref<512x128xf32, #tpu.memory_space<hbm>>) target_semaphore(%arg8 : memref<!tpu.dma_semaphore, #tpu.memory_space<semaphore_mem>>)
      %dma_wait3A_218 = arith.constant 33 : i32
      %dma_wait3A_219 = arith.constant 0 : i32
      %dma_wait3A_220 = tpu.memref_slice %arg7[%dma_wait3A_218, %dma_wait3A_219] : memref<548x128xf32, #tpu.memory_space<vmem>> -> memref<512x128xf32, #tpu.memory_space<vmem>>
      %dma_wait3A_221 = arith.constant 0 : i32
      %dma_wait3A_222 = tpu.memref_slice %arg3[%add3A_100, %mul3A_102, %dma_wait3A_221] : memref<1024x1024x128xf32, #tpu.memory_space<hbm>> -> memref<1x512x128xf32, #tpu.memory_space<hbm>>
      %dma_wait3A_223 = tpu.memref_squeeze %dma_wait3A_222 : memref<1x512x128xf32, #tpu.memory_space<hbm>> -> memref<512x128xf32, #tpu.memory_space<hbm>>
      %dma_wait3A_224 = arith.constant 0 : i32
      %dma_wait3A_225 = tpu.memref_slice %arg3[%add3A_100, %mul3A_102, %dma_wait3A_224] : memref<1024x1024x128xf32, #tpu.memory_space<hbm>> -> memref<1x512x128xf32, #tpu.memory_space<hbm>>
      %dma_wait3A_226 = tpu.memref_squeeze %dma_wait3A_225 : memref<1x512x128xf32, #tpu.memory_space<hbm>> -> memref<512x128xf32, #tpu.memory_space<hbm>>
      %dma_wait3A_227 = arith.constant 33 : i32
      %dma_wait3A_228 = arith.constant 0 : i32
      %dma_wait3A_229 = tpu.memref_slice %arg7[%dma_wait3A_227, %dma_wait3A_228] : memref<548x128xf32, #tpu.memory_space<vmem>> -> memref<512x128xf32, #tpu.memory_space<vmem>>
      tpu.wait_dma2 semaphore(%arg8 : memref<!tpu.dma_semaphore, #tpu.memory_space<semaphore_mem>>) src(%dma_wait3A_229 : memref<512x128xf32, #tpu.memory_space<vmem>>) dst(%dma_wait3A_226 : memref<512x128xf32, #tpu.memory_space<hbm>>)
      %add3A_230 = arith.constant 8 : i32
      %add3A_231 = arith.addi %add3A_60, %add3A_230 : i32
      %mul3A_232 = arith.constant 512 : i32
      %mul3A_233 = arith.muli %mul3A_232, %select_n3A_54 : i32
      %dma_start3A_234 = arith.constant 27 : i32
      %dma_start3A_235 = arith.constant 0 : i32
      %dma_start3A_236 = tpu.memref_slice %arg7[%dma_start3A_234, %dma_start3A_235] : memref<548x128xf32, #tpu.memory_space<vmem>> -> memref<512x128xf32, #tpu.memory_space<vmem>>
      %dma_start3A_237 = arith.constant 0 : i32
      %dma_start3A_238 = tpu.memref_slice %arg3[%add3A_231, %mul3A_233, %dma_start3A_237] : memref<1024x1024x128xf32, #tpu.memory_space<hbm>> -> memref<1x512x128xf32, #tpu.memory_space<hbm>>
      %dma_start3A_239 = tpu.memref_squeeze %dma_start3A_238 : memref<1x512x128xf32, #tpu.memory_space<hbm>> -> memref<512x128xf32, #tpu.memory_space<hbm>>
      %dma_start3A_240 = arith.constant 0 : i32
      %dma_start3A_241 = tpu.memref_slice %arg3[%add3A_231, %mul3A_233, %dma_start3A_240] : memref<1024x1024x128xf32, #tpu.memory_space<hbm>> -> memref<1x512x128xf32, #tpu.memory_space<hbm>>
      %dma_start3A_242 = tpu.memref_squeeze %dma_start3A_241 : memref<1x512x128xf32, #tpu.memory_space<hbm>> -> memref<512x128xf32, #tpu.memory_space<hbm>>
      %dma_start3A_243 = arith.constant 27 : i32
      %dma_start3A_244 = arith.constant 0 : i32
      %dma_start3A_245 = tpu.memref_slice %arg7[%dma_start3A_243, %dma_start3A_244] : memref<548x128xf32, #tpu.memory_space<vmem>> -> memref<512x128xf32, #tpu.memory_space<vmem>>
      tpu.enqueue_dma source(%dma_start3A_245 : memref<512x128xf32, #tpu.memory_space<vmem>>) target(%dma_start3A_242 : memref<512x128xf32, #tpu.memory_space<hbm>>) target_semaphore(%arg8 : memref<!tpu.dma_semaphore, #tpu.memory_space<semaphore_mem>>)
      %dma_wait3A_246 = arith.constant 32 : i32
      %dma_wait3A_247 = arith.constant 0 : i32
      %dma_wait3A_248 = tpu.memref_slice %arg7[%dma_wait3A_246, %dma_wait3A_247] : memref<548x128xf32, #tpu.memory_space<vmem>> -> memref<512x128xf32, #tpu.memory_space<vmem>>
      %dma_wait3A_249 = arith.constant 0 : i32
      %dma_wait3A_250 = tpu.memref_slice %arg3[%add3A_116, %mul3A_118, %dma_wait3A_249] : memref<1024x1024x128xf32, #tpu.memory_space<hbm>> -> memref<1x512x128xf32, #tpu.memory_space<hbm>>
      %dma_wait3A_251 = tpu.memref_squeeze %dma_wait3A_250 : memref<1x512x128xf32, #tpu.memory_space<hbm>> -> memref<512x128xf32, #tpu.memory_space<hbm>>
      %dma_wait3A_252 = arith.constant 0 : i32
      %dma_wait3A_253 = tpu.memref_slice %arg3[%add3A_116, %mul3A_118, %dma_wait3A_252] : memref<1024x1024x128xf32, #tpu.memory_space<hbm>> -> memref<1x512x128xf32, #tpu.memory_space<hbm>>
      %dma_wait3A_254 = tpu.memref_squeeze %dma_wait3A_253 : memref<1x512x128xf32, #tpu.memory_space<hbm>> -> memref<512x128xf32, #tpu.memory_space<hbm>>
      %dma_wait3A_255 = arith.constant 32 : i32
      %dma_wait3A_256 = arith.constant 0 : i32
      %dma_wait3A_257 = tpu.memref_slice %arg7[%dma_wait3A_255, %dma_wait3A_256] : memref<548x128xf32, #tpu.memory_space<vmem>> -> memref<512x128xf32, #tpu.memory_space<vmem>>
      tpu.wait_dma2 semaphore(%arg8 : memref<!tpu.dma_semaphore, #tpu.memory_space<semaphore_mem>>) src(%dma_wait3A_257 : memref<512x128xf32, #tpu.memory_space<vmem>>) dst(%dma_wait3A_254 : memref<512x128xf32, #tpu.memory_space<hbm>>)
      %add3A_258 = arith.constant 9 : i32
      %add3A_259 = arith.addi %add3A_60, %add3A_258 : i32
      %mul3A_260 = arith.constant 512 : i32
      %mul3A_261 = arith.muli %mul3A_260, %select_n3A_54 : i32
      %dma_start3A_262 = arith.constant 26 : i32
      %dma_start3A_263 = arith.constant 0 : i32
      %dma_start3A_264 = tpu.memref_slice %arg7[%dma_start3A_262, %dma_start3A_263] : memref<548x128xf32, #tpu.memory_space<vmem>> -> memref<512x128xf32, #tpu.memory_space<vmem>>
      %dma_start3A_265 = arith.constant 0 : i32
      %dma_start3A_266 = tpu.memref_slice %arg3[%add3A_259, %mul3A_261, %dma_start3A_265] : memref<1024x1024x128xf32, #tpu.memory_space<hbm>> -> memref<1x512x128xf32, #tpu.memory_space<hbm>>
      %dma_start3A_267 = tpu.memref_squeeze %dma_start3A_266 : memref<1x512x128xf32, #tpu.memory_space<hbm>> -> memref<512x128xf32, #tpu.memory_space<hbm>>
      %dma_start3A_268 = arith.constant 0 : i32
      %dma_start3A_269 = tpu.memref_slice %arg3[%add3A_259, %mul3A_261, %dma_start3A_268] : memref<1024x1024x128xf32, #tpu.memory_space<hbm>> -> memref<1x512x128xf32, #tpu.memory_space<hbm>>
      %dma_start3A_270 = tpu.memref_squeeze %dma_start3A_269 : memref<1x512x128xf32, #tpu.memory_space<hbm>> -> memref<512x128xf32, #tpu.memory_space<hbm>>
      %dma_start3A_271 = arith.constant 26 : i32
      %dma_start3A_272 = arith.constant 0 : i32
      %dma_start3A_273 = tpu.memref_slice %arg7[%dma_start3A_271, %dma_start3A_272] : memref<548x128xf32, #tpu.memory_space<vmem>> -> memref<512x128xf32, #tpu.memory_space<vmem>>
      tpu.enqueue_dma source(%dma_start3A_273 : memref<512x128xf32, #tpu.memory_space<vmem>>) target(%dma_start3A_270 : memref<512x128xf32, #tpu.memory_space<hbm>>) target_semaphore(%arg8 : memref<!tpu.dma_semaphore, #tpu.memory_space<semaphore_mem>>)
      %dma_wait3A_274 = arith.constant 31 : i32
      %dma_wait3A_275 = arith.constant 0 : i32
      %dma_wait3A_276 = tpu.memref_slice %arg7[%dma_wait3A_274, %dma_wait3A_275] : memref<548x128xf32, #tpu.memory_space<vmem>> -> memref<512x128xf32, #tpu.memory_space<vmem>>
      %dma_wait3A_277 = arith.constant 0 : i32
      %dma_wait3A_278 = tpu.memref_slice %arg3[%add3A_132, %mul3A_134, %dma_wait3A_277] : memref<1024x1024x128xf32, #tpu.memory_space<hbm>> -> memref<1x512x128xf32, #tpu.memory_space<hbm>>
      %dma_wait3A_279 = tpu.memref_squeeze %dma_wait3A_278 : memref<1x512x128xf32, #tpu.memory_space<hbm>> -> memref<512x128xf32, #tpu.memory_space<hbm>>
      %dma_wait3A_280 = arith.constant 0 : i32
      %dma_wait3A_281 = tpu.memref_slice %arg3[%add3A_132, %mul3A_134, %dma_wait3A_280] : memref<1024x1024x128xf32, #tpu.memory_space<hbm>> -> memref<1x512x128xf32, #tpu.memory_space<hbm>>
      %dma_wait3A_282 = tpu.memref_squeeze %dma_wait3A_281 : memref<1x512x128xf32, #tpu.memory_space<hbm>> -> memref<512x128xf32, #tpu.memory_space<hbm>>
      %dma_wait3A_283 = arith.constant 31 : i32
      %dma_wait3A_284 = arith.constant 0 : i32
      %dma_wait3A_285 = tpu.memref_slice %arg7[%dma_wait3A_283, %dma_wait3A_284] : memref<548x128xf32, #tpu.memory_space<vmem>> -> memref<512x128xf32, #tpu.memory_space<vmem>>
      tpu.wait_dma2 semaphore(%arg8 : memref<!tpu.dma_semaphore, #tpu.memory_space<semaphore_mem>>) src(%dma_wait3A_285 : memref<512x128xf32, #tpu.memory_space<vmem>>) dst(%dma_wait3A_282 : memref<512x128xf32, #tpu.memory_space<hbm>>)
      %add3A_286 = arith.constant 10 : i32
      %add3A_287 = arith.addi %add3A_60, %add3A_286 : i32
      %mul3A_288 = arith.constant 512 : i32
      %mul3A_289 = arith.muli %mul3A_288, %select_n3A_54 : i32
      %dma_start3A_290 = arith.constant 25 : i32
      %dma_start3A_291 = arith.constant 0 : i32
      %dma_start3A_292 = tpu.memref_slice %arg7[%dma_start3A_290, %dma_start3A_291] : memref<548x128xf32, #tpu.memory_space<vmem>> -> memref<512x128xf32, #tpu.memory_space<vmem>>
      %dma_start3A_293 = arith.constant 0 : i32
      %dma_start3A_294 = tpu.memref_slice %arg3[%add3A_287, %mul3A_289, %dma_start3A_293] : memref<1024x1024x128xf32, #tpu.memory_space<hbm>> -> memref<1x512x128xf32, #tpu.memory_space<hbm>>
      %dma_start3A_295 = tpu.memref_squeeze %dma_start3A_294 : memref<1x512x128xf32, #tpu.memory_space<hbm>> -> memref<512x128xf32, #tpu.memory_space<hbm>>
      %dma_start3A_296 = arith.constant 0 : i32
      %dma_start3A_297 = tpu.memref_slice %arg3[%add3A_287, %mul3A_289, %dma_start3A_296] : memref<1024x1024x128xf32, #tpu.memory_space<hbm>> -> memref<1x512x128xf32, #tpu.memory_space<hbm>>
      %dma_start3A_298 = tpu.memref_squeeze %dma_start3A_297 : memref<1x512x128xf32, #tpu.memory_space<hbm>> -> memref<512x128xf32, #tpu.memory_space<hbm>>
      %dma_start3A_299 = arith.constant 25 : i32
      %dma_start3A_300 = arith.constant 0 : i32
      %dma_start3A_301 = tpu.memref_slice %arg7[%dma_start3A_299, %dma_start3A_300] : memref<548x128xf32, #tpu.memory_space<vmem>> -> memref<512x128xf32, #tpu.memory_space<vmem>>
      tpu.enqueue_dma source(%dma_start3A_301 : memref<512x128xf32, #tpu.memory_space<vmem>>) target(%dma_start3A_298 : memref<512x128xf32, #tpu.memory_space<hbm>>) target_semaphore(%arg8 : memref<!tpu.dma_semaphore, #tpu.memory_space<semaphore_mem>>)
      %dma_wait3A_302 = arith.constant 30 : i32
      %dma_wait3A_303 = arith.constant 0 : i32
      %dma_wait3A_304 = tpu.memref_slice %arg7[%dma_wait3A_302, %dma_wait3A_303] : memref<548x128xf32, #tpu.memory_space<vmem>> -> memref<512x128xf32, #tpu.memory_space<vmem>>
      %dma_wait3A_305 = arith.constant 0 : i32
      %dma_wait3A_306 = tpu.memref_slice %arg3[%add3A_148, %mul3A_150, %dma_wait3A_305] : memref<1024x1024x128xf32, #tpu.memory_space<hbm>> -> memref<1x512x128xf32, #tpu.memory_space<hbm>>
      %dma_wait3A_307 = tpu.memref_squeeze %dma_wait3A_306 : memref<1x512x128xf32, #tpu.memory_space<hbm>> -> memref<512x128xf32, #tpu.memory_space<hbm>>
      %dma_wait3A_308 = arith.constant 0 : i32
      %dma_wait3A_309 = tpu.memref_slice %arg3[%add3A_148, %mul3A_150, %dma_wait3A_308] : memref<1024x1024x128xf32, #tpu.memory_space<hbm>> -> memref<1x512x128xf32, #tpu.memory_space<hbm>>
      %dma_wait3A_310 = tpu.memref_squeeze %dma_wait3A_309 : memref<1x512x128xf32, #tpu.memory_space<hbm>> -> memref<512x128xf32, #tpu.memory_space<hbm>>
      %dma_wait3A_311 = arith.constant 30 : i32
      %dma_wait3A_312 = arith.constant 0 : i32
      %dma_wait3A_313 = tpu.memref_slice %arg7[%dma_wait3A_311, %dma_wait3A_312] : memref<548x128xf32, #tpu.memory_space<vmem>> -> memref<512x128xf32, #tpu.memory_space<vmem>>
      tpu.wait_dma2 semaphore(%arg8 : memref<!tpu.dma_semaphore, #tpu.memory_space<semaphore_mem>>) src(%dma_wait3A_313 : memref<512x128xf32, #tpu.memory_space<vmem>>) dst(%dma_wait3A_310 : memref<512x128xf32, #tpu.memory_space<hbm>>)
      %add3A_314 = arith.constant 11 : i32
      %add3A_315 = arith.addi %add3A_60, %add3A_314 : i32
      %mul3A_316 = arith.constant 512 : i32
      %mul3A_317 = arith.muli %mul3A_316, %select_n3A_54 : i32
      %dma_start3A_318 = arith.constant 24 : i32
      %dma_start3A_319 = arith.constant 0 : i32
      %dma_start3A_320 = tpu.memref_slice %arg7[%dma_start3A_318, %dma_start3A_319] : memref<548x128xf32, #tpu.memory_space<vmem>> -> memref<512x128xf32, #tpu.memory_space<vmem>>
      %dma_start3A_321 = arith.constant 0 : i32
      %dma_start3A_322 = tpu.memref_slice %arg3[%add3A_315, %mul3A_317, %dma_start3A_321] : memref<1024x1024x128xf32, #tpu.memory_space<hbm>> -> memref<1x512x128xf32, #tpu.memory_space<hbm>>
      %dma_start3A_323 = tpu.memref_squeeze %dma_start3A_322 : memref<1x512x128xf32, #tpu.memory_space<hbm>> -> memref<512x128xf32, #tpu.memory_space<hbm>>
      %dma_start3A_324 = arith.constant 0 : i32
      %dma_start3A_325 = tpu.memref_slice %arg3[%add3A_315, %mul3A_317, %dma_start3A_324] : memref<1024x1024x128xf32, #tpu.memory_space<hbm>> -> memref<1x512x128xf32, #tpu.memory_space<hbm>>
      %dma_start3A_326 = tpu.memref_squeeze %dma_start3A_325 : memref<1x512x128xf32, #tpu.memory_space<hbm>> -> memref<512x128xf32, #tpu.memory_space<hbm>>
      %dma_start3A_327 = arith.constant 24 : i32
      %dma_start3A_328 = arith.constant 0 : i32
      %dma_start3A_329 = tpu.memref_slice %arg7[%dma_start3A_327, %dma_start3A_328] : memref<548x128xf32, #tpu.memory_space<vmem>> -> memref<512x128xf32, #tpu.memory_space<vmem>>
      tpu.enqueue_dma source(%dma_start3A_329 : memref<512x128xf32, #tpu.memory_space<vmem>>) target(%dma_start3A_326 : memref<512x128xf32, #tpu.memory_space<hbm>>) target_semaphore(%arg8 : memref<!tpu.dma_semaphore, #tpu.memory_space<semaphore_mem>>)
      %dma_wait3A_330 = arith.constant 29 : i32
      %dma_wait3A_331 = arith.constant 0 : i32
      %dma_wait3A_332 = tpu.memref_slice %arg7[%dma_wait3A_330, %dma_wait3A_331] : memref<548x128xf32, #tpu.memory_space<vmem>> -> memref<512x128xf32, #tpu.memory_space<vmem>>
      %dma_wait3A_333 = arith.constant 0 : i32
      %dma_wait3A_334 = tpu.memref_slice %arg3[%add3A_175, %mul3A_177, %dma_wait3A_333] : memref<1024x1024x128xf32, #tpu.memory_space<hbm>> -> memref<1x512x128xf32, #tpu.memory_space<hbm>>
      %dma_wait3A_335 = tpu.memref_squeeze %dma_wait3A_334 : memref<1x512x128xf32, #tpu.memory_space<hbm>> -> memref<512x128xf32, #tpu.memory_space<hbm>>
      %dma_wait3A_336 = arith.constant 0 : i32
      %dma_wait3A_337 = tpu.memref_slice %arg3[%add3A_175, %mul3A_177, %dma_wait3A_336] : memref<1024x1024x128xf32, #tpu.memory_space<hbm>> -> memref<1x512x128xf32, #tpu.memory_space<hbm>>
      %dma_wait3A_338 = tpu.memref_squeeze %dma_wait3A_337 : memref<1x512x128xf32, #tpu.memory_space<hbm>> -> memref<512x128xf32, #tpu.memory_space<hbm>>
      %dma_wait3A_339 = arith.constant 29 : i32
      %dma_wait3A_340 = arith.constant 0 : i32
      %dma_wait3A_341 = tpu.memref_slice %arg7[%dma_wait3A_339, %dma_wait3A_340] : memref<548x128xf32, #tpu.memory_space<vmem>> -> memref<512x128xf32, #tpu.memory_space<vmem>>
      tpu.wait_dma2 semaphore(%arg8 : memref<!tpu.dma_semaphore, #tpu.memory_space<semaphore_mem>>) src(%dma_wait3A_341 : memref<512x128xf32, #tpu.memory_space<vmem>>) dst(%dma_wait3A_338 : memref<512x128xf32, #tpu.memory_space<hbm>>)
      %add3A_342 = arith.constant 12 : i32
      %add3A_343 = arith.addi %add3A_60, %add3A_342 : i32
      %mul3A_344 = arith.constant 512 : i32
      %mul3A_345 = arith.muli %mul3A_344, %select_n3A_54 : i32
      %dma_start3A_346 = arith.constant 23 : i32
      %dma_start3A_347 = arith.constant 0 : i32
      %dma_start3A_348 = tpu.memref_slice %arg7[%dma_start3A_346, %dma_start3A_347] : memref<548x128xf32, #tpu.memory_space<vmem>> -> memref<512x128xf32, #tpu.memory_space<vmem>>
      %dma_start3A_349 = arith.constant 0 : i32
      %dma_start3A_350 = tpu.memref_slice %arg3[%add3A_343, %mul3A_345, %dma_start3A_349] : memref<1024x1024x128xf32, #tpu.memory_space<hbm>> -> memref<1x512x128xf32, #tpu.memory_space<hbm>>
      %dma_start3A_351 = tpu.memref_squeeze %dma_start3A_350 : memref<1x512x128xf32, #tpu.memory_space<hbm>> -> memref<512x128xf32, #tpu.memory_space<hbm>>
      %dma_start3A_352 = arith.constant 0 : i32
      %dma_start3A_353 = tpu.memref_slice %arg3[%add3A_343, %mul3A_345, %dma_start3A_352] : memref<1024x1024x128xf32, #tpu.memory_space<hbm>> -> memref<1x512x128xf32, #tpu.memory_space<hbm>>
      %dma_start3A_354 = tpu.memref_squeeze %dma_start3A_353 : memref<1x512x128xf32, #tpu.memory_space<hbm>> -> memref<512x128xf32, #tpu.memory_space<hbm>>
      %dma_start3A_355 = arith.constant 23 : i32
      %dma_start3A_356 = arith.constant 0 : i32
      %dma_start3A_357 = tpu.memref_slice %arg7[%dma_start3A_355, %dma_start3A_356] : memref<548x128xf32, #tpu.memory_space<vmem>> -> memref<512x128xf32, #tpu.memory_space<vmem>>
      tpu.enqueue_dma source(%dma_start3A_357 : memref<512x128xf32, #tpu.memory_space<vmem>>) target(%dma_start3A_354 : memref<512x128xf32, #tpu.memory_space<hbm>>) target_semaphore(%arg8 : memref<!tpu.dma_semaphore, #tpu.memory_space<semaphore_mem>>)
      %dma_wait3A_358 = arith.constant 28 : i32
      %dma_wait3A_359 = arith.constant 0 : i32
      %dma_wait3A_360 = tpu.memref_slice %arg7[%dma_wait3A_358, %dma_wait3A_359] : memref<548x128xf32, #tpu.memory_space<vmem>> -> memref<512x128xf32, #tpu.memory_space<vmem>>
      %dma_wait3A_361 = arith.constant 0 : i32
      %dma_wait3A_362 = tpu.memref_slice %arg3[%add3A_203, %mul3A_205, %dma_wait3A_361] : memref<1024x1024x128xf32, #tpu.memory_space<hbm>> -> memref<1x512x128xf32, #tpu.memory_space<hbm>>
      %dma_wait3A_363 = tpu.memref_squeeze %dma_wait3A_362 : memref<1x512x128xf32, #tpu.memory_space<hbm>> -> memref<512x128xf32, #tpu.memory_space<hbm>>
      %dma_wait3A_364 = arith.constant 0 : i32
      %dma_wait3A_365 = tpu.memref_slice %arg3[%add3A_203, %mul3A_205, %dma_wait3A_364] : memref<1024x1024x128xf32, #tpu.memory_space<hbm>> -> memref<1x512x128xf32, #tpu.memory_space<hbm>>
      %dma_wait3A_366 = tpu.memref_squeeze %dma_wait3A_365 : memref<1x512x128xf32, #tpu.memory_space<hbm>> -> memref<512x128xf32, #tpu.memory_space<hbm>>
      %dma_wait3A_367 = arith.constant 28 : i32
      %dma_wait3A_368 = arith.constant 0 : i32
      %dma_wait3A_369 = tpu.memref_slice %arg7[%dma_wait3A_367, %dma_wait3A_368] : memref<548x128xf32, #tpu.memory_space<vmem>> -> memref<512x128xf32, #tpu.memory_space<vmem>>
      tpu.wait_dma2 semaphore(%arg8 : memref<!tpu.dma_semaphore, #tpu.memory_space<semaphore_mem>>) src(%dma_wait3A_369 : memref<512x128xf32, #tpu.memory_space<vmem>>) dst(%dma_wait3A_366 : memref<512x128xf32, #tpu.memory_space<hbm>>)
      %add3A_370 = arith.constant 13 : i32
      %add3A_371 = arith.addi %add3A_60, %add3A_370 : i32
      %mul3A_372 = arith.constant 512 : i32
      %mul3A_373 = arith.muli %mul3A_372, %select_n3A_54 : i32
      %dma_start3A_374 = arith.constant 22 : i32
      %dma_start3A_375 = arith.constant 0 : i32
      %dma_start3A_376 = tpu.memref_slice %arg7[%dma_start3A_374, %dma_start3A_375] : memref<548x128xf32, #tpu.memory_space<vmem>> -> memref<512x128xf32, #tpu.memory_space<vmem>>
      %dma_start3A_377 = arith.constant 0 : i32
      %dma_start3A_378 = tpu.memref_slice %arg3[%add3A_371, %mul3A_373, %dma_start3A_377] : memref<1024x1024x128xf32, #tpu.memory_space<hbm>> -> memref<1x512x128xf32, #tpu.memory_space<hbm>>
      %dma_start3A_379 = tpu.memref_squeeze %dma_start3A_378 : memref<1x512x128xf32, #tpu.memory_space<hbm>> -> memref<512x128xf32, #tpu.memory_space<hbm>>
      %dma_start3A_380 = arith.constant 0 : i32
      %dma_start3A_381 = tpu.memref_slice %arg3[%add3A_371, %mul3A_373, %dma_start3A_380] : memref<1024x1024x128xf32, #tpu.memory_space<hbm>> -> memref<1x512x128xf32, #tpu.memory_space<hbm>>
      %dma_start3A_382 = tpu.memref_squeeze %dma_start3A_381 : memref<1x512x128xf32, #tpu.memory_space<hbm>> -> memref<512x128xf32, #tpu.memory_space<hbm>>
      %dma_start3A_383 = arith.constant 22 : i32
      %dma_start3A_384 = arith.constant 0 : i32
      %dma_start3A_385 = tpu.memref_slice %arg7[%dma_start3A_383, %dma_start3A_384] : memref<548x128xf32, #tpu.memory_space<vmem>> -> memref<512x128xf32, #tpu.memory_space<vmem>>
      tpu.enqueue_dma source(%dma_start3A_385 : memref<512x128xf32, #tpu.memory_space<vmem>>) target(%dma_start3A_382 : memref<512x128xf32, #tpu.memory_space<hbm>>) target_semaphore(%arg8 : memref<!tpu.dma_semaphore, #tpu.memory_space<semaphore_mem>>)
      %dma_wait3A_386 = arith.constant 27 : i32
      %dma_wait3A_387 = arith.constant 0 : i32
      %dma_wait3A_388 = tpu.memref_slice %arg7[%dma_wait3A_386, %dma_wait3A_387] : memref<548x128xf32, #tpu.memory_space<vmem>> -> memref<512x128xf32, #tpu.memory_space<vmem>>
      %dma_wait3A_389 = arith.constant 0 : i32
      %dma_wait3A_390 = tpu.memref_slice %arg3[%add3A_231, %mul3A_233, %dma_wait3A_389] : memref<1024x1024x128xf32, #tpu.memory_space<hbm>> -> memref<1x512x128xf32, #tpu.memory_space<hbm>>
      %dma_wait3A_391 = tpu.memref_squeeze %dma_wait3A_390 : memref<1x512x128xf32, #tpu.memory_space<hbm>> -> memref<512x128xf32, #tpu.memory_space<hbm>>
      %dma_wait3A_392 = arith.constant 0 : i32
      %dma_wait3A_393 = tpu.memref_slice %arg3[%add3A_231, %mul3A_233, %dma_wait3A_392] : memref<1024x1024x128xf32, #tpu.memory_space<hbm>> -> memref<1x512x128xf32, #tpu.memory_space<hbm>>
      %dma_wait3A_394 = tpu.memref_squeeze %dma_wait3A_393 : memref<1x512x128xf32, #tpu.memory_space<hbm>> -> memref<512x128xf32, #tpu.memory_space<hbm>>
      %dma_wait3A_395 = arith.constant 27 : i32
      %dma_wait3A_396 = arith.constant 0 : i32
      %dma_wait3A_397 = tpu.memref_slice %arg7[%dma_wait3A_395, %dma_wait3A_396] : memref<548x128xf32, #tpu.memory_space<vmem>> -> memref<512x128xf32, #tpu.memory_space<vmem>>
      tpu.wait_dma2 semaphore(%arg8 : memref<!tpu.dma_semaphore, #tpu.memory_space<semaphore_mem>>) src(%dma_wait3A_397 : memref<512x128xf32, #tpu.memory_space<vmem>>) dst(%dma_wait3A_394 : memref<512x128xf32, #tpu.memory_space<hbm>>)
      %add3A_398 = arith.constant 14 : i32
      %add3A_399 = arith.addi %add3A_60, %add3A_398 : i32
      %mul3A_400 = arith.constant 512 : i32
      %mul3A_401 = arith.muli %mul3A_400, %select_n3A_54 : i32
      %dma_start3A_402 = arith.constant 21 : i32
      %dma_start3A_403 = arith.constant 0 : i32
      %dma_start3A_404 = tpu.memref_slice %arg7[%dma_start3A_402, %dma_start3A_403] : memref<548x128xf32, #tpu.memory_space<vmem>> -> memref<512x128xf32, #tpu.memory_space<vmem>>
      %dma_start3A_405 = arith.constant 0 : i32
      %dma_start3A_406 = tpu.memref_slice %arg3[%add3A_399, %mul3A_401, %dma_start3A_405] : memref<1024x1024x128xf32, #tpu.memory_space<hbm>> -> memref<1x512x128xf32, #tpu.memory_space<hbm>>
      %dma_start3A_407 = tpu.memref_squeeze %dma_start3A_406 : memref<1x512x128xf32, #tpu.memory_space<hbm>> -> memref<512x128xf32, #tpu.memory_space<hbm>>
      %dma_start3A_408 = arith.constant 0 : i32
      %dma_start3A_409 = tpu.memref_slice %arg3[%add3A_399, %mul3A_401, %dma_start3A_408] : memref<1024x1024x128xf32, #tpu.memory_space<hbm>> -> memref<1x512x128xf32, #tpu.memory_space<hbm>>
      %dma_start3A_410 = tpu.memref_squeeze %dma_start3A_409 : memref<1x512x128xf32, #tpu.memory_space<hbm>> -> memref<512x128xf32, #tpu.memory_space<hbm>>
      %dma_start3A_411 = arith.constant 21 : i32
      %dma_start3A_412 = arith.constant 0 : i32
      %dma_start3A_413 = tpu.memref_slice %arg7[%dma_start3A_411, %dma_start3A_412] : memref<548x128xf32, #tpu.memory_space<vmem>> -> memref<512x128xf32, #tpu.memory_space<vmem>>
      tpu.enqueue_dma source(%dma_start3A_413 : memref<512x128xf32, #tpu.memory_space<vmem>>) target(%dma_start3A_410 : memref<512x128xf32, #tpu.memory_space<hbm>>) target_semaphore(%arg8 : memref<!tpu.dma_semaphore, #tpu.memory_space<semaphore_mem>>)
      %dma_wait3A_414 = arith.constant 26 : i32
      %dma_wait3A_415 = arith.constant 0 : i32
      %dma_wait3A_416 = tpu.memref_slice %arg7[%dma_wait3A_414, %dma_wait3A_415] : memref<548x128xf32, #tpu.memory_space<vmem>> -> memref<512x128xf32, #tpu.memory_space<vmem>>
      %dma_wait3A_417 = arith.constant 0 : i32
      %dma_wait3A_418 = tpu.memref_slice %arg3[%add3A_259, %mul3A_261, %dma_wait3A_417] : memref<1024x1024x128xf32, #tpu.memory_space<hbm>> -> memref<1x512x128xf32, #tpu.memory_space<hbm>>
      %dma_wait3A_419 = tpu.memref_squeeze %dma_wait3A_418 : memref<1x512x128xf32, #tpu.memory_space<hbm>> -> memref<512x128xf32, #tpu.memory_space<hbm>>
      %dma_wait3A_420 = arith.constant 0 : i32
      %dma_wait3A_421 = tpu.memref_slice %arg3[%add3A_259, %mul3A_261, %dma_wait3A_420] : memref<1024x1024x128xf32, #tpu.memory_space<hbm>> -> memref<1x512x128xf32, #tpu.memory_space<hbm>>
      %dma_wait3A_422 = tpu.memref_squeeze %dma_wait3A_421 : memref<1x512x128xf32, #tpu.memory_space<hbm>> -> memref<512x128xf32, #tpu.memory_space<hbm>>
      %dma_wait3A_423 = arith.constant 26 : i32
      %dma_wait3A_424 = arith.constant 0 : i32
      %dma_wait3A_425 = tpu.memref_slice %arg7[%dma_wait3A_423, %dma_wait3A_424] : memref<548x128xf32, #tpu.memory_space<vmem>> -> memref<512x128xf32, #tpu.memory_space<vmem>>
      tpu.wait_dma2 semaphore(%arg8 : memref<!tpu.dma_semaphore, #tpu.memory_space<semaphore_mem>>) src(%dma_wait3A_425 : memref<512x128xf32, #tpu.memory_space<vmem>>) dst(%dma_wait3A_422 : memref<512x128xf32, #tpu.memory_space<hbm>>)
      %add3A_426 = arith.constant 15 : i32
      %add3A_427 = arith.addi %add3A_60, %add3A_426 : i32
      %mul3A_428 = arith.constant 512 : i32
      %mul3A_429 = arith.muli %mul3A_428, %select_n3A_54 : i32
      %dma_start3A_430 = arith.constant 20 : i32
      %dma_start3A_431 = arith.constant 0 : i32
      %dma_start3A_432 = tpu.memref_slice %arg7[%dma_start3A_430, %dma_start3A_431] : memref<548x128xf32, #tpu.memory_space<vmem>> -> memref<512x128xf32, #tpu.memory_space<vmem>>
      %dma_start3A_433 = arith.constant 0 : i32
      %dma_start3A_434 = tpu.memref_slice %arg3[%add3A_427, %mul3A_429, %dma_start3A_433] : memref<1024x1024x128xf32, #tpu.memory_space<hbm>> -> memref<1x512x128xf32, #tpu.memory_space<hbm>>
      %dma_start3A_435 = tpu.memref_squeeze %dma_start3A_434 : memref<1x512x128xf32, #tpu.memory_space<hbm>> -> memref<512x128xf32, #tpu.memory_space<hbm>>
      %dma_start3A_436 = arith.constant 0 : i32
      %dma_start3A_437 = tpu.memref_slice %arg3[%add3A_427, %mul3A_429, %dma_start3A_436] : memref<1024x1024x128xf32, #tpu.memory_space<hbm>> -> memref<1x512x128xf32, #tpu.memory_space<hbm>>
      %dma_start3A_438 = tpu.memref_squeeze %dma_start3A_437 : memref<1x512x128xf32, #tpu.memory_space<hbm>> -> memref<512x128xf32, #tpu.memory_space<hbm>>
      %dma_start3A_439 = arith.constant 20 : i32
      %dma_start3A_440 = arith.constant 0 : i32
      %dma_start3A_441 = tpu.memref_slice %arg7[%dma_start3A_439, %dma_start3A_440] : memref<548x128xf32, #tpu.memory_space<vmem>> -> memref<512x128xf32, #tpu.memory_space<vmem>>
      tpu.enqueue_dma source(%dma_start3A_441 : memref<512x128xf32, #tpu.memory_space<vmem>>) target(%dma_start3A_438 : memref<512x128xf32, #tpu.memory_space<hbm>>) target_semaphore(%arg8 : memref<!tpu.dma_semaphore, #tpu.memory_space<semaphore_mem>>)
      %dma_wait3A_442 = arith.constant 25 : i32
      %dma_wait3A_443 = arith.constant 0 : i32
      %dma_wait3A_444 = tpu.memref_slice %arg7[%dma_wait3A_442, %dma_wait3A_443] : memref<548x128xf32, #tpu.memory_space<vmem>> -> memref<512x128xf32, #tpu.memory_space<vmem>>
      %dma_wait3A_445 = arith.constant 0 : i32
      %dma_wait3A_446 = tpu.memref_slice %arg3[%add3A_287, %mul3A_289, %dma_wait3A_445] : memref<1024x1024x128xf32, #tpu.memory_space<hbm>> -> memref<1x512x128xf32, #tpu.memory_space<hbm>>
      %dma_wait3A_447 = tpu.memref_squeeze %dma_wait3A_446 : memref<1x512x128xf32, #tpu.memory_space<hbm>> -> memref<512x128xf32, #tpu.memory_space<hbm>>
      %dma_wait3A_448 = arith.constant 0 : i32
      %dma_wait3A_449 = tpu.memref_slice %arg3[%add3A_287, %mul3A_289, %dma_wait3A_448] : memref<1024x1024x128xf32, #tpu.memory_space<hbm>> -> memref<1x512x128xf32, #tpu.memory_space<hbm>>
      %dma_wait3A_450 = tpu.memref_squeeze %dma_wait3A_449 : memref<1x512x128xf32, #tpu.memory_space<hbm>> -> memref<512x128xf32, #tpu.memory_space<hbm>>
      %dma_wait3A_451 = arith.constant 25 : i32
      %dma_wait3A_452 = arith.constant 0 : i32
      %dma_wait3A_453 = tpu.memref_slice %arg7[%dma_wait3A_451, %dma_wait3A_452] : memref<548x128xf32, #tpu.memory_space<vmem>> -> memref<512x128xf32, #tpu.memory_space<vmem>>
      tpu.wait_dma2 semaphore(%arg8 : memref<!tpu.dma_semaphore, #tpu.memory_space<semaphore_mem>>) src(%dma_wait3A_453 : memref<512x128xf32, #tpu.memory_space<vmem>>) dst(%dma_wait3A_450 : memref<512x128xf32, #tpu.memory_space<hbm>>)
      %add3A_454 = arith.constant 16 : i32
      %add3A_455 = arith.addi %add3A_60, %add3A_454 : i32
      %mul3A_456 = arith.constant 512 : i32
      %mul3A_457 = arith.muli %mul3A_456, %select_n3A_54 : i32
      %dma_start3A_458 = arith.constant 19 : i32
      %dma_start3A_459 = arith.constant 0 : i32
      %dma_start3A_460 = tpu.memref_slice %arg7[%dma_start3A_458, %dma_start3A_459] : memref<548x128xf32, #tpu.memory_space<vmem>> -> memref<512x128xf32, #tpu.memory_space<vmem>>
      %dma_start3A_461 = arith.constant 0 : i32
      %dma_start3A_462 = tpu.memref_slice %arg3[%add3A_455, %mul3A_457, %dma_start3A_461] : memref<1024x1024x128xf32, #tpu.memory_space<hbm>> -> memref<1x512x128xf32, #tpu.memory_space<hbm>>
      %dma_start3A_463 = tpu.memref_squeeze %dma_start3A_462 : memref<1x512x128xf32, #tpu.memory_space<hbm>> -> memref<512x128xf32, #tpu.memory_space<hbm>>
      %dma_start3A_464 = arith.constant 0 : i32
      %dma_start3A_465 = tpu.memref_slice %arg3[%add3A_455, %mul3A_457, %dma_start3A_464] : memref<1024x1024x128xf32, #tpu.memory_space<hbm>> -> memref<1x512x128xf32, #tpu.memory_space<hbm>>
      %dma_start3A_466 = tpu.memref_squeeze %dma_start3A_465 : memref<1x512x128xf32, #tpu.memory_space<hbm>> -> memref<512x128xf32, #tpu.memory_space<hbm>>
      %dma_start3A_467 = arith.constant 19 : i32
      %dma_start3A_468 = arith.constant 0 : i32
      %dma_start3A_469 = tpu.memref_slice %arg7[%dma_start3A_467, %dma_start3A_468] : memref<548x128xf32, #tpu.memory_space<vmem>> -> memref<512x128xf32, #tpu.memory_space<vmem>>
      tpu.enqueue_dma source(%dma_start3A_469 : memref<512x128xf32, #tpu.memory_space<vmem>>) target(%dma_start3A_466 : memref<512x128xf32, #tpu.memory_space<hbm>>) target_semaphore(%arg8 : memref<!tpu.dma_semaphore, #tpu.memory_space<semaphore_mem>>)
      %dma_wait3A_470 = arith.constant 24 : i32
      %dma_wait3A_471 = arith.constant 0 : i32
      %dma_wait3A_472 = tpu.memref_slice %arg7[%dma_wait3A_470, %dma_wait3A_471] : memref<548x128xf32, #tpu.memory_space<vmem>> -> memref<512x128xf32, #tpu.memory_space<vmem>>
      %dma_wait3A_473 = arith.constant 0 : i32
      %dma_wait3A_474 = tpu.memref_slice %arg3[%add3A_315, %mul3A_317, %dma_wait3A_473] : memref<1024x1024x128xf32, #tpu.memory_space<hbm>> -> memref<1x512x128xf32, #tpu.memory_space<hbm>>
      %dma_wait3A_475 = tpu.memref_squeeze %dma_wait3A_474 : memref<1x512x128xf32, #tpu.memory_space<hbm>> -> memref<512x128xf32, #tpu.memory_space<hbm>>
      %dma_wait3A_476 = arith.constant 0 : i32
      %dma_wait3A_477 = tpu.memref_slice %arg3[%add3A_315, %mul3A_317, %dma_wait3A_476] : memref<1024x1024x128xf32, #tpu.memory_space<hbm>> -> memref<1x512x128xf32, #tpu.memory_space<hbm>>
      %dma_wait3A_478 = tpu.memref_squeeze %dma_wait3A_477 : memref<1x512x128xf32, #tpu.memory_space<hbm>> -> memref<512x128xf32, #tpu.memory_space<hbm>>
      %dma_wait3A_479 = arith.constant 24 : i32
      %dma_wait3A_480 = arith.constant 0 : i32
      %dma_wait3A_481 = tpu.memref_slice %arg7[%dma_wait3A_479, %dma_wait3A_480] : memref<548x128xf32, #tpu.memory_space<vmem>> -> memref<512x128xf32, #tpu.memory_space<vmem>>
      tpu.wait_dma2 semaphore(%arg8 : memref<!tpu.dma_semaphore, #tpu.memory_space<semaphore_mem>>) src(%dma_wait3A_481 : memref<512x128xf32, #tpu.memory_space<vmem>>) dst(%dma_wait3A_478 : memref<512x128xf32, #tpu.memory_space<hbm>>)
      %add3A_482 = arith.constant 17 : i32
      %add3A_483 = arith.addi %add3A_60, %add3A_482 : i32
      %mul3A_484 = arith.constant 512 : i32
      %mul3A_485 = arith.muli %mul3A_484, %select_n3A_54 : i32
      %dma_start3A_486 = arith.constant 18 : i32
      %dma_start3A_487 = arith.constant 0 : i32
      %dma_start3A_488 = tpu.memref_slice %arg7[%dma_start3A_486, %dma_start3A_487] : memref<548x128xf32, #tpu.memory_space<vmem>> -> memref<512x128xf32, #tpu.memory_space<vmem>>
      %dma_start3A_489 = arith.constant 0 : i32
      %dma_start3A_490 = tpu.memref_slice %arg3[%add3A_483, %mul3A_485, %dma_start3A_489] : memref<1024x1024x128xf32, #tpu.memory_space<hbm>> -> memref<1x512x128xf32, #tpu.memory_space<hbm>>
      %dma_start3A_491 = tpu.memref_squeeze %dma_start3A_490 : memref<1x512x128xf32, #tpu.memory_space<hbm>> -> memref<512x128xf32, #tpu.memory_space<hbm>>
      %dma_start3A_492 = arith.constant 0 : i32
      %dma_start3A_493 = tpu.memref_slice %arg3[%add3A_483, %mul3A_485, %dma_start3A_492] : memref<1024x1024x128xf32, #tpu.memory_space<hbm>> -> memref<1x512x128xf32, #tpu.memory_space<hbm>>
      %dma_start3A_494 = tpu.memref_squeeze %dma_start3A_493 : memref<1x512x128xf32, #tpu.memory_space<hbm>> -> memref<512x128xf32, #tpu.memory_space<hbm>>
      %dma_start3A_495 = arith.constant 18 : i32
      %dma_start3A_496 = arith.constant 0 : i32
      %dma_start3A_497 = tpu.memref_slice %arg7[%dma_start3A_495, %dma_start3A_496] : memref<548x128xf32, #tpu.memory_space<vmem>> -> memref<512x128xf32, #tpu.memory_space<vmem>>
      tpu.enqueue_dma source(%dma_start3A_497 : memref<512x128xf32, #tpu.memory_space<vmem>>) target(%dma_start3A_494 : memref<512x128xf32, #tpu.memory_space<hbm>>) target_semaphore(%arg8 : memref<!tpu.dma_semaphore, #tpu.memory_space<semaphore_mem>>)
      %dma_wait3A_498 = arith.constant 23 : i32
      %dma_wait3A_499 = arith.constant 0 : i32
      %dma_wait3A_500 = tpu.memref_slice %arg7[%dma_wait3A_498, %dma_wait3A_499] : memref<548x128xf32, #tpu.memory_space<vmem>> -> memref<512x128xf32, #tpu.memory_space<vmem>>
      %dma_wait3A_501 = arith.constant 0 : i32
      %dma_wait3A_502 = tpu.memref_slice %arg3[%add3A_343, %mul3A_345, %dma_wait3A_501] : memref<1024x1024x128xf32, #tpu.memory_space<hbm>> -> memref<1x512x128xf32, #tpu.memory_space<hbm>>
      %dma_wait3A_503 = tpu.memref_squeeze %dma_wait3A_502 : memref<1x512x128xf32, #tpu.memory_space<hbm>> -> memref<512x128xf32, #tpu.memory_space<hbm>>
      %dma_wait3A_504 = arith.constant 0 : i32
      %dma_wait3A_505 = tpu.memref_slice %arg3[%add3A_343, %mul3A_345, %dma_wait3A_504] : memref<1024x1024x128xf32, #tpu.memory_space<hbm>> -> memref<1x512x128xf32, #tpu.memory_space<hbm>>
      %dma_wait3A_506 = tpu.memref_squeeze %dma_wait3A_505 : memref<1x512x128xf32, #tpu.memory_space<hbm>> -> memref<512x128xf32, #tpu.memory_space<hbm>>
      %dma_wait3A_507 = arith.constant 23 : i32
      %dma_wait3A_508 = arith.constant 0 : i32
      %dma_wait3A_509 = tpu.memref_slice %arg7[%dma_wait3A_507, %dma_wait3A_508] : memref<548x128xf32, #tpu.memory_space<vmem>> -> memref<512x128xf32, #tpu.memory_space<vmem>>
      tpu.wait_dma2 semaphore(%arg8 : memref<!tpu.dma_semaphore, #tpu.memory_space<semaphore_mem>>) src(%dma_wait3A_509 : memref<512x128xf32, #tpu.memory_space<vmem>>) dst(%dma_wait3A_506 : memref<512x128xf32, #tpu.memory_space<hbm>>)
      %add3A_510 = arith.constant 18 : i32
      %add3A_511 = arith.addi %add3A_60, %add3A_510 : i32
      %mul3A_512 = arith.constant 512 : i32
      %mul3A_513 = arith.muli %mul3A_512, %select_n3A_54 : i32
      %dma_start3A_514 = arith.constant 17 : i32
      %dma_start3A_515 = arith.constant 0 : i32
      %dma_start3A_516 = tpu.memref_slice %arg7[%dma_start3A_514, %dma_start3A_515] : memref<548x128xf32, #tpu.memory_space<vmem>> -> memref<512x128xf32, #tpu.memory_space<vmem>>
      %dma_start3A_517 = arith.constant 0 : i32
      %dma_start3A_518 = tpu.memref_slice %arg3[%add3A_511, %mul3A_513, %dma_start3A_517] : memref<1024x1024x128xf32, #tpu.memory_space<hbm>> -> memref<1x512x128xf32, #tpu.memory_space<hbm>>
      %dma_start3A_519 = tpu.memref_squeeze %dma_start3A_518 : memref<1x512x128xf32, #tpu.memory_space<hbm>> -> memref<512x128xf32, #tpu.memory_space<hbm>>
      %dma_start3A_520 = arith.constant 0 : i32
      %dma_start3A_521 = tpu.memref_slice %arg3[%add3A_511, %mul3A_513, %dma_start3A_520] : memref<1024x1024x128xf32, #tpu.memory_space<hbm>> -> memref<1x512x128xf32, #tpu.memory_space<hbm>>
      %dma_start3A_522 = tpu.memref_squeeze %dma_start3A_521 : memref<1x512x128xf32, #tpu.memory_space<hbm>> -> memref<512x128xf32, #tpu.memory_space<hbm>>
      %dma_start3A_523 = arith.constant 17 : i32
      %dma_start3A_524 = arith.constant 0 : i32
      %dma_start3A_525 = tpu.memref_slice %arg7[%dma_start3A_523, %dma_start3A_524] : memref<548x128xf32, #tpu.memory_space<vmem>> -> memref<512x128xf32, #tpu.memory_space<vmem>>
      tpu.enqueue_dma source(%dma_start3A_525 : memref<512x128xf32, #tpu.memory_space<vmem>>) target(%dma_start3A_522 : memref<512x128xf32, #tpu.memory_space<hbm>>) target_semaphore(%arg8 : memref<!tpu.dma_semaphore, #tpu.memory_space<semaphore_mem>>)
      %dma_wait3A_526 = arith.constant 22 : i32
      %dma_wait3A_527 = arith.constant 0 : i32
      %dma_wait3A_528 = tpu.memref_slice %arg7[%dma_wait3A_526, %dma_wait3A_527] : memref<548x128xf32, #tpu.memory_space<vmem>> -> memref<512x128xf32, #tpu.memory_space<vmem>>
      %dma_wait3A_529 = arith.constant 0 : i32
      %dma_wait3A_530 = tpu.memref_slice %arg3[%add3A_371, %mul3A_373, %dma_wait3A_529] : memref<1024x1024x128xf32, #tpu.memory_space<hbm>> -> memref<1x512x128xf32, #tpu.memory_space<hbm>>
      %dma_wait3A_531 = tpu.memref_squeeze %dma_wait3A_530 : memref<1x512x128xf32, #tpu.memory_space<hbm>> -> memref<512x128xf32, #tpu.memory_space<hbm>>
      %dma_wait3A_532 = arith.constant 0 : i32
      %dma_wait3A_533 = tpu.memref_slice %arg3[%add3A_371, %mul3A_373, %dma_wait3A_532] : memref<1024x1024x128xf32, #tpu.memory_space<hbm>> -> memref<1x512x128xf32, #tpu.memory_space<hbm>>
      %dma_wait3A_534 = tpu.memref_squeeze %dma_wait3A_533 : memref<1x512x128xf32, #tpu.memory_space<hbm>> -> memref<512x128xf32, #tpu.memory_space<hbm>>
      %dma_wait3A_535 = arith.constant 22 : i32
      %dma_wait3A_536 = arith.constant 0 : i32
      %dma_wait3A_537 = tpu.memref_slice %arg7[%dma_wait3A_535, %dma_wait3A_536] : memref<548x128xf32, #tpu.memory_space<vmem>> -> memref<512x128xf32, #tpu.memory_space<vmem>>
      tpu.wait_dma2 semaphore(%arg8 : memref<!tpu.dma_semaphore, #tpu.memory_space<semaphore_mem>>) src(%dma_wait3A_537 : memref<512x128xf32, #tpu.memory_space<vmem>>) dst(%dma_wait3A_534 : memref<512x128xf32, #tpu.memory_space<hbm>>)
      %add3A_538 = arith.constant 19 : i32
      %add3A_539 = arith.addi %add3A_60, %add3A_538 : i32
      %mul3A_540 = arith.constant 512 : i32
      %mul3A_541 = arith.muli %mul3A_540, %select_n3A_54 : i32
      %dma_start3A_542 = arith.constant 16 : i32
      %dma_start3A_543 = arith.constant 0 : i32
      %dma_start3A_544 = tpu.memref_slice %arg7[%dma_start3A_542, %dma_start3A_543] : memref<548x128xf32, #tpu.memory_space<vmem>> -> memref<512x128xf32, #tpu.memory_space<vmem>>
      %dma_start3A_545 = arith.constant 0 : i32
      %dma_start3A_546 = tpu.memref_slice %arg3[%add3A_539, %mul3A_541, %dma_start3A_545] : memref<1024x1024x128xf32, #tpu.memory_space<hbm>> -> memref<1x512x128xf32, #tpu.memory_space<hbm>>
      %dma_start3A_547 = tpu.memref_squeeze %dma_start3A_546 : memref<1x512x128xf32, #tpu.memory_space<hbm>> -> memref<512x128xf32, #tpu.memory_space<hbm>>
      %dma_start3A_548 = arith.constant 0 : i32
      %dma_start3A_549 = tpu.memref_slice %arg3[%add3A_539, %mul3A_541, %dma_start3A_548] : memref<1024x1024x128xf32, #tpu.memory_space<hbm>> -> memref<1x512x128xf32, #tpu.memory_space<hbm>>
      %dma_start3A_550 = tpu.memref_squeeze %dma_start3A_549 : memref<1x512x128xf32, #tpu.memory_space<hbm>> -> memref<512x128xf32, #tpu.memory_space<hbm>>
      %dma_start3A_551 = arith.constant 16 : i32
      %dma_start3A_552 = arith.constant 0 : i32
      %dma_start3A_553 = tpu.memref_slice %arg7[%dma_start3A_551, %dma_start3A_552] : memref<548x128xf32, #tpu.memory_space<vmem>> -> memref<512x128xf32, #tpu.memory_space<vmem>>
      tpu.enqueue_dma source(%dma_start3A_553 : memref<512x128xf32, #tpu.memory_space<vmem>>) target(%dma_start3A_550 : memref<512x128xf32, #tpu.memory_space<hbm>>) target_semaphore(%arg8 : memref<!tpu.dma_semaphore, #tpu.memory_space<semaphore_mem>>)
      %dma_wait3A_554 = arith.constant 21 : i32
      %dma_wait3A_555 = arith.constant 0 : i32
      %dma_wait3A_556 = tpu.memref_slice %arg7[%dma_wait3A_554, %dma_wait3A_555] : memref<548x128xf32, #tpu.memory_space<vmem>> -> memref<512x128xf32, #tpu.memory_space<vmem>>
      %dma_wait3A_557 = arith.constant 0 : i32
      %dma_wait3A_558 = tpu.memref_slice %arg3[%add3A_399, %mul3A_401, %dma_wait3A_557] : memref<1024x1024x128xf32, #tpu.memory_space<hbm>> -> memref<1x512x128xf32, #tpu.memory_space<hbm>>
      %dma_wait3A_559 = tpu.memref_squeeze %dma_wait3A_558 : memref<1x512x128xf32, #tpu.memory_space<hbm>> -> memref<512x128xf32, #tpu.memory_space<hbm>>
      %dma_wait3A_560 = arith.constant 0 : i32
      %dma_wait3A_561 = tpu.memref_slice %arg3[%add3A_399, %mul3A_401, %dma_wait3A_560] : memref<1024x1024x128xf32, #tpu.memory_space<hbm>> -> memref<1x512x128xf32, #tpu.memory_space<hbm>>
      %dma_wait3A_562 = tpu.memref_squeeze %dma_wait3A_561 : memref<1x512x128xf32, #tpu.memory_space<hbm>> -> memref<512x128xf32, #tpu.memory_space<hbm>>
      %dma_wait3A_563 = arith.constant 21 : i32
      %dma_wait3A_564 = arith.constant 0 : i32
      %dma_wait3A_565 = tpu.memref_slice %arg7[%dma_wait3A_563, %dma_wait3A_564] : memref<548x128xf32, #tpu.memory_space<vmem>> -> memref<512x128xf32, #tpu.memory_space<vmem>>
      tpu.wait_dma2 semaphore(%arg8 : memref<!tpu.dma_semaphore, #tpu.memory_space<semaphore_mem>>) src(%dma_wait3A_565 : memref<512x128xf32, #tpu.memory_space<vmem>>) dst(%dma_wait3A_562 : memref<512x128xf32, #tpu.memory_space<hbm>>)
      %add3A_566 = arith.constant 20 : i32
      %add3A_567 = arith.addi %add3A_60, %add3A_566 : i32
      %mul3A_568 = arith.constant 512 : i32
      %mul3A_569 = arith.muli %mul3A_568, %select_n3A_54 : i32
      %dma_start3A_570 = arith.constant 15 : i32
      %dma_start3A_571 = arith.constant 0 : i32
      %dma_start3A_572 = tpu.memref_slice %arg7[%dma_start3A_570, %dma_start3A_571] : memref<548x128xf32, #tpu.memory_space<vmem>> -> memref<512x128xf32, #tpu.memory_space<vmem>>
      %dma_start3A_573 = arith.constant 0 : i32
      %dma_start3A_574 = tpu.memref_slice %arg3[%add3A_567, %mul3A_569, %dma_start3A_573] : memref<1024x1024x128xf32, #tpu.memory_space<hbm>> -> memref<1x512x128xf32, #tpu.memory_space<hbm>>
      %dma_start3A_575 = tpu.memref_squeeze %dma_start3A_574 : memref<1x512x128xf32, #tpu.memory_space<hbm>> -> memref<512x128xf32, #tpu.memory_space<hbm>>
      %dma_start3A_576 = arith.constant 0 : i32
      %dma_start3A_577 = tpu.memref_slice %arg3[%add3A_567, %mul3A_569, %dma_start3A_576] : memref<1024x1024x128xf32, #tpu.memory_space<hbm>> -> memref<1x512x128xf32, #tpu.memory_space<hbm>>
      %dma_start3A_578 = tpu.memref_squeeze %dma_start3A_577 : memref<1x512x128xf32, #tpu.memory_space<hbm>> -> memref<512x128xf32, #tpu.memory_space<hbm>>
      %dma_start3A_579 = arith.constant 15 : i32
      %dma_start3A_580 = arith.constant 0 : i32
      %dma_start3A_581 = tpu.memref_slice %arg7[%dma_start3A_579, %dma_start3A_580] : memref<548x128xf32, #tpu.memory_space<vmem>> -> memref<512x128xf32, #tpu.memory_space<vmem>>
      tpu.enqueue_dma source(%dma_start3A_581 : memref<512x128xf32, #tpu.memory_space<vmem>>) target(%dma_start3A_578 : memref<512x128xf32, #tpu.memory_space<hbm>>) target_semaphore(%arg8 : memref<!tpu.dma_semaphore, #tpu.memory_space<semaphore_mem>>)
      %dma_wait3A_582 = arith.constant 20 : i32
      %dma_wait3A_583 = arith.constant 0 : i32
      %dma_wait3A_584 = tpu.memref_slice %arg7[%dma_wait3A_582, %dma_wait3A_583] : memref<548x128xf32, #tpu.memory_space<vmem>> -> memref<512x128xf32, #tpu.memory_space<vmem>>
      %dma_wait3A_585 = arith.constant 0 : i32
      %dma_wait3A_586 = tpu.memref_slice %arg3[%add3A_427, %mul3A_429, %dma_wait3A_585] : memref<1024x1024x128xf32, #tpu.memory_space<hbm>> -> memref<1x512x128xf32, #tpu.memory_space<hbm>>
      %dma_wait3A_587 = tpu.memref_squeeze %dma_wait3A_586 : memref<1x512x128xf32, #tpu.memory_space<hbm>> -> memref<512x128xf32, #tpu.memory_space<hbm>>
      %dma_wait3A_588 = arith.constant 0 : i32
      %dma_wait3A_589 = tpu.memref_slice %arg3[%add3A_427, %mul3A_429, %dma_wait3A_588] : memref<1024x1024x128xf32, #tpu.memory_space<hbm>> -> memref<1x512x128xf32, #tpu.memory_space<hbm>>
      %dma_wait3A_590 = tpu.memref_squeeze %dma_wait3A_589 : memref<1x512x128xf32, #tpu.memory_space<hbm>> -> memref<512x128xf32, #tpu.memory_space<hbm>>
      %dma_wait3A_591 = arith.constant 20 : i32
      %dma_wait3A_592 = arith.constant 0 : i32
      %dma_wait3A_593 = tpu.memref_slice %arg7[%dma_wait3A_591, %dma_wait3A_592] : memref<548x128xf32, #tpu.memory_space<vmem>> -> memref<512x128xf32, #tpu.memory_space<vmem>>
      tpu.wait_dma2 semaphore(%arg8 : memref<!tpu.dma_semaphore, #tpu.memory_space<semaphore_mem>>) src(%dma_wait3A_593 : memref<512x128xf32, #tpu.memory_space<vmem>>) dst(%dma_wait3A_590 : memref<512x128xf32, #tpu.memory_space<hbm>>)
      %add3A_594 = arith.constant 21 : i32
      %add3A_595 = arith.addi %add3A_60, %add3A_594 : i32
      %mul3A_596 = arith.constant 512 : i32
      %mul3A_597 = arith.muli %mul3A_596, %select_n3A_54 : i32
      %dma_start3A_598 = arith.constant 14 : i32
      %dma_start3A_599 = arith.constant 0 : i32
      %dma_start3A_600 = tpu.memref_slice %arg7[%dma_start3A_598, %dma_start3A_599] : memref<548x128xf32, #tpu.memory_space<vmem>> -> memref<512x128xf32, #tpu.memory_space<vmem>>
      %dma_start3A_601 = arith.constant 0 : i32
      %dma_start3A_602 = tpu.memref_slice %arg3[%add3A_595, %mul3A_597, %dma_start3A_601] : memref<1024x1024x128xf32, #tpu.memory_space<hbm>> -> memref<1x512x128xf32, #tpu.memory_space<hbm>>
      %dma_start3A_603 = tpu.memref_squeeze %dma_start3A_602 : memref<1x512x128xf32, #tpu.memory_space<hbm>> -> memref<512x128xf32, #tpu.memory_space<hbm>>
      %dma_start3A_604 = arith.constant 0 : i32
      %dma_start3A_605 = tpu.memref_slice %arg3[%add3A_595, %mul3A_597, %dma_start3A_604] : memref<1024x1024x128xf32, #tpu.memory_space<hbm>> -> memref<1x512x128xf32, #tpu.memory_space<hbm>>
      %dma_start3A_606 = tpu.memref_squeeze %dma_start3A_605 : memref<1x512x128xf32, #tpu.memory_space<hbm>> -> memref<512x128xf32, #tpu.memory_space<hbm>>
      %dma_start3A_607 = arith.constant 14 : i32
      %dma_start3A_608 = arith.constant 0 : i32
      %dma_start3A_609 = tpu.memref_slice %arg7[%dma_start3A_607, %dma_start3A_608] : memref<548x128xf32, #tpu.memory_space<vmem>> -> memref<512x128xf32, #tpu.memory_space<vmem>>
      tpu.enqueue_dma source(%dma_start3A_609 : memref<512x128xf32, #tpu.memory_space<vmem>>) target(%dma_start3A_606 : memref<512x128xf32, #tpu.memory_space<hbm>>) target_semaphore(%arg8 : memref<!tpu.dma_semaphore, #tpu.memory_space<semaphore_mem>>)
      %dma_wait3A_610 = arith.constant 19 : i32
      %dma_wait3A_611 = arith.constant 0 : i32
      %dma_wait3A_612 = tpu.memref_slice %arg7[%dma_wait3A_610, %dma_wait3A_611] : memref<548x128xf32, #tpu.memory_space<vmem>> -> memref<512x128xf32, #tpu.memory_space<vmem>>
      %dma_wait3A_613 = arith.constant 0 : i32
      %dma_wait3A_614 = tpu.memref_slice %arg3[%add3A_455, %mul3A_457, %dma_wait3A_613] : memref<1024x1024x128xf32, #tpu.memory_space<hbm>> -> memref<1x512x128xf32, #tpu.memory_space<hbm>>
      %dma_wait3A_615 = tpu.memref_squeeze %dma_wait3A_614 : memref<1x512x128xf32, #tpu.memory_space<hbm>> -> memref<512x128xf32, #tpu.memory_space<hbm>>
      %dma_wait3A_616 = arith.constant 0 : i32
      %dma_wait3A_617 = tpu.memref_slice %arg3[%add3A_455, %mul3A_457, %dma_wait3A_616] : memref<1024x1024x128xf32, #tpu.memory_space<hbm>> -> memref<1x512x128xf32, #tpu.memory_space<hbm>>
      %dma_wait3A_618 = tpu.memref_squeeze %dma_wait3A_617 : memref<1x512x128xf32, #tpu.memory_space<hbm>> -> memref<512x128xf32, #tpu.memory_space<hbm>>
      %dma_wait3A_619 = arith.constant 19 : i32
      %dma_wait3A_620 = arith.constant 0 : i32
      %dma_wait3A_621 = tpu.memref_slice %arg7[%dma_wait3A_619, %dma_wait3A_620] : memref<548x128xf32, #tpu.memory_space<vmem>> -> memref<512x128xf32, #tpu.memory_space<vmem>>
      tpu.wait_dma2 semaphore(%arg8 : memref<!tpu.dma_semaphore, #tpu.memory_space<semaphore_mem>>) src(%dma_wait3A_621 : memref<512x128xf32, #tpu.memory_space<vmem>>) dst(%dma_wait3A_618 : memref<512x128xf32, #tpu.memory_space<hbm>>)
      %add3A_622 = arith.constant 22 : i32
      %add3A_623 = arith.addi %add3A_60, %add3A_622 : i32
      %mul3A_624 = arith.constant 512 : i32
      %mul3A_625 = arith.muli %mul3A_624, %select_n3A_54 : i32
      %dma_start3A_626 = arith.constant 13 : i32
      %dma_start3A_627 = arith.constant 0 : i32
      %dma_start3A_628 = tpu.memref_slice %arg7[%dma_start3A_626, %dma_start3A_627] : memref<548x128xf32, #tpu.memory_space<vmem>> -> memref<512x128xf32, #tpu.memory_space<vmem>>
      %dma_start3A_629 = arith.constant 0 : i32
      %dma_start3A_630 = tpu.memref_slice %arg3[%add3A_623, %mul3A_625, %dma_start3A_629] : memref<1024x1024x128xf32, #tpu.memory_space<hbm>> -> memref<1x512x128xf32, #tpu.memory_space<hbm>>
      %dma_start3A_631 = tpu.memref_squeeze %dma_start3A_630 : memref<1x512x128xf32, #tpu.memory_space<hbm>> -> memref<512x128xf32, #tpu.memory_space<hbm>>
      %dma_start3A_632 = arith.constant 0 : i32
      %dma_start3A_633 = tpu.memref_slice %arg3[%add3A_623, %mul3A_625, %dma_start3A_632] : memref<1024x1024x128xf32, #tpu.memory_space<hbm>> -> memref<1x512x128xf32, #tpu.memory_space<hbm>>
      %dma_start3A_634 = tpu.memref_squeeze %dma_start3A_633 : memref<1x512x128xf32, #tpu.memory_space<hbm>> -> memref<512x128xf32, #tpu.memory_space<hbm>>
      %dma_start3A_635 = arith.constant 13 : i32
      %dma_start3A_636 = arith.constant 0 : i32
      %dma_start3A_637 = tpu.memref_slice %arg7[%dma_start3A_635, %dma_start3A_636] : memref<548x128xf32, #tpu.memory_space<vmem>> -> memref<512x128xf32, #tpu.memory_space<vmem>>
      tpu.enqueue_dma source(%dma_start3A_637 : memref<512x128xf32, #tpu.memory_space<vmem>>) target(%dma_start3A_634 : memref<512x128xf32, #tpu.memory_space<hbm>>) target_semaphore(%arg8 : memref<!tpu.dma_semaphore, #tpu.memory_space<semaphore_mem>>)
      %dma_wait3A_638 = arith.constant 18 : i32
      %dma_wait3A_639 = arith.constant 0 : i32
      %dma_wait3A_640 = tpu.memref_slice %arg7[%dma_wait3A_638, %dma_wait3A_639] : memref<548x128xf32, #tpu.memory_space<vmem>> -> memref<512x128xf32, #tpu.memory_space<vmem>>
      %dma_wait3A_641 = arith.constant 0 : i32
      %dma_wait3A_642 = tpu.memref_slice %arg3[%add3A_483, %mul3A_485, %dma_wait3A_641] : memref<1024x1024x128xf32, #tpu.memory_space<hbm>> -> memref<1x512x128xf32, #tpu.memory_space<hbm>>
      %dma_wait3A_643 = tpu.memref_squeeze %dma_wait3A_642 : memref<1x512x128xf32, #tpu.memory_space<hbm>> -> memref<512x128xf32, #tpu.memory_space<hbm>>
      %dma_wait3A_644 = arith.constant 0 : i32
      %dma_wait3A_645 = tpu.memref_slice %arg3[%add3A_483, %mul3A_485, %dma_wait3A_644] : memref<1024x1024x128xf32, #tpu.memory_space<hbm>> -> memref<1x512x128xf32, #tpu.memory_space<hbm>>
      %dma_wait3A_646 = tpu.memref_squeeze %dma_wait3A_645 : memref<1x512x128xf32, #tpu.memory_space<hbm>> -> memref<512x128xf32, #tpu.memory_space<hbm>>
      %dma_wait3A_647 = arith.constant 18 : i32
      %dma_wait3A_648 = arith.constant 0 : i32
      %dma_wait3A_649 = tpu.memref_slice %arg7[%dma_wait3A_647, %dma_wait3A_648] : memref<548x128xf32, #tpu.memory_space<vmem>> -> memref<512x128xf32, #tpu.memory_space<vmem>>
      tpu.wait_dma2 semaphore(%arg8 : memref<!tpu.dma_semaphore, #tpu.memory_space<semaphore_mem>>) src(%dma_wait3A_649 : memref<512x128xf32, #tpu.memory_space<vmem>>) dst(%dma_wait3A_646 : memref<512x128xf32, #tpu.memory_space<hbm>>)
      %add3A_650 = arith.constant 23 : i32
      %add3A_651 = arith.addi %add3A_60, %add3A_650 : i32
      %mul3A_652 = arith.constant 512 : i32
      %mul3A_653 = arith.muli %mul3A_652, %select_n3A_54 : i32
      %dma_start3A_654 = arith.constant 12 : i32
      %dma_start3A_655 = arith.constant 0 : i32
      %dma_start3A_656 = tpu.memref_slice %arg7[%dma_start3A_654, %dma_start3A_655] : memref<548x128xf32, #tpu.memory_space<vmem>> -> memref<512x128xf32, #tpu.memory_space<vmem>>
      %dma_start3A_657 = arith.constant 0 : i32
      %dma_start3A_658 = tpu.memref_slice %arg3[%add3A_651, %mul3A_653, %dma_start3A_657] : memref<1024x1024x128xf32, #tpu.memory_space<hbm>> -> memref<1x512x128xf32, #tpu.memory_space<hbm>>
      %dma_start3A_659 = tpu.memref_squeeze %dma_start3A_658 : memref<1x512x128xf32, #tpu.memory_space<hbm>> -> memref<512x128xf32, #tpu.memory_space<hbm>>
      %dma_start3A_660 = arith.constant 0 : i32
      %dma_start3A_661 = tpu.memref_slice %arg3[%add3A_651, %mul3A_653, %dma_start3A_660] : memref<1024x1024x128xf32, #tpu.memory_space<hbm>> -> memref<1x512x128xf32, #tpu.memory_space<hbm>>
      %dma_start3A_662 = tpu.memref_squeeze %dma_start3A_661 : memref<1x512x128xf32, #tpu.memory_space<hbm>> -> memref<512x128xf32, #tpu.memory_space<hbm>>
      %dma_start3A_663 = arith.constant 12 : i32
      %dma_start3A_664 = arith.constant 0 : i32
      %dma_start3A_665 = tpu.memref_slice %arg7[%dma_start3A_663, %dma_start3A_664] : memref<548x128xf32, #tpu.memory_space<vmem>> -> memref<512x128xf32, #tpu.memory_space<vmem>>
      tpu.enqueue_dma source(%dma_start3A_665 : memref<512x128xf32, #tpu.memory_space<vmem>>) target(%dma_start3A_662 : memref<512x128xf32, #tpu.memory_space<hbm>>) target_semaphore(%arg8 : memref<!tpu.dma_semaphore, #tpu.memory_space<semaphore_mem>>)
      %dma_wait3A_666 = arith.constant 17 : i32
      %dma_wait3A_667 = arith.constant 0 : i32
      %dma_wait3A_668 = tpu.memref_slice %arg7[%dma_wait3A_666, %dma_wait3A_667] : memref<548x128xf32, #tpu.memory_space<vmem>> -> memref<512x128xf32, #tpu.memory_space<vmem>>
      %dma_wait3A_669 = arith.constant 0 : i32
      %dma_wait3A_670 = tpu.memref_slice %arg3[%add3A_511, %mul3A_513, %dma_wait3A_669] : memref<1024x1024x128xf32, #tpu.memory_space<hbm>> -> memref<1x512x128xf32, #tpu.memory_space<hbm>>
      %dma_wait3A_671 = tpu.memref_squeeze %dma_wait3A_670 : memref<1x512x128xf32, #tpu.memory_space<hbm>> -> memref<512x128xf32, #tpu.memory_space<hbm>>
      %dma_wait3A_672 = arith.constant 0 : i32
      %dma_wait3A_673 = tpu.memref_slice %arg3[%add3A_511, %mul3A_513, %dma_wait3A_672] : memref<1024x1024x128xf32, #tpu.memory_space<hbm>> -> memref<1x512x128xf32, #tpu.memory_space<hbm>>
      %dma_wait3A_674 = tpu.memref_squeeze %dma_wait3A_673 : memref<1x512x128xf32, #tpu.memory_space<hbm>> -> memref<512x128xf32, #tpu.memory_space<hbm>>
      %dma_wait3A_675 = arith.constant 17 : i32
      %dma_wait3A_676 = arith.constant 0 : i32
      %dma_wait3A_677 = tpu.memref_slice %arg7[%dma_wait3A_675, %dma_wait3A_676] : memref<548x128xf32, #tpu.memory_space<vmem>> -> memref<512x128xf32, #tpu.memory_space<vmem>>
      tpu.wait_dma2 semaphore(%arg8 : memref<!tpu.dma_semaphore, #tpu.memory_space<semaphore_mem>>) src(%dma_wait3A_677 : memref<512x128xf32, #tpu.memory_space<vmem>>) dst(%dma_wait3A_674 : memref<512x128xf32, #tpu.memory_space<hbm>>)
      %add3A_678 = arith.constant 24 : i32
      %add3A_679 = arith.addi %add3A_60, %add3A_678 : i32
      %mul3A_680 = arith.constant 512 : i32
      %mul3A_681 = arith.muli %mul3A_680, %select_n3A_54 : i32
      %dma_start3A_682 = arith.constant 11 : i32
      %dma_start3A_683 = arith.constant 0 : i32
      %dma_start3A_684 = tpu.memref_slice %arg7[%dma_start3A_682, %dma_start3A_683] : memref<548x128xf32, #tpu.memory_space<vmem>> -> memref<512x128xf32, #tpu.memory_space<vmem>>
      %dma_start3A_685 = arith.constant 0 : i32
      %dma_start3A_686 = tpu.memref_slice %arg3[%add3A_679, %mul3A_681, %dma_start3A_685] : memref<1024x1024x128xf32, #tpu.memory_space<hbm>> -> memref<1x512x128xf32, #tpu.memory_space<hbm>>
      %dma_start3A_687 = tpu.memref_squeeze %dma_start3A_686 : memref<1x512x128xf32, #tpu.memory_space<hbm>> -> memref<512x128xf32, #tpu.memory_space<hbm>>
      %dma_start3A_688 = arith.constant 0 : i32
      %dma_start3A_689 = tpu.memref_slice %arg3[%add3A_679, %mul3A_681, %dma_start3A_688] : memref<1024x1024x128xf32, #tpu.memory_space<hbm>> -> memref<1x512x128xf32, #tpu.memory_space<hbm>>
      %dma_start3A_690 = tpu.memref_squeeze %dma_start3A_689 : memref<1x512x128xf32, #tpu.memory_space<hbm>> -> memref<512x128xf32, #tpu.memory_space<hbm>>
      %dma_start3A_691 = arith.constant 11 : i32
      %dma_start3A_692 = arith.constant 0 : i32
      %dma_start3A_693 = tpu.memref_slice %arg7[%dma_start3A_691, %dma_start3A_692] : memref<548x128xf32, #tpu.memory_space<vmem>> -> memref<512x128xf32, #tpu.memory_space<vmem>>
      tpu.enqueue_dma source(%dma_start3A_693 : memref<512x128xf32, #tpu.memory_space<vmem>>) target(%dma_start3A_690 : memref<512x128xf32, #tpu.memory_space<hbm>>) target_semaphore(%arg8 : memref<!tpu.dma_semaphore, #tpu.memory_space<semaphore_mem>>)
      %dma_wait3A_694 = arith.constant 16 : i32
      %dma_wait3A_695 = arith.constant 0 : i32
      %dma_wait3A_696 = tpu.memref_slice %arg7[%dma_wait3A_694, %dma_wait3A_695] : memref<548x128xf32, #tpu.memory_space<vmem>> -> memref<512x128xf32, #tpu.memory_space<vmem>>
      %dma_wait3A_697 = arith.constant 0 : i32
      %dma_wait3A_698 = tpu.memref_slice %arg3[%add3A_539, %mul3A_541, %dma_wait3A_697] : memref<1024x1024x128xf32, #tpu.memory_space<hbm>> -> memref<1x512x128xf32, #tpu.memory_space<hbm>>
      %dma_wait3A_699 = tpu.memref_squeeze %dma_wait3A_698 : memref<1x512x128xf32, #tpu.memory_space<hbm>> -> memref<512x128xf32, #tpu.memory_space<hbm>>
      %dma_wait3A_700 = arith.constant 0 : i32
      %dma_wait3A_701 = tpu.memref_slice %arg3[%add3A_539, %mul3A_541, %dma_wait3A_700] : memref<1024x1024x128xf32, #tpu.memory_space<hbm>> -> memref<1x512x128xf32, #tpu.memory_space<hbm>>
      %dma_wait3A_702 = tpu.memref_squeeze %dma_wait3A_701 : memref<1x512x128xf32, #tpu.memory_space<hbm>> -> memref<512x128xf32, #tpu.memory_space<hbm>>
      %dma_wait3A_703 = arith.constant 16 : i32
      %dma_wait3A_704 = arith.constant 0 : i32
      %dma_wait3A_705 = tpu.memref_slice %arg7[%dma_wait3A_703, %dma_wait3A_704] : memref<548x128xf32, #tpu.memory_space<vmem>> -> memref<512x128xf32, #tpu.memory_space<vmem>>
      tpu.wait_dma2 semaphore(%arg8 : memref<!tpu.dma_semaphore, #tpu.memory_space<semaphore_mem>>) src(%dma_wait3A_705 : memref<512x128xf32, #tpu.memory_space<vmem>>) dst(%dma_wait3A_702 : memref<512x128xf32, #tpu.memory_space<hbm>>)
      %add3A_706 = arith.constant 25 : i32
      %add3A_707 = arith.addi %add3A_60, %add3A_706 : i32
      %mul3A_708 = arith.constant 512 : i32
      %mul3A_709 = arith.muli %mul3A_708, %select_n3A_54 : i32
      %dma_start3A_710 = arith.constant 10 : i32
      %dma_start3A_711 = arith.constant 0 : i32
      %dma_start3A_712 = tpu.memref_slice %arg7[%dma_start3A_710, %dma_start3A_711] : memref<548x128xf32, #tpu.memory_space<vmem>> -> memref<512x128xf32, #tpu.memory_space<vmem>>
      %dma_start3A_713 = arith.constant 0 : i32
      %dma_start3A_714 = tpu.memref_slice %arg3[%add3A_707, %mul3A_709, %dma_start3A_713] : memref<1024x1024x128xf32, #tpu.memory_space<hbm>> -> memref<1x512x128xf32, #tpu.memory_space<hbm>>
      %dma_start3A_715 = tpu.memref_squeeze %dma_start3A_714 : memref<1x512x128xf32, #tpu.memory_space<hbm>> -> memref<512x128xf32, #tpu.memory_space<hbm>>
      %dma_start3A_716 = arith.constant 0 : i32
      %dma_start3A_717 = tpu.memref_slice %arg3[%add3A_707, %mul3A_709, %dma_start3A_716] : memref<1024x1024x128xf32, #tpu.memory_space<hbm>> -> memref<1x512x128xf32, #tpu.memory_space<hbm>>
      %dma_start3A_718 = tpu.memref_squeeze %dma_start3A_717 : memref<1x512x128xf32, #tpu.memory_space<hbm>> -> memref<512x128xf32, #tpu.memory_space<hbm>>
      %dma_start3A_719 = arith.constant 10 : i32
      %dma_start3A_720 = arith.constant 0 : i32
      %dma_start3A_721 = tpu.memref_slice %arg7[%dma_start3A_719, %dma_start3A_720] : memref<548x128xf32, #tpu.memory_space<vmem>> -> memref<512x128xf32, #tpu.memory_space<vmem>>
      tpu.enqueue_dma source(%dma_start3A_721 : memref<512x128xf32, #tpu.memory_space<vmem>>) target(%dma_start3A_718 : memref<512x128xf32, #tpu.memory_space<hbm>>) target_semaphore(%arg8 : memref<!tpu.dma_semaphore, #tpu.memory_space<semaphore_mem>>)
      %dma_wait3A_722 = arith.constant 15 : i32
      %dma_wait3A_723 = arith.constant 0 : i32
      %dma_wait3A_724 = tpu.memref_slice %arg7[%dma_wait3A_722, %dma_wait3A_723] : memref<548x128xf32, #tpu.memory_space<vmem>> -> memref<512x128xf32, #tpu.memory_space<vmem>>
      %dma_wait3A_725 = arith.constant 0 : i32
      %dma_wait3A_726 = tpu.memref_slice %arg3[%add3A_567, %mul3A_569, %dma_wait3A_725] : memref<1024x1024x128xf32, #tpu.memory_space<hbm>> -> memref<1x512x128xf32, #tpu.memory_space<hbm>>
      %dma_wait3A_727 = tpu.memref_squeeze %dma_wait3A_726 : memref<1x512x128xf32, #tpu.memory_space<hbm>> -> memref<512x128xf32, #tpu.memory_space<hbm>>
      %dma_wait3A_728 = arith.constant 0 : i32
      %dma_wait3A_729 = tpu.memref_slice %arg3[%add3A_567, %mul3A_569, %dma_wait3A_728] : memref<1024x1024x128xf32, #tpu.memory_space<hbm>> -> memref<1x512x128xf32, #tpu.memory_space<hbm>>
      %dma_wait3A_730 = tpu.memref_squeeze %dma_wait3A_729 : memref<1x512x128xf32, #tpu.memory_space<hbm>> -> memref<512x128xf32, #tpu.memory_space<hbm>>
      %dma_wait3A_731 = arith.constant 15 : i32
      %dma_wait3A_732 = arith.constant 0 : i32
      %dma_wait3A_733 = tpu.memref_slice %arg7[%dma_wait3A_731, %dma_wait3A_732] : memref<548x128xf32, #tpu.memory_space<vmem>> -> memref<512x128xf32, #tpu.memory_space<vmem>>
      tpu.wait_dma2 semaphore(%arg8 : memref<!tpu.dma_semaphore, #tpu.memory_space<semaphore_mem>>) src(%dma_wait3A_733 : memref<512x128xf32, #tpu.memory_space<vmem>>) dst(%dma_wait3A_730 : memref<512x128xf32, #tpu.memory_space<hbm>>)
      %add3A_734 = arith.constant 26 : i32
      %add3A_735 = arith.addi %add3A_60, %add3A_734 : i32
      %mul3A_736 = arith.constant 512 : i32
      %mul3A_737 = arith.muli %mul3A_736, %select_n3A_54 : i32
      %dma_start3A_738 = arith.constant 9 : i32
      %dma_start3A_739 = arith.constant 0 : i32
      %dma_start3A_740 = tpu.memref_slice %arg7[%dma_start3A_738, %dma_start3A_739] : memref<548x128xf32, #tpu.memory_space<vmem>> -> memref<512x128xf32, #tpu.memory_space<vmem>>
      %dma_start3A_741 = arith.constant 0 : i32
      %dma_start3A_742 = tpu.memref_slice %arg3[%add3A_735, %mul3A_737, %dma_start3A_741] : memref<1024x1024x128xf32, #tpu.memory_space<hbm>> -> memref<1x512x128xf32, #tpu.memory_space<hbm>>
      %dma_start3A_743 = tpu.memref_squeeze %dma_start3A_742 : memref<1x512x128xf32, #tpu.memory_space<hbm>> -> memref<512x128xf32, #tpu.memory_space<hbm>>
      %dma_start3A_744 = arith.constant 0 : i32
      %dma_start3A_745 = tpu.memref_slice %arg3[%add3A_735, %mul3A_737, %dma_start3A_744] : memref<1024x1024x128xf32, #tpu.memory_space<hbm>> -> memref<1x512x128xf32, #tpu.memory_space<hbm>>
      %dma_start3A_746 = tpu.memref_squeeze %dma_start3A_745 : memref<1x512x128xf32, #tpu.memory_space<hbm>> -> memref<512x128xf32, #tpu.memory_space<hbm>>
      %dma_start3A_747 = arith.constant 9 : i32
      %dma_start3A_748 = arith.constant 0 : i32
      %dma_start3A_749 = tpu.memref_slice %arg7[%dma_start3A_747, %dma_start3A_748] : memref<548x128xf32, #tpu.memory_space<vmem>> -> memref<512x128xf32, #tpu.memory_space<vmem>>
      tpu.enqueue_dma source(%dma_start3A_749 : memref<512x128xf32, #tpu.memory_space<vmem>>) target(%dma_start3A_746 : memref<512x128xf32, #tpu.memory_space<hbm>>) target_semaphore(%arg8 : memref<!tpu.dma_semaphore, #tpu.memory_space<semaphore_mem>>)
      %dma_wait3A_750 = arith.constant 14 : i32
      %dma_wait3A_751 = arith.constant 0 : i32
      %dma_wait3A_752 = tpu.memref_slice %arg7[%dma_wait3A_750, %dma_wait3A_751] : memref<548x128xf32, #tpu.memory_space<vmem>> -> memref<512x128xf32, #tpu.memory_space<vmem>>
      %dma_wait3A_753 = arith.constant 0 : i32
      %dma_wait3A_754 = tpu.memref_slice %arg3[%add3A_595, %mul3A_597, %dma_wait3A_753] : memref<1024x1024x128xf32, #tpu.memory_space<hbm>> -> memref<1x512x128xf32, #tpu.memory_space<hbm>>
      %dma_wait3A_755 = tpu.memref_squeeze %dma_wait3A_754 : memref<1x512x128xf32, #tpu.memory_space<hbm>> -> memref<512x128xf32, #tpu.memory_space<hbm>>
      %dma_wait3A_756 = arith.constant 0 : i32
      %dma_wait3A_757 = tpu.memref_slice %arg3[%add3A_595, %mul3A_597, %dma_wait3A_756] : memref<1024x1024x128xf32, #tpu.memory_space<hbm>> -> memref<1x512x128xf32, #tpu.memory_space<hbm>>
      %dma_wait3A_758 = tpu.memref_squeeze %dma_wait3A_757 : memref<1x512x128xf32, #tpu.memory_space<hbm>> -> memref<512x128xf32, #tpu.memory_space<hbm>>
      %dma_wait3A_759 = arith.constant 14 : i32
      %dma_wait3A_760 = arith.constant 0 : i32
      %dma_wait3A_761 = tpu.memref_slice %arg7[%dma_wait3A_759, %dma_wait3A_760] : memref<548x128xf32, #tpu.memory_space<vmem>> -> memref<512x128xf32, #tpu.memory_space<vmem>>
      tpu.wait_dma2 semaphore(%arg8 : memref<!tpu.dma_semaphore, #tpu.memory_space<semaphore_mem>>) src(%dma_wait3A_761 : memref<512x128xf32, #tpu.memory_space<vmem>>) dst(%dma_wait3A_758 : memref<512x128xf32, #tpu.memory_space<hbm>>)
      %add3A_762 = arith.constant 27 : i32
      %add3A_763 = arith.addi %add3A_60, %add3A_762 : i32
      %mul3A_764 = arith.constant 512 : i32
      %mul3A_765 = arith.muli %mul3A_764, %select_n3A_54 : i32
      %dma_start3A_766 = arith.constant 8 : i32
      %dma_start3A_767 = arith.constant 0 : i32
      %dma_start3A_768 = tpu.memref_slice %arg7[%dma_start3A_766, %dma_start3A_767] : memref<548x128xf32, #tpu.memory_space<vmem>> -> memref<512x128xf32, #tpu.memory_space<vmem>>
      %dma_start3A_769 = arith.constant 0 : i32
      %dma_start3A_770 = tpu.memref_slice %arg3[%add3A_763, %mul3A_765, %dma_start3A_769] : memref<1024x1024x128xf32, #tpu.memory_space<hbm>> -> memref<1x512x128xf32, #tpu.memory_space<hbm>>
      %dma_start3A_771 = tpu.memref_squeeze %dma_start3A_770 : memref<1x512x128xf32, #tpu.memory_space<hbm>> -> memref<512x128xf32, #tpu.memory_space<hbm>>
      %dma_start3A_772 = arith.constant 0 : i32
      %dma_start3A_773 = tpu.memref_slice %arg3[%add3A_763, %mul3A_765, %dma_start3A_772] : memref<1024x1024x128xf32, #tpu.memory_space<hbm>> -> memref<1x512x128xf32, #tpu.memory_space<hbm>>
      %dma_start3A_774 = tpu.memref_squeeze %dma_start3A_773 : memref<1x512x128xf32, #tpu.memory_space<hbm>> -> memref<512x128xf32, #tpu.memory_space<hbm>>
      %dma_start3A_775 = arith.constant 8 : i32
      %dma_start3A_776 = arith.constant 0 : i32
      %dma_start3A_777 = tpu.memref_slice %arg7[%dma_start3A_775, %dma_start3A_776] : memref<548x128xf32, #tpu.memory_space<vmem>> -> memref<512x128xf32, #tpu.memory_space<vmem>>
      tpu.enqueue_dma source(%dma_start3A_777 : memref<512x128xf32, #tpu.memory_space<vmem>>) target(%dma_start3A_774 : memref<512x128xf32, #tpu.memory_space<hbm>>) target_semaphore(%arg8 : memref<!tpu.dma_semaphore, #tpu.memory_space<semaphore_mem>>)
      %dma_wait3A_778 = arith.constant 13 : i32
      %dma_wait3A_779 = arith.constant 0 : i32
      %dma_wait3A_780 = tpu.memref_slice %arg7[%dma_wait3A_778, %dma_wait3A_779] : memref<548x128xf32, #tpu.memory_space<vmem>> -> memref<512x128xf32, #tpu.memory_space<vmem>>
      %dma_wait3A_781 = arith.constant 0 : i32
      %dma_wait3A_782 = tpu.memref_slice %arg3[%add3A_623, %mul3A_625, %dma_wait3A_781] : memref<1024x1024x128xf32, #tpu.memory_space<hbm>> -> memref<1x512x128xf32, #tpu.memory_space<hbm>>
      %dma_wait3A_783 = tpu.memref_squeeze %dma_wait3A_782 : memref<1x512x128xf32, #tpu.memory_space<hbm>> -> memref<512x128xf32, #tpu.memory_space<hbm>>
      %dma_wait3A_784 = arith.constant 0 : i32
      %dma_wait3A_785 = tpu.memref_slice %arg3[%add3A_623, %mul3A_625, %dma_wait3A_784] : memref<1024x1024x128xf32, #tpu.memory_space<hbm>> -> memref<1x512x128xf32, #tpu.memory_space<hbm>>
      %dma_wait3A_786 = tpu.memref_squeeze %dma_wait3A_785 : memref<1x512x128xf32, #tpu.memory_space<hbm>> -> memref<512x128xf32, #tpu.memory_space<hbm>>
      %dma_wait3A_787 = arith.constant 13 : i32
      %dma_wait3A_788 = arith.constant 0 : i32
      %dma_wait3A_789 = tpu.memref_slice %arg7[%dma_wait3A_787, %dma_wait3A_788] : memref<548x128xf32, #tpu.memory_space<vmem>> -> memref<512x128xf32, #tpu.memory_space<vmem>>
      tpu.wait_dma2 semaphore(%arg8 : memref<!tpu.dma_semaphore, #tpu.memory_space<semaphore_mem>>) src(%dma_wait3A_789 : memref<512x128xf32, #tpu.memory_space<vmem>>) dst(%dma_wait3A_786 : memref<512x128xf32, #tpu.memory_space<hbm>>)
      %add3A_790 = arith.constant 28 : i32
      %add3A_791 = arith.addi %add3A_60, %add3A_790 : i32
      %mul3A_792 = arith.constant 512 : i32
      %mul3A_793 = arith.muli %mul3A_792, %select_n3A_54 : i32
      %dma_start3A_794 = arith.constant 7 : i32
      %dma_start3A_795 = arith.constant 0 : i32
      %dma_start3A_796 = tpu.memref_slice %arg7[%dma_start3A_794, %dma_start3A_795] : memref<548x128xf32, #tpu.memory_space<vmem>> -> memref<512x128xf32, #tpu.memory_space<vmem>>
      %dma_start3A_797 = arith.constant 0 : i32
      %dma_start3A_798 = tpu.memref_slice %arg3[%add3A_791, %mul3A_793, %dma_start3A_797] : memref<1024x1024x128xf32, #tpu.memory_space<hbm>> -> memref<1x512x128xf32, #tpu.memory_space<hbm>>
      %dma_start3A_799 = tpu.memref_squeeze %dma_start3A_798 : memref<1x512x128xf32, #tpu.memory_space<hbm>> -> memref<512x128xf32, #tpu.memory_space<hbm>>
      %dma_start3A_800 = arith.constant 0 : i32
      %dma_start3A_801 = tpu.memref_slice %arg3[%add3A_791, %mul3A_793, %dma_start3A_800] : memref<1024x1024x128xf32, #tpu.memory_space<hbm>> -> memref<1x512x128xf32, #tpu.memory_space<hbm>>
      %dma_start3A_802 = tpu.memref_squeeze %dma_start3A_801 : memref<1x512x128xf32, #tpu.memory_space<hbm>> -> memref<512x128xf32, #tpu.memory_space<hbm>>
      %dma_start3A_803 = arith.constant 7 : i32
      %dma_start3A_804 = arith.constant 0 : i32
      %dma_start3A_805 = tpu.memref_slice %arg7[%dma_start3A_803, %dma_start3A_804] : memref<548x128xf32, #tpu.memory_space<vmem>> -> memref<512x128xf32, #tpu.memory_space<vmem>>
      tpu.enqueue_dma source(%dma_start3A_805 : memref<512x128xf32, #tpu.memory_space<vmem>>) target(%dma_start3A_802 : memref<512x128xf32, #tpu.memory_space<hbm>>) target_semaphore(%arg8 : memref<!tpu.dma_semaphore, #tpu.memory_space<semaphore_mem>>)
      %dma_wait3A_806 = arith.constant 12 : i32
      %dma_wait3A_807 = arith.constant 0 : i32
      %dma_wait3A_808 = tpu.memref_slice %arg7[%dma_wait3A_806, %dma_wait3A_807] : memref<548x128xf32, #tpu.memory_space<vmem>> -> memref<512x128xf32, #tpu.memory_space<vmem>>
      %dma_wait3A_809 = arith.constant 0 : i32
      %dma_wait3A_810 = tpu.memref_slice %arg3[%add3A_651, %mul3A_653, %dma_wait3A_809] : memref<1024x1024x128xf32, #tpu.memory_space<hbm>> -> memref<1x512x128xf32, #tpu.memory_space<hbm>>
      %dma_wait3A_811 = tpu.memref_squeeze %dma_wait3A_810 : memref<1x512x128xf32, #tpu.memory_space<hbm>> -> memref<512x128xf32, #tpu.memory_space<hbm>>
      %dma_wait3A_812 = arith.constant 0 : i32
      %dma_wait3A_813 = tpu.memref_slice %arg3[%add3A_651, %mul3A_653, %dma_wait3A_812] : memref<1024x1024x128xf32, #tpu.memory_space<hbm>> -> memref<1x512x128xf32, #tpu.memory_space<hbm>>
      %dma_wait3A_814 = tpu.memref_squeeze %dma_wait3A_813 : memref<1x512x128xf32, #tpu.memory_space<hbm>> -> memref<512x128xf32, #tpu.memory_space<hbm>>
      %dma_wait3A_815 = arith.constant 12 : i32
      %dma_wait3A_816 = arith.constant 0 : i32
      %dma_wait3A_817 = tpu.memref_slice %arg7[%dma_wait3A_815, %dma_wait3A_816] : memref<548x128xf32, #tpu.memory_space<vmem>> -> memref<512x128xf32, #tpu.memory_space<vmem>>
      tpu.wait_dma2 semaphore(%arg8 : memref<!tpu.dma_semaphore, #tpu.memory_space<semaphore_mem>>) src(%dma_wait3A_817 : memref<512x128xf32, #tpu.memory_space<vmem>>) dst(%dma_wait3A_814 : memref<512x128xf32, #tpu.memory_space<hbm>>)
      %add3A_818 = arith.constant 29 : i32
      %add3A_819 = arith.addi %add3A_60, %add3A_818 : i32
      %mul3A_820 = arith.constant 512 : i32
      %mul3A_821 = arith.muli %mul3A_820, %select_n3A_54 : i32
      %dma_start3A_822 = arith.constant 6 : i32
      %dma_start3A_823 = arith.constant 0 : i32
      %dma_start3A_824 = tpu.memref_slice %arg7[%dma_start3A_822, %dma_start3A_823] : memref<548x128xf32, #tpu.memory_space<vmem>> -> memref<512x128xf32, #tpu.memory_space<vmem>>
      %dma_start3A_825 = arith.constant 0 : i32
      %dma_start3A_826 = tpu.memref_slice %arg3[%add3A_819, %mul3A_821, %dma_start3A_825] : memref<1024x1024x128xf32, #tpu.memory_space<hbm>> -> memref<1x512x128xf32, #tpu.memory_space<hbm>>
      %dma_start3A_827 = tpu.memref_squeeze %dma_start3A_826 : memref<1x512x128xf32, #tpu.memory_space<hbm>> -> memref<512x128xf32, #tpu.memory_space<hbm>>
      %dma_start3A_828 = arith.constant 0 : i32
      %dma_start3A_829 = tpu.memref_slice %arg3[%add3A_819, %mul3A_821, %dma_start3A_828] : memref<1024x1024x128xf32, #tpu.memory_space<hbm>> -> memref<1x512x128xf32, #tpu.memory_space<hbm>>
      %dma_start3A_830 = tpu.memref_squeeze %dma_start3A_829 : memref<1x512x128xf32, #tpu.memory_space<hbm>> -> memref<512x128xf32, #tpu.memory_space<hbm>>
      %dma_start3A_831 = arith.constant 6 : i32
      %dma_start3A_832 = arith.constant 0 : i32
      %dma_start3A_833 = tpu.memref_slice %arg7[%dma_start3A_831, %dma_start3A_832] : memref<548x128xf32, #tpu.memory_space<vmem>> -> memref<512x128xf32, #tpu.memory_space<vmem>>
      tpu.enqueue_dma source(%dma_start3A_833 : memref<512x128xf32, #tpu.memory_space<vmem>>) target(%dma_start3A_830 : memref<512x128xf32, #tpu.memory_space<hbm>>) target_semaphore(%arg8 : memref<!tpu.dma_semaphore, #tpu.memory_space<semaphore_mem>>)
      %dma_wait3A_834 = arith.constant 11 : i32
      %dma_wait3A_835 = arith.constant 0 : i32
      %dma_wait3A_836 = tpu.memref_slice %arg7[%dma_wait3A_834, %dma_wait3A_835] : memref<548x128xf32, #tpu.memory_space<vmem>> -> memref<512x128xf32, #tpu.memory_space<vmem>>
      %dma_wait3A_837 = arith.constant 0 : i32
      %dma_wait3A_838 = tpu.memref_slice %arg3[%add3A_679, %mul3A_681, %dma_wait3A_837] : memref<1024x1024x128xf32, #tpu.memory_space<hbm>> -> memref<1x512x128xf32, #tpu.memory_space<hbm>>
      %dma_wait3A_839 = tpu.memref_squeeze %dma_wait3A_838 : memref<1x512x128xf32, #tpu.memory_space<hbm>> -> memref<512x128xf32, #tpu.memory_space<hbm>>
      %dma_wait3A_840 = arith.constant 0 : i32
      %dma_wait3A_841 = tpu.memref_slice %arg3[%add3A_679, %mul3A_681, %dma_wait3A_840] : memref<1024x1024x128xf32, #tpu.memory_space<hbm>> -> memref<1x512x128xf32, #tpu.memory_space<hbm>>
      %dma_wait3A_842 = tpu.memref_squeeze %dma_wait3A_841 : memref<1x512x128xf32, #tpu.memory_space<hbm>> -> memref<512x128xf32, #tpu.memory_space<hbm>>
      %dma_wait3A_843 = arith.constant 11 : i32
      %dma_wait3A_844 = arith.constant 0 : i32
      %dma_wait3A_845 = tpu.memref_slice %arg7[%dma_wait3A_843, %dma_wait3A_844] : memref<548x128xf32, #tpu.memory_space<vmem>> -> memref<512x128xf32, #tpu.memory_space<vmem>>
      tpu.wait_dma2 semaphore(%arg8 : memref<!tpu.dma_semaphore, #tpu.memory_space<semaphore_mem>>) src(%dma_wait3A_845 : memref<512x128xf32, #tpu.memory_space<vmem>>) dst(%dma_wait3A_842 : memref<512x128xf32, #tpu.memory_space<hbm>>)
      %add3A_846 = arith.constant 30 : i32
      %add3A_847 = arith.addi %add3A_60, %add3A_846 : i32
      %mul3A_848 = arith.constant 512 : i32
      %mul3A_849 = arith.muli %mul3A_848, %select_n3A_54 : i32
      %dma_start3A_850 = arith.constant 5 : i32
      %dma_start3A_851 = arith.constant 0 : i32
      %dma_start3A_852 = tpu.memref_slice %arg7[%dma_start3A_850, %dma_start3A_851] : memref<548x128xf32, #tpu.memory_space<vmem>> -> memref<512x128xf32, #tpu.memory_space<vmem>>
      %dma_start3A_853 = arith.constant 0 : i32
      %dma_start3A_854 = tpu.memref_slice %arg3[%add3A_847, %mul3A_849, %dma_start3A_853] : memref<1024x1024x128xf32, #tpu.memory_space<hbm>> -> memref<1x512x128xf32, #tpu.memory_space<hbm>>
      %dma_start3A_855 = tpu.memref_squeeze %dma_start3A_854 : memref<1x512x128xf32, #tpu.memory_space<hbm>> -> memref<512x128xf32, #tpu.memory_space<hbm>>
      %dma_start3A_856 = arith.constant 0 : i32
      %dma_start3A_857 = tpu.memref_slice %arg3[%add3A_847, %mul3A_849, %dma_start3A_856] : memref<1024x1024x128xf32, #tpu.memory_space<hbm>> -> memref<1x512x128xf32, #tpu.memory_space<hbm>>
      %dma_start3A_858 = tpu.memref_squeeze %dma_start3A_857 : memref<1x512x128xf32, #tpu.memory_space<hbm>> -> memref<512x128xf32, #tpu.memory_space<hbm>>
      %dma_start3A_859 = arith.constant 5 : i32
      %dma_start3A_860 = arith.constant 0 : i32
      %dma_start3A_861 = tpu.memref_slice %arg7[%dma_start3A_859, %dma_start3A_860] : memref<548x128xf32, #tpu.memory_space<vmem>> -> memref<512x128xf32, #tpu.memory_space<vmem>>
      tpu.enqueue_dma source(%dma_start3A_861 : memref<512x128xf32, #tpu.memory_space<vmem>>) target(%dma_start3A_858 : memref<512x128xf32, #tpu.memory_space<hbm>>) target_semaphore(%arg8 : memref<!tpu.dma_semaphore, #tpu.memory_space<semaphore_mem>>)
      %dma_wait3A_862 = arith.constant 10 : i32
      %dma_wait3A_863 = arith.constant 0 : i32
      %dma_wait3A_864 = tpu.memref_slice %arg7[%dma_wait3A_862, %dma_wait3A_863] : memref<548x128xf32, #tpu.memory_space<vmem>> -> memref<512x128xf32, #tpu.memory_space<vmem>>
      %dma_wait3A_865 = arith.constant 0 : i32
      %dma_wait3A_866 = tpu.memref_slice %arg3[%add3A_707, %mul3A_709, %dma_wait3A_865] : memref<1024x1024x128xf32, #tpu.memory_space<hbm>> -> memref<1x512x128xf32, #tpu.memory_space<hbm>>
      %dma_wait3A_867 = tpu.memref_squeeze %dma_wait3A_866 : memref<1x512x128xf32, #tpu.memory_space<hbm>> -> memref<512x128xf32, #tpu.memory_space<hbm>>
      %dma_wait3A_868 = arith.constant 0 : i32
      %dma_wait3A_869 = tpu.memref_slice %arg3[%add3A_707, %mul3A_709, %dma_wait3A_868] : memref<1024x1024x128xf32, #tpu.memory_space<hbm>> -> memref<1x512x128xf32, #tpu.memory_space<hbm>>
      %dma_wait3A_870 = tpu.memref_squeeze %dma_wait3A_869 : memref<1x512x128xf32, #tpu.memory_space<hbm>> -> memref<512x128xf32, #tpu.memory_space<hbm>>
      %dma_wait3A_871 = arith.constant 10 : i32
      %dma_wait3A_872 = arith.constant 0 : i32
      %dma_wait3A_873 = tpu.memref_slice %arg7[%dma_wait3A_871, %dma_wait3A_872] : memref<548x128xf32, #tpu.memory_space<vmem>> -> memref<512x128xf32, #tpu.memory_space<vmem>>
      tpu.wait_dma2 semaphore(%arg8 : memref<!tpu.dma_semaphore, #tpu.memory_space<semaphore_mem>>) src(%dma_wait3A_873 : memref<512x128xf32, #tpu.memory_space<vmem>>) dst(%dma_wait3A_870 : memref<512x128xf32, #tpu.memory_space<hbm>>)
      %add3A_874 = arith.constant 31 : i32
      %add3A_875 = arith.addi %add3A_60, %add3A_874 : i32
      %mul3A_876 = arith.constant 512 : i32
      %mul3A_877 = arith.muli %mul3A_876, %select_n3A_54 : i32
      %dma_start3A_878 = arith.constant 4 : i32
      %dma_start3A_879 = arith.constant 0 : i32
      %dma_start3A_880 = tpu.memref_slice %arg7[%dma_start3A_878, %dma_start3A_879] : memref<548x128xf32, #tpu.memory_space<vmem>> -> memref<512x128xf32, #tpu.memory_space<vmem>>
      %dma_start3A_881 = arith.constant 0 : i32
      %dma_start3A_882 = tpu.memref_slice %arg3[%add3A_875, %mul3A_877, %dma_start3A_881] : memref<1024x1024x128xf32, #tpu.memory_space<hbm>> -> memref<1x512x128xf32, #tpu.memory_space<hbm>>
      %dma_start3A_883 = tpu.memref_squeeze %dma_start3A_882 : memref<1x512x128xf32, #tpu.memory_space<hbm>> -> memref<512x128xf32, #tpu.memory_space<hbm>>
      %dma_start3A_884 = arith.constant 0 : i32
      %dma_start3A_885 = tpu.memref_slice %arg3[%add3A_875, %mul3A_877, %dma_start3A_884] : memref<1024x1024x128xf32, #tpu.memory_space<hbm>> -> memref<1x512x128xf32, #tpu.memory_space<hbm>>
      %dma_start3A_886 = tpu.memref_squeeze %dma_start3A_885 : memref<1x512x128xf32, #tpu.memory_space<hbm>> -> memref<512x128xf32, #tpu.memory_space<hbm>>
      %dma_start3A_887 = arith.constant 4 : i32
      %dma_start3A_888 = arith.constant 0 : i32
      %dma_start3A_889 = tpu.memref_slice %arg7[%dma_start3A_887, %dma_start3A_888] : memref<548x128xf32, #tpu.memory_space<vmem>> -> memref<512x128xf32, #tpu.memory_space<vmem>>
      tpu.enqueue_dma source(%dma_start3A_889 : memref<512x128xf32, #tpu.memory_space<vmem>>) target(%dma_start3A_886 : memref<512x128xf32, #tpu.memory_space<hbm>>) target_semaphore(%arg8 : memref<!tpu.dma_semaphore, #tpu.memory_space<semaphore_mem>>)
      %dma_wait3A_890 = arith.constant 9 : i32
      %dma_wait3A_891 = arith.constant 0 : i32
      %dma_wait3A_892 = tpu.memref_slice %arg7[%dma_wait3A_890, %dma_wait3A_891] : memref<548x128xf32, #tpu.memory_space<vmem>> -> memref<512x128xf32, #tpu.memory_space<vmem>>
      %dma_wait3A_893 = arith.constant 0 : i32
      %dma_wait3A_894 = tpu.memref_slice %arg3[%add3A_735, %mul3A_737, %dma_wait3A_893] : memref<1024x1024x128xf32, #tpu.memory_space<hbm>> -> memref<1x512x128xf32, #tpu.memory_space<hbm>>
      %dma_wait3A_895 = tpu.memref_squeeze %dma_wait3A_894 : memref<1x512x128xf32, #tpu.memory_space<hbm>> -> memref<512x128xf32, #tpu.memory_space<hbm>>
      %dma_wait3A_896 = arith.constant 0 : i32
      %dma_wait3A_897 = tpu.memref_slice %arg3[%add3A_735, %mul3A_737, %dma_wait3A_896] : memref<1024x1024x128xf32, #tpu.memory_space<hbm>> -> memref<1x512x128xf32, #tpu.memory_space<hbm>>
      %dma_wait3A_898 = tpu.memref_squeeze %dma_wait3A_897 : memref<1x512x128xf32, #tpu.memory_space<hbm>> -> memref<512x128xf32, #tpu.memory_space<hbm>>
      %dma_wait3A_899 = arith.constant 9 : i32
      %dma_wait3A_900 = arith.constant 0 : i32
      %dma_wait3A_901 = tpu.memref_slice %arg7[%dma_wait3A_899, %dma_wait3A_900] : memref<548x128xf32, #tpu.memory_space<vmem>> -> memref<512x128xf32, #tpu.memory_space<vmem>>
      tpu.wait_dma2 semaphore(%arg8 : memref<!tpu.dma_semaphore, #tpu.memory_space<semaphore_mem>>) src(%dma_wait3A_901 : memref<512x128xf32, #tpu.memory_space<vmem>>) dst(%dma_wait3A_898 : memref<512x128xf32, #tpu.memory_space<hbm>>)
      %add3A_902 = arith.constant 32 : i32
      %add3A_903 = arith.addi %add3A_60, %add3A_902 : i32
      %mul3A_904 = arith.constant 512 : i32
      %mul3A_905 = arith.muli %mul3A_904, %select_n3A_54 : i32
      %dma_start3A_906 = arith.constant 3 : i32
      %dma_start3A_907 = arith.constant 0 : i32
      %dma_start3A_908 = tpu.memref_slice %arg7[%dma_start3A_906, %dma_start3A_907] : memref<548x128xf32, #tpu.memory_space<vmem>> -> memref<512x128xf32, #tpu.memory_space<vmem>>
      %dma_start3A_909 = arith.constant 0 : i32
      %dma_start3A_910 = tpu.memref_slice %arg3[%add3A_903, %mul3A_905, %dma_start3A_909] : memref<1024x1024x128xf32, #tpu.memory_space<hbm>> -> memref<1x512x128xf32, #tpu.memory_space<hbm>>
      %dma_start3A_911 = tpu.memref_squeeze %dma_start3A_910 : memref<1x512x128xf32, #tpu.memory_space<hbm>> -> memref<512x128xf32, #tpu.memory_space<hbm>>
      %dma_start3A_912 = arith.constant 0 : i32
      %dma_start3A_913 = tpu.memref_slice %arg3[%add3A_903, %mul3A_905, %dma_start3A_912] : memref<1024x1024x128xf32, #tpu.memory_space<hbm>> -> memref<1x512x128xf32, #tpu.memory_space<hbm>>
      %dma_start3A_914 = tpu.memref_squeeze %dma_start3A_913 : memref<1x512x128xf32, #tpu.memory_space<hbm>> -> memref<512x128xf32, #tpu.memory_space<hbm>>
      %dma_start3A_915 = arith.constant 3 : i32
      %dma_start3A_916 = arith.constant 0 : i32
      %dma_start3A_917 = tpu.memref_slice %arg7[%dma_start3A_915, %dma_start3A_916] : memref<548x128xf32, #tpu.memory_space<vmem>> -> memref<512x128xf32, #tpu.memory_space<vmem>>
      tpu.enqueue_dma source(%dma_start3A_917 : memref<512x128xf32, #tpu.memory_space<vmem>>) target(%dma_start3A_914 : memref<512x128xf32, #tpu.memory_space<hbm>>) target_semaphore(%arg8 : memref<!tpu.dma_semaphore, #tpu.memory_space<semaphore_mem>>)
      %dma_wait3A_918 = arith.constant 8 : i32
      %dma_wait3A_919 = arith.constant 0 : i32
      %dma_wait3A_920 = tpu.memref_slice %arg7[%dma_wait3A_918, %dma_wait3A_919] : memref<548x128xf32, #tpu.memory_space<vmem>> -> memref<512x128xf32, #tpu.memory_space<vmem>>
      %dma_wait3A_921 = arith.constant 0 : i32
      %dma_wait3A_922 = tpu.memref_slice %arg3[%add3A_763, %mul3A_765, %dma_wait3A_921] : memref<1024x1024x128xf32, #tpu.memory_space<hbm>> -> memref<1x512x128xf32, #tpu.memory_space<hbm>>
      %dma_wait3A_923 = tpu.memref_squeeze %dma_wait3A_922 : memref<1x512x128xf32, #tpu.memory_space<hbm>> -> memref<512x128xf32, #tpu.memory_space<hbm>>
      %dma_wait3A_924 = arith.constant 0 : i32
      %dma_wait3A_925 = tpu.memref_slice %arg3[%add3A_763, %mul3A_765, %dma_wait3A_924] : memref<1024x1024x128xf32, #tpu.memory_space<hbm>> -> memref<1x512x128xf32, #tpu.memory_space<hbm>>
      %dma_wait3A_926 = tpu.memref_squeeze %dma_wait3A_925 : memref<1x512x128xf32, #tpu.memory_space<hbm>> -> memref<512x128xf32, #tpu.memory_space<hbm>>
      %dma_wait3A_927 = arith.constant 8 : i32
      %dma_wait3A_928 = arith.constant 0 : i32
      %dma_wait3A_929 = tpu.memref_slice %arg7[%dma_wait3A_927, %dma_wait3A_928] : memref<548x128xf32, #tpu.memory_space<vmem>> -> memref<512x128xf32, #tpu.memory_space<vmem>>
      tpu.wait_dma2 semaphore(%arg8 : memref<!tpu.dma_semaphore, #tpu.memory_space<semaphore_mem>>) src(%dma_wait3A_929 : memref<512x128xf32, #tpu.memory_space<vmem>>) dst(%dma_wait3A_926 : memref<512x128xf32, #tpu.memory_space<hbm>>)
      %add3A_930 = arith.constant 33 : i32
      %add3A_931 = arith.addi %add3A_60, %add3A_930 : i32
      %mul3A_932 = arith.constant 512 : i32
      %mul3A_933 = arith.muli %mul3A_932, %select_n3A_54 : i32
      %dma_start3A_934 = arith.constant 2 : i32
      %dma_start3A_935 = arith.constant 0 : i32
      %dma_start3A_936 = tpu.memref_slice %arg7[%dma_start3A_934, %dma_start3A_935] : memref<548x128xf32, #tpu.memory_space<vmem>> -> memref<512x128xf32, #tpu.memory_space<vmem>>
      %dma_start3A_937 = arith.constant 0 : i32
      %dma_start3A_938 = tpu.memref_slice %arg3[%add3A_931, %mul3A_933, %dma_start3A_937] : memref<1024x1024x128xf32, #tpu.memory_space<hbm>> -> memref<1x512x128xf32, #tpu.memory_space<hbm>>
      %dma_start3A_939 = tpu.memref_squeeze %dma_start3A_938 : memref<1x512x128xf32, #tpu.memory_space<hbm>> -> memref<512x128xf32, #tpu.memory_space<hbm>>
      %dma_start3A_940 = arith.constant 0 : i32
      %dma_start3A_941 = tpu.memref_slice %arg3[%add3A_931, %mul3A_933, %dma_start3A_940] : memref<1024x1024x128xf32, #tpu.memory_space<hbm>> -> memref<1x512x128xf32, #tpu.memory_space<hbm>>
      %dma_start3A_942 = tpu.memref_squeeze %dma_start3A_941 : memref<1x512x128xf32, #tpu.memory_space<hbm>> -> memref<512x128xf32, #tpu.memory_space<hbm>>
      %dma_start3A_943 = arith.constant 2 : i32
      %dma_start3A_944 = arith.constant 0 : i32
      %dma_start3A_945 = tpu.memref_slice %arg7[%dma_start3A_943, %dma_start3A_944] : memref<548x128xf32, #tpu.memory_space<vmem>> -> memref<512x128xf32, #tpu.memory_space<vmem>>
      tpu.enqueue_dma source(%dma_start3A_945 : memref<512x128xf32, #tpu.memory_space<vmem>>) target(%dma_start3A_942 : memref<512x128xf32, #tpu.memory_space<hbm>>) target_semaphore(%arg8 : memref<!tpu.dma_semaphore, #tpu.memory_space<semaphore_mem>>)
      %dma_wait3A_946 = arith.constant 7 : i32
      %dma_wait3A_947 = arith.constant 0 : i32
      %dma_wait3A_948 = tpu.memref_slice %arg7[%dma_wait3A_946, %dma_wait3A_947] : memref<548x128xf32, #tpu.memory_space<vmem>> -> memref<512x128xf32, #tpu.memory_space<vmem>>
      %dma_wait3A_949 = arith.constant 0 : i32
      %dma_wait3A_950 = tpu.memref_slice %arg3[%add3A_791, %mul3A_793, %dma_wait3A_949] : memref<1024x1024x128xf32, #tpu.memory_space<hbm>> -> memref<1x512x128xf32, #tpu.memory_space<hbm>>
      %dma_wait3A_951 = tpu.memref_squeeze %dma_wait3A_950 : memref<1x512x128xf32, #tpu.memory_space<hbm>> -> memref<512x128xf32, #tpu.memory_space<hbm>>
      %dma_wait3A_952 = arith.constant 0 : i32
      %dma_wait3A_953 = tpu.memref_slice %arg3[%add3A_791, %mul3A_793, %dma_wait3A_952] : memref<1024x1024x128xf32, #tpu.memory_space<hbm>> -> memref<1x512x128xf32, #tpu.memory_space<hbm>>
      %dma_wait3A_954 = tpu.memref_squeeze %dma_wait3A_953 : memref<1x512x128xf32, #tpu.memory_space<hbm>> -> memref<512x128xf32, #tpu.memory_space<hbm>>
      %dma_wait3A_955 = arith.constant 7 : i32
      %dma_wait3A_956 = arith.constant 0 : i32
      %dma_wait3A_957 = tpu.memref_slice %arg7[%dma_wait3A_955, %dma_wait3A_956] : memref<548x128xf32, #tpu.memory_space<vmem>> -> memref<512x128xf32, #tpu.memory_space<vmem>>
      tpu.wait_dma2 semaphore(%arg8 : memref<!tpu.dma_semaphore, #tpu.memory_space<semaphore_mem>>) src(%dma_wait3A_957 : memref<512x128xf32, #tpu.memory_space<vmem>>) dst(%dma_wait3A_954 : memref<512x128xf32, #tpu.memory_space<hbm>>)
      %add3A_958 = arith.constant 34 : i32
      %add3A_959 = arith.addi %add3A_60, %add3A_958 : i32
      %mul3A_960 = arith.constant 512 : i32
      %mul3A_961 = arith.muli %mul3A_960, %select_n3A_54 : i32
      %dma_start3A_962 = arith.constant 1 : i32
      %dma_start3A_963 = arith.constant 0 : i32
      %dma_start3A_964 = tpu.memref_slice %arg7[%dma_start3A_962, %dma_start3A_963] : memref<548x128xf32, #tpu.memory_space<vmem>> -> memref<512x128xf32, #tpu.memory_space<vmem>>
      %dma_start3A_965 = arith.constant 0 : i32
      %dma_start3A_966 = tpu.memref_slice %arg3[%add3A_959, %mul3A_961, %dma_start3A_965] : memref<1024x1024x128xf32, #tpu.memory_space<hbm>> -> memref<1x512x128xf32, #tpu.memory_space<hbm>>
      %dma_start3A_967 = tpu.memref_squeeze %dma_start3A_966 : memref<1x512x128xf32, #tpu.memory_space<hbm>> -> memref<512x128xf32, #tpu.memory_space<hbm>>
      %dma_start3A_968 = arith.constant 0 : i32
      %dma_start3A_969 = tpu.memref_slice %arg3[%add3A_959, %mul3A_961, %dma_start3A_968] : memref<1024x1024x128xf32, #tpu.memory_space<hbm>> -> memref<1x512x128xf32, #tpu.memory_space<hbm>>
      %dma_start3A_970 = tpu.memref_squeeze %dma_start3A_969 : memref<1x512x128xf32, #tpu.memory_space<hbm>> -> memref<512x128xf32, #tpu.memory_space<hbm>>
      %dma_start3A_971 = arith.constant 1 : i32
      %dma_start3A_972 = arith.constant 0 : i32
      %dma_start3A_973 = tpu.memref_slice %arg7[%dma_start3A_971, %dma_start3A_972] : memref<548x128xf32, #tpu.memory_space<vmem>> -> memref<512x128xf32, #tpu.memory_space<vmem>>
      tpu.enqueue_dma source(%dma_start3A_973 : memref<512x128xf32, #tpu.memory_space<vmem>>) target(%dma_start3A_970 : memref<512x128xf32, #tpu.memory_space<hbm>>) target_semaphore(%arg8 : memref<!tpu.dma_semaphore, #tpu.memory_space<semaphore_mem>>)
      %dma_wait3A_974 = arith.constant 6 : i32
      %dma_wait3A_975 = arith.constant 0 : i32
      %dma_wait3A_976 = tpu.memref_slice %arg7[%dma_wait3A_974, %dma_wait3A_975] : memref<548x128xf32, #tpu.memory_space<vmem>> -> memref<512x128xf32, #tpu.memory_space<vmem>>
      %dma_wait3A_977 = arith.constant 0 : i32
      %dma_wait3A_978 = tpu.memref_slice %arg3[%add3A_819, %mul3A_821, %dma_wait3A_977] : memref<1024x1024x128xf32, #tpu.memory_space<hbm>> -> memref<1x512x128xf32, #tpu.memory_space<hbm>>
      %dma_wait3A_979 = tpu.memref_squeeze %dma_wait3A_978 : memref<1x512x128xf32, #tpu.memory_space<hbm>> -> memref<512x128xf32, #tpu.memory_space<hbm>>
      %dma_wait3A_980 = arith.constant 0 : i32
      %dma_wait3A_981 = tpu.memref_slice %arg3[%add3A_819, %mul3A_821, %dma_wait3A_980] : memref<1024x1024x128xf32, #tpu.memory_space<hbm>> -> memref<1x512x128xf32, #tpu.memory_space<hbm>>
      %dma_wait3A_982 = tpu.memref_squeeze %dma_wait3A_981 : memref<1x512x128xf32, #tpu.memory_space<hbm>> -> memref<512x128xf32, #tpu.memory_space<hbm>>
      %dma_wait3A_983 = arith.constant 6 : i32
      %dma_wait3A_984 = arith.constant 0 : i32
      %dma_wait3A_985 = tpu.memref_slice %arg7[%dma_wait3A_983, %dma_wait3A_984] : memref<548x128xf32, #tpu.memory_space<vmem>> -> memref<512x128xf32, #tpu.memory_space<vmem>>
      tpu.wait_dma2 semaphore(%arg8 : memref<!tpu.dma_semaphore, #tpu.memory_space<semaphore_mem>>) src(%dma_wait3A_985 : memref<512x128xf32, #tpu.memory_space<vmem>>) dst(%dma_wait3A_982 : memref<512x128xf32, #tpu.memory_space<hbm>>)
      %add3A_986 = arith.constant 35 : i32
      %add3A_987 = arith.addi %add3A_60, %add3A_986 : i32
      %mul3A_988 = arith.constant 512 : i32
      %mul3A_989 = arith.muli %mul3A_988, %select_n3A_54 : i32
      %dma_start3A_990 = arith.constant 0 : i32
      %dma_start3A_991 = arith.constant 0 : i32
      %dma_start3A_992 = tpu.memref_slice %arg7[%dma_start3A_990, %dma_start3A_991] : memref<548x128xf32, #tpu.memory_space<vmem>> -> memref<512x128xf32, #tpu.memory_space<vmem>>
      %dma_start3A_993 = arith.constant 0 : i32
      %dma_start3A_994 = tpu.memref_slice %arg3[%add3A_987, %mul3A_989, %dma_start3A_993] : memref<1024x1024x128xf32, #tpu.memory_space<hbm>> -> memref<1x512x128xf32, #tpu.memory_space<hbm>>
      %dma_start3A_995 = tpu.memref_squeeze %dma_start3A_994 : memref<1x512x128xf32, #tpu.memory_space<hbm>> -> memref<512x128xf32, #tpu.memory_space<hbm>>
      %dma_start3A_996 = arith.constant 0 : i32
      %dma_start3A_997 = tpu.memref_slice %arg3[%add3A_987, %mul3A_989, %dma_start3A_996] : memref<1024x1024x128xf32, #tpu.memory_space<hbm>> -> memref<1x512x128xf32, #tpu.memory_space<hbm>>
      %dma_start3A_998 = tpu.memref_squeeze %dma_start3A_997 : memref<1x512x128xf32, #tpu.memory_space<hbm>> -> memref<512x128xf32, #tpu.memory_space<hbm>>
      %dma_start3A_999 = arith.constant 0 : i32
      %dma_start3A_1000 = arith.constant 0 : i32
      %dma_start3A_1001 = tpu.memref_slice %arg7[%dma_start3A_999, %dma_start3A_1000] : memref<548x128xf32, #tpu.memory_space<vmem>> -> memref<512x128xf32, #tpu.memory_space<vmem>>
      tpu.enqueue_dma source(%dma_start3A_1001 : memref<512x128xf32, #tpu.memory_space<vmem>>) target(%dma_start3A_998 : memref<512x128xf32, #tpu.memory_space<hbm>>) target_semaphore(%arg8 : memref<!tpu.dma_semaphore, #tpu.memory_space<semaphore_mem>>)
      %dma_wait3A_1002 = arith.constant 5 : i32
      %dma_wait3A_1003 = arith.constant 0 : i32
      %dma_wait3A_1004 = tpu.memref_slice %arg7[%dma_wait3A_1002, %dma_wait3A_1003] : memref<548x128xf32, #tpu.memory_space<vmem>> -> memref<512x128xf32, #tpu.memory_space<vmem>>
      %dma_wait3A_1005 = arith.constant 0 : i32
      %dma_wait3A_1006 = tpu.memref_slice %arg3[%add3A_847, %mul3A_849, %dma_wait3A_1005] : memref<1024x1024x128xf32, #tpu.memory_space<hbm>> -> memref<1x512x128xf32, #tpu.memory_space<hbm>>
      %dma_wait3A_1007 = tpu.memref_squeeze %dma_wait3A_1006 : memref<1x512x128xf32, #tpu.memory_space<hbm>> -> memref<512x128xf32, #tpu.memory_space<hbm>>
      %dma_wait3A_1008 = arith.constant 0 : i32
      %dma_wait3A_1009 = tpu.memref_slice %arg3[%add3A_847, %mul3A_849, %dma_wait3A_1008] : memref<1024x1024x128xf32, #tpu.memory_space<hbm>> -> memref<1x512x128xf32, #tpu.memory_space<hbm>>
      %dma_wait3A_1010 = tpu.memref_squeeze %dma_wait3A_1009 : memref<1x512x128xf32, #tpu.memory_space<hbm>> -> memref<512x128xf32, #tpu.memory_space<hbm>>
      %dma_wait3A_1011 = arith.constant 5 : i32
      %dma_wait3A_1012 = arith.constant 0 : i32
      %dma_wait3A_1013 = tpu.memref_slice %arg7[%dma_wait3A_1011, %dma_wait3A_1012] : memref<548x128xf32, #tpu.memory_space<vmem>> -> memref<512x128xf32, #tpu.memory_space<vmem>>
      tpu.wait_dma2 semaphore(%arg8 : memref<!tpu.dma_semaphore, #tpu.memory_space<semaphore_mem>>) src(%dma_wait3A_1013 : memref<512x128xf32, #tpu.memory_space<vmem>>) dst(%dma_wait3A_1010 : memref<512x128xf32, #tpu.memory_space<hbm>>)
      %dma_wait3A_1014 = arith.constant 4 : i32
      %dma_wait3A_1015 = arith.constant 0 : i32
      %dma_wait3A_1016 = tpu.memref_slice %arg7[%dma_wait3A_1014, %dma_wait3A_1015] : memref<548x128xf32, #tpu.memory_space<vmem>> -> memref<512x128xf32, #tpu.memory_space<vmem>>
      %dma_wait3A_1017 = arith.constant 0 : i32
      %dma_wait3A_1018 = tpu.memref_slice %arg3[%add3A_875, %mul3A_877, %dma_wait3A_1017] : memref<1024x1024x128xf32, #tpu.memory_space<hbm>> -> memref<1x512x128xf32, #tpu.memory_space<hbm>>
      %dma_wait3A_1019 = tpu.memref_squeeze %dma_wait3A_1018 : memref<1x512x128xf32, #tpu.memory_space<hbm>> -> memref<512x128xf32, #tpu.memory_space<hbm>>
      %dma_wait3A_1020 = arith.constant 0 : i32
      %dma_wait3A_1021 = tpu.memref_slice %arg3[%add3A_875, %mul3A_877, %dma_wait3A_1020] : memref<1024x1024x128xf32, #tpu.memory_space<hbm>> -> memref<1x512x128xf32, #tpu.memory_space<hbm>>
      %dma_wait3A_1022 = tpu.memref_squeeze %dma_wait3A_1021 : memref<1x512x128xf32, #tpu.memory_space<hbm>> -> memref<512x128xf32, #tpu.memory_space<hbm>>
      %dma_wait3A_1023 = arith.constant 4 : i32
      %dma_wait3A_1024 = arith.constant 0 : i32
      %dma_wait3A_1025 = tpu.memref_slice %arg7[%dma_wait3A_1023, %dma_wait3A_1024] : memref<548x128xf32, #tpu.memory_space<vmem>> -> memref<512x128xf32, #tpu.memory_space<vmem>>
      tpu.wait_dma2 semaphore(%arg8 : memref<!tpu.dma_semaphore, #tpu.memory_space<semaphore_mem>>) src(%dma_wait3A_1025 : memref<512x128xf32, #tpu.memory_space<vmem>>) dst(%dma_wait3A_1022 : memref<512x128xf32, #tpu.memory_space<hbm>>)
      %dma_wait3A_1026 = arith.constant 3 : i32
      %dma_wait3A_1027 = arith.constant 0 : i32
      %dma_wait3A_1028 = tpu.memref_slice %arg7[%dma_wait3A_1026, %dma_wait3A_1027] : memref<548x128xf32, #tpu.memory_space<vmem>> -> memref<512x128xf32, #tpu.memory_space<vmem>>
      %dma_wait3A_1029 = arith.constant 0 : i32
      %dma_wait3A_1030 = tpu.memref_slice %arg3[%add3A_903, %mul3A_905, %dma_wait3A_1029] : memref<1024x1024x128xf32, #tpu.memory_space<hbm>> -> memref<1x512x128xf32, #tpu.memory_space<hbm>>
      %dma_wait3A_1031 = tpu.memref_squeeze %dma_wait3A_1030 : memref<1x512x128xf32, #tpu.memory_space<hbm>> -> memref<512x128xf32, #tpu.memory_space<hbm>>
      %dma_wait3A_1032 = arith.constant 0 : i32
      %dma_wait3A_1033 = tpu.memref_slice %arg3[%add3A_903, %mul3A_905, %dma_wait3A_1032] : memref<1024x1024x128xf32, #tpu.memory_space<hbm>> -> memref<1x512x128xf32, #tpu.memory_space<hbm>>
      %dma_wait3A_1034 = tpu.memref_squeeze %dma_wait3A_1033 : memref<1x512x128xf32, #tpu.memory_space<hbm>> -> memref<512x128xf32, #tpu.memory_space<hbm>>
      %dma_wait3A_1035 = arith.constant 3 : i32
      %dma_wait3A_1036 = arith.constant 0 : i32
      %dma_wait3A_1037 = tpu.memref_slice %arg7[%dma_wait3A_1035, %dma_wait3A_1036] : memref<548x128xf32, #tpu.memory_space<vmem>> -> memref<512x128xf32, #tpu.memory_space<vmem>>
      tpu.wait_dma2 semaphore(%arg8 : memref<!tpu.dma_semaphore, #tpu.memory_space<semaphore_mem>>) src(%dma_wait3A_1037 : memref<512x128xf32, #tpu.memory_space<vmem>>) dst(%dma_wait3A_1034 : memref<512x128xf32, #tpu.memory_space<hbm>>)
      %dma_wait3A_1038 = arith.constant 2 : i32
      %dma_wait3A_1039 = arith.constant 0 : i32
      %dma_wait3A_1040 = tpu.memref_slice %arg7[%dma_wait3A_1038, %dma_wait3A_1039] : memref<548x128xf32, #tpu.memory_space<vmem>> -> memref<512x128xf32, #tpu.memory_space<vmem>>
      %dma_wait3A_1041 = arith.constant 0 : i32
      %dma_wait3A_1042 = tpu.memref_slice %arg3[%add3A_931, %mul3A_933, %dma_wait3A_1041] : memref<1024x1024x128xf32, #tpu.memory_space<hbm>> -> memref<1x512x128xf32, #tpu.memory_space<hbm>>
      %dma_wait3A_1043 = tpu.memref_squeeze %dma_wait3A_1042 : memref<1x512x128xf32, #tpu.memory_space<hbm>> -> memref<512x128xf32, #tpu.memory_space<hbm>>
      %dma_wait3A_1044 = arith.constant 0 : i32
      %dma_wait3A_1045 = tpu.memref_slice %arg3[%add3A_931, %mul3A_933, %dma_wait3A_1044] : memref<1024x1024x128xf32, #tpu.memory_space<hbm>> -> memref<1x512x128xf32, #tpu.memory_space<hbm>>
      %dma_wait3A_1046 = tpu.memref_squeeze %dma_wait3A_1045 : memref<1x512x128xf32, #tpu.memory_space<hbm>> -> memref<512x128xf32, #tpu.memory_space<hbm>>
      %dma_wait3A_1047 = arith.constant 2 : i32
      %dma_wait3A_1048 = arith.constant 0 : i32
      %dma_wait3A_1049 = tpu.memref_slice %arg7[%dma_wait3A_1047, %dma_wait3A_1048] : memref<548x128xf32, #tpu.memory_space<vmem>> -> memref<512x128xf32, #tpu.memory_space<vmem>>
      tpu.wait_dma2 semaphore(%arg8 : memref<!tpu.dma_semaphore, #tpu.memory_space<semaphore_mem>>) src(%dma_wait3A_1049 : memref<512x128xf32, #tpu.memory_space<vmem>>) dst(%dma_wait3A_1046 : memref<512x128xf32, #tpu.memory_space<hbm>>)
      %dma_wait3A_1050 = arith.constant 1 : i32
      %dma_wait3A_1051 = arith.constant 0 : i32
      %dma_wait3A_1052 = tpu.memref_slice %arg7[%dma_wait3A_1050, %dma_wait3A_1051] : memref<548x128xf32, #tpu.memory_space<vmem>> -> memref<512x128xf32, #tpu.memory_space<vmem>>
      %dma_wait3A_1053 = arith.constant 0 : i32
      %dma_wait3A_1054 = tpu.memref_slice %arg3[%add3A_959, %mul3A_961, %dma_wait3A_1053] : memref<1024x1024x128xf32, #tpu.memory_space<hbm>> -> memref<1x512x128xf32, #tpu.memory_space<hbm>>
      %dma_wait3A_1055 = tpu.memref_squeeze %dma_wait3A_1054 : memref<1x512x128xf32, #tpu.memory_space<hbm>> -> memref<512x128xf32, #tpu.memory_space<hbm>>
      %dma_wait3A_1056 = arith.constant 0 : i32
      %dma_wait3A_1057 = tpu.memref_slice %arg3[%add3A_959, %mul3A_961, %dma_wait3A_1056] : memref<1024x1024x128xf32, #tpu.memory_space<hbm>> -> memref<1x512x128xf32, #tpu.memory_space<hbm>>
      %dma_wait3A_1058 = tpu.memref_squeeze %dma_wait3A_1057 : memref<1x512x128xf32, #tpu.memory_space<hbm>> -> memref<512x128xf32, #tpu.memory_space<hbm>>
      %dma_wait3A_1059 = arith.constant 1 : i32
      %dma_wait3A_1060 = arith.constant 0 : i32
      %dma_wait3A_1061 = tpu.memref_slice %arg7[%dma_wait3A_1059, %dma_wait3A_1060] : memref<548x128xf32, #tpu.memory_space<vmem>> -> memref<512x128xf32, #tpu.memory_space<vmem>>
      tpu.wait_dma2 semaphore(%arg8 : memref<!tpu.dma_semaphore, #tpu.memory_space<semaphore_mem>>) src(%dma_wait3A_1061 : memref<512x128xf32, #tpu.memory_space<vmem>>) dst(%dma_wait3A_1058 : memref<512x128xf32, #tpu.memory_space<hbm>>)
      %dma_wait3A_1062 = arith.constant 0 : i32
      %dma_wait3A_1063 = arith.constant 0 : i32
      %dma_wait3A_1064 = tpu.memref_slice %arg7[%dma_wait3A_1062, %dma_wait3A_1063] : memref<548x128xf32, #tpu.memory_space<vmem>> -> memref<512x128xf32, #tpu.memory_space<vmem>>
      %dma_wait3A_1065 = arith.constant 0 : i32
      %dma_wait3A_1066 = tpu.memref_slice %arg3[%add3A_987, %mul3A_989, %dma_wait3A_1065] : memref<1024x1024x128xf32, #tpu.memory_space<hbm>> -> memref<1x512x128xf32, #tpu.memory_space<hbm>>
      %dma_wait3A_1067 = tpu.memref_squeeze %dma_wait3A_1066 : memref<1x512x128xf32, #tpu.memory_space<hbm>> -> memref<512x128xf32, #tpu.memory_space<hbm>>
      %dma_wait3A_1068 = arith.constant 0 : i32
      %dma_wait3A_1069 = tpu.memref_slice %arg3[%add3A_987, %mul3A_989, %dma_wait3A_1068] : memref<1024x1024x128xf32, #tpu.memory_space<hbm>> -> memref<1x512x128xf32, #tpu.memory_space<hbm>>
      %dma_wait3A_1070 = tpu.memref_squeeze %dma_wait3A_1069 : memref<1x512x128xf32, #tpu.memory_space<hbm>> -> memref<512x128xf32, #tpu.memory_space<hbm>>
      %dma_wait3A_1071 = arith.constant 0 : i32
      %dma_wait3A_1072 = arith.constant 0 : i32
      %dma_wait3A_1073 = tpu.memref_slice %arg7[%dma_wait3A_1071, %dma_wait3A_1072] : memref<548x128xf32, #tpu.memory_space<vmem>> -> memref<512x128xf32, #tpu.memory_space<vmem>>
      tpu.wait_dma2 semaphore(%arg8 : memref<!tpu.dma_semaphore, #tpu.memory_space<semaphore_mem>>) src(%dma_wait3A_1073 : memref<512x128xf32, #tpu.memory_space<vmem>>) dst(%dma_wait3A_1070 : memref<512x128xf32, #tpu.memory_space<hbm>>)
    } else {
    }
    return
  }
}

</mosaic_0001>

<sc_bundles>
// kernel: kernel.3.cloned.1.call-start
scs
__scs_entry_jumppad:
0x0: {  	(pc) =	sbr.rel $0x88, $3  }
0x1: {  	(tag) =	ssettag $0x0;
	lr =	simm.s32 $0x1  }
0x2: {  	[smem:$0x3FA0] =	sst lr;
	_ =	strace $0xD0000000  }
0x3: {  	_ = 	snop  }
0x4: {  	_ = 	snop  }
0x5: {  	_ = 	snop  }
0x6: {  	_ = 	snop  }
0x7: {  	_ = 	snop  }
__scs_overlays_trampoline_lowered:
0x8: {  	[smem:$0x3FAF] =	sst s0  }
0x9: {  	[smem:$0x3FB0] =	sst s1  }
0xa: {  	[smem:$0x3FB1] =	sst s2  }
0xb: {  	[smem:$0x3FB2] =	sst s3  }
0xc: {  	[smem:$0x3FB3] =	sst s4  }
0xd: {  	[smem:$0x3FB4] =	sst s5  }
0xe: {  	[smem:$0x3FB5] =	sst s6  }
0xf: {  	[smem:$0x3FB6] =	sst s7  }
0x10: {  	[smem:$0x3FB7] =	sst s8  }
0x11: {  	[smem:$0x3FB8] =	sst s9;
	s0 =	simm.s32 @!p0 $0x0  }
0x12: {  	s1 =	sld [smem:$0x3F9E];
	s0 =	simm.s32 @p0 $0x1  }
0x13: {  	[smem:$0x3FB9] =	sst s0;
	s0 =	simm.s32 @!p1 $0x0  }
0x14: {  	s2 =	sld [smem:$0x3F9D];
	s0 =	simm.s32 @p1 $0x1  }
0x15: {  	[smem:$0x3FBA] =	sst s0;
	s0 =	simm.s32 @!p2 $0x0  }
0x16: {  	s3 =	sld [smem:$0x3FDB];
	s0 =	simm.s32 @p2 $0x1  }
0x17: {  	s4 =	simm.s32 $0x1BF5;
	[smem:$0x3FBC] =	sst s0  }
0x18: {  	s0 =	sld [smem:$0x3F9F];
	_ =	swait.ge [sflag:s4], $0x0  }
0x19: {  	s7 =	sld [smem:$0x3FA0]  }
0x1a: {  	s8 =	sadd.s32 $0xFFFFE003, lr  }
0x1b: {  	s9 =	sadd.s32 $0xFFFFFEF7, lr;
	s5 =	simm.s32 $0xFFFFFFFF;
	p2 =	slt.u32 s8, $0xFFFFF086  }
0x1c: {  	p1 =	slt.u32 s9, $0xF7A;
	s5 =	simm.s32 @!p2 $0x0  }
0x1d: {  	s5 =	simm.s32 @p1 $0x1;
	p0 =	seq.s32 s7, s2  }
0x1e: {  	s7 =	smul.u32 @!p0 $0xF7A, s2;
	p2 =	seq.s32 @!p0 s5, $0x0  }
0x1f: {  	s9 =	smul.u32 $0xF7A, s1;
	s8 =	simm.s32 @!p0 $0x1BF5;
	p2 =	por !p2, p0  }
0x20: {  	[sflag:s8] =	ssyncset.s32 @!p0 $0xFFFFF086;
	s6 =	sadd.s32 @!p0 s3, s7;
	s7 =	simm.s32 @!p0 $0x108  }
0x21: {  	s3 =	sadd.s32 s3, s9;
	s6 =	sadd.s32 @!p0 $0x88, s6;
	s7 =	simm.s32 @p2 $0x1082  }
0x22: {  	[simem:s7], [sflag:s8] =	dma.local @!p0 [hbm:s6], $0xF7A  }
0x23: {  	s9 =	sor.u32 $0xD0000000, s2;
	s6 =	simm.s32 $0x108;
	_ =	swait.ge @!p0 [sflag:s8], $0x0  }
0x24: {  	s3 =	sadd.s32 $0x88, s3;
	s6 =	simm.s32 @!p1 $0x1082;
	[sflag:s4] =	ssyncset.s32 $0xFFFFF086  }
0x25: {  	[simem:s6], [sflag:s4] =	dma.local [hbm:s3], $0xF7A  }
0x26: {  	[smem:$0x3FA0] =	sst s1;
	(tag) =	ssettag s2;
	_ =	strace s9  }
0x27: {  	s1 =	sld [smem:$0x3FB0]  }
0x28: {  	s2 =	sld [smem:$0x3FB1]  }
0x29: {  	s4 =	sld [smem:$0x3FB3]  }
0x2a: {  	p0 =	seq.s32 s5, $0x0;
	s5 =	sld [smem:$0x3FB4]  }
0x2b: {  	s6 =	sld [smem:$0x3FB5]  }
0x2c: {  	s7 =	sld [smem:$0x3FB6]  }
0x2d: {  	s3 =	simm.s32 $0x108;
	s8 =	sld [smem:$0x3FB7]  }
0x2e: {  	s3 =	simm.s32 @!p0 $0x1082;
	s9 =	sld [smem:$0x3FB8]  }
0x2f: {  	lr =	sadd.s32 s0, s3;
	s0 =	sld [smem:$0x3FAF]  }
0x30: {  	s3 =	sld [smem:$0x3FB2]  }
0x31: {  	[smem:$0x3FBB] =	sst s10  }
0x32: {  	s10 =	sld [smem:$0x3FB9];
	_ =	sdelay $0x3  }
0x33: {  	p0 =	seq.s32 s10, $0x1;
	s10 =	sld [smem:$0x3FBB];
	_ =	sdelay $0x3  }
0x34: {  	[smem:$0x3FBB] =	sst s10  }
0x35: {  	s10 =	sld [smem:$0x3FBA];
	_ =	sdelay $0x3  }
0x36: {  	p1 =	seq.s32 s10, $0x1;
	s10 =	sld [smem:$0x3FBB];
	_ =	sdelay $0x3  }
0x37: {  	[smem:$0x3FBB] =	sst s10  }
0x38: {  	s10 =	sld [smem:$0x3FBC]  }
0x39: {  	_ = 	snop;
	(pc) =	sbr.ind lr, $3  }
0x3a: {  	_ = 	snop  }
0x3b: {  	_ = 	snop  }
0x3c: {  	p2 =	seq.s32 s10, $0x1;
	s10 =	sld [smem:$0x3FBB]  }
0x3d: {  	_ =	shalt  }
0x3e: {  	_ =	shalt  }
0x3f: {  	_ =	shalt  }
0x40: {  	_ =	shalt  }
0x41: {  	_ =	shalt  }
0x42: {  	_ =	shalt  }
0x43: {  	_ =	shalt  }
0x44: {  	_ =	shalt  }
0x45: {  	_ =	shalt  }
0x46: {  	_ =	shalt  }
0x47: {  	_ =	shalt  }
0x48: {  	_ =	shalt  }
0x49: {  	_ =	shalt  }
0x4a: {  	_ =	shalt  }
0x4b: {  	_ =	shalt  }
0x4c: {  	_ =	shalt  }
0x4d: {  	_ =	shalt  }
0x4e: {  	_ =	shalt  }
0x4f: {  	_ =	shalt  }
0x50: {  	_ =	shalt  }
0x51: {  	_ =	shalt  }
0x52: {  	_ =	shalt  }
0x53: {  	_ =	shalt  }
0x54: {  	_ =	shalt  }
0x55: {  	_ =	shalt  }
0x56: {  	_ =	shalt  }
0x57: {  	_ =	shalt  }
0x58: {  	_ =	shalt  }
0x59: {  	_ =	shalt  }
0x5a: {  	_ =	shalt  }
0x5b: {  	_ =	shalt  }
0x5c: {  	_ =	shalt  }
0x5d: {  	_ =	shalt  }
0x5e: {  	_ =	shalt  }
0x5f: {  	_ =	shalt  }
0x60: {  	_ =	shalt  }
0x61: {  	_ =	shalt  }
0x62: {  	_ =	shalt  }
0x63: {  	_ =	shalt  }
0x64: {  	_ =	shalt  }
0x65: {  	_ =	shalt  }
0x66: {  	_ =	shalt  }
0x67: {  	_ =	shalt  }
0x68: {  	_ =	shalt  }
0x69: {  	_ =	shalt  }
0x6a: {  	_ =	shalt  }
0x6b: {  	_ =	shalt  }
0x6c: {  	_ =	shalt  }
0x6d: {  	_ =	shalt  }
0x6e: {  	_ =	shalt  }
0x6f: {  	_ =	shalt  }
0x70: {  	_ =	shalt  }
0x71: {  	_ =	shalt  }
0x72: {  	_ =	shalt  }
0x73: {  	_ =	shalt  }
0x74: {  	_ =	shalt  }
0x75: {  	_ =	shalt  }
0x76: {  	_ =	shalt  }
0x77: {  	_ =	shalt  }
0x78: {  	_ =	shalt  }
0x79: {  	_ =	shalt  }
0x7a: {  	_ =	shalt  }
0x7b: {  	_ =	shalt  }
0x7c: {  	_ =	shalt  }
0x7d: {  	_ =	shalt  }
0x7e: {  	_ =	shalt  }
0x7f: {  	_ =	shalt  }
0x80: {  	_ =	shalt  }
0x81: {  	_ =	shalt  }
0x82: {  	_ =	shalt  }
0x83: {  	_ =	shalt  }
0x84: {  	_ =	shalt  }
0x85: {  	_ =	shalt  }
0x86: {  	_ =	shalt  }
0x87: {  	_ =	shalt  }
.Lfunc_end0:
.L_simem_size_0:
called_computation_lowered:
.L_overlay_start_0:
0x88: {  	s2 =	sld [smem:$0x3FD9]  }
0x89: {  	s3 =	sld [smem:$0x3FFE];
	_ =	sdelay $0x1  }
0x8a: {  	s1 =	srdreg.scid  }
0x8b: {  	s0 =	sand.u32 $0x1, s1  }
0x8c: {  	s18 =	sshll.u32 s0, $0xA;
	s2 =	sadd.s32 s3, s2  }
0x8d: {  	s2 =	sadd.s32 s2, s18  }
0x8e: {  	[smem:$0x3FC7] =	sst s2  }
0x8f: {  	_ = 	snop  }
0x90: {  	s2 =	sld [smem:$0x3FC9]  }
0x91: {  	s19 =	sld [smem:$0x3FD0];
	(tm) =	ssettm $0x1  }
0x92: {  	s4 =	sld [smem:$0x3FFB];
	_ =	sdelay $0x3  }
0x93: {  	_ =	strace s4  }
0x94: {  	s4 =	sld [smem:$0x3FFC];
	_ =	sdelay $0x3  }
0x95: {  	_ =	strace s4  }
0x96: {  	s4 =	sld [smem:$0x3FFD];
	_ =	sdelay $0x3  }
0x97: {  	_ =	strace s4  }
0x98: {  	_ =	strace $0x8FFFFFFF  }
0x99: {  	s20 =	sld [smem:$0x3FDB];
	_ =	sdelay $0x1  }
0x9a: {  	s5 =	simm.s32 $_scs_section_size  }
0x9b: {  	s6 =	simm.s32 $_size__tile_overlayer_lowered;
	s7 =	simm.s32 $_tile_overlayer_lowered  }
0x9c: {  	s23 =	simm.s32 $0x1BFF;
	s22 =	sshll.u32 s7, $0x1;
	s4 =	sadd.s32 s5, s20  }
0x9d: {  	s8 =	simm.s32 $0x0;
	s21 =	sshll.u32 s6, $0x1;
	s6 =	sadd.s32 s22, s4  }
0x9e: {  	[timem:s8], [sflag:s23] =	dma.local [hbm:s6], s21  }
0x9f: {  	_ =	swait.ge [sflag:s23], s21  }
0xa0: {  	s5 =	ssub.s32 $0x0, s21;
	[sflag:s23] =	ssyncset.done $0x0  }
0xa1: {  	[sflag:s23] =	ssyncadd.s32 s5;
	_ =	sdelay $0x1  }
0xa2: {  	s24 =	simm.s32 $0x1B8B  }
0xa3: {  	_ =	swait.ge [sflag:s24], $0x1  }
0xa4: {  	[sflag:s24] =	ssyncset.done $0x0  }
0xa5: {  	s25 =	simm.s32 $0x1B8E;
	[sflag:s24] =	ssyncadd.s32 $0xFFFFFFFF  }
0xa6: {  	s26 =	simm.s32 $execute0_lowered;
	[smem:$0x3FD2] =	sst s25  }
0xa7: {  	s5 =	sshll.u32 s26, $0x1;
	_ =	strace $0x80000046;
	[dreg:$0x1] =	wrdreg $0xFFFFFFFF  }
0xa8: {  	s28 =	simm.s32 $_size_execute0_lowered;
	s4 =	sadd.s32 s4, s5;
	[dreg:$0x0] =	wrdreg $0x0  }
0xa9: {  	s5 =	sshll.u32 s28, $0x1;
	[dreg:$0x2] =	wrdreg s4  }
0xaa: {  	[dreg:$0x3] =	wrdreg s5  }
0xab: {  	[dreg:$0x4] =	wrdreg $0xC0  }
0xac: {  	_ =	task [dreg:s8], $0x5FFFF  }
0xad: {  	[dreg:$0x1] =	wrdreg $0xFFFFFFFF  }
0xae: {  	[dreg:$0x0] =	wrdreg $0x60  }
0xaf: {  	[dreg:$0x2] =	wrdreg s2  }
0xb0: {  	[dreg:$0x3] =	wrdreg s19  }
0xb1: {  	[dreg:$0x4] =	wrdreg $0x0  }
0xb2: {  	[dreg:$0x5] =	wrdreg $0x9  }
0xb3: {  	_ =	task.clear_ibuf [dreg:s8], $0x6FFFF;
	_ =	strace $0x90000046  }
0xb4: {  	s29 =	simm.s32 $0x9;
	_ =	strace $0x80000048  }
0xb5: {  	_ =	swait.ge [sflag:s29], $0x1  }
0xb6: {  	[sflag:s29] =	ssyncadd.s32 $0xFFFFFFFF  }
0xb7: {  	_ =	strace $0x90000048  }
0xb8: {  	_ =	sfence  }
0xb9: {  	s30 =	sld [smem:$0x0];
	_ =	sdelay $0x2  }
0xba: {  	s31 =	sshll.u32 s1, $0xD;
	s1 =	sshrl.u32 s1, $0x2  }
0xbb: {  	s3 =	sand.u32 $0x4000, s31;
	s1 =	sadd.s32 s1, s30  }
0xbc: {  	s0 =	sor.u32 s3, s0;
	s1 =	sshll.u32 s1, $0x11  }
0xbd: {  	s0 =	sor.u32 s1, s0  }
0xbe: {  	s0 =	sadd.s32 $0x8F2B, s0  }
0xbf: {  	[sflag:s0] =	ssyncadd.remote.s32 $0x1  }
0xc0: {  	_ =	sfence.sel $0xFFFF  }
0xc1: {  	[dreg:$0x0] =	wrdreg $0xFFFFFFFF;
	(pc) =	sbr.abs _section_cstart, $3  }
0xc2: {  	[dreg:$0x1] =	wrdreg $0xFFFFFFFF  }
0xc3: {  	_ =	task.clear_ibuf [dreg:s8], $0x2FFFF;
	_ =	strace $0x9FFFFFFF  }
0xc4: {  	(tm) =	ssettm $0x7FFFFFFF  }
0xc5: {  	_ =	shalt  }
tec
execute0_lowered:
.L_overlay_start_1:
0x0: {  	(tag) =	ssettag $0x1  }
0x1: {  	s4 =	stileid.u32  }
0x2: {  	s0 =	sadd.s32 $0xFFFFFFF8, s4  }
0x3: {  	s1 =	srdreg.scid;
	s0 =	sshrl.u32 s0, $0x1  }
0x4: {  	s2 =	rddreg [dreg:$0x1];
	s3 =	sand.u32 $0x1, s1;
	s0 =	smul.u32 $0x24, s0  }
0x5: {  	s10 =	stileid.u32;
	s4 =	sshll.u32 s4, $0x9;
	s6 =	sshll.u32 s3, $0x9  }
0x6: {  	s1 =	simm.s32 $0x0;
	s4 =	sand.u32 $0x200, s4;
	s0 =	sadd.s32 s6, s0  }
0x7: {  	s23 =	ssub.s32 $0x2, s3;
	[smem:$0x7FF] =	sst s1;
	s7 =	sadd.s32 $0x170, s0  }
0x8: {  	s24 =	sshll.u32 s4, $0x7;
	s8 =	sshrl.u32 s23, $0x1;
	s5 =	sshll.u32 s7, $0x11  }
0x9: {  	s13 =	ssub.s32 s23, s8;
	s25 =	ssub.s32 s4, s7;
	s5 =	sor.u32 s24, s5  }
0xa: {  	s3 =	sshll.u32 s25, $0x9;
	s26 =	sshrl.u32 s5, $0x3;
	s9 =	sadd.s32 $0x80000, s5  }
0xb: {  	s11 =	sadd.s32 $0xA0000, s5;
	s17 =	sadd.s32 $0xE0000, s5;
	s18 =	sadd.s32 $0x100000, s5  }
0xc: {  	s19 =	sadd.s32 $0x120000, s5;
	s24 =	sadd.s32 $0x140000, s5;
	s25 =	sadd.s32 $0x160000, s5  }
0xd: {  	s4 =	sadd.s32 s2, s26;
	s7 =	sshrl.u32 s9, $0x3;
	s9 =	sadd.s32 $0xC0000, s5  }
0xe: {  	s22 =	sshrl.u32 s19, $0x3;
	[dreg:$0x4] =	wrdreg s4;
	s4 =	sadd.s32 $0x4000, s2  }
0xf: {  	s12 =	sadd.s32 s2, s7;
	s15 =	sshrl.u32 s9, $0x3;
	s7 =	sshrl.u32 s17, $0x3  }
0x10: {  	s23 =	sadd.s32 s2, s22;
	s22 =	smul.u32 $0x2E, s10;
	s10 =	sadd.s32 $0x280000, s5  }
0x11: {  	s8 =	sadd.s32 s26, s4;
	[dreg:$0x6] =	wrdreg s12;
	s16 =	sadd.s32 s2, s15  }
0x12: {  	s20 =	sadd.s32 s2, s7;
	[dreg:$0xb] =	wrdreg s23;
	s7 =	sshrl.u32 s24, $0x3  }
0x13: {  	s26 =	sadd.s32 $0x180000, s5;
	s12 =	sadd.s32 $0x1A0000, s5;
	[dreg:$0x5] =	wrdreg s8  }
0x14: {  	s15 =	sadd.s32 $0x1E0000, s5;
	s8 =	sshrl.u32 s11, $0x3;
	[dreg:$0x8] =	wrdreg s16  }
0x15: {  	[dreg:$0x9] =	wrdreg s20;
	s7 =	sadd.s32 s2, s7;
	s9 =	sshrl.u32 s26, $0x3  }
0x16: {  	s20 =	sadd.s32 $0x200000, s5;
	s6 =	sadd.s32 s22, s6;
	s26 =	sadd.s32 $0x260000, s5  }
0x17: {  	s14 =	sadd.s32 s2, s8;
	s8 =	sshrl.u32 s18, $0x3;
	[dreg:$0xc] =	wrdreg s7  }
0x18: {  	s11 =	sadd.s32 s2, s9;
	s7 =	sshrl.u32 s12, $0x3;
	s18 =	sshrl.u32 s15, $0x3  }
0x19: {  	s9 =	sshrl.u32 s26, $0x3;
	s12 =	sshrl.u32 s10, $0x3;
	s26 =	sadd.s32 $0x320000, s5  }
0x1a: {  	s10 =	sadd.s32 $0x340000, s5;
	[dreg:$0x7] =	wrdreg s14;
	s21 =	sadd.s32 s2, s8  }
0x1b: {  	s8 =	sshrl.u32 s25, $0x3;
	[dreg:$0xe] =	wrdreg s11;
	s14 =	sadd.s32 $0x1C0000, s5  }
0x1c: {  	s16 =	sadd.s32 s2, s7;
	s19 =	sadd.s32 s2, s18;
	s7 =	sshrl.u32 s20, $0x3  }
0x1d: {  	s25 =	sadd.s32 $0x240000, s5;
	s11 =	sadd.s32 s2, s9;
	s15 =	sadd.s32 s2, s12  }
0x1e: {  	s20 =	sadd.s32 $0x2E0000, s5;
	s9 =	sshrl.u32 s26, $0x3;
	[dreg:$0xa] =	wrdreg s21  }
0x1f: {  	s12 =	sshrl.u32 s10, $0x3;
	s26 =	sadd.s32 $0x3E0000, s5;
	[dreg:$0xf] =	wrdreg s16  }
0x20: {  	s8 =	sadd.s32 s2, s8;
	[dreg:$0x11] =	wrdreg s19;
	s21 =	sadd.s32 $0x220000, s5  }
0x21: {  	s23 =	sadd.s32 s2, s7;
	s7 =	sshrl.u32 s25, $0x3;
	[dreg:$0x15] =	wrdreg s11  }
0x22: {  	[dreg:$0x16] =	wrdreg s15;
	s22 =	sshrl.u32 s20, $0x3;
	s11 =	sadd.s32 s2, s9  }
0x23: {  	s15 =	sadd.s32 s2, s12;
	s20 =	sadd.s32 $0x3A0000, s5;
	[dreg:$0xd] =	wrdreg s8  }
0x24: {  	s9 =	sadd.s32 $0x400000, s5;
	s12 =	sadd.s32 $0x420000, s5;
	[dreg:$0x12] =	wrdreg s23  }
0x25: {  	s8 =	sshrl.u32 s14, $0x3;
	s7 =	sadd.s32 s2, s7;
	[dreg:$0x1b] =	wrdreg s11  }
0x26: {  	s14 =	sadd.s32 $0x2A0000, s5;
	s23 =	sadd.s32 $0x300000, s5;
	[dreg:$0x1c] =	wrdreg s15  }
0x27: {  	s11 =	sshrl.u32 s9, $0x3;
	s15 =	sshrl.u32 s12, $0x3;
	s17 =	sadd.s32 s2, s8  }
0x28: {  	s8 =	sshrl.u32 s21, $0x3;
	[dreg:$0x14] =	wrdreg s7;
	s16 =	sshrl.u32 s14, $0x3  }
0x29: {  	s25 =	sshrl.u32 s23, $0x3;
	s14 =	sadd.s32 $0x360000, s5;
	s23 =	sadd.s32 $0x3C0000, s5  }
0x2a: {  	[dreg:$0x10] =	wrdreg s17;
	s24 =	sadd.s32 s2, s8;
	s17 =	sadd.s32 $0x2C0000, s5  }
0x2b: {  	s18 =	sadd.s32 s2, s16;
	s7 =	sadd.s32 s2, s25;
	[dreg:$0x13] =	wrdreg s24  }
0x2c: {  	s16 =	sshrl.u32 s14, $0x3;
	s25 =	sshrl.u32 s23, $0x3;
	[dreg:$0x17] =	wrdreg s18  }
0x2d: {  	s8 =	sshrl.u32 s26, $0x3;
	s14 =	sadd.s32 s2, s11;
	[dreg:$0x1a] =	wrdreg s7  }
0x2e: {  	s23 =	sshra.s32 s3, $0x2;
	s24 =	sadd.s32 s2, s22;
	[smem:$0x78E] =	sst s14  }
0x2f: {  	s19 =	sshrl.u32 s17, $0x3;
	s18 =	sadd.s32 s2, s16;
	[dreg:$0x19] =	wrdreg s24  }
0x30: {  	s17 =	sadd.s32 $0x380000, s5;
	s7 =	sadd.s32 s2, s25;
	[dreg:$0x1d] =	wrdreg s18  }
0x31: {  	s22 =	sshrl.u32 s20, $0x3;
	s10 =	sadd.s32 s2, s8;
	[smem:$0x78C] =	sst s7  }
0x32: {  	s20 =	sshll.u32 s6, $0xE;
	s21 =	sadd.s32 s2, s19;
	[smem:$0x78D] =	sst s10  }
0x33: {  	s24 =	sadd.s32 s2, s22;
	s22 =	sadd.s32 s20, s4;
	s4 =	rddreg [dreg:$0x2]  }
0x34: {  	s16 =	sadd.s32 $0x440000, s5;
	s5 =	sadd.s32 $0x460000, s5;
	[dreg:$0x18] =	wrdreg s21  }
0x35: {  	s19 =	sshrl.u32 s17, $0x3;
	s17 =	sadd.s32 s2, s15;
	[dreg:$0x1f] =	wrdreg s24  }
0x36: {  	s18 =	sshrl.u32 s16, $0x3;
	s5 =	sshrl.u32 s5, $0x3;
	[smem:$0x78F] =	sst s17  }
0x37: {  	s8 =	sadd.s32 s2, s20;
	s21 =	sadd.s32 s2, s19;
	[smem:$0x792] =	sst s22  }
0x38: {  	s19 =	sadd.s32 s2, s18;
	s24 =	sshll.u32 s6, $0x7;
	[dreg:$0x1e] =	wrdreg s21  }
0x39: {  	[smem:$0x790] =	sst s19;
	s21 =	sadd.s32 s2, s5;
	s2 =	sadd.s32 s23, s4  }
0x3a: {  	[smem:$0x791] =	sst s21;
	s25 =	sadd.s32 $0x1EE00, s2;
	s2 =	ssub.s32 s4, s24  }
0x3b: {  	_ =	strace $0x80000047;
	[smem:$0x793] =	sst s25;
	s26 =	sadd.s32 $0x1FF00, s2  }
0x3c: {  	s0 =	sadd.s32 $0x1F280, s2;
	[smem:$0x795] =	sst s26  }
0x3d: {  	s3 =	sadd.s32 $0x1FF80, s2;
	[smem:$0x7AF] =	sst s0;
	s0 =	sadd.s32 $0x1F200, s2  }
0x3e: {  	s3 =	sshrl.u32 s3, $0x3;
	[smem:$0x7B1] =	sst s0  }
0x3f: {  	s5 =	sadd.s32 $0x1FE80, s2;
	[smem:$0x794] =	sst s3  }
0x40: {  	s5 =	sshrl.u32 s5, $0x3;
	s3 =	sld [smem:$0x795]  }
0x41: {  	s7 =	sadd.s32 $0x1FD80, s2;
	s0 =	sadd.s32 $0x1F180, s2;
	[smem:$0x797] =	sst s5  }
0x42: {  	s10 =	sadd.s32 $0x1FC80, s2;
	s5 =	sshrl.u32 s7, $0x3;
	[smem:$0x7B3] =	sst s0  }
0x43: {  	s12 =	sadd.s32 $0x1FB80, s2;
	s7 =	sshrl.u32 s10, $0x3;
	[smem:$0x799] =	sst s5  }
0x44: {  	s15 =	sadd.s32 $0x1FA80, s2;
	s10 =	sshrl.u32 s12, $0x3;
	[smem:$0x79B] =	sst s7  }
0x45: {  	s17 =	sadd.s32 $0x1F980, s2;
	s12 =	sshrl.u32 s15, $0x3;
	[smem:$0x79D] =	sst s10  }
0x46: {  	s19 =	sadd.s32 $0x1F880, s2;
	s15 =	sshrl.u32 s17, $0x3;
	[smem:$0x79F] =	sst s12  }
0x47: {  	s21 =	sadd.s32 $0x1F780, s2;
	s17 =	sshrl.u32 s19, $0x3;
	[smem:$0x7A1] =	sst s15  }
0x48: {  	s23 =	sadd.s32 $0x1F680, s2;
	s19 =	sshrl.u32 s21, $0x3;
	[smem:$0x7A3] =	sst s17  }
0x49: {  	s25 =	sadd.s32 $0x1F580, s2;
	s21 =	sshrl.u32 s23, $0x3;
	[smem:$0x7A5] =	sst s19  }
0x4a: {  	s28 =	sadd.s32 $0x1F480, s2;
	s23 =	sshrl.u32 s25, $0x3;
	[smem:$0x7A7] =	sst s21  }
0x4b: {  	s25 =	sshrl.u32 s28, $0x3;
	[smem:$0x7A9] =	sst s23  }
0x4c: {  	[smem:$0x7AB] =	sst s25  }
0x4d: {  	s31 =	sadd.s32 $0x1F300, s2;
	s0 =	sadd.s32 $0x1F100, s2;
	s7 =	sld [smem:$0x7B1]  }
0x4e: {  	s5 =	sshrl.u32 s31, $0x3;
	[smem:$0x7B5] =	sst s0  }
0x4f: {  	s0 =	sadd.s32 $0x1F080, s2;
	[smem:$0x7AE] =	sst s5  }
0x50: {  	s5 =	stileid.u32;
	[smem:$0x7B7] =	sst s0  }
0x51: {  	s0 =	sadd.s32 $0x1F000, s2;
	s10 =	sld [smem:$0x7B5];
	p2 =	seq.s32 s5, $0x1  }
0x52: {  	p1 =	sne.s32 s5, $0x0;
	s5 =	sadd.s32 $0x14000, s8;
	[smem:$0x7B9] =	sst s0  }
0x53: {  	s0 =	sadd.s32 $0x1EF80, s2;
	[smem:$0x7EA] =	sst s5  }
0x54: {  	[smem:$0x7BB] =	sst s0  }
0x55: {  	s0 =	sadd.s32 $0x1EF00, s2;
	s12 =	sld [smem:$0x7B9]  }
0x56: {  	[smem:$0x7BD] =	sst s0;
	s0 =	sadd.s32 $0x1EE80, s2  }
0x57: {  	[smem:$0x7BF] =	sst s0  }
0x58: {  	s0 =	sadd.s32 $0x1EE00, s2;
	s15 =	sld [smem:$0x7BD]  }
0x59: {  	[smem:$0x7C1] =	sst s0;
	s0 =	sadd.s32 $0x1ED80, s2  }
0x5a: {  	[smem:$0x7C3] =	sst s0  }
0x5b: {  	s0 =	sadd.s32 $0x1ED00, s2;
	s17 =	sld [smem:$0x7C1]  }
0x5c: {  	[smem:$0x7C5] =	sst s0;
	s0 =	sadd.s32 $0x1EC80, s2  }
0x5d: {  	s6 =	sadd.s32 $0x1FE00, s2;
	s9 =	sadd.s32 $0x1FD00, s2;
	[smem:$0x7C7] =	sst s0  }
0x5e: {  	s11 =	sadd.s32 $0x1FC00, s2;
	s0 =	sadd.s32 $0x1EC00, s2;
	s19 =	sld [smem:$0x7C5]  }
0x5f: {  	s14 =	sadd.s32 $0x1FB00, s2;
	[smem:$0x7C9] =	sst s0;
	s0 =	sadd.s32 $0x1EB80, s2  }
0x60: {  	s16 =	sadd.s32 $0x1FA00, s2;
	s18 =	sadd.s32 $0x1F900, s2;
	[smem:$0x7CB] =	sst s0  }
0x61: {  	s20 =	sadd.s32 $0x1F800, s2;
	s0 =	sadd.s32 $0x1EB00, s2;
	s21 =	sld [smem:$0x7C9]  }
0x62: {  	s22 =	sadd.s32 $0x1F700, s2;
	[smem:$0x7CD] =	sst s0;
	s0 =	sadd.s32 $0x1EA80, s2  }
0x63: {  	s24 =	sadd.s32 $0x1F600, s2;
	s29 =	sadd.s32 $0x1F400, s2;
	[smem:$0x7CF] =	sst s0  }
0x64: {  	s30 =	sadd.s32 $0x1F380, s2;
	s0 =	sadd.s32 $0x1EA00, s2;
	s23 =	sld [smem:$0x7CD]  }
0x65: {  	s26 =	sadd.s32 $0x1F500, s2;
	[smem:$0x7D1] =	sst s0;
	s0 =	sadd.s32 $0x1E980, s2  }
0x66: {  	s2 =	sadd.s32 $0x1E900, s2;
	[smem:$0x7D3] =	sst s0;
	s0 =	stileid.u32  }
0x67: {  	s25 =	sld [smem:$0x7D1];
	p0 =	seq.s32 s0, $0x2;
	s0 =	sshrl.u32 s3, $0x3  }
0x68: {  	s3 =	sshrl.u32 s2, $0x3;
	[smem:$0x796] =	sst s0  }
0x69: {  	s2 =	sadd.s32 $0x8000, s8;
	[smem:$0x7D5] =	sst s3  }
0x6a: {  	s0 =	sshrl.u32 s6, $0x3;
	[smem:$0x7E7] =	sst s2  }
0x6b: {  	s6 =	sshrl.u32 s9, $0x3;
	[smem:$0x798] =	sst s0  }
0x6c: {  	s9 =	sshrl.u32 s11, $0x3;
	[smem:$0x79A] =	sst s6  }
0x6d: {  	s11 =	sshrl.u32 s14, $0x3;
	[smem:$0x79C] =	sst s9  }
0x6e: {  	s14 =	sshrl.u32 s16, $0x3;
	[smem:$0x79E] =	sst s11  }
0x6f: {  	s16 =	sshrl.u32 s18, $0x3;
	[smem:$0x7A0] =	sst s14  }
0x70: {  	s18 =	sshrl.u32 s20, $0x3;
	[smem:$0x7A2] =	sst s16  }
0x71: {  	s20 =	sshrl.u32 s22, $0x3;
	[smem:$0x7A4] =	sst s18  }
0x72: {  	s22 =	sshrl.u32 s24, $0x3;
	[smem:$0x7A6] =	sst s20  }
0x73: {  	s24 =	sshrl.u32 s26, $0x3;
	[smem:$0x7A8] =	sst s22  }
0x74: {  	s26 =	sshrl.u32 s29, $0x3;
	[smem:$0x7AA] =	sst s24  }
0x75: {  	[smem:$0x7AC] =	sst s26  }
0x76: {  	s6 =	sld [smem:$0x7AF]  }
0x77: {  	s9 =	sld [smem:$0x7B3]  }
0x78: {  	s11 =	sld [smem:$0x7B7]  }
0x79: {  	s14 =	sld [smem:$0x7BB]  }
0x7a: {  	s16 =	sld [smem:$0x7BF]  }
0x7b: {  	s18 =	sld [smem:$0x7C3]  }
0x7c: {  	s20 =	sld [smem:$0x7C7]  }
0x7d: {  	s22 =	sld [smem:$0x7CB]  }
0x7e: {  	s24 =	sld [smem:$0x7CF]  }
0x7f: {  	s3 =	sadd.s32 $0xC000, s8;
	s26 =	sld [smem:$0x7D3]  }
0x80: {  	s0 =	sshrl.u32 s30, $0x3;
	[smem:$0x7E8] =	sst s3  }
0x81: {  	[smem:$0x7AD] =	sst s0;
	s0 =	sshrl.u32 s6, $0x3  }
0x82: {  	[smem:$0x7B0] =	sst s0;
	s0 =	sshrl.u32 s7, $0x3  }
0x83: {  	[smem:$0x7B2] =	sst s0  }
0x84: {  	s7 =	stileid.u32;
	s0 =	sshrl.u32 s9, $0x3;
	s9 =	rddreg [dreg:$0x0]  }
0x85: {  	p3 =	slt.u32 s7, $0x8;
	s7 =	sadd.s32 $0x1C000, s8;
	[smem:$0x7B4] =	sst s0  }
0x86: {  	s0 =	sshrl.u32 s10, $0x3;
	[smem:$0x7EC] =	sst s7  }
0x87: {  	s10 =	sadd.s32 $0x24000, s4;
	[smem:$0x7B6] =	sst s0  }
0x88: {  	s0 =	sshrl.u32 s11, $0x3;
	[smem:$0x7D8] =	sst s10  }
0x89: {  	s11 =	sadd.s32 $0x28000, s4;
	[smem:$0x7B8] =	sst s0  }
0x8a: {  	s10 =	sadd.s32 $0x24000, s8;
	[smem:$0x7D9] =	sst s11  }
0x8b: {  	s0 =	sshrl.u32 s12, $0x3;
	[smem:$0x7EE] =	sst s10  }
0x8c: {  	s12 =	sadd.s32 $0x2C000, s4;
	[smem:$0x7BA] =	sst s0  }
0x8d: {  	s11 =	sadd.s32 $0x28000, s8;
	[smem:$0x7DA] =	sst s12  }
0x8e: {  	s0 =	sshrl.u32 s14, $0x3;
	[smem:$0x7EF] =	sst s11  }
0x8f: {  	s14 =	sadd.s32 $0x30000, s4;
	[smem:$0x7BC] =	sst s0  }
0x90: {  	s12 =	sadd.s32 $0x2C000, s8;
	[smem:$0x7DB] =	sst s14  }
0x91: {  	s0 =	sshrl.u32 s15, $0x3;
	[smem:$0x7F0] =	sst s12  }
0x92: {  	s15 =	sadd.s32 $0x34000, s4;
	[smem:$0x7BE] =	sst s0  }
0x93: {  	s14 =	sadd.s32 $0x30000, s8;
	[smem:$0x7DC] =	sst s15  }
0x94: {  	s0 =	sshrl.u32 s16, $0x3;
	[smem:$0x7F1] =	sst s14  }
0x95: {  	s16 =	sadd.s32 $0x38000, s4;
	[smem:$0x7C0] =	sst s0  }
0x96: {  	s15 =	sadd.s32 $0x34000, s8;
	[smem:$0x7DD] =	sst s16  }
0x97: {  	s0 =	sshrl.u32 s17, $0x3;
	[smem:$0x7F2] =	sst s15  }
0x98: {  	s17 =	sadd.s32 $0x3C000, s4;
	[smem:$0x7C2] =	sst s0  }
0x99: {  	s16 =	sadd.s32 $0x38000, s8;
	[smem:$0x7DE] =	sst s17  }
0x9a: {  	s0 =	sshrl.u32 s18, $0x3;
	[smem:$0x7F3] =	sst s16  }
0x9b: {  	s18 =	sadd.s32 $0x3F80, s4;
	[smem:$0x7C4] =	sst s0  }
0x9c: {  	s17 =	sadd.s32 $0x3C000, s8;
	[smem:$0x7DF] =	sst s18  }
0x9d: {  	s0 =	sshrl.u32 s19, $0x3;
	[smem:$0x7F4] =	sst s17  }
0x9e: {  	s19 =	sadd.s32 $0x7F80, s4;
	[smem:$0x7C6] =	sst s0  }
0x9f: {  	s18 =	sadd.s32 $0x40000, s8;
	[smem:$0x7E0] =	sst s19  }
0xa0: {  	s0 =	sshrl.u32 s20, $0x3;
	[smem:$0x7F5] =	sst s18  }
0xa1: {  	s20 =	sadd.s32 $0xBF80, s4;
	[smem:$0x7C8] =	sst s0  }
0xa2: {  	s13 =	smax.u32 s13, $0x1;
	s19 =	sadd.s32 $0x44000, s8;
	[smem:$0x7E1] =	sst s20  }
0xa3: {  	s28 =	sadd.s32 $0x64000, s8;
	s0 =	sshrl.u32 s21, $0x3;
	[smem:$0x7F6] =	sst s19  }
0xa4: {  	s31 =	sadd.s32 $0x70000, s8;
	s21 =	sadd.s32 $0xFF80, s4;
	[smem:$0x7CA] =	sst s0  }
0xa5: {  	s5 =	sadd.s32 $0x7C000, s8;
	s20 =	sadd.s32 $0x48000, s8;
	[smem:$0x7E2] =	sst s21  }
0xa6: {  	s29 =	sadd.s32 $0x68000, s8;
	s0 =	sshrl.u32 s22, $0x3;
	[smem:$0x7F7] =	sst s20  }
0xa7: {  	s2 =	sadd.s32 $0x8C000, s8;
	s22 =	sadd.s32 $0x13F80, s4;
	[smem:$0x7CC] =	sst s0  }
0xa8: {  	s30 =	sadd.s32 $0x6C000, s8;
	s21 =	sadd.s32 $0x4C000, s8;
	[smem:$0x7E3] =	sst s22  }
0xa9: {  	s3 =	sadd.s32 $0x74000, s8;
	s0 =	sshrl.u32 s23, $0x3;
	[smem:$0x7F8] =	sst s21  }
0xaa: {  	s6 =	sadd.s32 $0x1BF80, s4;
	s23 =	sadd.s32 $0x17F80, s4;
	[smem:$0x7CE] =	sst s0  }
0xab: {  	s7 =	sadd.s32 $0x84000, s8;
	s10 =	sadd.s32 $0x9C000, s8;
	[smem:$0x7E4] =	sst s23  }
0xac: {  	s4 =	sadd.s32 $0x10000, s8;
	s0 =	sshrl.u32 s24, $0x3;
	s24 =	rddreg [dreg:$0x4]  }
0xad: {  	s11 =	sadd.s32 $0x94000, s8;
	s22 =	sadd.s32 $0x50000, s8;
	[smem:$0x7E9] =	sst s4  }
0xae: {  	s12 =	sadd.s32 $0x88000, s8;
	s14 =	sadd.s32 $0xA0000, s8;
	[smem:$0x7F9] =	sst s22  }
0xaf: {  	s15 =	sadd.s32 $0xA4000, s8;
	s23 =	sadd.s32 $0x54000, s8;
	[smem:$0x7D0] =	sst s0  }
0xb0: {  	s16 =	sadd.s32 $0xA8000, s8;
	s0 =	sshrl.u32 s25, $0x3;
	[smem:$0x7FA] =	sst s23  }
0xb1: {  	s17 =	sadd.s32 $0xAC000, s8;
	s25 =	sadd.s32 $0x8000, s24;
	[smem:$0x7D2] =	sst s0  }
0xb2: {  	s18 =	sadd.s32 $0xB0000, s8;
	s0 =	sshrl.u32 s26, $0x3;
	[smem:$0x7E5] =	sst s25  }
0xb3: {  	s19 =	sadd.s32 $0xB4000, s8;
	s26 =	sadd.s32 $0xC000, s24;
	[smem:$0x7D4] =	sst s0  }
0xb4: {  	s20 =	simm.s32 $0x2;
	s24 =	sadd.s32 $0x58000, s8;
	[smem:$0x7E6] =	sst s26  }
0xb5: {  	s21 =	simm.s32 $0x3FF8;
	s25 =	sadd.s32 $0x5C000, s8;
	[smem:$0x7FB] =	sst s24  }
0xb6: {  	s4 =	sadd.s32 $0x78000, s8;
	s0 =	sshrl.u32 s6, $0x3;
	[smem:$0x7FC] =	sst s25  }
.Ltmp0:
0xb7: {  	s6 =	sadd.s32 $0x18000, s8;
	[smem:$0x7D6] =	sst s0;
	(pc) =	sbr.rel .LBB2_1-.Ltmp0, $4  }
0xb8: {  	s22 =	simm.s32 $0x1;
	s26 =	sadd.s32 $0x60000, s8;
	[smem:$0x7EB] =	sst s6  }
0xb9: {  	s23 =	simm.s32 $0x0;
	s0 =	sadd.s32 $0x1000, s9;
	[smem:$0x7FD] =	sst s26  }
0xba: {  	s9 =	sadd.s32 $0x20000, s8;
	s6 =	sadd.s32 $0x80000, s8;
	[smem:$0x7D7] =	sst s0  }
0xbb: {  	[smem:$0x7ED] =	sst s9;
	s9 =	sadd.s32 $0x90000, s8;
	s0 =	sadd.s32 $0x98000, s8  }
.LBB2_4:
0xbc: {  	s25 =	sld [smem:$0x7D6];
	_ =	sdelay $0x1  }
0xbd: {  	s24 =	rddreg [dreg:$0x0];
	s26 =	simm.s32 $0x1C02  }
0xbe: {  	[spmem:s25], [sflag:s26] =	dma.local [hbm:s24], $0x1010  }
0xbf: {  	_ =	swait.ge [sflag:s20], $0x1010  }
0xc0: {  	[sflag:s20] =	ssyncset.done $0x0  }
0xc1: {  	[sflag:s20] =	ssyncadd.s32 $0xFFFFEFF0  }
.LBB2_11:
0xc2: {  	[bflag:$0x0] =	sbarrier.arrive $0xFFFF  }
.LBB2_12:
0xc3: {  	s24 =	stileid.u32;
	s25 =	sld [smem:$0x794]  }
0xc4: {  	s24 =	sshll.u32 s24, $0x6  }
0xc5: {  	s24 =	sor.u32 $0x1C01, s24  }
0xc6: {  	[hbm:s8], [sflag:s24] =	dma.local [spmem:s25], $0x4000  }
0xc7: {  	s25 =	sld [smem:$0x792]  }
0xc8: {  	s26 =	sld [smem:$0x796];
	_ =	sdelay $0x2  }
0xc9: {  	[hbm:s25], [sflag:s24] =	dma.local [spmem:s26], $0x4000  }
0xca: {  	s25 =	sld [smem:$0x797]  }
0xcb: {  	s26 =	sld [smem:$0x7E7];
	_ =	sdelay $0x2  }
0xcc: {  	[hbm:s26], [sflag:s24] =	dma.local [spmem:s25], $0x4000  }
0xcd: {  	_ =	swait.ge [sflag:s22], $0x4000  }
0xce: {  	s25 =	sld [smem:$0x798]  }
0xcf: {  	s26 =	sld [smem:$0x7E8]  }
0xd0: {  	[sflag:s22] =	ssyncset.done $0x0  }
0xd1: {  	[sflag:s22] =	ssyncadd.s32 $0xFFFFC000  }
0xd2: {  	[hbm:s26], [sflag:s24] =	dma.local [spmem:s25], $0x4000  }
0xd3: {  	_ =	swait.ge [sflag:s22], $0x4000  }
0xd4: {  	s25 =	sld [smem:$0x799]  }
0xd5: {  	s26 =	sld [smem:$0x7E9]  }
0xd6: {  	[sflag:s22] =	ssyncset.done $0x0  }
0xd7: {  	[sflag:s22] =	ssyncadd.s32 $0xFFFFC000  }
0xd8: {  	[hbm:s26], [sflag:s24] =	dma.local [spmem:s25], $0x4000  }
0xd9: {  	_ =	swait.ge [sflag:s22], $0x4000  }
0xda: {  	s25 =	sld [smem:$0x79A]  }
0xdb: {  	s26 =	sld [smem:$0x7EA]  }
0xdc: {  	[sflag:s22] =	ssyncset.done $0x0  }
0xdd: {  	[sflag:s22] =	ssyncadd.s32 $0xFFFFC000  }
0xde: {  	[hbm:s26], [sflag:s24] =	dma.local [spmem:s25], $0x4000  }
0xdf: {  	_ =	swait.ge [sflag:s22], $0x4000  }
0xe0: {  	s25 =	sld [smem:$0x79B]  }
0xe1: {  	s26 =	sld [smem:$0x7EB]  }
0xe2: {  	[sflag:s22] =	ssyncset.done $0x0  }
0xe3: {  	[sflag:s22] =	ssyncadd.s32 $0xFFFFC000  }
0xe4: {  	[hbm:s26], [sflag:s24] =	dma.local [spmem:s25], $0x4000  }
0xe5: {  	_ =	swait.ge [sflag:s22], $0x4000  }
0xe6: {  	s25 =	sld [smem:$0x79C]  }
0xe7: {  	s26 =	sld [smem:$0x7EC]  }
0xe8: {  	[sflag:s22] =	ssyncset.done $0x0  }
0xe9: {  	[sflag:s22] =	ssyncadd.s32 $0xFFFFC000  }
0xea: {  	[hbm:s26], [sflag:s24] =	dma.local [spmem:s25], $0x4000  }
0xeb: {  	_ =	swait.ge [sflag:s22], $0x4000  }
0xec: {  	s25 =	sld [smem:$0x79D]  }
0xed: {  	s26 =	sld [smem:$0x7ED]  }
0xee: {  	[sflag:s22] =	ssyncset.done $0x0  }
0xef: {  	[sflag:s22] =	ssyncadd.s32 $0xFFFFC000  }
0xf0: {  	[hbm:s26], [sflag:s24] =	dma.local [spmem:s25], $0x4000  }
0xf1: {  	_ =	swait.ge [sflag:s22], $0x4000  }
0xf2: {  	s25 =	sld [smem:$0x79E]  }
0xf3: {  	s26 =	sld [smem:$0x7EE]  }
0xf4: {  	[sflag:s22] =	ssyncset.done $0x0  }
0xf5: {  	[sflag:s22] =	ssyncadd.s32 $0xFFFFC000  }
0xf6: {  	[hbm:s26], [sflag:s24] =	dma.local [spmem:s25], $0x4000  }
0xf7: {  	_ =	swait.ge [sflag:s22], $0x4000  }
0xf8: {  	s25 =	sld [smem:$0x79F]  }
0xf9: {  	s26 =	sld [smem:$0x7EF]  }
0xfa: {  	[sflag:s22] =	ssyncset.done $0x0  }
0xfb: {  	[sflag:s22] =	ssyncadd.s32 $0xFFFFC000  }
0xfc: {  	[hbm:s26], [sflag:s24] =	dma.local [spmem:s25], $0x4000  }
0xfd: {  	_ =	swait.ge [sflag:s22], $0x4000  }
0xfe: {  	s25 =	sld [smem:$0x7A0]  }
0xff: {  	s26 =	sld [smem:$0x7F0]  }
0x100: {  	[sflag:s22] =	ssyncset.done $0x0  }
0x101: {  	[sflag:s22] =	ssyncadd.s32 $0xFFFFC000  }
0x102: {  	[hbm:s26], [sflag:s24] =	dma.local [spmem:s25], $0x4000  }
0x103: {  	_ =	swait.ge [sflag:s22], $0x4000  }
0x104: {  	s25 =	sld [smem:$0x7A1]  }
0x105: {  	s26 =	sld [smem:$0x7F1]  }
0x106: {  	[sflag:s22] =	ssyncset.done $0x0  }
0x107: {  	[sflag:s22] =	ssyncadd.s32 $0xFFFFC000  }
0x108: {  	[hbm:s26], [sflag:s24] =	dma.local [spmem:s25], $0x4000  }
0x109: {  	_ =	swait.ge [sflag:s22], $0x4000  }
0x10a: {  	s25 =	sld [smem:$0x7A2]  }
0x10b: {  	s26 =	sld [smem:$0x7F2]  }
0x10c: {  	[sflag:s22] =	ssyncset.done $0x0  }
0x10d: {  	[sflag:s22] =	ssyncadd.s32 $0xFFFFC000  }
0x10e: {  	[hbm:s26], [sflag:s24] =	dma.local [spmem:s25], $0x4000  }
0x10f: {  	_ =	swait.ge [sflag:s22], $0x4000  }
0x110: {  	s25 =	sld [smem:$0x7A3]  }
0x111: {  	s26 =	sld [smem:$0x7F3]  }
0x112: {  	[sflag:s22] =	ssyncset.done $0x0  }
0x113: {  	[sflag:s22] =	ssyncadd.s32 $0xFFFFC000  }
0x114: {  	[hbm:s26], [sflag:s24] =	dma.local [spmem:s25], $0x4000  }
0x115: {  	_ =	swait.ge [sflag:s22], $0x4000  }
0x116: {  	s25 =	sld [smem:$0x7A4]  }
0x117: {  	s26 =	sld [smem:$0x7F4]  }
0x118: {  	[sflag:s22] =	ssyncset.done $0x0  }
0x119: {  	[sflag:s22] =	ssyncadd.s32 $0xFFFFC000  }
0x11a: {  	[hbm:s26], [sflag:s24] =	dma.local [spmem:s25], $0x4000  }
0x11b: {  	_ =	swait.ge [sflag:s22], $0x4000  }
0x11c: {  	s25 =	sld [smem:$0x7A5]  }
0x11d: {  	s26 =	sld [smem:$0x7F5]  }
0x11e: {  	[sflag:s22] =	ssyncset.done $0x0  }
0x11f: {  	[sflag:s22] =	ssyncadd.s32 $0xFFFFC000  }
0x120: {  	[hbm:s26], [sflag:s24] =	dma.local [spmem:s25], $0x4000  }
0x121: {  	_ =	swait.ge [sflag:s22], $0x4000  }
0x122: {  	s25 =	sld [smem:$0x7A6]  }
0x123: {  	s26 =	sld [smem:$0x7F6]  }
0x124: {  	[sflag:s22] =	ssyncset.done $0x0  }
0x125: {  	[sflag:s22] =	ssyncadd.s32 $0xFFFFC000  }
0x126: {  	[hbm:s26], [sflag:s24] =	dma.local [spmem:s25], $0x4000  }
0x127: {  	_ =	swait.ge [sflag:s22], $0x4000  }
0x128: {  	s25 =	sld [smem:$0x7A7]  }
0x129: {  	s26 =	sld [smem:$0x7F7]  }
0x12a: {  	[sflag:s22] =	ssyncset.done $0x0  }
0x12b: {  	[sflag:s22] =	ssyncadd.s32 $0xFFFFC000  }
0x12c: {  	[hbm:s26], [sflag:s24] =	dma.local [spmem:s25], $0x4000  }
0x12d: {  	_ =	swait.ge [sflag:s22], $0x4000  }
0x12e: {  	s25 =	sld [smem:$0x7A8]  }
0x12f: {  	s26 =	sld [smem:$0x7F8]  }
0x130: {  	[sflag:s22] =	ssyncset.done $0x0  }
0x131: {  	[sflag:s22] =	ssyncadd.s32 $0xFFFFC000  }
0x132: {  	[hbm:s26], [sflag:s24] =	dma.local [spmem:s25], $0x4000  }
0x133: {  	_ =	swait.ge [sflag:s22], $0x4000  }
0x134: {  	s25 =	sld [smem:$0x7A9]  }
0x135: {  	s26 =	sld [smem:$0x7F9]  }
0x136: {  	[sflag:s22] =	ssyncset.done $0x0  }
0x137: {  	[sflag:s22] =	ssyncadd.s32 $0xFFFFC000  }
0x138: {  	[hbm:s26], [sflag:s24] =	dma.local [spmem:s25], $0x4000  }
0x139: {  	_ =	swait.ge [sflag:s22], $0x4000  }
0x13a: {  	s25 =	sld [smem:$0x7AA]  }
0x13b: {  	s26 =	sld [smem:$0x7FA]  }
0x13c: {  	[sflag:s22] =	ssyncset.done $0x0  }
0x13d: {  	[sflag:s22] =	ssyncadd.s32 $0xFFFFC000  }
0x13e: {  	[hbm:s26], [sflag:s24] =	dma.local [spmem:s25], $0x4000  }
0x13f: {  	_ =	swait.ge [sflag:s22], $0x4000  }
0x140: {  	s25 =	sld [smem:$0x7AB]  }
0x141: {  	s26 =	sld [smem:$0x7FB]  }
0x142: {  	[sflag:s22] =	ssyncset.done $0x0  }
0x143: {  	[sflag:s22] =	ssyncadd.s32 $0xFFFFC000  }
0x144: {  	[hbm:s26], [sflag:s24] =	dma.local [spmem:s25], $0x4000  }
0x145: {  	_ =	swait.ge [sflag:s22], $0x4000  }
0x146: {  	s25 =	sld [smem:$0x7AC]  }
0x147: {  	s26 =	sld [smem:$0x7FC]  }
0x148: {  	[sflag:s22] =	ssyncset.done $0x0  }
0x149: {  	[sflag:s22] =	ssyncadd.s32 $0xFFFFC000  }
0x14a: {  	[hbm:s26], [sflag:s24] =	dma.local [spmem:s25], $0x4000  }
0x14b: {  	_ =	swait.ge [sflag:s22], $0x4000  }
0x14c: {  	s25 =	sld [smem:$0x7AD]  }
0x14d: {  	s26 =	sld [smem:$0x7FD]  }
0x14e: {  	[sflag:s22] =	ssyncset.done $0x0  }
0x14f: {  	[sflag:s22] =	ssyncadd.s32 $0xFFFFC000  }
0x150: {  	[hbm:s26], [sflag:s24] =	dma.local [spmem:s25], $0x4000  }
0x151: {  	_ =	swait.ge [sflag:s22], $0x4000  }
0x152: {  	s26 =	sld [smem:$0x7AE]  }
0x153: {  	[sflag:s22] =	ssyncset.done $0x0  }
0x154: {  	[sflag:s22] =	ssyncadd.s32 $0xFFFFC000  }
0x155: {  	[hbm:s28], [sflag:s24] =	dma.local [spmem:s26], $0x4000  }
0x156: {  	_ =	swait.ge [sflag:s22], $0x4000  }
0x157: {  	s26 =	sld [smem:$0x7B0]  }
0x158: {  	[sflag:s22] =	ssyncset.done $0x0  }
0x159: {  	[sflag:s22] =	ssyncadd.s32 $0xFFFFC000  }
0x15a: {  	[hbm:s29], [sflag:s24] =	dma.local [spmem:s26], $0x4000  }
0x15b: {  	_ =	swait.ge [sflag:s22], $0x4000  }
0x15c: {  	s26 =	sld [smem:$0x7B2]  }
0x15d: {  	[sflag:s22] =	ssyncset.done $0x0  }
0x15e: {  	[sflag:s22] =	ssyncadd.s32 $0xFFFFC000  }
0x15f: {  	[hbm:s30], [sflag:s24] =	dma.local [spmem:s26], $0x4000  }
0x160: {  	_ =	swait.ge [sflag:s22], $0x4000  }
0x161: {  	s26 =	sld [smem:$0x7B4]  }
0x162: {  	[sflag:s22] =	ssyncset.done $0x0  }
0x163: {  	[sflag:s22] =	ssyncadd.s32 $0xFFFFC000  }
0x164: {  	[hbm:s31], [sflag:s24] =	dma.local [spmem:s26], $0x4000  }
0x165: {  	_ =	swait.ge [sflag:s22], $0x4000  }
0x166: {  	s26 =	sld [smem:$0x7B6]  }
0x167: {  	[sflag:s22] =	ssyncset.done $0x0  }
0x168: {  	[sflag:s22] =	ssyncadd.s32 $0xFFFFC000  }
0x169: {  	[hbm:s3], [sflag:s24] =	dma.local [spmem:s26], $0x4000  }
0x16a: {  	_ =	swait.ge [sflag:s22], $0x4000  }
0x16b: {  	s26 =	sld [smem:$0x7B8]  }
0x16c: {  	[sflag:s22] =	ssyncset.done $0x0  }
0x16d: {  	[sflag:s22] =	ssyncadd.s32 $0xFFFFC000  }
0x16e: {  	[hbm:s4], [sflag:s24] =	dma.local [spmem:s26], $0x4000  }
0x16f: {  	_ =	swait.ge [sflag:s22], $0x4000  }
0x170: {  	s26 =	sld [smem:$0x7BA]  }
0x171: {  	[sflag:s22] =	ssyncset.done $0x0  }
0x172: {  	[sflag:s22] =	ssyncadd.s32 $0xFFFFC000  }
0x173: {  	[hbm:s5], [sflag:s24] =	dma.local [spmem:s26], $0x4000  }
0x174: {  	_ =	swait.ge [sflag:s22], $0x4000  }
0x175: {  	s26 =	sld [smem:$0x7BC]  }
0x176: {  	[sflag:s22] =	ssyncset.done $0x0  }
0x177: {  	[sflag:s22] =	ssyncadd.s32 $0xFFFFC000  }
0x178: {  	[hbm:s6], [sflag:s24] =	dma.local [spmem:s26], $0x4000  }
0x179: {  	_ =	swait.ge [sflag:s22], $0x4000  }
0x17a: {  	s26 =	sld [smem:$0x7BE]  }
0x17b: {  	[sflag:s22] =	ssyncset.done $0x0  }
0x17c: {  	[sflag:s22] =	ssyncadd.s32 $0xFFFFC000  }
0x17d: {  	[hbm:s7], [sflag:s24] =	dma.local [spmem:s26], $0x4000  }
0x17e: {  	_ =	swait.ge [sflag:s22], $0x4000  }
0x17f: {  	s26 =	sld [smem:$0x7C0]  }
0x180: {  	[sflag:s22] =	ssyncset.done $0x0  }
0x181: {  	[sflag:s22] =	ssyncadd.s32 $0xFFFFC000  }
0x182: {  	[hbm:s12], [sflag:s24] =	dma.local [spmem:s26], $0x4000  }
0x183: {  	_ =	swait.ge [sflag:s22], $0x4000  }
0x184: {  	s26 =	sld [smem:$0x7C2]  }
0x185: {  	[sflag:s22] =	ssyncset.done $0x0  }
0x186: {  	[sflag:s22] =	ssyncadd.s32 $0xFFFFC000  }
0x187: {  	[hbm:s2], [sflag:s24] =	dma.local [spmem:s26], $0x4000  }
0x188: {  	_ =	swait.ge [sflag:s22], $0x4000  }
0x189: {  	s26 =	sld [smem:$0x7C4]  }
0x18a: {  	[sflag:s22] =	ssyncset.done $0x0  }
0x18b: {  	[sflag:s22] =	ssyncadd.s32 $0xFFFFC000  }
0x18c: {  	[hbm:s9], [sflag:s24] =	dma.local [spmem:s26], $0x4000  }
0x18d: {  	_ =	swait.ge [sflag:s22], $0x4000  }
0x18e: {  	s26 =	sld [smem:$0x7C6]  }
0x18f: {  	[sflag:s22] =	ssyncset.done $0x0  }
0x190: {  	[sflag:s22] =	ssyncadd.s32 $0xFFFFC000  }
0x191: {  	[hbm:s11], [sflag:s24] =	dma.local [spmem:s26], $0x4000  }
0x192: {  	_ =	swait.ge [sflag:s22], $0x4000  }
0x193: {  	s26 =	sld [smem:$0x7C8]  }
0x194: {  	[sflag:s22] =	ssyncset.done $0x0  }
0x195: {  	[sflag:s22] =	ssyncadd.s32 $0xFFFFC000  }
0x196: {  	[hbm:s0], [sflag:s24] =	dma.local [spmem:s26], $0x4000  }
0x197: {  	_ =	swait.ge [sflag:s22], $0x4000  }
0x198: {  	s26 =	sld [smem:$0x7CA]  }
0x199: {  	[sflag:s22] =	ssyncset.done $0x0  }
0x19a: {  	[sflag:s22] =	ssyncadd.s32 $0xFFFFC000  }
0x19b: {  	[hbm:s10], [sflag:s24] =	dma.local [spmem:s26], $0x4000  }
0x19c: {  	_ =	swait.ge [sflag:s22], $0x4000  }
0x19d: {  	s26 =	sld [smem:$0x7CC]  }
0x19e: {  	[sflag:s22] =	ssyncset.done $0x0  }
0x19f: {  	[sflag:s22] =	ssyncadd.s32 $0xFFFFC000  }
0x1a0: {  	[hbm:s14], [sflag:s24] =	dma.local [spmem:s26], $0x4000  }
0x1a1: {  	_ =	swait.ge [sflag:s22], $0x4000  }
0x1a2: {  	s26 =	sld [smem:$0x7CE]  }
0x1a3: {  	[sflag:s22] =	ssyncset.done $0x0  }
0x1a4: {  	[sflag:s22] =	ssyncadd.s32 $0xFFFFC000  }
0x1a5: {  	[hbm:s15], [sflag:s24] =	dma.local [spmem:s26], $0x4000  }
0x1a6: {  	_ =	swait.ge [sflag:s22], $0x4000  }
0x1a7: {  	s26 =	sld [smem:$0x7D0]  }
0x1a8: {  	[sflag:s22] =	ssyncset.done $0x0  }
0x1a9: {  	[sflag:s22] =	ssyncadd.s32 $0xFFFFC000  }
0x1aa: {  	[hbm:s16], [sflag:s24] =	dma.local [spmem:s26], $0x4000  }
0x1ab: {  	_ =	swait.ge [sflag:s22], $0x4000  }
0x1ac: {  	s26 =	sld [smem:$0x7D2]  }
0x1ad: {  	[sflag:s22] =	ssyncset.done $0x0  }
0x1ae: {  	[sflag:s22] =	ssyncadd.s32 $0xFFFFC000  }
0x1af: {  	[hbm:s17], [sflag:s24] =	dma.local [spmem:s26], $0x4000  }
0x1b0: {  	_ =	swait.ge [sflag:s22], $0x4000  }
0x1b1: {  	s26 =	sld [smem:$0x7D4]  }
0x1b2: {  	[sflag:s22] =	ssyncset.done $0x0  }
0x1b3: {  	[sflag:s22] =	ssyncadd.s32 $0xFFFFC000  }
0x1b4: {  	[hbm:s18], [sflag:s24] =	dma.local [spmem:s26], $0x4000  }
0x1b5: {  	_ =	swait.ge [sflag:s22], $0x4000  }
0x1b6: {  	s26 =	sld [smem:$0x7D5]  }
0x1b7: {  	[sflag:s22] =	ssyncset.done $0x0  }
0x1b8: {  	[sflag:s22] =	ssyncadd.s32 $0xFFFFC000  }
0x1b9: {  	[hbm:s19], [sflag:s24] =	dma.local [spmem:s26], $0x4000  }
0x1ba: {  	_ =	swait.ge [sflag:s22], $0x4000  }
0x1bb: {  	[sflag:s22] =	ssyncset.done $0x0  }
0x1bc: {  	[sflag:s22] =	ssyncadd.s32 $0xFFFFC000  }
0x1bd: {  	_ =	swait.ge [sflag:s22], $0x4000  }
0x1be: {  	[sflag:s22] =	ssyncset.done $0x0  }
0x1bf: {  	[sflag:s22] =	ssyncadd.s32 $0xFFFFC000  }
0x1c0: {  	_ =	swait.ge [sflag:s22], $0x4000  }
0x1c1: {  	[sflag:s22] =	ssyncset.done $0x0  }
0x1c2: {  	[sflag:s22] =	ssyncadd.s32 $0xFFFFC000  }
.LBB2_15:
0x1c3: {  	s23 =	sadd.s32 $0x1, s23  }
0x1c4: {  	p4 =	sne.s32 s23, s13  }
.Ltmp1:
0x1c5: {  	_ = 	snop;
	(pc) =	sbr.rel @!p4 .LBB2_16-.Ltmp1, $1  }
0x1c6: {  	_ =	sdelay $0x3  }
.LBB2_1:
.Ltmp2:
0x1c7: {  	(pc) =	sbr.rel @p0 .LBB2_8-.Ltmp2, $1  }
0x1c8: {  	_ =	sdelay $0x3  }
.Ltmp3:
0x1c9: {  	(pc) =	sbr.rel @p2 .LBB2_5-.Ltmp3, $1  }
0x1ca: {  	_ =	sdelay $0x3  }
.Ltmp4:
0x1cb: {  	(pc) =	sbr.rel @!p1 .LBB2_4-.Ltmp4, $1  }
0x1cc: {  	_ =	sdelay $0x3  }
.Ltmp5:
0x1cd: {  	(pc) =	sbr.rel @p3 .LBB2_12-.Ltmp5, $2  }
0x1ce: {  	_ =	sdelay $0x1  }
0x1cf: {  	[bflag:$0x0] =	sbarrier.arrive $0xFFFF;
	_ =	sdelay $0x1  }
0x1d0: {  	s24 =	sld [smem:$0x793];
	_ =	sdelay $0x1  }
0x1d1: {  	s25 =	simm.s32 $0x8078  }
0x1d2: {  	[tilespmem:s25], [sflag:$0x2] =	stream.linear.gather [spmem:s24], $0x11200, $0x38;
	[tilespmem:$0x19478] =	vst v63  }
0x1d3: {  	_ =	swait.ge [sflag:s20], $0x11200  }
0x1d4: {  	[sflag:s20] =	ssyncset.done $0x0  }
0x1d5: {  	s26 =	simm.s32 $0x91F8;
	s24 =	rddreg [dreg:$0x4];
	[sflag:s20] =	ssyncadd.s32 $0xFFFEEE00  }
0x1d6: {  	[hbm4b:s24+s1] =	stream.linear.scatter [tilespmem:s26], [sflag:$0x1], $0x10000, $0x38;
	[tilespmem:$0x19478] =	vst v63  }
0x1d7: {  	s24 =	rddreg [dreg:$0x5];
	s26 =	simm.s32 $0x9178  }
0x1d8: {  	[hbm4b:s24+s1] =	stream.linear.scatter [tilespmem:s26], [sflag:$0x1], $0x10000, $0x38;
	[tilespmem:$0x19478] =	vst v63  }
0x1d9: {  	s24 =	sld [smem:$0x7E5];
	_ =	sdelay $0x1  }
0x1da: {  	s26 =	simm.s32 $0x90F8  }
0x1db: {  	[hbm4b:s24+s1] =	stream.linear.scatter [tilespmem:s26], [sflag:$0x1], $0x10000, $0x38;
	[tilespmem:$0x19478] =	vst v63  }
0x1dc: {  	s24 =	sld [smem:$0x7E6];
	_ =	sdelay $0x1  }
0x1dd: {  	s26 =	simm.s32 $0x9078  }
0x1de: {  	[hbm4b:s24+s1] =	stream.linear.scatter [tilespmem:s26], [sflag:$0x1], $0x10000, $0x38;
	[tilespmem:$0x19478] =	vst v63  }
0x1df: {  	s24 =	rddreg [dreg:$0x6];
	s26 =	simm.s32 $0x8FF8  }
0x1e0: {  	[hbm4b:s24+s1] =	stream.linear.scatter [tilespmem:s26], [sflag:$0x1], $0x10000, $0x38;
	[tilespmem:$0x19478] =	vst v63  }
0x1e1: {  	s24 =	rddreg [dreg:$0x7];
	s26 =	simm.s32 $0x8F78  }
0x1e2: {  	[hbm4b:s24+s1] =	stream.linear.scatter [tilespmem:s26], [sflag:$0x1], $0x10000, $0x38;
	[tilespmem:$0x19478] =	vst v63  }
0x1e3: {  	_ =	swait.ge [sflag:s22], $0x10000  }
0x1e4: {  	[sflag:s22] =	ssyncset.done $0x0  }
0x1e5: {  	s26 =	simm.s32 $0x8EF8;
	s24 =	rddreg [dreg:$0x8];
	[sflag:s22] =	ssyncadd.s32 $0xFFFF0000  }
0x1e6: {  	[hbm4b:s24+s1] =	stream.linear.scatter [tilespmem:s26], [sflag:$0x1], $0x10000, $0x38;
	[tilespmem:$0x19478] =	vst v63  }
0x1e7: {  	_ =	swait.ge [sflag:s22], $0x10000  }
0x1e8: {  	[sflag:s22] =	ssyncset.done $0x0  }
0x1e9: {  	s26 =	simm.s32 $0x8E78;
	s24 =	rddreg [dreg:$0x9];
	[sflag:s22] =	ssyncadd.s32 $0xFFFF0000  }
0x1ea: {  	[hbm4b:s24+s1] =	stream.linear.scatter [tilespmem:s26], [sflag:$0x1], $0x10000, $0x38;
	[tilespmem:$0x19478] =	vst v63  }
0x1eb: {  	_ =	swait.ge [sflag:s22], $0x10000  }
0x1ec: {  	[sflag:s22] =	ssyncset.done $0x0  }
0x1ed: {  	s26 =	simm.s32 $0x8DF8;
	s24 =	rddreg [dreg:$0xa];
	[sflag:s22] =	ssyncadd.s32 $0xFFFF0000  }
0x1ee: {  	[hbm4b:s24+s1] =	stream.linear.scatter [tilespmem:s26], [sflag:$0x1], $0x10000, $0x38;
	[tilespmem:$0x19478] =	vst v63  }
0x1ef: {  	_ =	swait.ge [sflag:s22], $0x10000  }
0x1f0: {  	[sflag:s22] =	ssyncset.done $0x0  }
0x1f1: {  	s26 =	simm.s32 $0x8D78;
	s24 =	rddreg [dreg:$0xb];
	[sflag:s22] =	ssyncadd.s32 $0xFFFF0000  }
0x1f2: {  	[hbm4b:s24+s1] =	stream.linear.scatter [tilespmem:s26], [sflag:$0x1], $0x10000, $0x38;
	[tilespmem:$0x19478] =	vst v63  }
0x1f3: {  	_ =	swait.ge [sflag:s22], $0x10000  }
0x1f4: {  	[sflag:s22] =	ssyncset.done $0x0  }
0x1f5: {  	s26 =	simm.s32 $0x8CF8;
	s24 =	rddreg [dreg:$0xc];
	[sflag:s22] =	ssyncadd.s32 $0xFFFF0000  }
0x1f6: {  	[hbm4b:s24+s1] =	stream.linear.scatter [tilespmem:s26], [sflag:$0x1], $0x10000, $0x38;
	[tilespmem:$0x19478] =	vst v63  }
0x1f7: {  	_ =	swait.ge [sflag:s22], $0x10000  }
0x1f8: {  	[sflag:s22] =	ssyncset.done $0x0  }
0x1f9: {  	s26 =	simm.s32 $0x8C78;
	s24 =	rddreg [dreg:$0xd];
	[sflag:s22] =	ssyncadd.s32 $0xFFFF0000  }
0x1fa: {  	[hbm4b:s24+s1] =	stream.linear.scatter [tilespmem:s26], [sflag:$0x1], $0x10000, $0x38;
	[tilespmem:$0x19478] =	vst v63  }
0x1fb: {  	_ =	swait.ge [sflag:s22], $0x10000  }
0x1fc: {  	[sflag:s22] =	ssyncset.done $0x0  }
0x1fd: {  	s26 =	simm.s32 $0x8BF8;
	s24 =	rddreg [dreg:$0xe];
	[sflag:s22] =	ssyncadd.s32 $0xFFFF0000  }
0x1fe: {  	[hbm4b:s24+s1] =	stream.linear.scatter [tilespmem:s26], [sflag:$0x1], $0x10000, $0x38;
	[tilespmem:$0x19478] =	vst v63  }
0x1ff: {  	_ =	swait.ge [sflag:s22], $0x10000  }
0x200: {  	[sflag:s22] =	ssyncset.done $0x0  }
0x201: {  	s26 =	simm.s32 $0x8B78;
	s24 =	rddreg [dreg:$0xf];
	[sflag:s22] =	ssyncadd.s32 $0xFFFF0000  }
0x202: {  	[hbm4b:s24+s1] =	stream.linear.scatter [tilespmem:s26], [sflag:$0x1], $0x10000, $0x38;
	[tilespmem:$0x19478] =	vst v63  }
0x203: {  	_ =	swait.ge [sflag:s22], $0x10000  }
0x204: {  	[sflag:s22] =	ssyncset.done $0x0  }
0x205: {  	s26 =	simm.s32 $0x8AF8;
	s24 =	rddreg [dreg:$0x10];
	[sflag:s22] =	ssyncadd.s32 $0xFFFF0000  }
0x206: {  	[hbm4b:s24+s1] =	stream.linear.scatter [tilespmem:s26], [sflag:$0x1], $0x10000, $0x38;
	[tilespmem:$0x19478] =	vst v63  }
0x207: {  	_ =	swait.ge [sflag:s22], $0x10000  }
0x208: {  	[sflag:s22] =	ssyncset.done $0x0  }
0x209: {  	s26 =	simm.s32 $0x8A78;
	s24 =	rddreg [dreg:$0x11];
	[sflag:s22] =	ssyncadd.s32 $0xFFFF0000  }
0x20a: {  	[hbm4b:s24+s1] =	stream.linear.scatter [tilespmem:s26], [sflag:$0x1], $0x10000, $0x38;
	[tilespmem:$0x19478] =	vst v63  }
0x20b: {  	_ =	swait.ge [sflag:s22], $0x10000  }
0x20c: {  	[sflag:s22] =	ssyncset.done $0x0  }
0x20d: {  	s26 =	simm.s32 $0x89F8;
	s24 =	rddreg [dreg:$0x12];
	[sflag:s22] =	ssyncadd.s32 $0xFFFF0000  }
0x20e: {  	[hbm4b:s24+s1] =	stream.linear.scatter [tilespmem:s26], [sflag:$0x1], $0x10000, $0x38;
	[tilespmem:$0x19478] =	vst v63  }
0x20f: {  	_ =	swait.ge [sflag:s22], $0x10000  }
0x210: {  	[sflag:s22] =	ssyncset.done $0x0  }
0x211: {  	s26 =	simm.s32 $0x8978;
	s24 =	rddreg [dreg:$0x13];
	[sflag:s22] =	ssyncadd.s32 $0xFFFF0000  }
0x212: {  	[hbm4b:s24+s1] =	stream.linear.scatter [tilespmem:s26], [sflag:$0x1], $0x10000, $0x38;
	[tilespmem:$0x19478] =	vst v63  }
0x213: {  	_ =	swait.ge [sflag:s22], $0x10000  }
0x214: {  	[sflag:s22] =	ssyncset.done $0x0  }
0x215: {  	s26 =	simm.s32 $0x88F8;
	s24 =	rddreg [dreg:$0x14];
	[sflag:s22] =	ssyncadd.s32 $0xFFFF0000  }
0x216: {  	[hbm4b:s24+s1] =	stream.linear.scatter [tilespmem:s26], [sflag:$0x1], $0x10000, $0x38;
	[tilespmem:$0x19478] =	vst v63  }
0x217: {  	_ =	swait.ge [sflag:s22], $0x10000  }
0x218: {  	[sflag:s22] =	ssyncset.done $0x0  }
0x219: {  	s26 =	simm.s32 $0x8878;
	s24 =	rddreg [dreg:$0x15];
	[sflag:s22] =	ssyncadd.s32 $0xFFFF0000  }
0x21a: {  	[hbm4b:s24+s1] =	stream.linear.scatter [tilespmem:s26], [sflag:$0x1], $0x10000, $0x38;
	[tilespmem:$0x19478] =	vst v63  }
0x21b: {  	_ =	swait.ge [sflag:s22], $0x10000  }
0x21c: {  	[sflag:s22] =	ssyncset.done $0x0  }
0x21d: {  	s26 =	simm.s32 $0x87F8;
	s24 =	rddreg [dreg:$0x16];
	[sflag:s22] =	ssyncadd.s32 $0xFFFF0000  }
0x21e: {  	[hbm4b:s24+s1] =	stream.linear.scatter [tilespmem:s26], [sflag:$0x1], $0x10000, $0x38;
	[tilespmem:$0x19478] =	vst v63  }
0x21f: {  	_ =	swait.ge [sflag:s22], $0x10000  }
0x220: {  	[sflag:s22] =	ssyncset.done $0x0  }
0x221: {  	s26 =	simm.s32 $0x8778;
	s24 =	rddreg [dreg:$0x17];
	[sflag:s22] =	ssyncadd.s32 $0xFFFF0000  }
0x222: {  	[hbm4b:s24+s1] =	stream.linear.scatter [tilespmem:s26], [sflag:$0x1], $0x10000, $0x38;
	[tilespmem:$0x19478] =	vst v63  }
0x223: {  	_ =	swait.ge [sflag:s22], $0x10000  }
0x224: {  	[sflag:s22] =	ssyncset.done $0x0  }
0x225: {  	s26 =	simm.s32 $0x86F8;
	s24 =	rddreg [dreg:$0x18];
	[sflag:s22] =	ssyncadd.s32 $0xFFFF0000  }
0x226: {  	[hbm4b:s24+s1] =	stream.linear.scatter [tilespmem:s26], [sflag:$0x1], $0x10000, $0x38;
	[tilespmem:$0x19478] =	vst v63  }
0x227: {  	_ =	swait.ge [sflag:s22], $0x10000  }
0x228: {  	[sflag:s22] =	ssyncset.done $0x0  }
0x229: {  	s26 =	simm.s32 $0x8678;
	s24 =	rddreg [dreg:$0x19];
	[sflag:s22] =	ssyncadd.s32 $0xFFFF0000  }
0x22a: {  	[hbm4b:s24+s1] =	stream.linear.scatter [tilespmem:s26], [sflag:$0x1], $0x10000, $0x38;
	[tilespmem:$0x19478] =	vst v63  }
0x22b: {  	_ =	swait.ge [sflag:s22], $0x10000  }
0x22c: {  	[sflag:s22] =	ssyncset.done $0x0  }
0x22d: {  	s26 =	simm.s32 $0x85F8;
	s24 =	rddreg [dreg:$0x1a];
	[sflag:s22] =	ssyncadd.s32 $0xFFFF0000  }
0x22e: {  	[hbm4b:s24+s1] =	stream.linear.scatter [tilespmem:s26], [sflag:$0x1], $0x10000, $0x38;
	[tilespmem:$0x19478] =	vst v63  }
0x22f: {  	_ =	swait.ge [sflag:s22], $0x10000  }
0x230: {  	[sflag:s22] =	ssyncset.done $0x0  }
0x231: {  	s26 =	simm.s32 $0x8578;
	s24 =	rddreg [dreg:$0x1b];
	[sflag:s22] =	ssyncadd.s32 $0xFFFF0000  }
0x232: {  	[hbm4b:s24+s1] =	stream.linear.scatter [tilespmem:s26], [sflag:$0x1], $0x10000, $0x38;
	[tilespmem:$0x19478] =	vst v63  }
0x233: {  	_ =	swait.ge [sflag:s22], $0x10000  }
0x234: {  	[sflag:s22] =	ssyncset.done $0x0  }
0x235: {  	s26 =	simm.s32 $0x84F8;
	s24 =	rddreg [dreg:$0x1c];
	[sflag:s22] =	ssyncadd.s32 $0xFFFF0000  }
0x236: {  	[hbm4b:s24+s1] =	stream.linear.scatter [tilespmem:s26], [sflag:$0x1], $0x10000, $0x38;
	[tilespmem:$0x19478] =	vst v63  }
0x237: {  	_ =	swait.ge [sflag:s22], $0x10000  }
0x238: {  	[sflag:s22] =	ssyncset.done $0x0  }
0x239: {  	s26 =	simm.s32 $0x8478;
	s24 =	rddreg [dreg:$0x1d];
	[sflag:s22] =	ssyncadd.s32 $0xFFFF0000  }
0x23a: {  	[hbm4b:s24+s1] =	stream.linear.scatter [tilespmem:s26], [sflag:$0x1], $0x10000, $0x38;
	[tilespmem:$0x19478] =	vst v63  }
0x23b: {  	_ =	swait.ge [sflag:s22], $0x10000  }
0x23c: {  	[sflag:s22] =	ssyncset.done $0x0  }
0x23d: {  	s26 =	simm.s32 $0x83F8;
	s24 =	rddreg [dreg:$0x1e];
	[sflag:s22] =	ssyncadd.s32 $0xFFFF0000  }
0x23e: {  	[hbm4b:s24+s1] =	stream.linear.scatter [tilespmem:s26], [sflag:$0x1], $0x10000, $0x38;
	[tilespmem:$0x19478] =	vst v63  }
0x23f: {  	_ =	swait.ge [sflag:s22], $0x10000  }
0x240: {  	[sflag:s22] =	ssyncset.done $0x0  }
0x241: {  	s26 =	simm.s32 $0x8378;
	s24 =	rddreg [dreg:$0x1f];
	[sflag:s22] =	ssyncadd.s32 $0xFFFF0000  }
0x242: {  	[hbm4b:s24+s1] =	stream.linear.scatter [tilespmem:s26], [sflag:$0x1], $0x10000, $0x38;
	[tilespmem:$0x19478] =	vst v63  }
0x243: {  	_ =	swait.ge [sflag:s22], $0x10000  }
0x244: {  	s24 =	sld [smem:$0x78C]  }
0x245: {  	[sflag:s22] =	ssyncset.done $0x0  }
0x246: {  	s26 =	simm.s32 $0x82F8;
	[sflag:s22] =	ssyncadd.s32 $0xFFFF0000  }
0x247: {  	[hbm4b:s24+s1] =	stream.linear.scatter [tilespmem:s26], [sflag:$0x1], $0x10000, $0x38;
	[tilespmem:$0x19478] =	vst v63  }
0x248: {  	_ =	swait.ge [sflag:s22], $0x10000  }
0x249: {  	s24 =	sld [smem:$0x78D]  }
0x24a: {  	[sflag:s22] =	ssyncset.done $0x0  }
0x24b: {  	s26 =	simm.s32 $0x8278;
	[sflag:s22] =	ssyncadd.s32 $0xFFFF0000  }
0x24c: {  	[hbm4b:s24+s1] =	stream.linear.scatter [tilespmem:s26], [sflag:$0x1], $0x10000, $0x38;
	[tilespmem:$0x19478] =	vst v63  }
0x24d: {  	_ =	swait.ge [sflag:s22], $0x10000  }
0x24e: {  	s24 =	sld [smem:$0x78E]  }
0x24f: {  	[sflag:s22] =	ssyncset.done $0x0  }
0x250: {  	s26 =	simm.s32 $0x81F8;
	[sflag:s22] =	ssyncadd.s32 $0xFFFF0000  }
0x251: {  	[hbm4b:s24+s1] =	stream.linear.scatter [tilespmem:s26], [sflag:$0x1], $0x10000, $0x38;
	[tilespmem:$0x19478] =	vst v63  }
0x252: {  	_ =	swait.ge [sflag:s22], $0x10000  }
0x253: {  	s24 =	sld [smem:$0x78F]  }
0x254: {  	[sflag:s22] =	ssyncset.done $0x0  }
0x255: {  	s26 =	simm.s32 $0x8178;
	[sflag:s22] =	ssyncadd.s32 $0xFFFF0000  }
0x256: {  	[hbm4b:s24+s1] =	stream.linear.scatter [tilespmem:s26], [sflag:$0x1], $0x10000, $0x38;
	[tilespmem:$0x19478] =	vst v63  }
0x257: {  	_ =	swait.ge [sflag:s22], $0x10000  }
0x258: {  	s24 =	sld [smem:$0x790]  }
0x259: {  	[sflag:s22] =	ssyncset.done $0x0  }
0x25a: {  	s26 =	simm.s32 $0x80F8;
	[sflag:s22] =	ssyncadd.s32 $0xFFFF0000  }
0x25b: {  	[hbm4b:s24+s1] =	stream.linear.scatter [tilespmem:s26], [sflag:$0x1], $0x10000, $0x38;
	[tilespmem:$0x19478] =	vst v63  }
0x25c: {  	_ =	swait.ge [sflag:s22], $0x10000  }
0x25d: {  	s26 =	sld [smem:$0x791]  }
0x25e: {  	[sflag:s22] =	ssyncset.done $0x0  }
0x25f: {  	[sflag:s22] =	ssyncadd.s32 $0xFFFF0000  }
0x260: {  	[hbm4b:s26+s1] =	stream.linear.scatter [tilespmem:s25], [sflag:$0x1], $0x10000, $0x38;
	[tilespmem:$0x19478] =	vst v63  }
0x261: {  	_ =	swait.ge [sflag:s22], $0x10000  }
0x262: {  	[sflag:s22] =	ssyncset.done $0x0  }
0x263: {  	[sflag:s22] =	ssyncadd.s32 $0xFFFF0000  }
0x264: {  	_ =	swait.ge [sflag:s22], $0x10000  }
0x265: {  	[sflag:s22] =	ssyncset.done $0x0  }
0x266: {  	[sflag:s22] =	ssyncadd.s32 $0xFFFF0000  }
0x267: {  	_ =	swait.ge [sflag:s22], $0x10000  }
0x268: {  	[sflag:s22] =	ssyncset.done $0x0  }
0x269: {  	[sflag:s22] =	ssyncadd.s32 $0xFFFF0000  }
0x26a: {  	_ =	swait.ge [sflag:s22], $0x10000  }
0x26b: {  	[sflag:s22] =	ssyncset.done $0x0  }
0x26c: {  	[sflag:s22] =	ssyncadd.s32 $0xFFFF0000  }
0x26d: {  	_ =	swait.ge [sflag:s22], $0x10000  }
.Ltmp6:
0x26e: {  	[sflag:s22] =	ssyncset.done $0x0;
	(pc) =	sbr.rel .LBB2_15-.Ltmp6, $4  }
0x26f: {  	[sflag:s22] =	ssyncadd.s32 $0xFFFF0000  }
0x270: {  	_ =	swait.ge [sflag:s22], $0x10000  }
0x271: {  	[sflag:s22] =	ssyncset.done $0x0  }
0x272: {  	[sflag:s22] =	ssyncadd.s32 $0xFFFF0000  }
.LBB2_5:
0x273: {  	s24 =	simm.s32 $0x0;
	s25 =	rddreg [dreg:$0x0];
	s26 =	simm.s32 $0x7FF8  }
0x274: {  	[tilespmem:s26], [sflag:$0x2] =	stream.linear.gather [hbm4b:s25+s24], $0x80, $0x38;
	[tilespmem:$0x19478] =	vst v63  }
0x275: {  	_ =	swait.ge [sflag:s20], $0x80  }
0x276: {  	[sflag:s20] =	ssyncset.done $0x0  }
0x277: {  	[sflag:s20] =	ssyncadd.s32 $0xFFFFFF80  }
0x278: {  	s25 =	simm.s32 $0x200;
	v0 =	vld [tilespmem:$0x7FF8]  }
.LBB2_6:
0x279: {  	p4 =	sne.s32 s25, $0xFE00;
	_ =	sdelay $0x2  }
0x27a: {  	s26 =	sshra.s32 s24, $0x2;
	s24 =	smov.u32 s25  }
0x27b: {  	[tilespmem:s26+$0x3FF8] =	vst v0  }
0x27c: {  	v0 =	vld [tilespmem:$0x8008];
	_ =	sdelay $0x4  }
0x27d: {  	[tilespmem:s26+$0x4008] =	vst v0  }
0x27e: {  	v0 =	vld [tilespmem:$0x8018];
	_ =	sdelay $0x4  }
0x27f: {  	[tilespmem:s26+$0x4018] =	vst v0  }
0x280: {  	v0 =	vld [tilespmem:$0x8028];
	_ =	sdelay $0x4  }
0x281: {  	[tilespmem:s26+$0x4028] =	vst v0  }
0x282: {  	v0 =	vld [tilespmem:$0x8038];
	_ =	sdelay $0x4  }
0x283: {  	[tilespmem:s26+$0x4038] =	vst v0  }
0x284: {  	v0 =	vld [tilespmem:$0x8048];
	_ =	sdelay $0x4  }
0x285: {  	[tilespmem:s26+$0x4048] =	vst v0  }
0x286: {  	v0 =	vld [tilespmem:$0x8058];
	_ =	sdelay $0x4  }
0x287: {  	[tilespmem:s26+$0x4058] =	vst v0  }
0x288: {  	v0 =	vld [tilespmem:$0x8068];
	_ =	sdelay $0x1  }
.Ltmp7:
0x289: {  	(pc) =	sbr.rel @p4 .LBB2_6-.Ltmp7, $3  }
0x28a: {  	_ =	sdelay $0x1  }
0x28b: {  	[tilespmem:s26+$0x4068] =	vst v0  }
0x28c: {  	s25 =	sadd.s32 $0x200, s25;
	v0 =	vld [tilespmem:$0x7FF8]  }
0x28d: {  	_ =	sdelay $0x2  }
0x28e: {  	s24 =	sshra.s32 s24, $0x2  }
0x28f: {  	[tilespmem:s24+$0x3FF8] =	vst v0  }
0x290: {  	v0 =	vld [tilespmem:$0x8008];
	_ =	sdelay $0x4  }
0x291: {  	[tilespmem:s24+$0x4008] =	vst v0  }
0x292: {  	v0 =	vld [tilespmem:$0x8018];
	_ =	sdelay $0x4  }
0x293: {  	[tilespmem:s24+$0x4018] =	vst v0  }
0x294: {  	v0 =	vld [tilespmem:$0x8028];
	_ =	sdelay $0x4  }
0x295: {  	[tilespmem:s24+$0x4028] =	vst v0  }
0x296: {  	v0 =	vld [tilespmem:$0x8038];
	_ =	sdelay $0x4  }
0x297: {  	[tilespmem:s24+$0x4038] =	vst v0  }
0x298: {  	v0 =	vld [tilespmem:$0x8048];
	_ =	sdelay $0x4  }
0x299: {  	[tilespmem:s24+$0x4048] =	vst v0  }
0x29a: {  	v0 =	vld [tilespmem:$0x8058];
	_ =	sdelay $0x4  }
0x29b: {  	[tilespmem:s24+$0x4058] =	vst v0  }
0x29c: {  	v0 =	vld [tilespmem:$0x8068];
	_ =	sdelay $0x4  }
0x29d: {  	s26 =	rddreg [dreg:$0x2];
	[tilespmem:s24+$0x4068] =	vst v0  }
0x29e: {  	[spmem:s26] =	stream.linear.scatter [tilespmem:s21], [sflag:$0x2], $0x3F80, $0x38;
	[tilespmem:$0x19478] =	vst v63  }
0x29f: {  	_ =	swait.ge [sflag:s20], $0x3F80  }
0x2a0: {  	s25 =	sld [smem:$0x7DF]  }
0x2a1: {  	[sflag:s20] =	ssyncset.done $0x0  }
0x2a2: {  	[sflag:s20] =	ssyncadd.s32 $0xFFFFC080  }
0x2a3: {  	[spmem:s25] =	stream.linear.scatter [tilespmem:s21], [sflag:$0x2], $0x4000, $0x38;
	[tilespmem:$0x19478] =	vst v63  }
0x2a4: {  	_ =	swait.ge [sflag:s20], $0x4000  }
0x2a5: {  	s26 =	sld [smem:$0x7E0]  }
0x2a6: {  	[sflag:s20] =	ssyncset.done $0x0  }
0x2a7: {  	[sflag:s20] =	ssyncadd.s32 $0xFFFFC000  }
0x2a8: {  	[spmem:s26] =	stream.linear.scatter [tilespmem:s21], [sflag:$0x2], $0x4000, $0x38;
	[tilespmem:$0x19478] =	vst v63  }
0x2a9: {  	_ =	swait.ge [sflag:s20], $0x4000  }
0x2aa: {  	s25 =	sld [smem:$0x7E1]  }
0x2ab: {  	[sflag:s20] =	ssyncset.done $0x0  }
0x2ac: {  	[sflag:s20] =	ssyncadd.s32 $0xFFFFC000  }
0x2ad: {  	[spmem:s25] =	stream.linear.scatter [tilespmem:s21], [sflag:$0x2], $0x4000, $0x38;
	[tilespmem:$0x19478] =	vst v63  }
0x2ae: {  	_ =	swait.ge [sflag:s20], $0x4000  }
0x2af: {  	s26 =	sld [smem:$0x7E2]  }
0x2b0: {  	[sflag:s20] =	ssyncset.done $0x0  }
0x2b1: {  	[sflag:s20] =	ssyncadd.s32 $0xFFFFC000  }
0x2b2: {  	[spmem:s26] =	stream.linear.scatter [tilespmem:s21], [sflag:$0x2], $0x4000, $0x38;
	[tilespmem:$0x19478] =	vst v63  }
0x2b3: {  	_ =	swait.ge [sflag:s20], $0x4000  }
0x2b4: {  	s25 =	sld [smem:$0x7E3]  }
0x2b5: {  	[sflag:s20] =	ssyncset.done $0x0  }
0x2b6: {  	[sflag:s20] =	ssyncadd.s32 $0xFFFFC000  }
0x2b7: {  	[spmem:s25] =	stream.linear.scatter [tilespmem:s21], [sflag:$0x2], $0x4000, $0x38;
	[tilespmem:$0x19478] =	vst v63  }
0x2b8: {  	_ =	swait.ge [sflag:s20], $0x4000  }
0x2b9: {  	s26 =	sld [smem:$0x7E4]  }
0x2ba: {  	[sflag:s20] =	ssyncset.done $0x0  }
.Ltmp8:
0x2bb: {  	[sflag:s20] =	ssyncadd.s32 $0xFFFFC000;
	(pc) =	sbr.rel .LBB2_11-.Ltmp8, $4  }
0x2bc: {  	[spmem:s26] =	stream.linear.scatter [tilespmem:s21], [sflag:$0x2], $0x4000, $0x38;
	[tilespmem:$0x19478] =	vst v63  }
0x2bd: {  	_ =	swait.ge [sflag:s20], $0x4000  }
0x2be: {  	[sflag:s20] =	ssyncset.done $0x0  }
0x2bf: {  	[sflag:s20] =	ssyncadd.s32 $0xFFFFC000  }
.LBB2_8:
0x2c0: {  	s25 =	sld [smem:$0x7D7];
	_ =	sdelay $0x1  }
0x2c1: {  	s24 =	simm.s32 $0x0;
	s26 =	simm.s32 $0x7FF8  }
0x2c2: {  	[tilespmem:s26], [sflag:$0x2] =	stream.linear.gather [hbm4b:s25+s24], $0x80, $0x38;
	[tilespmem:$0x19478] =	vst v63  }
0x2c3: {  	_ =	swait.ge [sflag:s20], $0x80  }
0x2c4: {  	[sflag:s20] =	ssyncset.done $0x0  }
0x2c5: {  	[sflag:s20] =	ssyncadd.s32 $0xFFFFFF80  }
0x2c6: {  	s25 =	simm.s32 $0x200;
	v0 =	vld [tilespmem:$0x7FF8]  }
.LBB2_9:
0x2c7: {  	p4 =	sne.s32 s25, $0xFE00;
	_ =	sdelay $0x2  }
0x2c8: {  	s26 =	sshra.s32 s24, $0x2;
	s24 =	smov.u32 s25  }
0x2c9: {  	[tilespmem:s26+$0x3FF8] =	vst v0  }
0x2ca: {  	v0 =	vld [tilespmem:$0x8008];
	_ =	sdelay $0x4  }
0x2cb: {  	[tilespmem:s26+$0x4008] =	vst v0  }
0x2cc: {  	v0 =	vld [tilespmem:$0x8018];
	_ =	sdelay $0x4  }
0x2cd: {  	[tilespmem:s26+$0x4018] =	vst v0  }
0x2ce: {  	v0 =	vld [tilespmem:$0x8028];
	_ =	sdelay $0x4  }
0x2cf: {  	[tilespmem:s26+$0x4028] =	vst v0  }
0x2d0: {  	v0 =	vld [tilespmem:$0x8038];
	_ =	sdelay $0x4  }
0x2d1: {  	[tilespmem:s26+$0x4038] =	vst v0  }
0x2d2: {  	v0 =	vld [tilespmem:$0x8048];
	_ =	sdelay $0x4  }
0x2d3: {  	[tilespmem:s26+$0x4048] =	vst v0  }
0x2d4: {  	v0 =	vld [tilespmem:$0x8058];
	_ =	sdelay $0x4  }
0x2d5: {  	[tilespmem:s26+$0x4058] =	vst v0  }
0x2d6: {  	v0 =	vld [tilespmem:$0x8068];
	_ =	sdelay $0x1  }
.Ltmp9:
0x2d7: {  	(pc) =	sbr.rel @p4 .LBB2_9-.Ltmp9, $3  }
0x2d8: {  	_ =	sdelay $0x1  }
0x2d9: {  	[tilespmem:s26+$0x4068] =	vst v0  }
0x2da: {  	s25 =	sadd.s32 $0x200, s25;
	v0 =	vld [tilespmem:$0x7FF8]  }
0x2db: {  	_ =	sdelay $0x2  }
0x2dc: {  	s24 =	sshra.s32 s24, $0x2  }
0x2dd: {  	[tilespmem:s24+$0x3FF8] =	vst v0  }
0x2de: {  	v0 =	vld [tilespmem:$0x8008];
	_ =	sdelay $0x4  }
0x2df: {  	[tilespmem:s24+$0x4008] =	vst v0  }
0x2e0: {  	v0 =	vld [tilespmem:$0x8018];
	_ =	sdelay $0x4  }
0x2e1: {  	[tilespmem:s24+$0x4018] =	vst v0  }
0x2e2: {  	v0 =	vld [tilespmem:$0x8028];
	_ =	sdelay $0x4  }
0x2e3: {  	[tilespmem:s24+$0x4028] =	vst v0  }
0x2e4: {  	v0 =	vld [tilespmem:$0x8038];
	_ =	sdelay $0x4  }
0x2e5: {  	[tilespmem:s24+$0x4038] =	vst v0  }
0x2e6: {  	v0 =	vld [tilespmem:$0x8048];
	_ =	sdelay $0x4  }
0x2e7: {  	[tilespmem:s24+$0x4048] =	vst v0  }
0x2e8: {  	v0 =	vld [tilespmem:$0x8058];
	_ =	sdelay $0x4  }
0x2e9: {  	[tilespmem:s24+$0x4058] =	vst v0  }
0x2ea: {  	v0 =	vld [tilespmem:$0x8068];
	_ =	sdelay $0x2  }
0x2eb: {  	s26 =	sld [smem:$0x7D8];
	_ =	sdelay $0x1  }
0x2ec: {  	[tilespmem:s24+$0x4068] =	vst v0  }
0x2ed: {  	[spmem:s26] =	stream.linear.scatter [tilespmem:s21], [sflag:$0x2], $0x4000, $0x38;
	[tilespmem:$0x19478] =	vst v63  }
0x2ee: {  	_ =	swait.ge [sflag:s20], $0x4000  }
0x2ef: {  	s25 =	sld [smem:$0x7D9]  }
0x2f0: {  	[sflag:s20] =	ssyncset.done $0x0  }
0x2f1: {  	[sflag:s20] =	ssyncadd.s32 $0xFFFFC000  }
0x2f2: {  	[spmem:s25] =	stream.linear.scatter [tilespmem:s21], [sflag:$0x2], $0x4000, $0x38;
	[tilespmem:$0x19478] =	vst v63  }
0x2f3: {  	_ =	swait.ge [sflag:s20], $0x4000  }
0x2f4: {  	s26 =	sld [smem:$0x7DA]  }
0x2f5: {  	[sflag:s20] =	ssyncset.done $0x0  }
0x2f6: {  	[sflag:s20] =	ssyncadd.s32 $0xFFFFC000  }
0x2f7: {  	[spmem:s26] =	stream.linear.scatter [tilespmem:s21], [sflag:$0x2], $0x4000, $0x38;
	[tilespmem:$0x19478] =	vst v63  }
0x2f8: {  	_ =	swait.ge [sflag:s20], $0x4000  }
0x2f9: {  	s25 =	sld [smem:$0x7DB]  }
0x2fa: {  	[sflag:s20] =	ssyncset.done $0x0  }
0x2fb: {  	[sflag:s20] =	ssyncadd.s32 $0xFFFFC000  }
0x2fc: {  	[spmem:s25] =	stream.linear.scatter [tilespmem:s21], [sflag:$0x2], $0x4000, $0x38;
	[tilespmem:$0x19478] =	vst v63  }
0x2fd: {  	_ =	swait.ge [sflag:s20], $0x4000  }
0x2fe: {  	s26 =	sld [smem:$0x7DC]  }
0x2ff: {  	[sflag:s20] =	ssyncset.done $0x0  }
0x300: {  	[sflag:s20] =	ssyncadd.s32 $0xFFFFC000  }
0x301: {  	[spmem:s26] =	stream.linear.scatter [tilespmem:s21], [sflag:$0x2], $0x4000, $0x38;
	[tilespmem:$0x19478] =	vst v63  }
0x302: {  	_ =	swait.ge [sflag:s20], $0x4000  }
0x303: {  	s25 =	sld [smem:$0x7DD]  }
0x304: {  	[sflag:s20] =	ssyncset.done $0x0  }
0x305: {  	[sflag:s20] =	ssyncadd.s32 $0xFFFFC000  }
0x306: {  	[spmem:s25] =	stream.linear.scatter [tilespmem:s21], [sflag:$0x2], $0x4000, $0x38;
	[tilespmem:$0x19478] =	vst v63  }
0x307: {  	_ =	swait.ge [sflag:s20], $0x4000  }
0x308: {  	s26 =	sld [smem:$0x7DE]  }
0x309: {  	[sflag:s20] =	ssyncset.done $0x0  }
.Ltmp10:
0x30a: {  	[sflag:s20] =	ssyncadd.s32 $0xFFFFC000;
	(pc) =	sbr.rel .LBB2_11-.Ltmp10, $4  }
0x30b: {  	[spmem:s26] =	stream.linear.scatter [tilespmem:s21], [sflag:$0x2], $0x3F80, $0x38;
	[tilespmem:$0x19478] =	vst v63  }
0x30c: {  	_ =	swait.ge [sflag:s20], $0x3F80  }
0x30d: {  	[sflag:s20] =	ssyncset.done $0x0  }
0x30e: {  	[sflag:s20] =	ssyncadd.s32 $0xFFFFC080  }
.LBB2_16:
0x30f: {  	_ =	sfence.sel $0x180000  }
0x310: {  	[bflag:$0x0] =	sbarrier.arrive $0xFFFF  }
0x311: {  	_ =	strace $0x90000047  }
0x312: {  	[bflag:$0x2] =	sbarrier.arrive $0xFFFF  }
0x313: {  	s0 =	rddreg [dreg:$0x3]  }
0x314: {  	s0 =	sadd.s32 @!p1 $0x100000, s0  }
0x315: {  	[sflag:s0] =	ssyncadd.tile.s32 @!p1 $0x1;
	_ =	shalt  }
.Lfunc_end2:
_tile_overlayer_lowered:
.L_overlay_start_2:
0x316: {  	(tag) =	ssettag $0x2  }
0x317: {  	s0 =	rddreg [dreg:$0x0];
	s2 =	stileid.u32  }
0x318: {  	s1 =	rddreg [dreg:$0x1];
	p0 =	sne.s32 s2, $0x0  }
0x319: {  	s3 =	rddreg [dreg:$0x2];
	[bflag:$0x3] =	sbarrier.arrive $0xFFFF;
	s2 =	simm.s32 @!p0 $0x1C02  }
0x31a: {  	[timem:s3], [sflag:s2] =	dma.local @!p0 [hbm:s0], s1  }
0x31b: {  	s0 =	simm.s32 @!p0 $0x2  }
0x31c: {  	_ =	swait.ge @!p0 [sflag:s0], s1  }
0x31d: {  	s1 =	ssub.s32 @!p0 $0x0, s1;
	[sflag:s0] =	ssyncset.done @!p0 $0x0  }
0x31e: {  	[sflag:s0] =	ssyncadd.s32 @!p0 s1  }
0x31f: {  	[bflag:$0x3] =	sbarrier.arrive $0xFFFF  }
0x320: {  	_ =	shalt  }

</sc_bundles>
